<compile_context>
chip_gen: v7x
topology: tpu7x:2x2x1
jax: 0.10.2.dev20260603
libtpu: 0.0.44.dev20260713+nightly
codegen_flags: <defaults>
</compile_context>

<pallas_src>
import functools

import jax
import jax.numpy as jnp
from jax import lax
from jax.experimental import pallas as pl
from jax.experimental.pallas import tpu as pltpu
from jax.experimental.pallas import tpu_sc as plsc

NN = 10000
NH = 20000
NNZ = 320000
D = 128
CW = 16
NCLS = 40

PB = 128
SUB = 1
BPB = SUB * PB
NBLK2 = NNZ // BPB
NSC = 2
NT = 16
HALF = NH // NSC
ZSTRIPE = 632
ACC = NT * ZSTRIPE
OSTRIPE = 632
OLAST = HALF - (NT - 1) * OSTRIPE
NNP = ACC
NBLKP = NNP // PB



def _ln(x, g, b):
    mu = jnp.mean(x, axis=-1, keepdims=True)
    var = jnp.mean((x - mu) ** 2, axis=-1, keepdims=True)
    return (x - mu) * lax.rsqrt(var + 1e-5) * g + b


def _mlp2(x, g0, b0, W1, bb1, g1, b1b, W2, bb2):
    x = _ln(x, g0, b0)
    x = jnp.maximum(jnp.dot(x, W1, preferred_element_type=jnp.float32) + bb1, 0.0)
    x = _ln(x, g1, b1b)
    return jnp.dot(x, W2, preferred_element_type=jnp.float32) + bb2


def _full_spec(a):
    return pl.BlockSpec(a.shape, lambda i: tuple(0 for _ in a.shape))


def _row_spec(rb, w):
    return pl.BlockSpec((rb, w), lambda i: (i, 0))


def _enc_tc(emb, ps):
    RB = 1000

    def body(emb_ref, g0, b0, W1, bb1, g1, b1b, W2, bb2, out_ref):
        x = _mlp2(emb_ref[...], g0[...], b0[...], W1[...], bb1[...],
                  g1[...], b1b[...], W2[...], bb2[...])
        out_ref[...] = jnp.maximum(x, 0.0)

    return pl.pallas_call(
        body,
        grid=(NN // RB,),
        in_specs=[_row_spec(RB, D)] + [_full_spec(a) for a in ps],
        out_specs=_row_spec(RB, D),
        out_shape=jax.ShapeDtypeStruct((NN, D), jnp.float32),
    )(emb, *ps)


def _mid_tc(sums, cnts, ps_dec, ps_enc):
    RB = 1000

    def body(s_ref, c_ref, *refs):
        pd = [r[...] for r in refs[:8]]
        pe = [r[...] for r in refs[8:16]]
        out_ref = refs[16]
        cnt = jnp.maximum(c_ref[...][:, :1], 1.0)
        x = s_ref[...] / cnt
        x = jnp.maximum(_mlp2(x, *pd), 0.0)
        out_ref[...] = jnp.maximum(_mlp2(x, *pe), 0.0)

    return pl.pallas_call(
        body,
        grid=(NH // RB,),
        in_specs=[_row_spec(RB, D), _row_spec(RB, CW)]
        + [_full_spec(a) for a in ps_dec + ps_enc],
        out_specs=_row_spec(RB, D),
        out_shape=jax.ShapeDtypeStruct((NH, D), jnp.float32),
    )(sums, cnts, *ps_dec, *ps_enc)


def _final_tc(s0, s1, c0, c1, ps_dec, ps_cls):
    RB = 1000

    def body(s0_ref, s1_ref, c0_ref, c1_ref, *refs):
        pd = [r[...] for r in refs[:8]]
        W1, bb1, g, b, W2, bb2 = [r[...] for r in refs[8:14]]
        out_ref = refs[14]
        cnt = jnp.maximum(c0_ref[...][:, :1] + c1_ref[...][:, :1], 1.0)
        x = (s0_ref[...] + s1_ref[...]) / cnt
        x = jnp.maximum(_mlp2(x, *pd), 0.0)
        x = jnp.maximum(jnp.dot(x, W1, preferred_element_type=jnp.float32) + bb1, 0.0)
        x = _ln(x, g, b)
        out_ref[...] = jnp.dot(x, W2, preferred_element_type=jnp.float32) + bb2

    return pl.pallas_call(
        body,
        grid=(NN // RB,),
        in_specs=[_row_spec(RB, D), _row_spec(RB, D),
                  _row_spec(RB, CW), _row_spec(RB, CW)]
        + [_full_spec(a) for a in ps_dec + ps_cls],
        out_specs=_row_spec(RB, D),
        out_shape=jax.ShapeDtypeStruct((NN, D), jnp.float32),
    )(s0, s1, c0, c1, *ps_dec, *ps_cls)



def _mesh():
    return plsc.VectorSubcoreMesh(core_axis_name="c", subcore_axis_name="s")


def _perm_sc(t, qlp):

    @functools.partial(
        pl.kernel,
        out_type=jax.ShapeDtypeStruct((NNP, D), jnp.float32),
        mesh=_mesh(),
        scratch_types=[
            pltpu.VMEM((PB,), jnp.int32),
            pltpu.VMEM((PB, D), jnp.float32),
            pltpu.SemaphoreType.DMA,
        ],
        compiler_params=pltpu.CompilerParams(use_tc_tiling_on_sc=False),
    )
    def k(t_h, ql_h, out_h, idx_v, rows_v, sem):
        c = lax.axis_index("c")
        s = lax.axis_index("s")
        wid = s * NSC + c

        def blk(i, carry):
            b = wid + i * (NSC * NT)

            @pl.when(b < NBLKP)
            def _():
                off = b * PB
                pltpu.sync_copy(ql_h.at[pl.ds(off, PB)], idx_v)
                pltpu.async_copy(t_h.at[idx_v], rows_v, sem).wait()
                pltpu.sync_copy(rows_v, out_h.at[pl.ds(off, PB)])

            return carry

        lax.fori_loop(0, (NBLKP + NSC * NT - 1) // (NSC * NT), blk, 0)

    return k(t, qlp)


def _gather_scatter_sc(tab, pair, zextra, v2e):
    if v2e:
        out_type = (jax.ShapeDtypeStruct((NH, D), jnp.float32),
                    jax.ShapeDtypeStruct((NH, CW), jnp.float32))
        stride = NT
        kmax = (NBLK2 + NT - 1) // NT
    else:
        out_type = (jax.ShapeDtypeStruct((NN, D), jnp.float32),
                    jax.ShapeDtypeStruct((NN, D), jnp.float32),
                    jax.ShapeDtypeStruct((NN, CW), jnp.float32),
                    jax.ShapeDtypeStruct((NN, CW), jnp.float32))
        stride = NSC * NT
        kmax = (NBLK2 + NSC * NT - 1) // (NSC * NT)

    @functools.partial(
        pl.kernel,
        out_type=out_type,
        mesh=_mesh(),
        scratch_types=[
            pltpu.VMEM((2, 2, PB), jnp.int32),
            pltpu.VMEM((2, SUB, PB), jnp.int32),
            pltpu.VMEM((2, BPB, D), jnp.float32),
            pltpu.VMEM((PB, CW), jnp.float32),
            pltpu.VMEM_SHARED((ACC, D), jnp.float32),
            pltpu.VMEM_SHARED((ACC, CW), jnp.float32),
            pltpu.SemaphoreType.DMA,
            pltpu.SemaphoreType.DMA,
            pltpu.SemaphoreType.DMA,
            pltpu.SemaphoreType.DMA,
            pltpu.SemaphoreType.DMA,
        ],
        compiler_params=pltpu.CompilerParams(use_tc_tiling_on_sc=False),
    )
    def k(tab_h, nid_h, hid_h, zs_h, zc_h, on_h, *rest):
        if v2e:
            sum_h, cnt_h = rest[:2]
            scr = rest[2:]
        else:
            sum0_h, sum1_h, cnt0_h, cnt1_h = rest[:4]
            scr = rest[4:]
        (idx2_v, dst_v, rows_v, ones_v, acc_sh, acc_c,
         isem0, isem1, gsem, ssem0, ssem1) = scr
        c = lax.axis_index("c")
        s = lax.axis_index("s")
        base = c * HALF if v2e else 0
        w0 = s if v2e else s * NSC + c
        gi = 0 if v2e else 1
        isems = (isem0, isem1)
        ssems = (ssem0, ssem1)
        pltpu.sync_copy(on_h, ones_v)
        pltpu.sync_copy(zs_h.at[pl.ds(s * ZSTRIPE, ZSTRIPE)],
                        acc_sh.at[pl.ds(s * ZSTRIPE, ZSTRIPE)])
        pltpu.sync_copy(zc_h.at[pl.ds(s * ZSTRIPE, ZSTRIPE)],
                        acc_c.at[pl.ds(s * ZSTRIPE, ZSTRIPE)])
        plsc.subcore_barrier()
        iota = lax.iota(jnp.int32, 16)
        dummy = HALF + (iota & (NT - 1))

        def drain(p):
            for g in range(SUB):
                pltpu.make_async_copy(rows_v.at[p, pl.ds(g * PB, PB)],
                                      acc_sh.at[dst_v.at[p, g]],
                                      ssems[p]).wait()
                pltpu.make_async_copy(ones_v,
                                      acc_c.at[dst_v.at[p, g]],
                                      ssems[p]).wait()

        def idx_copies(b, p):
            off = b * PB
            return (
                pltpu.make_async_copy(nid_h.at[pl.ds(off, PB)],
                                      idx2_v.at[p, 0], isems[p]),
                pltpu.make_async_copy(hid_h.at[pl.ds(off, PB)],
                                      idx2_v.at[p, 1], isems[p]),
            )

        def prefetch(b, p):
            @pl.when(b < NBLK2)
            def _():
                off = b * PB
                pltpu.async_copy(nid_h.at[pl.ds(off, PB)],
                                 idx2_v.at[p, 0], isems[p])
                pltpu.async_copy(hid_h.at[pl.ds(off, PB)],
                                 idx2_v.at[p, 1], isems[p])

        def substep(kk, p, cp):
            b = w0 + kk * stride

            def do_own(cp):
                @pl.when(cp > 0)
                def _():
                    drain(p)
                for g in range(SUB):
                    for j in range(PB // 16):
                        sl = pl.ds(g * PB + j * 16, 16)
                        sl2 = pl.ds(j * 16, 16)
                        if v2e:
                            loc = idx2_v[p, 1, sl] - base
                            okm = jnp.logical_and(loc >= 0, loc < HALF)
                            dst_v[p, g, sl2] = jnp.where(okm, loc, dummy)
                        else:
                            dst_v[p, g, sl2] = idx2_v[p, 0, sl]
                ds_ = [pltpu.async_copy(tab_h.at[idx2_v.at[p, gi]],
                                        rows_v.at[p, pl.ds(g * PB, PB)], gsem)
                       for g in range(SUB)]
                for d in ds_:
                    d.wait()
                for g in range(SUB):
                    pltpu.async_copy(rows_v.at[p, pl.ds(g * PB, PB)],
                                     acc_sh.at[dst_v.at[p, g]],
                                     ssems[p], add=True)
                    pltpu.async_copy(ones_v,
                                     acc_c.at[dst_v.at[p, g]],
                                     ssems[p], add=True)
                return SUB

            def live(cp):
                for d in idx_copies(b, p):
                    d.wait()
                prefetch(b + stride, p ^ 1)
                if v2e:
                    lo = idx2_v[p, 1, pl.ds(0, 16)][0]
                    hi = idx2_v[p, 1, pl.ds(BPB - 16, 16)][15]
                    own = jnp.logical_and(lo < base + HALF, hi >= base)
                    return lax.cond(own, do_own, lambda cc: cc, cp)
                return do_own(cp)

            return lax.cond(b < NBLK2, live, lambda cc: cc, cp)

        prefetch(w0, 0)

        def outer(k2, carry):
            c0, c1 = carry
            c0 = substep(2 * k2, 0, c0)
            c1 = substep(2 * k2 + 1, 1, c1)
            return (c0, c1)

        c0, c1 = lax.fori_loop(0, (kmax + 1) // 2, outer, (0, 0))

        @pl.when(c0 > 0)
        def _():
            drain(0)

        @pl.when(c1 > 0)
        def _():
            drain(1)

        plsc.subcore_barrier()

        def copy_out(off, n):
            if v2e:
                pltpu.sync_copy(acc_sh.at[pl.ds(off, n)],
                                sum_h.at[pl.ds(base + off, n)])
                pltpu.sync_copy(acc_c.at[pl.ds(off, n)],
                                cnt_h.at[pl.ds(base + off, n)])
            else:
                @pl.when(c == 0)
                def _():
                    pltpu.sync_copy(acc_sh.at[pl.ds(off, n)],
                                    sum0_h.at[pl.ds(off, n)])
                    pltpu.sync_copy(acc_c.at[pl.ds(off, n)],
                                    cnt0_h.at[pl.ds(off, n)])

                @pl.when(c == 1)
                def _():
                    pltpu.sync_copy(acc_sh.at[pl.ds(off, n)],
                                    sum1_h.at[pl.ds(off, n)])
                    pltpu.sync_copy(acc_c.at[pl.ds(off, n)],
                                    cnt1_h.at[pl.ds(off, n)])

        @pl.when(s < NT - 1)
        def _():
            copy_out(s * OSTRIPE, OSTRIPE)

        @pl.when(s == NT - 1)
        def _():
            copy_out((NT - 1) * OSTRIPE, OLAST)

    return k(tab, *pair, *zextra)


def _v2e_sc(tq, pair, zextra):
    return _gather_scatter_sc(tq, pair, zextra, v2e=True)


def _e2v_sc(xe, pair, zextra):
    return _gather_scatter_sc(xe, pair, zextra, v2e=False)




def _mlp_params(p, prefix):
    return [
        p[prefix + '_ln0_g'].reshape(1, D), p[prefix + '_ln0_b'].reshape(1, D),
        p[prefix + '_W1'], p[prefix + '_b1'].reshape(1, D),
        p[prefix + '_ln1_g'].reshape(1, D), p[prefix + '_ln1_b'].reshape(1, D),
        p[prefix + '_W2'], p[prefix + '_b2'].reshape(1, D),
    ]


def kernel(query_labels, node_idx, hyperedge_idx, params):
    p = params
    ql = query_labels.astype(jnp.int32)
    nid = node_idx.astype(jnp.int32)
    hid = hyperedge_idx.astype(jnp.int32)

    zextra = (jnp.zeros((ACC, D), jnp.float32),
              jnp.zeros((ACC, CW), jnp.float32),
              jnp.ones((PB, CW), jnp.float32))
    pair = (nid, hid)

    t = _enc_tc(p['emb'], _mlp_params(p, 'v2e_enc'))
    qlp = jnp.concatenate([ql, jnp.zeros((NNP - NN,), jnp.int32)])
    tq = _perm_sc(t, qlp)
    sum_e, cnt_e = _v2e_sc(tq, pair, zextra)
    xe = _mid_tc(sum_e, cnt_e, _mlp_params(p, 'v2e_dec'), _mlp_params(p, 'e2v_enc'))
    a2 = _e2v_sc(xe, pair, zextra)

    W2p = jnp.zeros((D, D), jnp.float32).at[:, :NCLS].set(p['cls_W2'])
    b2p = jnp.zeros((1, D), jnp.float32).at[:, :NCLS].set(p['cls_b2'])
    ps_cls = [p['cls_W1'], p['cls_b1'].reshape(1, D),
              p['cls_ln_g'].reshape(1, D), p['cls_ln_b'].reshape(1, D),
              W2p, b2p]
    s20, s21, c20, c21 = a2
    y = _final_tc(s20, s21, c20, c21, _mlp_params(p, 'e2v_dec'), ps_cls)
    return y[:, :NCLS]

# --- scband reference (transcript-rebuilt; emitter-appended) ---
"""Pipeline reference for scband-set-gnn-50861002719696 (READ-ONLY COPY).

The authoritative reference and input builder live on the scoring server;
editing this copy changes nothing except your own understanding.
"""

import jax, jax.numpy as jnp
import numpy as np

N_NODES = 10000
N_HEDGES = 20000
NNZ = 320000
D = 128
N_CLASSES = 40


def layer_norm(x, g, b, eps=1e-5):
    mu = x.mean(-1, keepdims=True)
    var = x.var(-1, keepdims=True)
    return (x - mu) / jnp.sqrt(var + eps) * g + b


def mlp2(x, p, prefix):
    # AllSet MLP, num_layers=2, Normalization='ln', InputNorm=True
    x = layer_norm(x, p[prefix + '_ln0_g'], p[prefix + '_ln0_b'])
    x = jax.nn.relu(x @ p[prefix + '_W1'] + p[prefix + '_b1'])
    x = layer_norm(x, p[prefix + '_ln1_g'], p[prefix + '_ln1_b'])
    x = x @ p[prefix + '_W2'] + p[prefix + '_b2']
    return x


def half_conv(x, src, dst, n_out, p, prefix):
    # HalfNLHconv with attention=False, aggr='mean', norm=1
    x = jax.nn.relu(mlp2(x, p, prefix + '_enc'))
    msg = x[src]
    s = jax.ops.segment_sum(msg, dst, num_segments=n_out)
    cnt = jax.ops.segment_sum(jnp.ones((msg.shape[0], 1), x.dtype), dst, num_segments=n_out)
    out = s / jnp.clip(cnt, 1.0)
    out = jax.nn.relu(mlp2(out, p, prefix + '_dec'))
    return out


def setup_inputs(seed: int = 0) -> dict:
    key = jax.random.key(seed)
    ks = jax.random.split(key, 40)
    query_labels = jax.random.randint(ks[0], (N_NODES,), 0, N_NODES)
    node_idx = jax.random.randint(ks[1], (NNZ,), 0, N_NODES)
    hyperedge_idx = jnp.sort(jax.random.randint(ks[2], (NNZ,), 0, N_HEDGES))
    p = {}
    p['emb'] = jax.random.normal(ks[3], (N_NODES, D), dtype=jnp.float32) * 0.02
    i = 4

    def lin(kw, din, dout):
        W = (jax.random.normal(kw, (din, dout), dtype=jnp.float32) / np.sqrt(din)).astype(jnp.float32)
        b = jnp.zeros((dout,), jnp.float32)
        return W, b

    for prefix in ['v2e_enc', 'v2e_dec', 'e2v_enc', 'e2v_dec']:
        p[prefix + '_ln0_g'] = jnp.ones((D,), jnp.float32)
        p[prefix + '_ln0_b'] = jnp.zeros((D,), jnp.float32)
        p[prefix + '_W1'], p[prefix + '_b1'] = lin(ks[i], D, D); i += 1
        p[prefix + '_ln1_g'] = jnp.ones((D,), jnp.float32)
        p[prefix + '_ln1_b'] = jnp.zeros((D,), jnp.float32)
        p[prefix + '_W2'], p[prefix + '_b2'] = lin(ks[i], D, D); i += 1
    p['cls_W1'], p['cls_b1'] = lin(ks[i], D, D); i += 1
    p['cls_ln_g'] = jnp.ones((D,), jnp.float32)
    p['cls_ln_b'] = jnp.zeros((D,), jnp.float32)
    p['cls_W2'], p['cls_b2'] = lin(ks[i], D, N_CLASSES)
    return {'query_labels': query_labels, 'node_idx': node_idx, 'hyperedge_idx': hyperedge_idx, 'params': p}


def reference(query_labels, node_idx, hyperedge_idx, params):
    p = params
    x = p['emb'][query_labels]
    # V2E: nodes -> hyperedges
    x = half_conv(x, node_idx, hyperedge_idx, N_HEDGES, p, 'v2e')
    x = jax.nn.relu(x)
    # E2V: hyperedges -> nodes (reversed edge index)
    x = half_conv(x, hyperedge_idx, node_idx, N_NODES, p, 'e2v')
    x = jax.nn.relu(x)
    # classifier MLP (num_layers=2, InputNorm=False)
    x = jax.nn.relu(x @ p['cls_W1'] + p['cls_b1'])
    x = layer_norm(x, p['cls_ln_g'], p['cls_ln_b'])
    x = x @ p['cls_W2'] + p['cls_b2']
    return x

if __name__ == "__main__":
    import jax
    _d = setup_inputs()
    print(jax.jit(kernel)(*tuple(_d.values())))

</pallas_src>

<mosaic_0001>
#map = affine_map<(d0, d1) -> (0, 0)>
#map1 = affine_map<(d0, d1) -> (0)>
module attributes {stable_mosaic.version = 14 : i64} {
  func.func @k(%arg0: i32, %arg1: i32, %arg2: memref<10112x128xf32, #tpu.memory_space<hbm>>, %arg3: memref<320000xi32, #tpu.memory_space<hbm>>, %arg4: memref<320000xi32, #tpu.memory_space<hbm>>, %arg5: memref<10112x128xf32, #tpu.memory_space<hbm>>, %arg6: memref<10112x16xf32, #tpu.memory_space<hbm>>, %arg7: memref<128x16xf32, #tpu.memory_space<hbm>>, %arg8: memref<20000x128xf32, #tpu.memory_space<hbm>>, %arg9: memref<20000x16xf32, #tpu.memory_space<hbm>>, %arg10: memref<2x2x128xi32, #tpu.memory_space<vmem>>, %arg11: memref<2x1x128xi32, #tpu.memory_space<vmem>>, %arg12: memref<2x128x128xf32, #tpu.memory_space<vmem>>, %arg13: memref<128x16xf32, #tpu.memory_space<vmem>>, %arg14: memref<10112x128xf32, #tpu.memory_space<vmem_shared>>, %arg15: memref<10112x16xf32, #tpu.memory_space<vmem_shared>>, %arg16: memref<!tpu.dma_semaphore, #tpu.memory_space<semaphore_mem>>, %arg17: memref<!tpu.dma_semaphore, #tpu.memory_space<semaphore_mem>>, %arg18: memref<!tpu.dma_semaphore, #tpu.memory_space<semaphore_mem>>, %arg19: memref<!tpu.dma_semaphore, #tpu.memory_space<semaphore_mem>>, %arg20: memref<!tpu.dma_semaphore, #tpu.memory_space<semaphore_mem>>) attributes {dimension_semantics = [#tpu.dimension_semantics<core_parallel>, #tpu.dimension_semantics<subcore_parallel>], iteration_bounds = array<i64: 2, 16>, scalar_prefetch = 0 : i64, scratch_operands = 11 : i64, tpu.core_type = #tpu.core_type<sc_vector_subcore>, window_params = [{transform_indices = #map}, {transform_indices = #map1}, {transform_indices = #map1}, {transform_indices = #map}, {transform_indices = #map}, {transform_indices = #map}, {transform_indices = #map}, {transform_indices = #map}]} {
    %mul3A = arith.constant 10000 : i32
    %mul3A_0 = arith.muli %arg0, %mul3A : i32
    "tpu.region"() ({
      %run_scoped3A = tpu.sem_alloc : memref<!tpu.dma_semaphore, #tpu.memory_space<semaphore_mem>>
      tpu.enqueue_dma source(%arg7 : memref<128x16xf32, #tpu.memory_space<hbm>>) target(%arg13 : memref<128x16xf32, #tpu.memory_space<vmem>>) target_semaphore(%run_scoped3A : memref<!tpu.dma_semaphore, #tpu.memory_space<semaphore_mem>>)
      tpu.wait_dma2 semaphore(%run_scoped3A : memref<!tpu.dma_semaphore, #tpu.memory_space<semaphore_mem>>) src(%arg7 : memref<128x16xf32, #tpu.memory_space<hbm>>) dst(%arg13 : memref<128x16xf32, #tpu.memory_space<vmem>>)
      tpu.yield
    }) : () -> ()
    %mul3A_1 = arith.constant 632 : i32
    %mul3A_2 = arith.muli %arg1, %mul3A_1 : i32
    %mul3A_3 = arith.constant 632 : i32
    %mul3A_4 = arith.muli %arg1, %mul3A_3 : i32
    "tpu.region"() ({
      %run_scoped3A = tpu.sem_alloc : memref<!tpu.dma_semaphore, #tpu.memory_space<semaphore_mem>>
      %dma_start3A = arith.constant 0 : i32
      %dma_start3A_41 = tpu.memref_slice %arg14[%mul3A_4, %dma_start3A] : memref<10112x128xf32, #tpu.memory_space<vmem_shared>> -> memref<632x128xf32, #tpu.memory_space<vmem_shared>>
      %dma_start3A_42 = arith.constant 0 : i32
      %dma_start3A_43 = tpu.memref_slice %arg5[%mul3A_2, %dma_start3A_42] : memref<10112x128xf32, #tpu.memory_space<hbm>> -> memref<632x128xf32, #tpu.memory_space<hbm>>
      tpu.enqueue_dma source(%dma_start3A_43 : memref<632x128xf32, #tpu.memory_space<hbm>>) target(%dma_start3A_41 : memref<632x128xf32, #tpu.memory_space<vmem_shared>>) target_semaphore(%run_scoped3A : memref<!tpu.dma_semaphore, #tpu.memory_space<semaphore_mem>>)
      %dma_wait3A = arith.constant 0 : i32
      %dma_wait3A_44 = tpu.memref_slice %arg14[%mul3A_4, %dma_wait3A] : memref<10112x128xf32, #tpu.memory_space<vmem_shared>> -> memref<632x128xf32, #tpu.memory_space<vmem_shared>>
      %dma_wait3A_45 = arith.constant 0 : i32
      %dma_wait3A_46 = tpu.memref_slice %arg5[%mul3A_2, %dma_wait3A_45] : memref<10112x128xf32, #tpu.memory_space<hbm>> -> memref<632x128xf32, #tpu.memory_space<hbm>>
      tpu.wait_dma2 semaphore(%run_scoped3A : memref<!tpu.dma_semaphore, #tpu.memory_space<semaphore_mem>>) src(%dma_wait3A_46 : memref<632x128xf32, #tpu.memory_space<hbm>>) dst(%dma_wait3A_44 : memref<632x128xf32, #tpu.memory_space<vmem_shared>>)
      tpu.yield
    }) : () -> ()
    %mul3A_5 = arith.constant 632 : i32
    %mul3A_6 = arith.muli %arg1, %mul3A_5 : i32
    %mul3A_7 = arith.constant 632 : i32
    %mul3A_8 = arith.muli %arg1, %mul3A_7 : i32
    "tpu.region"() ({
      %run_scoped3A = tpu.sem_alloc : memref<!tpu.dma_semaphore, #tpu.memory_space<semaphore_mem>>
      %dma_start3A = arith.constant 0 : i32
      %dma_start3A_41 = tpu.memref_slice %arg15[%mul3A_8, %dma_start3A] : memref<10112x16xf32, #tpu.memory_space<vmem_shared>> -> memref<632x16xf32, #tpu.memory_space<vmem_shared>>
      %dma_start3A_42 = arith.constant 0 : i32
      %dma_start3A_43 = tpu.memref_slice %arg6[%mul3A_6, %dma_start3A_42] : memref<10112x16xf32, #tpu.memory_space<hbm>> -> memref<632x16xf32, #tpu.memory_space<hbm>>
      tpu.enqueue_dma source(%dma_start3A_43 : memref<632x16xf32, #tpu.memory_space<hbm>>) target(%dma_start3A_41 : memref<632x16xf32, #tpu.memory_space<vmem_shared>>) target_semaphore(%run_scoped3A : memref<!tpu.dma_semaphore, #tpu.memory_space<semaphore_mem>>)
      %dma_wait3A = arith.constant 0 : i32
      %dma_wait3A_44 = tpu.memref_slice %arg15[%mul3A_8, %dma_wait3A] : memref<10112x16xf32, #tpu.memory_space<vmem_shared>> -> memref<632x16xf32, #tpu.memory_space<vmem_shared>>
      %dma_wait3A_45 = arith.constant 0 : i32
      %dma_wait3A_46 = tpu.memref_slice %arg6[%mul3A_6, %dma_wait3A_45] : memref<10112x16xf32, #tpu.memory_space<hbm>> -> memref<632x16xf32, #tpu.memory_space<hbm>>
      tpu.wait_dma2 semaphore(%run_scoped3A : memref<!tpu.dma_semaphore, #tpu.memory_space<semaphore_mem>>) src(%dma_wait3A_46 : memref<632x16xf32, #tpu.memory_space<hbm>>) dst(%dma_wait3A_44 : memref<632x16xf32, #tpu.memory_space<vmem_shared>>)
      tpu.yield
    }) : () -> ()
    %barrier3A = arith.constant 0 : index
    tpu.barrier barrier_id(%barrier3A)
    %iota3A = tpu.iota {dimensions = array<i32: 0>} : vector<16xi32>
    %and3A = arith.constant 15 : i32
    %and3A_9 = vector.broadcast %and3A : i32 to vector<16xi32>
    %and3A_10 = arith.andi %iota3A, %and3A_9 : vector<16xi32>
    %add3A = arith.constant 10000 : i32
    %add3A_11 = vector.broadcast %add3A : i32 to vector<16xi32>
    %add3A_12 = arith.addi %add3A_11, %and3A_10 : vector<16xi32>
    %lt3A = arith.constant 2500 : i32
    %lt3A_13 = arith.cmpi slt, %arg1, %lt3A : i32
    %convert_element_type3A = arith.extui %lt3A_13 : i1 to i32
    %cond3A = arith.constant 0 : i32
    %cond3A_14 = arith.cmpi ne, %convert_element_type3A, %cond3A : i32
    scf.if %cond3A_14 {
      %mul3A_41 = arith.constant 128 : i32
      %mul3A_42 = arith.muli %arg1, %mul3A_41 : i32
      %dma_start3A = arith.constant 0 : i32
      %dma_start3A_43 = arith.constant 0 : i32
      %dma_start3A_44 = arith.constant 0 : i32
      %dma_start3A_45 = tpu.memref_slice %arg10[%dma_start3A, %dma_start3A_43, %dma_start3A_44] : memref<2x2x128xi32, #tpu.memory_space<vmem>> -> memref<1x1x128xi32, #tpu.memory_space<vmem>>
      %dma_start3A_46 = tpu.memref_squeeze %dma_start3A_45 : memref<1x1x128xi32, #tpu.memory_space<vmem>> -> memref<128xi32, #tpu.memory_space<vmem>>
      %dma_start3A_47 = tpu.memref_slice %arg3[%mul3A_42] : memref<320000xi32, #tpu.memory_space<hbm>> -> memref<128xi32, #tpu.memory_space<hbm>>
      %dma_start3A_48 = arith.constant 0 : i32
      %dma_start3A_49 = tpu.memref_slice %arg10[%dma_start3A, %dma_start3A_43, %dma_start3A_48] : memref<2x2x128xi32, #tpu.memory_space<vmem>> -> memref<1x1x128xi32, #tpu.memory_space<vmem>>
      %dma_start3A_50 = tpu.memref_squeeze %dma_start3A_49 : memref<1x1x128xi32, #tpu.memory_space<vmem>> -> memref<128xi32, #tpu.memory_space<vmem>>
      %dma_start3A_51 = tpu.memref_slice %arg3[%mul3A_42] : memref<320000xi32, #tpu.memory_space<hbm>> -> memref<128xi32, #tpu.memory_space<hbm>>
      tpu.enqueue_dma source(%dma_start3A_51 : memref<128xi32, #tpu.memory_space<hbm>>) target(%dma_start3A_50 : memref<128xi32, #tpu.memory_space<vmem>>) target_semaphore(%arg16 : memref<!tpu.dma_semaphore, #tpu.memory_space<semaphore_mem>>)
      %dma_start3A_52 = arith.constant 0 : i32
      %dma_start3A_53 = arith.constant 1 : i32
      %dma_start3A_54 = arith.constant 0 : i32
      %dma_start3A_55 = tpu.memref_slice %arg10[%dma_start3A_52, %dma_start3A_53, %dma_start3A_54] : memref<2x2x128xi32, #tpu.memory_space<vmem>> -> memref<1x1x128xi32, #tpu.memory_space<vmem>>
      %dma_start3A_56 = tpu.memref_squeeze %dma_start3A_55 : memref<1x1x128xi32, #tpu.memory_space<vmem>> -> memref<128xi32, #tpu.memory_space<vmem>>
      %dma_start3A_57 = tpu.memref_slice %arg4[%mul3A_42] : memref<320000xi32, #tpu.memory_space<hbm>> -> memref<128xi32, #tpu.memory_space<hbm>>
      %dma_start3A_58 = arith.constant 0 : i32
      %dma_start3A_59 = tpu.memref_slice %arg10[%dma_start3A_52, %dma_start3A_53, %dma_start3A_58] : memref<2x2x128xi32, #tpu.memory_space<vmem>> -> memref<1x1x128xi32, #tpu.memory_space<vmem>>
      %dma_start3A_60 = tpu.memref_squeeze %dma_start3A_59 : memref<1x1x128xi32, #tpu.memory_space<vmem>> -> memref<128xi32, #tpu.memory_space<vmem>>
      %dma_start3A_61 = tpu.memref_slice %arg4[%mul3A_42] : memref<320000xi32, #tpu.memory_space<hbm>> -> memref<128xi32, #tpu.memory_space<hbm>>
      tpu.enqueue_dma source(%dma_start3A_61 : memref<128xi32, #tpu.memory_space<hbm>>) target(%dma_start3A_60 : memref<128xi32, #tpu.memory_space<vmem>>) target_semaphore(%arg16 : memref<!tpu.dma_semaphore, #tpu.memory_space<semaphore_mem>>)
    } else {
    }
    %scan3A = arith.constant 0 : i32
    %scan3A_15 = arith.constant 0 : i32
    %scan3A_16 = arith.constant 0 : i32
    %scan3A_17 = arith.constant 79 : i32
    %scan3A_18 = arith.addi %scan3A_16, %scan3A_17 : i32
    %scan3A_19 = arith.constant 1 : i32
    %scan3A_20:2 = scf.for %scan3A_41 = %scan3A_16 to %scan3A_18 step %scan3A_19 iter_args(%scan3A_42 = %scan3A, %scan3A_43 = %scan3A_15) -> (i32, i32)  : i32 {
      %mul3A_44 = arith.constant 2 : i32
      %mul3A_45 = arith.muli %mul3A_44, %scan3A_41 : i32
      %mul3A_46 = arith.constant 16 : i32
      %mul3A_47 = arith.muli %mul3A_45, %mul3A_46 : i32
      %add3A_48 = arith.addi %arg1, %mul3A_47 : i32
      %lt3A_49 = arith.constant 2500 : i32
      %lt3A_50 = arith.cmpi slt, %add3A_48, %lt3A_49 : i32
      %convert_element_type3A_51 = arith.extui %lt3A_50 : i1 to i32
      %cond3A_52 = arith.constant 0 : i32
      %cond3A_53 = arith.cmpi ne, %convert_element_type3A_51, %cond3A_52 : i32
      %cond3A_54 = scf.if %cond3A_53 -> (i32) {
        %mul3A_68 = arith.constant 128 : i32
        %mul3A_69 = arith.muli %add3A_48, %mul3A_68 : i32
        %dma_wait3A = arith.constant 0 : i32
        %dma_wait3A_70 = arith.constant 0 : i32
        %dma_wait3A_71 = arith.constant 0 : i32
        %dma_wait3A_72 = tpu.memref_slice %arg10[%dma_wait3A, %dma_wait3A_70, %dma_wait3A_71] : memref<2x2x128xi32, #tpu.memory_space<vmem>> -> memref<1x1x128xi32, #tpu.memory_space<vmem>>
        %dma_wait3A_73 = tpu.memref_squeeze %dma_wait3A_72 : memref<1x1x128xi32, #tpu.memory_space<vmem>> -> memref<128xi32, #tpu.memory_space<vmem>>
        %dma_wait3A_74 = tpu.memref_slice %arg3[%mul3A_69] : memref<320000xi32, #tpu.memory_space<hbm>> -> memref<128xi32, #tpu.memory_space<hbm>>
        %dma_wait3A_75 = arith.constant 0 : i32
        %dma_wait3A_76 = tpu.memref_slice %arg10[%dma_wait3A, %dma_wait3A_70, %dma_wait3A_75] : memref<2x2x128xi32, #tpu.memory_space<vmem>> -> memref<1x1x128xi32, #tpu.memory_space<vmem>>
        %dma_wait3A_77 = tpu.memref_squeeze %dma_wait3A_76 : memref<1x1x128xi32, #tpu.memory_space<vmem>> -> memref<128xi32, #tpu.memory_space<vmem>>
        %dma_wait3A_78 = tpu.memref_slice %arg3[%mul3A_69] : memref<320000xi32, #tpu.memory_space<hbm>> -> memref<128xi32, #tpu.memory_space<hbm>>
        tpu.wait_dma2 semaphore(%arg16 : memref<!tpu.dma_semaphore, #tpu.memory_space<semaphore_mem>>) src(%dma_wait3A_78 : memref<128xi32, #tpu.memory_space<hbm>>) dst(%dma_wait3A_77 : memref<128xi32, #tpu.memory_space<vmem>>)
        %dma_wait3A_79 = arith.constant 0 : i32
        %dma_wait3A_80 = arith.constant 1 : i32
        %dma_wait3A_81 = arith.constant 0 : i32
        %dma_wait3A_82 = tpu.memref_slice %arg10[%dma_wait3A_79, %dma_wait3A_80, %dma_wait3A_81] : memref<2x2x128xi32, #tpu.memory_space<vmem>> -> memref<1x1x128xi32, #tpu.memory_space<vmem>>
        %dma_wait3A_83 = tpu.memref_squeeze %dma_wait3A_82 : memref<1x1x128xi32, #tpu.memory_space<vmem>> -> memref<128xi32, #tpu.memory_space<vmem>>
        %dma_wait3A_84 = tpu.memref_slice %arg4[%mul3A_69] : memref<320000xi32, #tpu.memory_space<hbm>> -> memref<128xi32, #tpu.memory_space<hbm>>
        %dma_wait3A_85 = arith.constant 0 : i32
        %dma_wait3A_86 = tpu.memref_slice %arg10[%dma_wait3A_79, %dma_wait3A_80, %dma_wait3A_85] : memref<2x2x128xi32, #tpu.memory_space<vmem>> -> memref<1x1x128xi32, #tpu.memory_space<vmem>>
        %dma_wait3A_87 = tpu.memref_squeeze %dma_wait3A_86 : memref<1x1x128xi32, #tpu.memory_space<vmem>> -> memref<128xi32, #tpu.memory_space<vmem>>
        %dma_wait3A_88 = tpu.memref_slice %arg4[%mul3A_69] : memref<320000xi32, #tpu.memory_space<hbm>> -> memref<128xi32, #tpu.memory_space<hbm>>
        tpu.wait_dma2 semaphore(%arg16 : memref<!tpu.dma_semaphore, #tpu.memory_space<semaphore_mem>>) src(%dma_wait3A_88 : memref<128xi32, #tpu.memory_space<hbm>>) dst(%dma_wait3A_87 : memref<128xi32, #tpu.memory_space<vmem>>)
        %add3A_89 = arith.constant 16 : i32
        %add3A_90 = arith.addi %add3A_48, %add3A_89 : i32
        %lt3A_91 = arith.constant 2500 : i32
        %lt3A_92 = arith.cmpi slt, %add3A_90, %lt3A_91 : i32
        %convert_element_type3A_93 = arith.extui %lt3A_92 : i1 to i32
        %cond3A_94 = arith.constant 0 : i32
        %cond3A_95 = arith.cmpi ne, %convert_element_type3A_93, %cond3A_94 : i32
        scf.if %cond3A_95 {
          %mul3A_119 = arith.constant 128 : i32
          %mul3A_120 = arith.muli %add3A_90, %mul3A_119 : i32
          %dma_start3A = arith.constant 1 : i32
          %dma_start3A_121 = arith.constant 0 : i32
          %dma_start3A_122 = arith.constant 0 : i32
          %dma_start3A_123 = tpu.memref_slice %arg10[%dma_start3A, %dma_start3A_121, %dma_start3A_122] : memref<2x2x128xi32, #tpu.memory_space<vmem>> -> memref<1x1x128xi32, #tpu.memory_space<vmem>>
          %dma_start3A_124 = tpu.memref_squeeze %dma_start3A_123 : memref<1x1x128xi32, #tpu.memory_space<vmem>> -> memref<128xi32, #tpu.memory_space<vmem>>
          %dma_start3A_125 = tpu.memref_slice %arg3[%mul3A_120] : memref<320000xi32, #tpu.memory_space<hbm>> -> memref<128xi32, #tpu.memory_space<hbm>>
          %dma_start3A_126 = arith.constant 0 : i32
          %dma_start3A_127 = tpu.memref_slice %arg10[%dma_start3A, %dma_start3A_121, %dma_start3A_126] : memref<2x2x128xi32, #tpu.memory_space<vmem>> -> memref<1x1x128xi32, #tpu.memory_space<vmem>>
          %dma_start3A_128 = tpu.memref_squeeze %dma_start3A_127 : memref<1x1x128xi32, #tpu.memory_space<vmem>> -> memref<128xi32, #tpu.memory_space<vmem>>
          %dma_start3A_129 = tpu.memref_slice %arg3[%mul3A_120] : memref<320000xi32, #tpu.memory_space<hbm>> -> memref<128xi32, #tpu.memory_space<hbm>>
          tpu.enqueue_dma source(%dma_start3A_129 : memref<128xi32, #tpu.memory_space<hbm>>) target(%dma_start3A_128 : memref<128xi32, #tpu.memory_space<vmem>>) target_semaphore(%arg17 : memref<!tpu.dma_semaphore, #tpu.memory_space<semaphore_mem>>)
          %dma_start3A_130 = arith.constant 1 : i32
          %dma_start3A_131 = arith.constant 1 : i32
          %dma_start3A_132 = arith.constant 0 : i32
          %dma_start3A_133 = tpu.memref_slice %arg10[%dma_start3A_130, %dma_start3A_131, %dma_start3A_132] : memref<2x2x128xi32, #tpu.memory_space<vmem>> -> memref<1x1x128xi32, #tpu.memory_space<vmem>>
          %dma_start3A_134 = tpu.memref_squeeze %dma_start3A_133 : memref<1x1x128xi32, #tpu.memory_space<vmem>> -> memref<128xi32, #tpu.memory_space<vmem>>
          %dma_start3A_135 = tpu.memref_slice %arg4[%mul3A_120] : memref<320000xi32, #tpu.memory_space<hbm>> -> memref<128xi32, #tpu.memory_space<hbm>>
          %dma_start3A_136 = arith.constant 0 : i32
          %dma_start3A_137 = tpu.memref_slice %arg10[%dma_start3A_130, %dma_start3A_131, %dma_start3A_136] : memref<2x2x128xi32, #tpu.memory_space<vmem>> -> memref<1x1x128xi32, #tpu.memory_space<vmem>>
          %dma_start3A_138 = tpu.memref_squeeze %dma_start3A_137 : memref<1x1x128xi32, #tpu.memory_space<vmem>> -> memref<128xi32, #tpu.memory_space<vmem>>
          %dma_start3A_139 = tpu.memref_slice %arg4[%mul3A_120] : memref<320000xi32, #tpu.memory_space<hbm>> -> memref<128xi32, #tpu.memory_space<hbm>>
          tpu.enqueue_dma source(%dma_start3A_139 : memref<128xi32, #tpu.memory_space<hbm>>) target(%dma_start3A_138 : memref<128xi32, #tpu.memory_space<vmem>>) target_semaphore(%arg17 : memref<!tpu.dma_semaphore, #tpu.memory_space<semaphore_mem>>)
        } else {
        }
        %get3A = arith.constant 0 : i32
        %get3A_96 = arith.constant 1 : i32
        %get3A_97 = arith.index_cast %get3A : i32 to index
        %get3A_98 = arith.index_cast %get3A_96 : i32 to index
        %get3A_99 = arith.constant 0 : index
        %get3A_100 = tpu.vector_load %arg10[%get3A_97, %get3A_98, %get3A_99] {strides = array<i32>} : memref<2x2x128xi32, #tpu.memory_space<vmem>>, vector<1x1x16xi32>,
        %get3A_101 = vector.shape_cast %get3A_100 : vector<1x1x16xi32> to vector<16xi32>
        %slice3A = vector.extract_strided_slice %get3A_101 {offsets = [0], sizes = [1], strides = [1]} : vector<16xi32> to vector<1xi32>
        %squeeze3A = vector.extract %slice3A[0] : i32 from vector<1xi32>
        %get3A_102 = arith.constant 0 : i32
        %get3A_103 = arith.constant 1 : i32
        %get3A_104 = arith.index_cast %get3A_102 : i32 to index
        %get3A_105 = arith.index_cast %get3A_103 : i32 to index
        %get3A_106 = arith.constant 112 : index
        %get3A_107 = tpu.vector_load %arg10[%get3A_104, %get3A_105, %get3A_106] {strides = array<i32>} : memref<2x2x128xi32, #tpu.memory_space<vmem>>, vector<1x1x16xi32>,
        %get3A_108 = vector.shape_cast %get3A_107 : vector<1x1x16xi32> to vector<16xi32>
        %slice3A_109 = vector.extract_strided_slice %get3A_108 {offsets = [15], sizes = [1], strides = [1]} : vector<16xi32> to vector<1xi32>
        %squeeze3A_110 = vector.extract %slice3A_109[0] : i32 from vector<1xi32>
        %add3A_111 = arith.constant 10000 : i32
        %add3A_112 = arith.addi %mul3A_0, %add3A_111 : i32
        %lt3A_113 = arith.cmpi slt, %squeeze3A, %add3A_112 : i32
        %ge3A = arith.cmpi sge, %squeeze3A_110, %mul3A_0 : i32
        %and3A_114 = arith.andi %lt3A_113, %ge3A : i1
        %convert_element_type3A_115 = arith.extui %and3A_114 : i1 to i32
        %cond3A_116 = arith.constant 0 : i32
        %cond3A_117 = arith.cmpi ne, %convert_element_type3A_115, %cond3A_116 : i32
        %cond3A_118 = scf.if %cond3A_117 -> (i32) {
          %gt3A_119 = arith.constant 0 : i32
          %gt3A_120 = arith.cmpi sgt, %scan3A_42, %gt3A_119 : i32
          %convert_element_type3A_121 = arith.extui %gt3A_120 : i1 to i32
          %cond3A_122 = arith.constant 0 : i32
          %cond3A_123 = arith.cmpi ne, %convert_element_type3A_121, %cond3A_122 : i32
          scf.if %cond3A_123 {
            %dma_wait3A_368 = arith.constant 0 : i32
            %dma_wait3A_369 = arith.constant 0 : i32
            %dma_wait3A_370 = arith.constant 0 : i32
            %dma_wait3A_371 = arith.constant 0 : i32
            %dma_wait3A_372 = arith.constant 0 : i32
            %dma_wait3A_373 = tpu.memref_slice %arg12[%dma_wait3A_368, %dma_wait3A_371, %dma_wait3A_372] : memref<2x128x128xf32, #tpu.memory_space<vmem>> -> memref<1x128x128xf32, #tpu.memory_space<vmem>>
            %dma_wait3A_374 = tpu.memref_squeeze %dma_wait3A_373 : memref<1x128x128xf32, #tpu.memory_space<vmem>> -> memref<128x128xf32, #tpu.memory_space<vmem>>
            %dma_wait3A_375 = arith.constant 0 : i32
            %dma_wait3A_376 = tpu.memref_slice %arg11[%dma_wait3A_369, %dma_wait3A_370, %dma_wait3A_375] : memref<2x1x128xi32, #tpu.memory_space<vmem>> -> memref<1x1x128xi32, #tpu.memory_space<vmem>>
            %dma_wait3A_377 = tpu.memref_squeeze %dma_wait3A_376 : memref<1x1x128xi32, #tpu.memory_space<vmem>> -> memref<128xi32, #tpu.memory_space<vmem>>
            %dma_wait3A_378 = arith.constant 0 : i32
            %dma_wait3A_379 = arith.constant 0 : i32
            %dma_wait3A_380 = tpu.memref_slice %arg14[%dma_wait3A_378, %dma_wait3A_379] : memref<10112x128xf32, #tpu.memory_space<vmem_shared>> -> memref<10112x128xf32, #tpu.memory_space<vmem_shared>>
            tpu.wait_indirect_dma semaphore(%arg19 : memref<!tpu.dma_semaphore, #tpu.memory_space<semaphore_mem>>) src(%dma_wait3A_374 : memref<128x128xf32, #tpu.memory_space<vmem>>) dst(%dma_wait3A_380 : memref<10112x128xf32, #tpu.memory_space<vmem_shared>>)
            %dma_wait3A_381 = arith.constant 0 : i32
            %dma_wait3A_382 = arith.constant 0 : i32
            %dma_wait3A_383 = arith.constant 0 : i32
            %dma_wait3A_384 = tpu.memref_slice %arg11[%dma_wait3A_381, %dma_wait3A_382, %dma_wait3A_383] : memref<2x1x128xi32, #tpu.memory_space<vmem>> -> memref<1x1x128xi32, #tpu.memory_space<vmem>>
            %dma_wait3A_385 = tpu.memref_squeeze %dma_wait3A_384 : memref<1x1x128xi32, #tpu.memory_space<vmem>> -> memref<128xi32, #tpu.memory_space<vmem>>
            %dma_wait3A_386 = arith.constant 0 : i32
            %dma_wait3A_387 = arith.constant 0 : i32
            %dma_wait3A_388 = tpu.memref_slice %arg15[%dma_wait3A_386, %dma_wait3A_387] : memref<10112x16xf32, #tpu.memory_space<vmem_shared>> -> memref<10112x16xf32, #tpu.memory_space<vmem_shared>>
            tpu.wait_indirect_dma semaphore(%arg19 : memref<!tpu.dma_semaphore, #tpu.memory_space<semaphore_mem>>) src(%arg13 : memref<128x16xf32, #tpu.memory_space<vmem>>) dst(%dma_wait3A_388 : memref<10112x16xf32, #tpu.memory_space<vmem_shared>>)
          } else {
          }
          %get3A_124 = arith.constant 0 : i32
          %get3A_125 = arith.constant 1 : i32
          %get3A_126 = arith.index_cast %get3A_124 : i32 to index
          %get3A_127 = arith.index_cast %get3A_125 : i32 to index
          %get3A_128 = arith.constant 0 : index
          %get3A_129 = tpu.vector_load %arg10[%get3A_126, %get3A_127, %get3A_128] {strides = array<i32>} : memref<2x2x128xi32, #tpu.memory_space<vmem>>, vector<1x1x16xi32>,
          %get3A_130 = vector.shape_cast %get3A_129 : vector<1x1x16xi32> to vector<16xi32>
          %sub3A = vector.broadcast %mul3A_0 : i32 to vector<16xi32>
          %sub3A_131 = arith.subi %get3A_130, %sub3A : vector<16xi32>
          %ge3A_132 = arith.constant 0 : i32
          %ge3A_133 = vector.broadcast %ge3A_132 : i32 to vector<16xi32>
          %ge3A_134 = arith.cmpi sge, %sub3A_131, %ge3A_133 : vector<16xi32>
          %lt3A_135 = arith.constant 10000 : i32
          %lt3A_136 = vector.broadcast %lt3A_135 : i32 to vector<16xi32>
          %lt3A_137 = arith.cmpi slt, %sub3A_131, %lt3A_136 : vector<16xi32>
          %and3A_138 = arith.andi %ge3A_134, %lt3A_137 : vector<16xi1>
          %select_n3A = arith.select %and3A_138, %sub3A_131, %add3A_12 : vector<16xi1>, vector<16xi32>
          %swap3A = arith.constant 0 : i32
          %swap3A_139 = arith.constant 0 : i32
          %swap3A_140 = arith.index_cast %swap3A : i32 to index
          %swap3A_141 = arith.index_cast %swap3A_139 : i32 to index
          %swap3A_142 = arith.constant 0 : index
          %swap3A_143 = tpu.vector_load %arg11[%swap3A_140, %swap3A_141, %swap3A_142] {strides = array<i32>} : memref<2x1x128xi32, #tpu.memory_space<vmem>>, vector<1x1x16xi32>,
          %swap3A_144 = vector.shape_cast %swap3A_143 : vector<1x1x16xi32> to vector<16xi32>
          %swap3A_145 = vector.shape_cast %select_n3A : vector<16xi32> to vector<1x1x16xi32>
          tpu.vector_store %arg11[%swap3A_140, %swap3A_141, %swap3A_142], %swap3A_145 {strides = array<i32>} : memref<2x1x128xi32, #tpu.memory_space<vmem>>, vector<1x1x16xi32>,
          %get3A_146 = arith.constant 0 : i32
          %get3A_147 = arith.constant 1 : i32
          %get3A_148 = arith.index_cast %get3A_146 : i32 to index
          %get3A_149 = arith.index_cast %get3A_147 : i32 to index
          %get3A_150 = arith.constant 16 : index
          %get3A_151 = tpu.vector_load %arg10[%get3A_148, %get3A_149, %get3A_150] {strides = array<i32>} : memref<2x2x128xi32, #tpu.memory_space<vmem>>, vector<1x1x16xi32>,
          %get3A_152 = vector.shape_cast %get3A_151 : vector<1x1x16xi32> to vector<16xi32>
          %sub3A_153 = vector.broadcast %mul3A_0 : i32 to vector<16xi32>
          %sub3A_154 = arith.subi %get3A_152, %sub3A_153 : vector<16xi32>
          %ge3A_155 = arith.constant 0 : i32
          %ge3A_156 = vector.broadcast %ge3A_155 : i32 to vector<16xi32>
          %ge3A_157 = arith.cmpi sge, %sub3A_154, %ge3A_156 : vector<16xi32>
          %lt3A_158 = arith.constant 10000 : i32
          %lt3A_159 = vector.broadcast %lt3A_158 : i32 to vector<16xi32>
          %lt3A_160 = arith.cmpi slt, %sub3A_154, %lt3A_159 : vector<16xi32>
          %and3A_161 = arith.andi %ge3A_157, %lt3A_160 : vector<16xi1>
          %select_n3A_162 = arith.select %and3A_161, %sub3A_154, %add3A_12 : vector<16xi1>, vector<16xi32>
          %swap3A_163 = arith.constant 0 : i32
          %swap3A_164 = arith.constant 0 : i32
          %swap3A_165 = arith.index_cast %swap3A_163 : i32 to index
          %swap3A_166 = arith.index_cast %swap3A_164 : i32 to index
          %swap3A_167 = arith.constant 16 : index
          %swap3A_168 = tpu.vector_load %arg11[%swap3A_165, %swap3A_166, %swap3A_167] {strides = array<i32>} : memref<2x1x128xi32, #tpu.memory_space<vmem>>, vector<1x1x16xi32>,
          %swap3A_169 = vector.shape_cast %swap3A_168 : vector<1x1x16xi32> to vector<16xi32>
          %swap3A_170 = vector.shape_cast %select_n3A_162 : vector<16xi32> to vector<1x1x16xi32>
          tpu.vector_store %arg11[%swap3A_165, %swap3A_166, %swap3A_167], %swap3A_170 {strides = array<i32>} : memref<2x1x128xi32, #tpu.memory_space<vmem>>, vector<1x1x16xi32>,
          %get3A_171 = arith.constant 0 : i32
          %get3A_172 = arith.constant 1 : i32
          %get3A_173 = arith.index_cast %get3A_171 : i32 to index
          %get3A_174 = arith.index_cast %get3A_172 : i32 to index
          %get3A_175 = arith.constant 32 : index
          %get3A_176 = tpu.vector_load %arg10[%get3A_173, %get3A_174, %get3A_175] {strides = array<i32>} : memref<2x2x128xi32, #tpu.memory_space<vmem>>, vector<1x1x16xi32>,
          %get3A_177 = vector.shape_cast %get3A_176 : vector<1x1x16xi32> to vector<16xi32>
          %sub3A_178 = vector.broadcast %mul3A_0 : i32 to vector<16xi32>
          %sub3A_179 = arith.subi %get3A_177, %sub3A_178 : vector<16xi32>
          %ge3A_180 = arith.constant 0 : i32
          %ge3A_181 = vector.broadcast %ge3A_180 : i32 to vector<16xi32>
          %ge3A_182 = arith.cmpi sge, %sub3A_179, %ge3A_181 : vector<16xi32>
          %lt3A_183 = arith.constant 10000 : i32
          %lt3A_184 = vector.broadcast %lt3A_183 : i32 to vector<16xi32>
          %lt3A_185 = arith.cmpi slt, %sub3A_179, %lt3A_184 : vector<16xi32>
          %and3A_186 = arith.andi %ge3A_182, %lt3A_185 : vector<16xi1>
          %select_n3A_187 = arith.select %and3A_186, %sub3A_179, %add3A_12 : vector<16xi1>, vector<16xi32>
          %swap3A_188 = arith.constant 0 : i32
          %swap3A_189 = arith.constant 0 : i32
          %swap3A_190 = arith.index_cast %swap3A_188 : i32 to index
          %swap3A_191 = arith.index_cast %swap3A_189 : i32 to index
          %swap3A_192 = arith.constant 32 : index
          %swap3A_193 = tpu.vector_load %arg11[%swap3A_190, %swap3A_191, %swap3A_192] {strides = array<i32>} : memref<2x1x128xi32, #tpu.memory_space<vmem>>, vector<1x1x16xi32>,
          %swap3A_194 = vector.shape_cast %swap3A_193 : vector<1x1x16xi32> to vector<16xi32>
          %swap3A_195 = vector.shape_cast %select_n3A_187 : vector<16xi32> to vector<1x1x16xi32>
          tpu.vector_store %arg11[%swap3A_190, %swap3A_191, %swap3A_192], %swap3A_195 {strides = array<i32>} : memref<2x1x128xi32, #tpu.memory_space<vmem>>, vector<1x1x16xi32>,
          %get3A_196 = arith.constant 0 : i32
          %get3A_197 = arith.constant 1 : i32
          %get3A_198 = arith.index_cast %get3A_196 : i32 to index
          %get3A_199 = arith.index_cast %get3A_197 : i32 to index
          %get3A_200 = arith.constant 48 : index
          %get3A_201 = tpu.vector_load %arg10[%get3A_198, %get3A_199, %get3A_200] {strides = array<i32>} : memref<2x2x128xi32, #tpu.memory_space<vmem>>, vector<1x1x16xi32>,
          %get3A_202 = vector.shape_cast %get3A_201 : vector<1x1x16xi32> to vector<16xi32>
          %sub3A_203 = vector.broadcast %mul3A_0 : i32 to vector<16xi32>
          %sub3A_204 = arith.subi %get3A_202, %sub3A_203 : vector<16xi32>
          %ge3A_205 = arith.constant 0 : i32
          %ge3A_206 = vector.broadcast %ge3A_205 : i32 to vector<16xi32>
          %ge3A_207 = arith.cmpi sge, %sub3A_204, %ge3A_206 : vector<16xi32>
          %lt3A_208 = arith.constant 10000 : i32
          %lt3A_209 = vector.broadcast %lt3A_208 : i32 to vector<16xi32>
          %lt3A_210 = arith.cmpi slt, %sub3A_204, %lt3A_209 : vector<16xi32>
          %and3A_211 = arith.andi %ge3A_207, %lt3A_210 : vector<16xi1>
          %select_n3A_212 = arith.select %and3A_211, %sub3A_204, %add3A_12 : vector<16xi1>, vector<16xi32>
          %swap3A_213 = arith.constant 0 : i32
          %swap3A_214 = arith.constant 0 : i32
          %swap3A_215 = arith.index_cast %swap3A_213 : i32 to index
          %swap3A_216 = arith.index_cast %swap3A_214 : i32 to index
          %swap3A_217 = arith.constant 48 : index
          %swap3A_218 = tpu.vector_load %arg11[%swap3A_215, %swap3A_216, %swap3A_217] {strides = array<i32>} : memref<2x1x128xi32, #tpu.memory_space<vmem>>, vector<1x1x16xi32>,
          %swap3A_219 = vector.shape_cast %swap3A_218 : vector<1x1x16xi32> to vector<16xi32>
          %swap3A_220 = vector.shape_cast %select_n3A_212 : vector<16xi32> to vector<1x1x16xi32>
          tpu.vector_store %arg11[%swap3A_215, %swap3A_216, %swap3A_217], %swap3A_220 {strides = array<i32>} : memref<2x1x128xi32, #tpu.memory_space<vmem>>, vector<1x1x16xi32>,
          %get3A_221 = arith.constant 0 : i32
          %get3A_222 = arith.constant 1 : i32
          %get3A_223 = arith.index_cast %get3A_221 : i32 to index
          %get3A_224 = arith.index_cast %get3A_222 : i32 to index
          %get3A_225 = arith.constant 64 : index
          %get3A_226 = tpu.vector_load %arg10[%get3A_223, %get3A_224, %get3A_225] {strides = array<i32>} : memref<2x2x128xi32, #tpu.memory_space<vmem>>, vector<1x1x16xi32>,
          %get3A_227 = vector.shape_cast %get3A_226 : vector<1x1x16xi32> to vector<16xi32>
          %sub3A_228 = vector.broadcast %mul3A_0 : i32 to vector<16xi32>
          %sub3A_229 = arith.subi %get3A_227, %sub3A_228 : vector<16xi32>
          %ge3A_230 = arith.constant 0 : i32
          %ge3A_231 = vector.broadcast %ge3A_230 : i32 to vector<16xi32>
          %ge3A_232 = arith.cmpi sge, %sub3A_229, %ge3A_231 : vector<16xi32>
          %lt3A_233 = arith.constant 10000 : i32
          %lt3A_234 = vector.broadcast %lt3A_233 : i32 to vector<16xi32>
          %lt3A_235 = arith.cmpi slt, %sub3A_229, %lt3A_234 : vector<16xi32>
          %and3A_236 = arith.andi %ge3A_232, %lt3A_235 : vector<16xi1>
          %select_n3A_237 = arith.select %and3A_236, %sub3A_229, %add3A_12 : vector<16xi1>, vector<16xi32>
          %swap3A_238 = arith.constant 0 : i32
          %swap3A_239 = arith.constant 0 : i32
          %swap3A_240 = arith.index_cast %swap3A_238 : i32 to index
          %swap3A_241 = arith.index_cast %swap3A_239 : i32 to index
          %swap3A_242 = arith.constant 64 : index
          %swap3A_243 = tpu.vector_load %arg11[%swap3A_240, %swap3A_241, %swap3A_242] {strides = array<i32>} : memref<2x1x128xi32, #tpu.memory_space<vmem>>, vector<1x1x16xi32>,
          %swap3A_244 = vector.shape_cast %swap3A_243 : vector<1x1x16xi32> to vector<16xi32>
          %swap3A_245 = vector.shape_cast %select_n3A_237 : vector<16xi32> to vector<1x1x16xi32>
          tpu.vector_store %arg11[%swap3A_240, %swap3A_241, %swap3A_242], %swap3A_245 {strides = array<i32>} : memref<2x1x128xi32, #tpu.memory_space<vmem>>, vector<1x1x16xi32>,
          %get3A_246 = arith.constant 0 : i32
          %get3A_247 = arith.constant 1 : i32
          %get3A_248 = arith.index_cast %get3A_246 : i32 to index
          %get3A_249 = arith.index_cast %get3A_247 : i32 to index
          %get3A_250 = arith.constant 80 : index
          %get3A_251 = tpu.vector_load %arg10[%get3A_248, %get3A_249, %get3A_250] {strides = array<i32>} : memref<2x2x128xi32, #tpu.memory_space<vmem>>, vector<1x1x16xi32>,
          %get3A_252 = vector.shape_cast %get3A_251 : vector<1x1x16xi32> to vector<16xi32>
          %sub3A_253 = vector.broadcast %mul3A_0 : i32 to vector<16xi32>
          %sub3A_254 = arith.subi %get3A_252, %sub3A_253 : vector<16xi32>
          %ge3A_255 = arith.constant 0 : i32
          %ge3A_256 = vector.broadcast %ge3A_255 : i32 to vector<16xi32>
          %ge3A_257 = arith.cmpi sge, %sub3A_254, %ge3A_256 : vector<16xi32>
          %lt3A_258 = arith.constant 10000 : i32
          %lt3A_259 = vector.broadcast %lt3A_258 : i32 to vector<16xi32>
          %lt3A_260 = arith.cmpi slt, %sub3A_254, %lt3A_259 : vector<16xi32>
          %and3A_261 = arith.andi %ge3A_257, %lt3A_260 : vector<16xi1>
          %select_n3A_262 = arith.select %and3A_261, %sub3A_254, %add3A_12 : vector<16xi1>, vector<16xi32>
          %swap3A_263 = arith.constant 0 : i32
          %swap3A_264 = arith.constant 0 : i32
          %swap3A_265 = arith.index_cast %swap3A_263 : i32 to index
          %swap3A_266 = arith.index_cast %swap3A_264 : i32 to index
          %swap3A_267 = arith.constant 80 : index
          %swap3A_268 = tpu.vector_load %arg11[%swap3A_265, %swap3A_266, %swap3A_267] {strides = array<i32>} : memref<2x1x128xi32, #tpu.memory_space<vmem>>, vector<1x1x16xi32>,
          %swap3A_269 = vector.shape_cast %swap3A_268 : vector<1x1x16xi32> to vector<16xi32>
          %swap3A_270 = vector.shape_cast %select_n3A_262 : vector<16xi32> to vector<1x1x16xi32>
          tpu.vector_store %arg11[%swap3A_265, %swap3A_266, %swap3A_267], %swap3A_270 {strides = array<i32>} : memref<2x1x128xi32, #tpu.memory_space<vmem>>, vector<1x1x16xi32>,
          %get3A_271 = arith.constant 0 : i32
          %get3A_272 = arith.constant 1 : i32
          %get3A_273 = arith.index_cast %get3A_271 : i32 to index
          %get3A_274 = arith.index_cast %get3A_272 : i32 to index
          %get3A_275 = arith.constant 96 : index
          %get3A_276 = tpu.vector_load %arg10[%get3A_273, %get3A_274, %get3A_275] {strides = array<i32>} : memref<2x2x128xi32, #tpu.memory_space<vmem>>, vector<1x1x16xi32>,
          %get3A_277 = vector.shape_cast %get3A_276 : vector<1x1x16xi32> to vector<16xi32>
          %sub3A_278 = vector.broadcast %mul3A_0 : i32 to vector<16xi32>
          %sub3A_279 = arith.subi %get3A_277, %sub3A_278 : vector<16xi32>
          %ge3A_280 = arith.constant 0 : i32
          %ge3A_281 = vector.broadcast %ge3A_280 : i32 to vector<16xi32>
          %ge3A_282 = arith.cmpi sge, %sub3A_279, %ge3A_281 : vector<16xi32>
          %lt3A_283 = arith.constant 10000 : i32
          %lt3A_284 = vector.broadcast %lt3A_283 : i32 to vector<16xi32>
          %lt3A_285 = arith.cmpi slt, %sub3A_279, %lt3A_284 : vector<16xi32>
          %and3A_286 = arith.andi %ge3A_282, %lt3A_285 : vector<16xi1>
          %select_n3A_287 = arith.select %and3A_286, %sub3A_279, %add3A_12 : vector<16xi1>, vector<16xi32>
          %swap3A_288 = arith.constant 0 : i32
          %swap3A_289 = arith.constant 0 : i32
          %swap3A_290 = arith.index_cast %swap3A_288 : i32 to index
          %swap3A_291 = arith.index_cast %swap3A_289 : i32 to index
          %swap3A_292 = arith.constant 96 : index
          %swap3A_293 = tpu.vector_load %arg11[%swap3A_290, %swap3A_291, %swap3A_292] {strides = array<i32>} : memref<2x1x128xi32, #tpu.memory_space<vmem>>, vector<1x1x16xi32>,
          %swap3A_294 = vector.shape_cast %swap3A_293 : vector<1x1x16xi32> to vector<16xi32>
          %swap3A_295 = vector.shape_cast %select_n3A_287 : vector<16xi32> to vector<1x1x16xi32>
          tpu.vector_store %arg11[%swap3A_290, %swap3A_291, %swap3A_292], %swap3A_295 {strides = array<i32>} : memref<2x1x128xi32, #tpu.memory_space<vmem>>, vector<1x1x16xi32>,
          %get3A_296 = arith.constant 0 : i32
          %get3A_297 = arith.constant 1 : i32
          %get3A_298 = arith.index_cast %get3A_296 : i32 to index
          %get3A_299 = arith.index_cast %get3A_297 : i32 to index
          %get3A_300 = arith.constant 112 : index
          %get3A_301 = tpu.vector_load %arg10[%get3A_298, %get3A_299, %get3A_300] {strides = array<i32>} : memref<2x2x128xi32, #tpu.memory_space<vmem>>, vector<1x1x16xi32>,
          %get3A_302 = vector.shape_cast %get3A_301 : vector<1x1x16xi32> to vector<16xi32>
          %sub3A_303 = vector.broadcast %mul3A_0 : i32 to vector<16xi32>
          %sub3A_304 = arith.subi %get3A_302, %sub3A_303 : vector<16xi32>
          %ge3A_305 = arith.constant 0 : i32
          %ge3A_306 = vector.broadcast %ge3A_305 : i32 to vector<16xi32>
          %ge3A_307 = arith.cmpi sge, %sub3A_304, %ge3A_306 : vector<16xi32>
          %lt3A_308 = arith.constant 10000 : i32
          %lt3A_309 = vector.broadcast %lt3A_308 : i32 to vector<16xi32>
          %lt3A_310 = arith.cmpi slt, %sub3A_304, %lt3A_309 : vector<16xi32>
          %and3A_311 = arith.andi %ge3A_307, %lt3A_310 : vector<16xi1>
          %select_n3A_312 = arith.select %and3A_311, %sub3A_304, %add3A_12 : vector<16xi1>, vector<16xi32>
          %swap3A_313 = arith.constant 0 : i32
          %swap3A_314 = arith.constant 0 : i32
          %swap3A_315 = arith.index_cast %swap3A_313 : i32 to index
          %swap3A_316 = arith.index_cast %swap3A_314 : i32 to index
          %swap3A_317 = arith.constant 112 : index
          %swap3A_318 = tpu.vector_load %arg11[%swap3A_315, %swap3A_316, %swap3A_317] {strides = array<i32>} : memref<2x1x128xi32, #tpu.memory_space<vmem>>, vector<1x1x16xi32>,
          %swap3A_319 = vector.shape_cast %swap3A_318 : vector<1x1x16xi32> to vector<16xi32>
          %swap3A_320 = vector.shape_cast %select_n3A_312 : vector<16xi32> to vector<1x1x16xi32>
          tpu.vector_store %arg11[%swap3A_315, %swap3A_316, %swap3A_317], %swap3A_320 {strides = array<i32>} : memref<2x1x128xi32, #tpu.memory_space<vmem>>, vector<1x1x16xi32>,
          %dma_start3A = arith.constant 0 : i32
          %dma_start3A_321 = arith.constant 0 : i32
          %dma_start3A_322 = arith.constant 0 : i32
          %dma_start3A_323 = arith.constant 0 : i32
          %dma_start3A_324 = arith.constant 0 : i32
          %dma_start3A_325 = tpu.memref_slice %arg12[%dma_start3A_322, %dma_start3A_323, %dma_start3A_324] : memref<2x128x128xf32, #tpu.memory_space<vmem>> -> memref<1x128x128xf32, #tpu.memory_space<vmem>>
          %dma_start3A_326 = tpu.memref_squeeze %dma_start3A_325 : memref<1x128x128xf32, #tpu.memory_space<vmem>> -> memref<128x128xf32, #tpu.memory_space<vmem>>
          %dma_start3A_327 = arith.constant 0 : i32
          %dma_start3A_328 = tpu.memref_slice %arg10[%dma_start3A, %dma_start3A_321, %dma_start3A_327] : memref<2x2x128xi32, #tpu.memory_space<vmem>> -> memref<1x1x128xi32, #tpu.memory_space<vmem>>
          %dma_start3A_329 = tpu.memref_squeeze %dma_start3A_328 : memref<1x1x128xi32, #tpu.memory_space<vmem>> -> memref<128xi32, #tpu.memory_space<vmem>>
          %dma_start3A_330 = arith.constant 0 : i32
          %dma_start3A_331 = arith.constant 0 : i32
          %dma_start3A_332 = tpu.memref_slice %arg2[%dma_start3A_330, %dma_start3A_331] : memref<10112x128xf32, #tpu.memory_space<hbm>> -> memref<10112x128xf32, #tpu.memory_space<hbm>>
          tpu.enqueue_indirect_dma source(%dma_start3A_332 : memref<10112x128xf32, #tpu.memory_space<hbm>>) target(%dma_start3A_326 : memref<128x128xf32, #tpu.memory_space<vmem>>) offsets(%dma_start3A_329 : memref<128xi32, #tpu.memory_space<vmem>>) semaphore(%arg18 : memref<!tpu.dma_semaphore, #tpu.memory_space<semaphore_mem>>)
          %dma_wait3A_333 = arith.constant 0 : i32
          %dma_wait3A_334 = arith.constant 0 : i32
          %dma_wait3A_335 = arith.constant 0 : i32
          %dma_wait3A_336 = arith.constant 0 : i32
          %dma_wait3A_337 = arith.constant 0 : i32
          %dma_wait3A_338 = tpu.memref_slice %arg12[%dma_wait3A_335, %dma_wait3A_336, %dma_wait3A_337] : memref<2x128x128xf32, #tpu.memory_space<vmem>> -> memref<1x128x128xf32, #tpu.memory_space<vmem>>
          %dma_wait3A_339 = tpu.memref_squeeze %dma_wait3A_338 : memref<1x128x128xf32, #tpu.memory_space<vmem>> -> memref<128x128xf32, #tpu.memory_space<vmem>>
          %dma_wait3A_340 = arith.constant 0 : i32
          %dma_wait3A_341 = tpu.memref_slice %arg10[%dma_wait3A_333, %dma_wait3A_334, %dma_wait3A_340] : memref<2x2x128xi32, #tpu.memory_space<vmem>> -> memref<1x1x128xi32, #tpu.memory_space<vmem>>
          %dma_wait3A_342 = tpu.memref_squeeze %dma_wait3A_341 : memref<1x1x128xi32, #tpu.memory_space<vmem>> -> memref<128xi32, #tpu.memory_space<vmem>>
          %dma_wait3A_343 = arith.constant 0 : i32
          %dma_wait3A_344 = arith.constant 0 : i32
          %dma_wait3A_345 = tpu.memref_slice %arg2[%dma_wait3A_343, %dma_wait3A_344] : memref<10112x128xf32, #tpu.memory_space<hbm>> -> memref<10112x128xf32, #tpu.memory_space<hbm>>
          tpu.wait_indirect_dma semaphore(%arg18 : memref<!tpu.dma_semaphore, #tpu.memory_space<semaphore_mem>>) src(%dma_wait3A_345 : memref<10112x128xf32, #tpu.memory_space<hbm>>) dst(%dma_wait3A_339 : memref<128x128xf32, #tpu.memory_space<vmem>>)
          %dma_start3A_346 = arith.constant 0 : i32
          %dma_start3A_347 = arith.constant 0 : i32
          %dma_start3A_348 = arith.constant 0 : i32
          %dma_start3A_349 = arith.constant 0 : i32
          %dma_start3A_350 = arith.constant 0 : i32
          %dma_start3A_351 = tpu.memref_slice %arg12[%dma_start3A_346, %dma_start3A_349, %dma_start3A_350] : memref<2x128x128xf32, #tpu.memory_space<vmem>> -> memref<1x128x128xf32, #tpu.memory_space<vmem>>
          %dma_start3A_352 = tpu.memref_squeeze %dma_start3A_351 : memref<1x128x128xf32, #tpu.memory_space<vmem>> -> memref<128x128xf32, #tpu.memory_space<vmem>>
          %dma_start3A_353 = arith.constant 0 : i32
          %dma_start3A_354 = tpu.memref_slice %arg11[%dma_start3A_347, %dma_start3A_348, %dma_start3A_353] : memref<2x1x128xi32, #tpu.memory_space<vmem>> -> memref<1x1x128xi32, #tpu.memory_space<vmem>>
          %dma_start3A_355 = tpu.memref_squeeze %dma_start3A_354 : memref<1x1x128xi32, #tpu.memory_space<vmem>> -> memref<128xi32, #tpu.memory_space<vmem>>
          %dma_start3A_356 = arith.constant 0 : i32
          %dma_start3A_357 = arith.constant 0 : i32
          %dma_start3A_358 = tpu.memref_slice %arg14[%dma_start3A_356, %dma_start3A_357] : memref<10112x128xf32, #tpu.memory_space<vmem_shared>> -> memref<10112x128xf32, #tpu.memory_space<vmem_shared>>
          tpu.enqueue_indirect_dma source(%dma_start3A_352 : memref<128x128xf32, #tpu.memory_space<vmem>>) target(%dma_start3A_358 : memref<10112x128xf32, #tpu.memory_space<vmem_shared>>) offsets(%dma_start3A_355 : memref<128xi32, #tpu.memory_space<vmem>>) semaphore(%arg19 : memref<!tpu.dma_semaphore, #tpu.memory_space<semaphore_mem>>) {add = true}
          %dma_start3A_359 = arith.constant 0 : i32
          %dma_start3A_360 = arith.constant 0 : i32
          %dma_start3A_361 = arith.constant 0 : i32
          %dma_start3A_362 = tpu.memref_slice %arg11[%dma_start3A_359, %dma_start3A_360, %dma_start3A_361] : memref<2x1x128xi32, #tpu.memory_space<vmem>> -> memref<1x1x128xi32, #tpu.memory_space<vmem>>
          %dma_start3A_363 = tpu.memref_squeeze %dma_start3A_362 : memref<1x1x128xi32, #tpu.memory_space<vmem>> -> memref<128xi32, #tpu.memory_space<vmem>>
          %dma_start3A_364 = arith.constant 0 : i32
          %dma_start3A_365 = arith.constant 0 : i32
          %dma_start3A_366 = tpu.memref_slice %arg15[%dma_start3A_364, %dma_start3A_365] : memref<10112x16xf32, #tpu.memory_space<vmem_shared>> -> memref<10112x16xf32, #tpu.memory_space<vmem_shared>>
          tpu.enqueue_indirect_dma source(%arg13 : memref<128x16xf32, #tpu.memory_space<vmem>>) target(%dma_start3A_366 : memref<10112x16xf32, #tpu.memory_space<vmem_shared>>) offsets(%dma_start3A_363 : memref<128xi32, #tpu.memory_space<vmem>>) semaphore(%arg19 : memref<!tpu.dma_semaphore, #tpu.memory_space<semaphore_mem>>) {add = true}
          %cond3A_367 = arith.constant 1 : i32
          scf.yield %cond3A_367 : i32
        } else {
          scf.yield %scan3A_42 : i32
        }
        scf.yield %cond3A_118 : i32
      } else {
        scf.yield %scan3A_42 : i32
      }
      %mul3A_55 = arith.constant 2 : i32
      %mul3A_56 = arith.muli %mul3A_55, %scan3A_41 : i32
      %add3A_57 = arith.constant 1 : i32
      %add3A_58 = arith.addi %mul3A_56, %add3A_57 : i32
      %mul3A_59 = arith.constant 16 : i32
      %mul3A_60 = arith.muli %add3A_58, %mul3A_59 : i32
      %add3A_61 = arith.addi %arg1, %mul3A_60 : i32
      %lt3A_62 = arith.constant 2500 : i32
      %lt3A_63 = arith.cmpi slt, %add3A_61, %lt3A_62 : i32
      %convert_element_type3A_64 = arith.extui %lt3A_63 : i1 to i32
      %cond3A_65 = arith.constant 0 : i32
      %cond3A_66 = arith.cmpi ne, %convert_element_type3A_64, %cond3A_65 : i32
      %cond3A_67 = scf.if %cond3A_66 -> (i32) {
        %mul3A_68 = arith.constant 128 : i32
        %mul3A_69 = arith.muli %add3A_61, %mul3A_68 : i32
        %dma_wait3A = arith.constant 1 : i32
        %dma_wait3A_70 = arith.constant 0 : i32
        %dma_wait3A_71 = arith.constant 0 : i32
        %dma_wait3A_72 = tpu.memref_slice %arg10[%dma_wait3A, %dma_wait3A_70, %dma_wait3A_71] : memref<2x2x128xi32, #tpu.memory_space<vmem>> -> memref<1x1x128xi32, #tpu.memory_space<vmem>>
        %dma_wait3A_73 = tpu.memref_squeeze %dma_wait3A_72 : memref<1x1x128xi32, #tpu.memory_space<vmem>> -> memref<128xi32, #tpu.memory_space<vmem>>
        %dma_wait3A_74 = tpu.memref_slice %arg3[%mul3A_69] : memref<320000xi32, #tpu.memory_space<hbm>> -> memref<128xi32, #tpu.memory_space<hbm>>
        %dma_wait3A_75 = arith.constant 0 : i32
        %dma_wait3A_76 = tpu.memref_slice %arg10[%dma_wait3A, %dma_wait3A_70, %dma_wait3A_75] : memref<2x2x128xi32, #tpu.memory_space<vmem>> -> memref<1x1x128xi32, #tpu.memory_space<vmem>>
        %dma_wait3A_77 = tpu.memref_squeeze %dma_wait3A_76 : memref<1x1x128xi32, #tpu.memory_space<vmem>> -> memref<128xi32, #tpu.memory_space<vmem>>
        %dma_wait3A_78 = tpu.memref_slice %arg3[%mul3A_69] : memref<320000xi32, #tpu.memory_space<hbm>> -> memref<128xi32, #tpu.memory_space<hbm>>
        tpu.wait_dma2 semaphore(%arg17 : memref<!tpu.dma_semaphore, #tpu.memory_space<semaphore_mem>>) src(%dma_wait3A_78 : memref<128xi32, #tpu.memory_space<hbm>>) dst(%dma_wait3A_77 : memref<128xi32, #tpu.memory_space<vmem>>)
        %dma_wait3A_79 = arith.constant 1 : i32
        %dma_wait3A_80 = arith.constant 1 : i32
        %dma_wait3A_81 = arith.constant 0 : i32
        %dma_wait3A_82 = tpu.memref_slice %arg10[%dma_wait3A_79, %dma_wait3A_80, %dma_wait3A_81] : memref<2x2x128xi32, #tpu.memory_space<vmem>> -> memref<1x1x128xi32, #tpu.memory_space<vmem>>
        %dma_wait3A_83 = tpu.memref_squeeze %dma_wait3A_82 : memref<1x1x128xi32, #tpu.memory_space<vmem>> -> memref<128xi32, #tpu.memory_space<vmem>>
        %dma_wait3A_84 = tpu.memref_slice %arg4[%mul3A_69] : memref<320000xi32, #tpu.memory_space<hbm>> -> memref<128xi32, #tpu.memory_space<hbm>>
        %dma_wait3A_85 = arith.constant 0 : i32
        %dma_wait3A_86 = tpu.memref_slice %arg10[%dma_wait3A_79, %dma_wait3A_80, %dma_wait3A_85] : memref<2x2x128xi32, #tpu.memory_space<vmem>> -> memref<1x1x128xi32, #tpu.memory_space<vmem>>
        %dma_wait3A_87 = tpu.memref_squeeze %dma_wait3A_86 : memref<1x1x128xi32, #tpu.memory_space<vmem>> -> memref<128xi32, #tpu.memory_space<vmem>>
        %dma_wait3A_88 = tpu.memref_slice %arg4[%mul3A_69] : memref<320000xi32, #tpu.memory_space<hbm>> -> memref<128xi32, #tpu.memory_space<hbm>>
        tpu.wait_dma2 semaphore(%arg17 : memref<!tpu.dma_semaphore, #tpu.memory_space<semaphore_mem>>) src(%dma_wait3A_88 : memref<128xi32, #tpu.memory_space<hbm>>) dst(%dma_wait3A_87 : memref<128xi32, #tpu.memory_space<vmem>>)
        %add3A_89 = arith.constant 16 : i32
        %add3A_90 = arith.addi %add3A_61, %add3A_89 : i32
        %lt3A_91 = arith.constant 2500 : i32
        %lt3A_92 = arith.cmpi slt, %add3A_90, %lt3A_91 : i32
        %convert_element_type3A_93 = arith.extui %lt3A_92 : i1 to i32
        %cond3A_94 = arith.constant 0 : i32
        %cond3A_95 = arith.cmpi ne, %convert_element_type3A_93, %cond3A_94 : i32
        scf.if %cond3A_95 {
          %mul3A_119 = arith.constant 128 : i32
          %mul3A_120 = arith.muli %add3A_90, %mul3A_119 : i32
          %dma_start3A = arith.constant 0 : i32
          %dma_start3A_121 = arith.constant 0 : i32
          %dma_start3A_122 = arith.constant 0 : i32
          %dma_start3A_123 = tpu.memref_slice %arg10[%dma_start3A, %dma_start3A_121, %dma_start3A_122] : memref<2x2x128xi32, #tpu.memory_space<vmem>> -> memref<1x1x128xi32, #tpu.memory_space<vmem>>
          %dma_start3A_124 = tpu.memref_squeeze %dma_start3A_123 : memref<1x1x128xi32, #tpu.memory_space<vmem>> -> memref<128xi32, #tpu.memory_space<vmem>>
          %dma_start3A_125 = tpu.memref_slice %arg3[%mul3A_120] : memref<320000xi32, #tpu.memory_space<hbm>> -> memref<128xi32, #tpu.memory_space<hbm>>
          %dma_start3A_126 = arith.constant 0 : i32
          %dma_start3A_127 = tpu.memref_slice %arg10[%dma_start3A, %dma_start3A_121, %dma_start3A_126] : memref<2x2x128xi32, #tpu.memory_space<vmem>> -> memref<1x1x128xi32, #tpu.memory_space<vmem>>
          %dma_start3A_128 = tpu.memref_squeeze %dma_start3A_127 : memref<1x1x128xi32, #tpu.memory_space<vmem>> -> memref<128xi32, #tpu.memory_space<vmem>>
          %dma_start3A_129 = tpu.memref_slice %arg3[%mul3A_120] : memref<320000xi32, #tpu.memory_space<hbm>> -> memref<128xi32, #tpu.memory_space<hbm>>
          tpu.enqueue_dma source(%dma_start3A_129 : memref<128xi32, #tpu.memory_space<hbm>>) target(%dma_start3A_128 : memref<128xi32, #tpu.memory_space<vmem>>) target_semaphore(%arg16 : memref<!tpu.dma_semaphore, #tpu.memory_space<semaphore_mem>>)
          %dma_start3A_130 = arith.constant 0 : i32
          %dma_start3A_131 = arith.constant 1 : i32
          %dma_start3A_132 = arith.constant 0 : i32
          %dma_start3A_133 = tpu.memref_slice %arg10[%dma_start3A_130, %dma_start3A_131, %dma_start3A_132] : memref<2x2x128xi32, #tpu.memory_space<vmem>> -> memref<1x1x128xi32, #tpu.memory_space<vmem>>
          %dma_start3A_134 = tpu.memref_squeeze %dma_start3A_133 : memref<1x1x128xi32, #tpu.memory_space<vmem>> -> memref<128xi32, #tpu.memory_space<vmem>>
          %dma_start3A_135 = tpu.memref_slice %arg4[%mul3A_120] : memref<320000xi32, #tpu.memory_space<hbm>> -> memref<128xi32, #tpu.memory_space<hbm>>
          %dma_start3A_136 = arith.constant 0 : i32
          %dma_start3A_137 = tpu.memref_slice %arg10[%dma_start3A_130, %dma_start3A_131, %dma_start3A_136] : memref<2x2x128xi32, #tpu.memory_space<vmem>> -> memref<1x1x128xi32, #tpu.memory_space<vmem>>
          %dma_start3A_138 = tpu.memref_squeeze %dma_start3A_137 : memref<1x1x128xi32, #tpu.memory_space<vmem>> -> memref<128xi32, #tpu.memory_space<vmem>>
          %dma_start3A_139 = tpu.memref_slice %arg4[%mul3A_120] : memref<320000xi32, #tpu.memory_space<hbm>> -> memref<128xi32, #tpu.memory_space<hbm>>
          tpu.enqueue_dma source(%dma_start3A_139 : memref<128xi32, #tpu.memory_space<hbm>>) target(%dma_start3A_138 : memref<128xi32, #tpu.memory_space<vmem>>) target_semaphore(%arg16 : memref<!tpu.dma_semaphore, #tpu.memory_space<semaphore_mem>>)
        } else {
        }
        %get3A = arith.constant 1 : i32
        %get3A_96 = arith.constant 1 : i32
        %get3A_97 = arith.index_cast %get3A : i32 to index
        %get3A_98 = arith.index_cast %get3A_96 : i32 to index
        %get3A_99 = arith.constant 0 : index
        %get3A_100 = tpu.vector_load %arg10[%get3A_97, %get3A_98, %get3A_99] {strides = array<i32>} : memref<2x2x128xi32, #tpu.memory_space<vmem>>, vector<1x1x16xi32>,
        %get3A_101 = vector.shape_cast %get3A_100 : vector<1x1x16xi32> to vector<16xi32>
        %slice3A = vector.extract_strided_slice %get3A_101 {offsets = [0], sizes = [1], strides = [1]} : vector<16xi32> to vector<1xi32>
        %squeeze3A = vector.extract %slice3A[0] : i32 from vector<1xi32>
        %get3A_102 = arith.constant 1 : i32
        %get3A_103 = arith.constant 1 : i32
        %get3A_104 = arith.index_cast %get3A_102 : i32 to index
        %get3A_105 = arith.index_cast %get3A_103 : i32 to index
        %get3A_106 = arith.constant 112 : index
        %get3A_107 = tpu.vector_load %arg10[%get3A_104, %get3A_105, %get3A_106] {strides = array<i32>} : memref<2x2x128xi32, #tpu.memory_space<vmem>>, vector<1x1x16xi32>,
        %get3A_108 = vector.shape_cast %get3A_107 : vector<1x1x16xi32> to vector<16xi32>
        %slice3A_109 = vector.extract_strided_slice %get3A_108 {offsets = [15], sizes = [1], strides = [1]} : vector<16xi32> to vector<1xi32>
        %squeeze3A_110 = vector.extract %slice3A_109[0] : i32 from vector<1xi32>
        %add3A_111 = arith.constant 10000 : i32
        %add3A_112 = arith.addi %mul3A_0, %add3A_111 : i32
        %lt3A_113 = arith.cmpi slt, %squeeze3A, %add3A_112 : i32
        %ge3A = arith.cmpi sge, %squeeze3A_110, %mul3A_0 : i32
        %and3A_114 = arith.andi %lt3A_113, %ge3A : i1
        %convert_element_type3A_115 = arith.extui %and3A_114 : i1 to i32
        %cond3A_116 = arith.constant 0 : i32
        %cond3A_117 = arith.cmpi ne, %convert_element_type3A_115, %cond3A_116 : i32
        %cond3A_118 = scf.if %cond3A_117 -> (i32) {
          %gt3A_119 = arith.constant 0 : i32
          %gt3A_120 = arith.cmpi sgt, %scan3A_43, %gt3A_119 : i32
          %convert_element_type3A_121 = arith.extui %gt3A_120 : i1 to i32
          %cond3A_122 = arith.constant 0 : i32
          %cond3A_123 = arith.cmpi ne, %convert_element_type3A_121, %cond3A_122 : i32
          scf.if %cond3A_123 {
            %dma_wait3A_368 = arith.constant 1 : i32
            %dma_wait3A_369 = arith.constant 1 : i32
            %dma_wait3A_370 = arith.constant 0 : i32
            %dma_wait3A_371 = arith.constant 0 : i32
            %dma_wait3A_372 = arith.constant 0 : i32
            %dma_wait3A_373 = tpu.memref_slice %arg12[%dma_wait3A_368, %dma_wait3A_371, %dma_wait3A_372] : memref<2x128x128xf32, #tpu.memory_space<vmem>> -> memref<1x128x128xf32, #tpu.memory_space<vmem>>
            %dma_wait3A_374 = tpu.memref_squeeze %dma_wait3A_373 : memref<1x128x128xf32, #tpu.memory_space<vmem>> -> memref<128x128xf32, #tpu.memory_space<vmem>>
            %dma_wait3A_375 = arith.constant 0 : i32
            %dma_wait3A_376 = tpu.memref_slice %arg11[%dma_wait3A_369, %dma_wait3A_370, %dma_wait3A_375] : memref<2x1x128xi32, #tpu.memory_space<vmem>> -> memref<1x1x128xi32, #tpu.memory_space<vmem>>
            %dma_wait3A_377 = tpu.memref_squeeze %dma_wait3A_376 : memref<1x1x128xi32, #tpu.memory_space<vmem>> -> memref<128xi32, #tpu.memory_space<vmem>>
            %dma_wait3A_378 = arith.constant 0 : i32
            %dma_wait3A_379 = arith.constant 0 : i32
            %dma_wait3A_380 = tpu.memref_slice %arg14[%dma_wait3A_378, %dma_wait3A_379] : memref<10112x128xf32, #tpu.memory_space<vmem_shared>> -> memref<10112x128xf32, #tpu.memory_space<vmem_shared>>
            tpu.wait_indirect_dma semaphore(%arg20 : memref<!tpu.dma_semaphore, #tpu.memory_space<semaphore_mem>>) src(%dma_wait3A_374 : memref<128x128xf32, #tpu.memory_space<vmem>>) dst(%dma_wait3A_380 : memref<10112x128xf32, #tpu.memory_space<vmem_shared>>)
            %dma_wait3A_381 = arith.constant 1 : i32
            %dma_wait3A_382 = arith.constant 0 : i32
            %dma_wait3A_383 = arith.constant 0 : i32
            %dma_wait3A_384 = tpu.memref_slice %arg11[%dma_wait3A_381, %dma_wait3A_382, %dma_wait3A_383] : memref<2x1x128xi32, #tpu.memory_space<vmem>> -> memref<1x1x128xi32, #tpu.memory_space<vmem>>
            %dma_wait3A_385 = tpu.memref_squeeze %dma_wait3A_384 : memref<1x1x128xi32, #tpu.memory_space<vmem>> -> memref<128xi32, #tpu.memory_space<vmem>>
            %dma_wait3A_386 = arith.constant 0 : i32
            %dma_wait3A_387 = arith.constant 0 : i32
            %dma_wait3A_388 = tpu.memref_slice %arg15[%dma_wait3A_386, %dma_wait3A_387] : memref<10112x16xf32, #tpu.memory_space<vmem_shared>> -> memref<10112x16xf32, #tpu.memory_space<vmem_shared>>
            tpu.wait_indirect_dma semaphore(%arg20 : memref<!tpu.dma_semaphore, #tpu.memory_space<semaphore_mem>>) src(%arg13 : memref<128x16xf32, #tpu.memory_space<vmem>>) dst(%dma_wait3A_388 : memref<10112x16xf32, #tpu.memory_space<vmem_shared>>)
          } else {
          }
          %get3A_124 = arith.constant 1 : i32
          %get3A_125 = arith.constant 1 : i32
          %get3A_126 = arith.index_cast %get3A_124 : i32 to index
          %get3A_127 = arith.index_cast %get3A_125 : i32 to index
          %get3A_128 = arith.constant 0 : index
          %get3A_129 = tpu.vector_load %arg10[%get3A_126, %get3A_127, %get3A_128] {strides = array<i32>} : memref<2x2x128xi32, #tpu.memory_space<vmem>>, vector<1x1x16xi32>,
          %get3A_130 = vector.shape_cast %get3A_129 : vector<1x1x16xi32> to vector<16xi32>
          %sub3A = vector.broadcast %mul3A_0 : i32 to vector<16xi32>
          %sub3A_131 = arith.subi %get3A_130, %sub3A : vector<16xi32>
          %ge3A_132 = arith.constant 0 : i32
          %ge3A_133 = vector.broadcast %ge3A_132 : i32 to vector<16xi32>
          %ge3A_134 = arith.cmpi sge, %sub3A_131, %ge3A_133 : vector<16xi32>
          %lt3A_135 = arith.constant 10000 : i32
          %lt3A_136 = vector.broadcast %lt3A_135 : i32 to vector<16xi32>
          %lt3A_137 = arith.cmpi slt, %sub3A_131, %lt3A_136 : vector<16xi32>
          %and3A_138 = arith.andi %ge3A_134, %lt3A_137 : vector<16xi1>
          %select_n3A = arith.select %and3A_138, %sub3A_131, %add3A_12 : vector<16xi1>, vector<16xi32>
          %swap3A = arith.constant 1 : i32
          %swap3A_139 = arith.constant 0 : i32
          %swap3A_140 = arith.index_cast %swap3A : i32 to index
          %swap3A_141 = arith.index_cast %swap3A_139 : i32 to index
          %swap3A_142 = arith.constant 0 : index
          %swap3A_143 = tpu.vector_load %arg11[%swap3A_140, %swap3A_141, %swap3A_142] {strides = array<i32>} : memref<2x1x128xi32, #tpu.memory_space<vmem>>, vector<1x1x16xi32>,
          %swap3A_144 = vector.shape_cast %swap3A_143 : vector<1x1x16xi32> to vector<16xi32>
          %swap3A_145 = vector.shape_cast %select_n3A : vector<16xi32> to vector<1x1x16xi32>
          tpu.vector_store %arg11[%swap3A_140, %swap3A_141, %swap3A_142], %swap3A_145 {strides = array<i32>} : memref<2x1x128xi32, #tpu.memory_space<vmem>>, vector<1x1x16xi32>,
          %get3A_146 = arith.constant 1 : i32
          %get3A_147 = arith.constant 1 : i32
          %get3A_148 = arith.index_cast %get3A_146 : i32 to index
          %get3A_149 = arith.index_cast %get3A_147 : i32 to index
          %get3A_150 = arith.constant 16 : index
          %get3A_151 = tpu.vector_load %arg10[%get3A_148, %get3A_149, %get3A_150] {strides = array<i32>} : memref<2x2x128xi32, #tpu.memory_space<vmem>>, vector<1x1x16xi32>,
          %get3A_152 = vector.shape_cast %get3A_151 : vector<1x1x16xi32> to vector<16xi32>
          %sub3A_153 = vector.broadcast %mul3A_0 : i32 to vector<16xi32>
          %sub3A_154 = arith.subi %get3A_152, %sub3A_153 : vector<16xi32>
          %ge3A_155 = arith.constant 0 : i32
          %ge3A_156 = vector.broadcast %ge3A_155 : i32 to vector<16xi32>
          %ge3A_157 = arith.cmpi sge, %sub3A_154, %ge3A_156 : vector<16xi32>
          %lt3A_158 = arith.constant 10000 : i32
          %lt3A_159 = vector.broadcast %lt3A_158 : i32 to vector<16xi32>
          %lt3A_160 = arith.cmpi slt, %sub3A_154, %lt3A_159 : vector<16xi32>
          %and3A_161 = arith.andi %ge3A_157, %lt3A_160 : vector<16xi1>
          %select_n3A_162 = arith.select %and3A_161, %sub3A_154, %add3A_12 : vector<16xi1>, vector<16xi32>
          %swap3A_163 = arith.constant 1 : i32
          %swap3A_164 = arith.constant 0 : i32
          %swap3A_165 = arith.index_cast %swap3A_163 : i32 to index
          %swap3A_166 = arith.index_cast %swap3A_164 : i32 to index
          %swap3A_167 = arith.constant 16 : index
          %swap3A_168 = tpu.vector_load %arg11[%swap3A_165, %swap3A_166, %swap3A_167] {strides = array<i32>} : memref<2x1x128xi32, #tpu.memory_space<vmem>>, vector<1x1x16xi32>,
          %swap3A_169 = vector.shape_cast %swap3A_168 : vector<1x1x16xi32> to vector<16xi32>
          %swap3A_170 = vector.shape_cast %select_n3A_162 : vector<16xi32> to vector<1x1x16xi32>
          tpu.vector_store %arg11[%swap3A_165, %swap3A_166, %swap3A_167], %swap3A_170 {strides = array<i32>} : memref<2x1x128xi32, #tpu.memory_space<vmem>>, vector<1x1x16xi32>,
          %get3A_171 = arith.constant 1 : i32
          %get3A_172 = arith.constant 1 : i32
          %get3A_173 = arith.index_cast %get3A_171 : i32 to index
          %get3A_174 = arith.index_cast %get3A_172 : i32 to index
          %get3A_175 = arith.constant 32 : index
          %get3A_176 = tpu.vector_load %arg10[%get3A_173, %get3A_174, %get3A_175] {strides = array<i32>} : memref<2x2x128xi32, #tpu.memory_space<vmem>>, vector<1x1x16xi32>,
          %get3A_177 = vector.shape_cast %get3A_176 : vector<1x1x16xi32> to vector<16xi32>
          %sub3A_178 = vector.broadcast %mul3A_0 : i32 to vector<16xi32>
          %sub3A_179 = arith.subi %get3A_177, %sub3A_178 : vector<16xi32>
          %ge3A_180 = arith.constant 0 : i32
          %ge3A_181 = vector.broadcast %ge3A_180 : i32 to vector<16xi32>
          %ge3A_182 = arith.cmpi sge, %sub3A_179, %ge3A_181 : vector<16xi32>
          %lt3A_183 = arith.constant 10000 : i32
          %lt3A_184 = vector.broadcast %lt3A_183 : i32 to vector<16xi32>
          %lt3A_185 = arith.cmpi slt, %sub3A_179, %lt3A_184 : vector<16xi32>
          %and3A_186 = arith.andi %ge3A_182, %lt3A_185 : vector<16xi1>
          %select_n3A_187 = arith.select %and3A_186, %sub3A_179, %add3A_12 : vector<16xi1>, vector<16xi32>
          %swap3A_188 = arith.constant 1 : i32
          %swap3A_189 = arith.constant 0 : i32
          %swap3A_190 = arith.index_cast %swap3A_188 : i32 to index
          %swap3A_191 = arith.index_cast %swap3A_189 : i32 to index
          %swap3A_192 = arith.constant 32 : index
          %swap3A_193 = tpu.vector_load %arg11[%swap3A_190, %swap3A_191, %swap3A_192] {strides = array<i32>} : memref<2x1x128xi32, #tpu.memory_space<vmem>>, vector<1x1x16xi32>,
          %swap3A_194 = vector.shape_cast %swap3A_193 : vector<1x1x16xi32> to vector<16xi32>
          %swap3A_195 = vector.shape_cast %select_n3A_187 : vector<16xi32> to vector<1x1x16xi32>
          tpu.vector_store %arg11[%swap3A_190, %swap3A_191, %swap3A_192], %swap3A_195 {strides = array<i32>} : memref<2x1x128xi32, #tpu.memory_space<vmem>>, vector<1x1x16xi32>,
          %get3A_196 = arith.constant 1 : i32
          %get3A_197 = arith.constant 1 : i32
          %get3A_198 = arith.index_cast %get3A_196 : i32 to index
          %get3A_199 = arith.index_cast %get3A_197 : i32 to index
          %get3A_200 = arith.constant 48 : index
          %get3A_201 = tpu.vector_load %arg10[%get3A_198, %get3A_199, %get3A_200] {strides = array<i32>} : memref<2x2x128xi32, #tpu.memory_space<vmem>>, vector<1x1x16xi32>,
          %get3A_202 = vector.shape_cast %get3A_201 : vector<1x1x16xi32> to vector<16xi32>
          %sub3A_203 = vector.broadcast %mul3A_0 : i32 to vector<16xi32>
          %sub3A_204 = arith.subi %get3A_202, %sub3A_203 : vector<16xi32>
          %ge3A_205 = arith.constant 0 : i32
          %ge3A_206 = vector.broadcast %ge3A_205 : i32 to vector<16xi32>
          %ge3A_207 = arith.cmpi sge, %sub3A_204, %ge3A_206 : vector<16xi32>
          %lt3A_208 = arith.constant 10000 : i32
          %lt3A_209 = vector.broadcast %lt3A_208 : i32 to vector<16xi32>
          %lt3A_210 = arith.cmpi slt, %sub3A_204, %lt3A_209 : vector<16xi32>
          %and3A_211 = arith.andi %ge3A_207, %lt3A_210 : vector<16xi1>
          %select_n3A_212 = arith.select %and3A_211, %sub3A_204, %add3A_12 : vector<16xi1>, vector<16xi32>
          %swap3A_213 = arith.constant 1 : i32
          %swap3A_214 = arith.constant 0 : i32
          %swap3A_215 = arith.index_cast %swap3A_213 : i32 to index
          %swap3A_216 = arith.index_cast %swap3A_214 : i32 to index
          %swap3A_217 = arith.constant 48 : index
          %swap3A_218 = tpu.vector_load %arg11[%swap3A_215, %swap3A_216, %swap3A_217] {strides = array<i32>} : memref<2x1x128xi32, #tpu.memory_space<vmem>>, vector<1x1x16xi32>,
          %swap3A_219 = vector.shape_cast %swap3A_218 : vector<1x1x16xi32> to vector<16xi32>
          %swap3A_220 = vector.shape_cast %select_n3A_212 : vector<16xi32> to vector<1x1x16xi32>
          tpu.vector_store %arg11[%swap3A_215, %swap3A_216, %swap3A_217], %swap3A_220 {strides = array<i32>} : memref<2x1x128xi32, #tpu.memory_space<vmem>>, vector<1x1x16xi32>,
          %get3A_221 = arith.constant 1 : i32
          %get3A_222 = arith.constant 1 : i32
          %get3A_223 = arith.index_cast %get3A_221 : i32 to index
          %get3A_224 = arith.index_cast %get3A_222 : i32 to index
          %get3A_225 = arith.constant 64 : index
          %get3A_226 = tpu.vector_load %arg10[%get3A_223, %get3A_224, %get3A_225] {strides = array<i32>} : memref<2x2x128xi32, #tpu.memory_space<vmem>>, vector<1x1x16xi32>,
          %get3A_227 = vector.shape_cast %get3A_226 : vector<1x1x16xi32> to vector<16xi32>
          %sub3A_228 = vector.broadcast %mul3A_0 : i32 to vector<16xi32>
          %sub3A_229 = arith.subi %get3A_227, %sub3A_228 : vector<16xi32>
          %ge3A_230 = arith.constant 0 : i32
          %ge3A_231 = vector.broadcast %ge3A_230 : i32 to vector<16xi32>
          %ge3A_232 = arith.cmpi sge, %sub3A_229, %ge3A_231 : vector<16xi32>
          %lt3A_233 = arith.constant 10000 : i32
          %lt3A_234 = vector.broadcast %lt3A_233 : i32 to vector<16xi32>
          %lt3A_235 = arith.cmpi slt, %sub3A_229, %lt3A_234 : vector<16xi32>
          %and3A_236 = arith.andi %ge3A_232, %lt3A_235 : vector<16xi1>
          %select_n3A_237 = arith.select %and3A_236, %sub3A_229, %add3A_12 : vector<16xi1>, vector<16xi32>
          %swap3A_238 = arith.constant 1 : i32
          %swap3A_239 = arith.constant 0 : i32
          %swap3A_240 = arith.index_cast %swap3A_238 : i32 to index
          %swap3A_241 = arith.index_cast %swap3A_239 : i32 to index
          %swap3A_242 = arith.constant 64 : index
          %swap3A_243 = tpu.vector_load %arg11[%swap3A_240, %swap3A_241, %swap3A_242] {strides = array<i32>} : memref<2x1x128xi32, #tpu.memory_space<vmem>>, vector<1x1x16xi32>,
          %swap3A_244 = vector.shape_cast %swap3A_243 : vector<1x1x16xi32> to vector<16xi32>
          %swap3A_245 = vector.shape_cast %select_n3A_237 : vector<16xi32> to vector<1x1x16xi32>
          tpu.vector_store %arg11[%swap3A_240, %swap3A_241, %swap3A_242], %swap3A_245 {strides = array<i32>} : memref<2x1x128xi32, #tpu.memory_space<vmem>>, vector<1x1x16xi32>,
          %get3A_246 = arith.constant 1 : i32
          %get3A_247 = arith.constant 1 : i32
          %get3A_248 = arith.index_cast %get3A_246 : i32 to index
          %get3A_249 = arith.index_cast %get3A_247 : i32 to index
          %get3A_250 = arith.constant 80 : index
          %get3A_251 = tpu.vector_load %arg10[%get3A_248, %get3A_249, %get3A_250] {strides = array<i32>} : memref<2x2x128xi32, #tpu.memory_space<vmem>>, vector<1x1x16xi32>,
          %get3A_252 = vector.shape_cast %get3A_251 : vector<1x1x16xi32> to vector<16xi32>
          %sub3A_253 = vector.broadcast %mul3A_0 : i32 to vector<16xi32>
          %sub3A_254 = arith.subi %get3A_252, %sub3A_253 : vector<16xi32>
          %ge3A_255 = arith.constant 0 : i32
          %ge3A_256 = vector.broadcast %ge3A_255 : i32 to vector<16xi32>
          %ge3A_257 = arith.cmpi sge, %sub3A_254, %ge3A_256 : vector<16xi32>
          %lt3A_258 = arith.constant 10000 : i32
          %lt3A_259 = vector.broadcast %lt3A_258 : i32 to vector<16xi32>
          %lt3A_260 = arith.cmpi slt, %sub3A_254, %lt3A_259 : vector<16xi32>
          %and3A_261 = arith.andi %ge3A_257, %lt3A_260 : vector<16xi1>
          %select_n3A_262 = arith.select %and3A_261, %sub3A_254, %add3A_12 : vector<16xi1>, vector<16xi32>
          %swap3A_263 = arith.constant 1 : i32
          %swap3A_264 = arith.constant 0 : i32
          %swap3A_265 = arith.index_cast %swap3A_263 : i32 to index
          %swap3A_266 = arith.index_cast %swap3A_264 : i32 to index
          %swap3A_267 = arith.constant 80 : index
          %swap3A_268 = tpu.vector_load %arg11[%swap3A_265, %swap3A_266, %swap3A_267] {strides = array<i32>} : memref<2x1x128xi32, #tpu.memory_space<vmem>>, vector<1x1x16xi32>,
          %swap3A_269 = vector.shape_cast %swap3A_268 : vector<1x1x16xi32> to vector<16xi32>
          %swap3A_270 = vector.shape_cast %select_n3A_262 : vector<16xi32> to vector<1x1x16xi32>
          tpu.vector_store %arg11[%swap3A_265, %swap3A_266, %swap3A_267], %swap3A_270 {strides = array<i32>} : memref<2x1x128xi32, #tpu.memory_space<vmem>>, vector<1x1x16xi32>,
          %get3A_271 = arith.constant 1 : i32
          %get3A_272 = arith.constant 1 : i32
          %get3A_273 = arith.index_cast %get3A_271 : i32 to index
          %get3A_274 = arith.index_cast %get3A_272 : i32 to index
          %get3A_275 = arith.constant 96 : index
          %get3A_276 = tpu.vector_load %arg10[%get3A_273, %get3A_274, %get3A_275] {strides = array<i32>} : memref<2x2x128xi32, #tpu.memory_space<vmem>>, vector<1x1x16xi32>,
          %get3A_277 = vector.shape_cast %get3A_276 : vector<1x1x16xi32> to vector<16xi32>
          %sub3A_278 = vector.broadcast %mul3A_0 : i32 to vector<16xi32>
          %sub3A_279 = arith.subi %get3A_277, %sub3A_278 : vector<16xi32>
          %ge3A_280 = arith.constant 0 : i32
          %ge3A_281 = vector.broadcast %ge3A_280 : i32 to vector<16xi32>
          %ge3A_282 = arith.cmpi sge, %sub3A_279, %ge3A_281 : vector<16xi32>
          %lt3A_283 = arith.constant 10000 : i32
          %lt3A_284 = vector.broadcast %lt3A_283 : i32 to vector<16xi32>
          %lt3A_285 = arith.cmpi slt, %sub3A_279, %lt3A_284 : vector<16xi32>
          %and3A_286 = arith.andi %ge3A_282, %lt3A_285 : vector<16xi1>
          %select_n3A_287 = arith.select %and3A_286, %sub3A_279, %add3A_12 : vector<16xi1>, vector<16xi32>
          %swap3A_288 = arith.constant 1 : i32
          %swap3A_289 = arith.constant 0 : i32
          %swap3A_290 = arith.index_cast %swap3A_288 : i32 to index
          %swap3A_291 = arith.index_cast %swap3A_289 : i32 to index
          %swap3A_292 = arith.constant 96 : index
          %swap3A_293 = tpu.vector_load %arg11[%swap3A_290, %swap3A_291, %swap3A_292] {strides = array<i32>} : memref<2x1x128xi32, #tpu.memory_space<vmem>>, vector<1x1x16xi32>,
          %swap3A_294 = vector.shape_cast %swap3A_293 : vector<1x1x16xi32> to vector<16xi32>
          %swap3A_295 = vector.shape_cast %select_n3A_287 : vector<16xi32> to vector<1x1x16xi32>
          tpu.vector_store %arg11[%swap3A_290, %swap3A_291, %swap3A_292], %swap3A_295 {strides = array<i32>} : memref<2x1x128xi32, #tpu.memory_space<vmem>>, vector<1x1x16xi32>,
          %get3A_296 = arith.constant 1 : i32
          %get3A_297 = arith.constant 1 : i32
          %get3A_298 = arith.index_cast %get3A_296 : i32 to index
          %get3A_299 = arith.index_cast %get3A_297 : i32 to index
          %get3A_300 = arith.constant 112 : index
          %get3A_301 = tpu.vector_load %arg10[%get3A_298, %get3A_299, %get3A_300] {strides = array<i32>} : memref<2x2x128xi32, #tpu.memory_space<vmem>>, vector<1x1x16xi32>,
          %get3A_302 = vector.shape_cast %get3A_301 : vector<1x1x16xi32> to vector<16xi32>
          %sub3A_303 = vector.broadcast %mul3A_0 : i32 to vector<16xi32>
          %sub3A_304 = arith.subi %get3A_302, %sub3A_303 : vector<16xi32>
          %ge3A_305 = arith.constant 0 : i32
          %ge3A_306 = vector.broadcast %ge3A_305 : i32 to vector<16xi32>
          %ge3A_307 = arith.cmpi sge, %sub3A_304, %ge3A_306 : vector<16xi32>
          %lt3A_308 = arith.constant 10000 : i32
          %lt3A_309 = vector.broadcast %lt3A_308 : i32 to vector<16xi32>
          %lt3A_310 = arith.cmpi slt, %sub3A_304, %lt3A_309 : vector<16xi32>
          %and3A_311 = arith.andi %ge3A_307, %lt3A_310 : vector<16xi1>
          %select_n3A_312 = arith.select %and3A_311, %sub3A_304, %add3A_12 : vector<16xi1>, vector<16xi32>
          %swap3A_313 = arith.constant 1 : i32
          %swap3A_314 = arith.constant 0 : i32
          %swap3A_315 = arith.index_cast %swap3A_313 : i32 to index
          %swap3A_316 = arith.index_cast %swap3A_314 : i32 to index
          %swap3A_317 = arith.constant 112 : index
          %swap3A_318 = tpu.vector_load %arg11[%swap3A_315, %swap3A_316, %swap3A_317] {strides = array<i32>} : memref<2x1x128xi32, #tpu.memory_space<vmem>>, vector<1x1x16xi32>,
          %swap3A_319 = vector.shape_cast %swap3A_318 : vector<1x1x16xi32> to vector<16xi32>
          %swap3A_320 = vector.shape_cast %select_n3A_312 : vector<16xi32> to vector<1x1x16xi32>
          tpu.vector_store %arg11[%swap3A_315, %swap3A_316, %swap3A_317], %swap3A_320 {strides = array<i32>} : memref<2x1x128xi32, #tpu.memory_space<vmem>>, vector<1x1x16xi32>,
          %dma_start3A = arith.constant 1 : i32
          %dma_start3A_321 = arith.constant 0 : i32
          %dma_start3A_322 = arith.constant 1 : i32
          %dma_start3A_323 = arith.constant 0 : i32
          %dma_start3A_324 = arith.constant 0 : i32
          %dma_start3A_325 = tpu.memref_slice %arg12[%dma_start3A_322, %dma_start3A_323, %dma_start3A_324] : memref<2x128x128xf32, #tpu.memory_space<vmem>> -> memref<1x128x128xf32, #tpu.memory_space<vmem>>
          %dma_start3A_326 = tpu.memref_squeeze %dma_start3A_325 : memref<1x128x128xf32, #tpu.memory_space<vmem>> -> memref<128x128xf32, #tpu.memory_space<vmem>>
          %dma_start3A_327 = arith.constant 0 : i32
          %dma_start3A_328 = tpu.memref_slice %arg10[%dma_start3A, %dma_start3A_321, %dma_start3A_327] : memref<2x2x128xi32, #tpu.memory_space<vmem>> -> memref<1x1x128xi32, #tpu.memory_space<vmem>>
          %dma_start3A_329 = tpu.memref_squeeze %dma_start3A_328 : memref<1x1x128xi32, #tpu.memory_space<vmem>> -> memref<128xi32, #tpu.memory_space<vmem>>
          %dma_start3A_330 = arith.constant 0 : i32
          %dma_start3A_331 = arith.constant 0 : i32
          %dma_start3A_332 = tpu.memref_slice %arg2[%dma_start3A_330, %dma_start3A_331] : memref<10112x128xf32, #tpu.memory_space<hbm>> -> memref<10112x128xf32, #tpu.memory_space<hbm>>
          tpu.enqueue_indirect_dma source(%dma_start3A_332 : memref<10112x128xf32, #tpu.memory_space<hbm>>) target(%dma_start3A_326 : memref<128x128xf32, #tpu.memory_space<vmem>>) offsets(%dma_start3A_329 : memref<128xi32, #tpu.memory_space<vmem>>) semaphore(%arg18 : memref<!tpu.dma_semaphore, #tpu.memory_space<semaphore_mem>>)
          %dma_wait3A_333 = arith.constant 1 : i32
          %dma_wait3A_334 = arith.constant 0 : i32
          %dma_wait3A_335 = arith.constant 1 : i32
          %dma_wait3A_336 = arith.constant 0 : i32
          %dma_wait3A_337 = arith.constant 0 : i32
          %dma_wait3A_338 = tpu.memref_slice %arg12[%dma_wait3A_335, %dma_wait3A_336, %dma_wait3A_337] : memref<2x128x128xf32, #tpu.memory_space<vmem>> -> memref<1x128x128xf32, #tpu.memory_space<vmem>>
          %dma_wait3A_339 = tpu.memref_squeeze %dma_wait3A_338 : memref<1x128x128xf32, #tpu.memory_space<vmem>> -> memref<128x128xf32, #tpu.memory_space<vmem>>
          %dma_wait3A_340 = arith.constant 0 : i32
          %dma_wait3A_341 = tpu.memref_slice %arg10[%dma_wait3A_333, %dma_wait3A_334, %dma_wait3A_340] : memref<2x2x128xi32, #tpu.memory_space<vmem>> -> memref<1x1x128xi32, #tpu.memory_space<vmem>>
          %dma_wait3A_342 = tpu.memref_squeeze %dma_wait3A_341 : memref<1x1x128xi32, #tpu.memory_space<vmem>> -> memref<128xi32, #tpu.memory_space<vmem>>
          %dma_wait3A_343 = arith.constant 0 : i32
          %dma_wait3A_344 = arith.constant 0 : i32
          %dma_wait3A_345 = tpu.memref_slice %arg2[%dma_wait3A_343, %dma_wait3A_344] : memref<10112x128xf32, #tpu.memory_space<hbm>> -> memref<10112x128xf32, #tpu.memory_space<hbm>>
          tpu.wait_indirect_dma semaphore(%arg18 : memref<!tpu.dma_semaphore, #tpu.memory_space<semaphore_mem>>) src(%dma_wait3A_345 : memref<10112x128xf32, #tpu.memory_space<hbm>>) dst(%dma_wait3A_339 : memref<128x128xf32, #tpu.memory_space<vmem>>)
          %dma_start3A_346 = arith.constant 1 : i32
          %dma_start3A_347 = arith.constant 1 : i32
          %dma_start3A_348 = arith.constant 0 : i32
          %dma_start3A_349 = arith.constant 0 : i32
          %dma_start3A_350 = arith.constant 0 : i32
          %dma_start3A_351 = tpu.memref_slice %arg12[%dma_start3A_346, %dma_start3A_349, %dma_start3A_350] : memref<2x128x128xf32, #tpu.memory_space<vmem>> -> memref<1x128x128xf32, #tpu.memory_space<vmem>>
          %dma_start3A_352 = tpu.memref_squeeze %dma_start3A_351 : memref<1x128x128xf32, #tpu.memory_space<vmem>> -> memref<128x128xf32, #tpu.memory_space<vmem>>
          %dma_start3A_353 = arith.constant 0 : i32
          %dma_start3A_354 = tpu.memref_slice %arg11[%dma_start3A_347, %dma_start3A_348, %dma_start3A_353] : memref<2x1x128xi32, #tpu.memory_space<vmem>> -> memref<1x1x128xi32, #tpu.memory_space<vmem>>
          %dma_start3A_355 = tpu.memref_squeeze %dma_start3A_354 : memref<1x1x128xi32, #tpu.memory_space<vmem>> -> memref<128xi32, #tpu.memory_space<vmem>>
          %dma_start3A_356 = arith.constant 0 : i32
          %dma_start3A_357 = arith.constant 0 : i32
          %dma_start3A_358 = tpu.memref_slice %arg14[%dma_start3A_356, %dma_start3A_357] : memref<10112x128xf32, #tpu.memory_space<vmem_shared>> -> memref<10112x128xf32, #tpu.memory_space<vmem_shared>>
          tpu.enqueue_indirect_dma source(%dma_start3A_352 : memref<128x128xf32, #tpu.memory_space<vmem>>) target(%dma_start3A_358 : memref<10112x128xf32, #tpu.memory_space<vmem_shared>>) offsets(%dma_start3A_355 : memref<128xi32, #tpu.memory_space<vmem>>) semaphore(%arg20 : memref<!tpu.dma_semaphore, #tpu.memory_space<semaphore_mem>>) {add = true}
          %dma_start3A_359 = arith.constant 1 : i32
          %dma_start3A_360 = arith.constant 0 : i32
          %dma_start3A_361 = arith.constant 0 : i32
          %dma_start3A_362 = tpu.memref_slice %arg11[%dma_start3A_359, %dma_start3A_360, %dma_start3A_361] : memref<2x1x128xi32, #tpu.memory_space<vmem>> -> memref<1x1x128xi32, #tpu.memory_space<vmem>>
          %dma_start3A_363 = tpu.memref_squeeze %dma_start3A_362 : memref<1x1x128xi32, #tpu.memory_space<vmem>> -> memref<128xi32, #tpu.memory_space<vmem>>
          %dma_start3A_364 = arith.constant 0 : i32
          %dma_start3A_365 = arith.constant 0 : i32
          %dma_start3A_366 = tpu.memref_slice %arg15[%dma_start3A_364, %dma_start3A_365] : memref<10112x16xf32, #tpu.memory_space<vmem_shared>> -> memref<10112x16xf32, #tpu.memory_space<vmem_shared>>
          tpu.enqueue_indirect_dma source(%arg13 : memref<128x16xf32, #tpu.memory_space<vmem>>) target(%dma_start3A_366 : memref<10112x16xf32, #tpu.memory_space<vmem_shared>>) offsets(%dma_start3A_363 : memref<128xi32, #tpu.memory_space<vmem>>) semaphore(%arg20 : memref<!tpu.dma_semaphore, #tpu.memory_space<semaphore_mem>>) {add = true}
          %cond3A_367 = arith.constant 1 : i32
          scf.yield %cond3A_367 : i32
        } else {
          scf.yield %scan3A_43 : i32
        }
        scf.yield %cond3A_118 : i32
      } else {
        scf.yield %scan3A_43 : i32
      }
      scf.yield %cond3A_54, %cond3A_67 : i32, i32
    }
    %scan3A_21 = arith.constant 79 : i32
    %gt3A = arith.constant 0 : i32
    %gt3A_22 = arith.cmpi sgt, %scan3A_20#0, %gt3A : i32
    %convert_element_type3A_23 = arith.extui %gt3A_22 : i1 to i32
    %cond3A_24 = arith.constant 0 : i32
    %cond3A_25 = arith.cmpi ne, %convert_element_type3A_23, %cond3A_24 : i32
    scf.if %cond3A_25 {
      %dma_wait3A = arith.constant 0 : i32
      %dma_wait3A_41 = arith.constant 0 : i32
      %dma_wait3A_42 = arith.constant 0 : i32
      %dma_wait3A_43 = arith.constant 0 : i32
      %dma_wait3A_44 = arith.constant 0 : i32
      %dma_wait3A_45 = tpu.memref_slice %arg12[%dma_wait3A, %dma_wait3A_43, %dma_wait3A_44] : memref<2x128x128xf32, #tpu.memory_space<vmem>> -> memref<1x128x128xf32, #tpu.memory_space<vmem>>
      %dma_wait3A_46 = tpu.memref_squeeze %dma_wait3A_45 : memref<1x128x128xf32, #tpu.memory_space<vmem>> -> memref<128x128xf32, #tpu.memory_space<vmem>>
      %dma_wait3A_47 = arith.constant 0 : i32
      %dma_wait3A_48 = tpu.memref_slice %arg11[%dma_wait3A_41, %dma_wait3A_42, %dma_wait3A_47] : memref<2x1x128xi32, #tpu.memory_space<vmem>> -> memref<1x1x128xi32, #tpu.memory_space<vmem>>
      %dma_wait3A_49 = tpu.memref_squeeze %dma_wait3A_48 : memref<1x1x128xi32, #tpu.memory_space<vmem>> -> memref<128xi32, #tpu.memory_space<vmem>>
      %dma_wait3A_50 = arith.constant 0 : i32
      %dma_wait3A_51 = arith.constant 0 : i32
      %dma_wait3A_52 = tpu.memref_slice %arg14[%dma_wait3A_50, %dma_wait3A_51] : memref<10112x128xf32, #tpu.memory_space<vmem_shared>> -> memref<10112x128xf32, #tpu.memory_space<vmem_shared>>
      tpu.wait_indirect_dma semaphore(%arg19 : memref<!tpu.dma_semaphore, #tpu.memory_space<semaphore_mem>>) src(%dma_wait3A_46 : memref<128x128xf32, #tpu.memory_space<vmem>>) dst(%dma_wait3A_52 : memref<10112x128xf32, #tpu.memory_space<vmem_shared>>)
      %dma_wait3A_53 = arith.constant 0 : i32
      %dma_wait3A_54 = arith.constant 0 : i32
      %dma_wait3A_55 = arith.constant 0 : i32
      %dma_wait3A_56 = tpu.memref_slice %arg11[%dma_wait3A_53, %dma_wait3A_54, %dma_wait3A_55] : memref<2x1x128xi32, #tpu.memory_space<vmem>> -> memref<1x1x128xi32, #tpu.memory_space<vmem>>
      %dma_wait3A_57 = tpu.memref_squeeze %dma_wait3A_56 : memref<1x1x128xi32, #tpu.memory_space<vmem>> -> memref<128xi32, #tpu.memory_space<vmem>>
      %dma_wait3A_58 = arith.constant 0 : i32
      %dma_wait3A_59 = arith.constant 0 : i32
      %dma_wait3A_60 = tpu.memref_slice %arg15[%dma_wait3A_58, %dma_wait3A_59] : memref<10112x16xf32, #tpu.memory_space<vmem_shared>> -> memref<10112x16xf32, #tpu.memory_space<vmem_shared>>
      tpu.wait_indirect_dma semaphore(%arg19 : memref<!tpu.dma_semaphore, #tpu.memory_space<semaphore_mem>>) src(%arg13 : memref<128x16xf32, #tpu.memory_space<vmem>>) dst(%dma_wait3A_60 : memref<10112x16xf32, #tpu.memory_space<vmem_shared>>)
    } else {
    }
    %gt3A_26 = arith.constant 0 : i32
    %gt3A_27 = arith.cmpi sgt, %scan3A_20#1, %gt3A_26 : i32
    %convert_element_type3A_28 = arith.extui %gt3A_27 : i1 to i32
    %cond3A_29 = arith.constant 0 : i32
    %cond3A_30 = arith.cmpi ne, %convert_element_type3A_28, %cond3A_29 : i32
    scf.if %cond3A_30 {
      %dma_wait3A = arith.constant 1 : i32
      %dma_wait3A_41 = arith.constant 1 : i32
      %dma_wait3A_42 = arith.constant 0 : i32
      %dma_wait3A_43 = arith.constant 0 : i32
      %dma_wait3A_44 = arith.constant 0 : i32
      %dma_wait3A_45 = tpu.memref_slice %arg12[%dma_wait3A, %dma_wait3A_43, %dma_wait3A_44] : memref<2x128x128xf32, #tpu.memory_space<vmem>> -> memref<1x128x128xf32, #tpu.memory_space<vmem>>
      %dma_wait3A_46 = tpu.memref_squeeze %dma_wait3A_45 : memref<1x128x128xf32, #tpu.memory_space<vmem>> -> memref<128x128xf32, #tpu.memory_space<vmem>>
      %dma_wait3A_47 = arith.constant 0 : i32
      %dma_wait3A_48 = tpu.memref_slice %arg11[%dma_wait3A_41, %dma_wait3A_42, %dma_wait3A_47] : memref<2x1x128xi32, #tpu.memory_space<vmem>> -> memref<1x1x128xi32, #tpu.memory_space<vmem>>
      %dma_wait3A_49 = tpu.memref_squeeze %dma_wait3A_48 : memref<1x1x128xi32, #tpu.memory_space<vmem>> -> memref<128xi32, #tpu.memory_space<vmem>>
      %dma_wait3A_50 = arith.constant 0 : i32
      %dma_wait3A_51 = arith.constant 0 : i32
      %dma_wait3A_52 = tpu.memref_slice %arg14[%dma_wait3A_50, %dma_wait3A_51] : memref<10112x128xf32, #tpu.memory_space<vmem_shared>> -> memref<10112x128xf32, #tpu.memory_space<vmem_shared>>
      tpu.wait_indirect_dma semaphore(%arg20 : memref<!tpu.dma_semaphore, #tpu.memory_space<semaphore_mem>>) src(%dma_wait3A_46 : memref<128x128xf32, #tpu.memory_space<vmem>>) dst(%dma_wait3A_52 : memref<10112x128xf32, #tpu.memory_space<vmem_shared>>)
      %dma_wait3A_53 = arith.constant 1 : i32
      %dma_wait3A_54 = arith.constant 0 : i32
      %dma_wait3A_55 = arith.constant 0 : i32
      %dma_wait3A_56 = tpu.memref_slice %arg11[%dma_wait3A_53, %dma_wait3A_54, %dma_wait3A_55] : memref<2x1x128xi32, #tpu.memory_space<vmem>> -> memref<1x1x128xi32, #tpu.memory_space<vmem>>
      %dma_wait3A_57 = tpu.memref_squeeze %dma_wait3A_56 : memref<1x1x128xi32, #tpu.memory_space<vmem>> -> memref<128xi32, #tpu.memory_space<vmem>>
      %dma_wait3A_58 = arith.constant 0 : i32
      %dma_wait3A_59 = arith.constant 0 : i32
      %dma_wait3A_60 = tpu.memref_slice %arg15[%dma_wait3A_58, %dma_wait3A_59] : memref<10112x16xf32, #tpu.memory_space<vmem_shared>> -> memref<10112x16xf32, #tpu.memory_space<vmem_shared>>
      tpu.wait_indirect_dma semaphore(%arg20 : memref<!tpu.dma_semaphore, #tpu.memory_space<semaphore_mem>>) src(%arg13 : memref<128x16xf32, #tpu.memory_space<vmem>>) dst(%dma_wait3A_60 : memref<10112x16xf32, #tpu.memory_space<vmem_shared>>)
    } else {
    }
    %barrier3A_31 = arith.constant 0 : index
    tpu.barrier barrier_id(%barrier3A_31)
    %lt3A_32 = arith.constant 15 : i32
    %lt3A_33 = arith.cmpi slt, %arg1, %lt3A_32 : i32
    %convert_element_type3A_34 = arith.extui %lt3A_33 : i1 to i32
    %cond3A_35 = arith.constant 0 : i32
    %cond3A_36 = arith.cmpi ne, %convert_element_type3A_34, %cond3A_35 : i32
    scf.if %cond3A_36 {
      %mul3A_41 = arith.constant 632 : i32
      %mul3A_42 = arith.muli %arg1, %mul3A_41 : i32
      %add3A_43 = arith.addi %mul3A_0, %mul3A_42 : i32
      "tpu.region"() ({
        %run_scoped3A = tpu.sem_alloc : memref<!tpu.dma_semaphore, #tpu.memory_space<semaphore_mem>>
        %dma_start3A = arith.constant 0 : i32
        %dma_start3A_45 = tpu.memref_slice %arg8[%add3A_43, %dma_start3A] : memref<20000x128xf32, #tpu.memory_space<hbm>> -> memref<632x128xf32, #tpu.memory_space<hbm>>
        %dma_start3A_46 = arith.constant 0 : i32
        %dma_start3A_47 = tpu.memref_slice %arg14[%mul3A_42, %dma_start3A_46] : memref<10112x128xf32, #tpu.memory_space<vmem_shared>> -> memref<632x128xf32, #tpu.memory_space<vmem_shared>>
        tpu.enqueue_dma source(%dma_start3A_47 : memref<632x128xf32, #tpu.memory_space<vmem_shared>>) target(%dma_start3A_45 : memref<632x128xf32, #tpu.memory_space<hbm>>) target_semaphore(%run_scoped3A : memref<!tpu.dma_semaphore, #tpu.memory_space<semaphore_mem>>)
        %dma_wait3A = arith.constant 0 : i32
        %dma_wait3A_48 = tpu.memref_slice %arg8[%add3A_43, %dma_wait3A] : memref<20000x128xf32, #tpu.memory_space<hbm>> -> memref<632x128xf32, #tpu.memory_space<hbm>>
        %dma_wait3A_49 = arith.constant 0 : i32
        %dma_wait3A_50 = tpu.memref_slice %arg14[%mul3A_42, %dma_wait3A_49] : memref<10112x128xf32, #tpu.memory_space<vmem_shared>> -> memref<632x128xf32, #tpu.memory_space<vmem_shared>>
        tpu.wait_dma2 semaphore(%run_scoped3A : memref<!tpu.dma_semaphore, #tpu.memory_space<semaphore_mem>>) src(%dma_wait3A_50 : memref<632x128xf32, #tpu.memory_space<vmem_shared>>) dst(%dma_wait3A_48 : memref<632x128xf32, #tpu.memory_space<hbm>>)
        tpu.yield
      }) : () -> ()
      %add3A_44 = arith.addi %mul3A_0, %mul3A_42 : i32
      "tpu.region"() ({
        %run_scoped3A = tpu.sem_alloc : memref<!tpu.dma_semaphore, #tpu.memory_space<semaphore_mem>>
        %dma_start3A = arith.constant 0 : i32
        %dma_start3A_45 = tpu.memref_slice %arg9[%add3A_44, %dma_start3A] : memref<20000x16xf32, #tpu.memory_space<hbm>> -> memref<632x16xf32, #tpu.memory_space<hbm>>
        %dma_start3A_46 = arith.constant 0 : i32
        %dma_start3A_47 = tpu.memref_slice %arg15[%mul3A_42, %dma_start3A_46] : memref<10112x16xf32, #tpu.memory_space<vmem_shared>> -> memref<632x16xf32, #tpu.memory_space<vmem_shared>>
        tpu.enqueue_dma source(%dma_start3A_47 : memref<632x16xf32, #tpu.memory_space<vmem_shared>>) target(%dma_start3A_45 : memref<632x16xf32, #tpu.memory_space<hbm>>) target_semaphore(%run_scoped3A : memref<!tpu.dma_semaphore, #tpu.memory_space<semaphore_mem>>)
        %dma_wait3A = arith.constant 0 : i32
        %dma_wait3A_48 = tpu.memref_slice %arg9[%add3A_44, %dma_wait3A] : memref<20000x16xf32, #tpu.memory_space<hbm>> -> memref<632x16xf32, #tpu.memory_space<hbm>>
        %dma_wait3A_49 = arith.constant 0 : i32
        %dma_wait3A_50 = tpu.memref_slice %arg15[%mul3A_42, %dma_wait3A_49] : memref<10112x16xf32, #tpu.memory_space<vmem_shared>> -> memref<632x16xf32, #tpu.memory_space<vmem_shared>>
        tpu.wait_dma2 semaphore(%run_scoped3A : memref<!tpu.dma_semaphore, #tpu.memory_space<semaphore_mem>>) src(%dma_wait3A_50 : memref<632x16xf32, #tpu.memory_space<vmem_shared>>) dst(%dma_wait3A_48 : memref<632x16xf32, #tpu.memory_space<hbm>>)
        tpu.yield
      }) : () -> ()
    } else {
    }
    %eq3A = arith.constant 15 : i32
    %eq3A_37 = arith.cmpi eq, %arg1, %eq3A : i32
    %convert_element_type3A_38 = arith.extui %eq3A_37 : i1 to i32
    %cond3A_39 = arith.constant 0 : i32
    %cond3A_40 = arith.cmpi ne, %convert_element_type3A_38, %cond3A_39 : i32
    scf.if %cond3A_40 {
      %add3A_41 = arith.constant 9480 : i32
      %add3A_42 = arith.addi %mul3A_0, %add3A_41 : i32
      "tpu.region"() ({
        %run_scoped3A = tpu.sem_alloc : memref<!tpu.dma_semaphore, #tpu.memory_space<semaphore_mem>>
        %dma_start3A = arith.constant 0 : i32
        %dma_start3A_45 = tpu.memref_slice %arg8[%add3A_42, %dma_start3A] : memref<20000x128xf32, #tpu.memory_space<hbm>> -> memref<520x128xf32, #tpu.memory_space<hbm>>
        %dma_start3A_46 = arith.constant 9480 : i32
        %dma_start3A_47 = arith.constant 0 : i32
        %dma_start3A_48 = tpu.memref_slice %arg14[%dma_start3A_46, %dma_start3A_47] : memref<10112x128xf32, #tpu.memory_space<vmem_shared>> -> memref<520x128xf32, #tpu.memory_space<vmem_shared>>
        tpu.enqueue_dma source(%dma_start3A_48 : memref<520x128xf32, #tpu.memory_space<vmem_shared>>) target(%dma_start3A_45 : memref<520x128xf32, #tpu.memory_space<hbm>>) target_semaphore(%run_scoped3A : memref<!tpu.dma_semaphore, #tpu.memory_space<semaphore_mem>>)
        %dma_wait3A = arith.constant 0 : i32
        %dma_wait3A_49 = tpu.memref_slice %arg8[%add3A_42, %dma_wait3A] : memref<20000x128xf32, #tpu.memory_space<hbm>> -> memref<520x128xf32, #tpu.memory_space<hbm>>
        %dma_wait3A_50 = arith.constant 9480 : i32
        %dma_wait3A_51 = arith.constant 0 : i32
        %dma_wait3A_52 = tpu.memref_slice %arg14[%dma_wait3A_50, %dma_wait3A_51] : memref<10112x128xf32, #tpu.memory_space<vmem_shared>> -> memref<520x128xf32, #tpu.memory_space<vmem_shared>>
        tpu.wait_dma2 semaphore(%run_scoped3A : memref<!tpu.dma_semaphore, #tpu.memory_space<semaphore_mem>>) src(%dma_wait3A_52 : memref<520x128xf32, #tpu.memory_space<vmem_shared>>) dst(%dma_wait3A_49 : memref<520x128xf32, #tpu.memory_space<hbm>>)
        tpu.yield
      }) : () -> ()
      %add3A_43 = arith.constant 9480 : i32
      %add3A_44 = arith.addi %mul3A_0, %add3A_43 : i32
      "tpu.region"() ({
        %run_scoped3A = tpu.sem_alloc : memref<!tpu.dma_semaphore, #tpu.memory_space<semaphore_mem>>
        %dma_start3A = arith.constant 0 : i32
        %dma_start3A_45 = tpu.memref_slice %arg9[%add3A_44, %dma_start3A] : memref<20000x16xf32, #tpu.memory_space<hbm>> -> memref<520x16xf32, #tpu.memory_space<hbm>>
        %dma_start3A_46 = arith.constant 9480 : i32
        %dma_start3A_47 = arith.constant 0 : i32
        %dma_start3A_48 = tpu.memref_slice %arg15[%dma_start3A_46, %dma_start3A_47] : memref<10112x16xf32, #tpu.memory_space<vmem_shared>> -> memref<520x16xf32, #tpu.memory_space<vmem_shared>>
        tpu.enqueue_dma source(%dma_start3A_48 : memref<520x16xf32, #tpu.memory_space<vmem_shared>>) target(%dma_start3A_45 : memref<520x16xf32, #tpu.memory_space<hbm>>) target_semaphore(%run_scoped3A : memref<!tpu.dma_semaphore, #tpu.memory_space<semaphore_mem>>)
        %dma_wait3A = arith.constant 0 : i32
        %dma_wait3A_49 = tpu.memref_slice %arg9[%add3A_44, %dma_wait3A] : memref<20000x16xf32, #tpu.memory_space<hbm>> -> memref<520x16xf32, #tpu.memory_space<hbm>>
        %dma_wait3A_50 = arith.constant 9480 : i32
        %dma_wait3A_51 = arith.constant 0 : i32
        %dma_wait3A_52 = tpu.memref_slice %arg15[%dma_wait3A_50, %dma_wait3A_51] : memref<10112x16xf32, #tpu.memory_space<vmem_shared>> -> memref<520x16xf32, #tpu.memory_space<vmem_shared>>
        tpu.wait_dma2 semaphore(%run_scoped3A : memref<!tpu.dma_semaphore, #tpu.memory_space<semaphore_mem>>) src(%dma_wait3A_52 : memref<520x16xf32, #tpu.memory_space<vmem_shared>>) dst(%dma_wait3A_49 : memref<520x16xf32, #tpu.memory_space<hbm>>)
        tpu.yield
      }) : () -> ()
    } else {
    }
    return
  }
}

#map = affine_map<(d0, d1) -> (0, 0)>
#map1 = affine_map<(d0, d1) -> (0)>
module attributes {stable_mosaic.version = 14 : i64} {
  func.func @k(%arg0: i32, %arg1: i32, %arg2: memref<10000x128xf32, #tpu.memory_space<hbm>>, %arg3: memref<10112xi32, #tpu.memory_space<hbm>>, %arg4: memref<10112x128xf32, #tpu.memory_space<hbm>>, %arg5: memref<128xi32, #tpu.memory_space<vmem>>, %arg6: memref<128x128xf32, #tpu.memory_space<vmem>>, %arg7: memref<!tpu.dma_semaphore, #tpu.memory_space<semaphore_mem>>) attributes {dimension_semantics = [#tpu.dimension_semantics<core_parallel>, #tpu.dimension_semantics<subcore_parallel>], iteration_bounds = array<i64: 2, 16>, scalar_prefetch = 0 : i64, scratch_operands = 3 : i64, tpu.core_type = #tpu.core_type<sc_vector_subcore>, window_params = [{transform_indices = #map}, {transform_indices = #map1}, {transform_indices = #map}]} {
    %mul3A = arith.constant 2 : i32
    %mul3A_0 = arith.muli %arg1, %mul3A : i32
    %add3A = arith.addi %mul3A_0, %arg0 : i32
    %scan3A = arith.constant 0 : i32
    %scan3A_1 = arith.constant 0 : i32
    %scan3A_2 = arith.constant 3 : i32
    %scan3A_3 = arith.addi %scan3A_1, %scan3A_2 : i32
    %scan3A_4 = arith.constant 1 : i32
    scf.for %scan3A_6 = %scan3A_1 to %scan3A_3 step %scan3A_4  : i32 {
      %mul3A_7 = arith.constant 32 : i32
      %mul3A_8 = arith.muli %scan3A_6, %mul3A_7 : i32
      %add3A_9 = arith.addi %add3A, %mul3A_8 : i32
      %lt3A = arith.constant 79 : i32
      %lt3A_10 = arith.cmpi slt, %add3A_9, %lt3A : i32
      %convert_element_type3A = arith.extui %lt3A_10 : i1 to i32
      %cond3A = arith.constant 0 : i32
      %cond3A_11 = arith.cmpi ne, %convert_element_type3A, %cond3A : i32
      scf.if %cond3A_11 {
        %mul3A_12 = arith.constant 128 : i32
        %mul3A_13 = arith.muli %add3A_9, %mul3A_12 : i32
        "tpu.region"() ({
          %run_scoped3A = tpu.sem_alloc : memref<!tpu.dma_semaphore, #tpu.memory_space<semaphore_mem>>
          %dma_start3A_18 = tpu.memref_slice %arg3[%mul3A_13] : memref<10112xi32, #tpu.memory_space<hbm>> -> memref<128xi32, #tpu.memory_space<hbm>>
          %dma_start3A_19 = tpu.memref_slice %arg3[%mul3A_13] : memref<10112xi32, #tpu.memory_space<hbm>> -> memref<128xi32, #tpu.memory_space<hbm>>
          tpu.enqueue_dma source(%dma_start3A_19 : memref<128xi32, #tpu.memory_space<hbm>>) target(%arg5 : memref<128xi32, #tpu.memory_space<vmem>>) target_semaphore(%run_scoped3A : memref<!tpu.dma_semaphore, #tpu.memory_space<semaphore_mem>>)
          %dma_wait3A_20 = tpu.memref_slice %arg3[%mul3A_13] : memref<10112xi32, #tpu.memory_space<hbm>> -> memref<128xi32, #tpu.memory_space<hbm>>
          %dma_wait3A_21 = tpu.memref_slice %arg3[%mul3A_13] : memref<10112xi32, #tpu.memory_space<hbm>> -> memref<128xi32, #tpu.memory_space<hbm>>
          tpu.wait_dma2 semaphore(%run_scoped3A : memref<!tpu.dma_semaphore, #tpu.memory_space<semaphore_mem>>) src(%dma_wait3A_21 : memref<128xi32, #tpu.memory_space<hbm>>) dst(%arg5 : memref<128xi32, #tpu.memory_space<vmem>>)
          tpu.yield
        }) : () -> ()
        %dma_start3A = arith.constant 0 : i32
        %dma_start3A_14 = arith.constant 0 : i32
        %dma_start3A_15 = tpu.memref_slice %arg2[%dma_start3A, %dma_start3A_14] : memref<10000x128xf32, #tpu.memory_space<hbm>> -> memref<10000x128xf32, #tpu.memory_space<hbm>>
        tpu.enqueue_indirect_dma source(%dma_start3A_15 : memref<10000x128xf32, #tpu.memory_space<hbm>>) target(%arg6 : memref<128x128xf32, #tpu.memory_space<vmem>>) offsets(%arg5 : memref<128xi32, #tpu.memory_space<vmem>>) semaphore(%arg7 : memref<!tpu.dma_semaphore, #tpu.memory_space<semaphore_mem>>)
        %dma_wait3A = arith.constant 0 : i32
        %dma_wait3A_16 = arith.constant 0 : i32
        %dma_wait3A_17 = tpu.memref_slice %arg2[%dma_wait3A, %dma_wait3A_16] : memref<10000x128xf32, #tpu.memory_space<hbm>> -> memref<10000x128xf32, #tpu.memory_space<hbm>>
        tpu.wait_indirect_dma semaphore(%arg7 : memref<!tpu.dma_semaphore, #tpu.memory_space<semaphore_mem>>) src(%dma_wait3A_17 : memref<10000x128xf32, #tpu.memory_space<hbm>>) dst(%arg6 : memref<128x128xf32, #tpu.memory_space<vmem>>)
        "tpu.region"() ({
          %run_scoped3A = tpu.sem_alloc : memref<!tpu.dma_semaphore, #tpu.memory_space<semaphore_mem>>
          %dma_start3A_18 = arith.constant 0 : i32
          %dma_start3A_19 = tpu.memref_slice %arg4[%mul3A_13, %dma_start3A_18] : memref<10112x128xf32, #tpu.memory_space<hbm>> -> memref<128x128xf32, #tpu.memory_space<hbm>>
          %dma_start3A_20 = arith.constant 0 : i32
          %dma_start3A_21 = tpu.memref_slice %arg4[%mul3A_13, %dma_start3A_20] : memref<10112x128xf32, #tpu.memory_space<hbm>> -> memref<128x128xf32, #tpu.memory_space<hbm>>
          tpu.enqueue_dma source(%arg6 : memref<128x128xf32, #tpu.memory_space<vmem>>) target(%dma_start3A_21 : memref<128x128xf32, #tpu.memory_space<hbm>>) target_semaphore(%run_scoped3A : memref<!tpu.dma_semaphore, #tpu.memory_space<semaphore_mem>>)
          %dma_wait3A_22 = arith.constant 0 : i32
          %dma_wait3A_23 = tpu.memref_slice %arg4[%mul3A_13, %dma_wait3A_22] : memref<10112x128xf32, #tpu.memory_space<hbm>> -> memref<128x128xf32, #tpu.memory_space<hbm>>
          %dma_wait3A_24 = arith.constant 0 : i32
          %dma_wait3A_25 = tpu.memref_slice %arg4[%mul3A_13, %dma_wait3A_24] : memref<10112x128xf32, #tpu.memory_space<hbm>> -> memref<128x128xf32, #tpu.memory_space<hbm>>
          tpu.wait_dma2 semaphore(%run_scoped3A : memref<!tpu.dma_semaphore, #tpu.memory_space<semaphore_mem>>) src(%arg6 : memref<128x128xf32, #tpu.memory_space<vmem>>) dst(%dma_wait3A_25 : memref<128x128xf32, #tpu.memory_space<hbm>>)
          tpu.yield
        }) : () -> ()
      } else {
      }
    }
    %scan3A_5 = arith.constant 3 : i32
    return
  }
}

#map = affine_map<(d0, d1) -> (0, 0)>
#map1 = affine_map<(d0, d1) -> (0)>
module attributes {stable_mosaic.version = 14 : i64} {
  func.func @k(%arg0: i32, %arg1: i32, %arg2: memref<20000x128xf32, #tpu.memory_space<hbm>>, %arg3: memref<320000xi32, #tpu.memory_space<hbm>>, %arg4: memref<320000xi32, #tpu.memory_space<hbm>>, %arg5: memref<10112x128xf32, #tpu.memory_space<hbm>>, %arg6: memref<10112x16xf32, #tpu.memory_space<hbm>>, %arg7: memref<128x16xf32, #tpu.memory_space<hbm>>, %arg8: memref<10000x128xf32, #tpu.memory_space<hbm>>, %arg9: memref<10000x128xf32, #tpu.memory_space<hbm>>, %arg10: memref<10000x16xf32, #tpu.memory_space<hbm>>, %arg11: memref<10000x16xf32, #tpu.memory_space<hbm>>, %arg12: memref<2x2x128xi32, #tpu.memory_space<vmem>>, %arg13: memref<2x1x128xi32, #tpu.memory_space<vmem>>, %arg14: memref<2x128x128xf32, #tpu.memory_space<vmem>>, %arg15: memref<128x16xf32, #tpu.memory_space<vmem>>, %arg16: memref<10112x128xf32, #tpu.memory_space<vmem_shared>>, %arg17: memref<10112x16xf32, #tpu.memory_space<vmem_shared>>, %arg18: memref<!tpu.dma_semaphore, #tpu.memory_space<semaphore_mem>>, %arg19: memref<!tpu.dma_semaphore, #tpu.memory_space<semaphore_mem>>, %arg20: memref<!tpu.dma_semaphore, #tpu.memory_space<semaphore_mem>>, %arg21: memref<!tpu.dma_semaphore, #tpu.memory_space<semaphore_mem>>, %arg22: memref<!tpu.dma_semaphore, #tpu.memory_space<semaphore_mem>>) attributes {dimension_semantics = [#tpu.dimension_semantics<core_parallel>, #tpu.dimension_semantics<subcore_parallel>], iteration_bounds = array<i64: 2, 16>, scalar_prefetch = 0 : i64, scratch_operands = 11 : i64, tpu.core_type = #tpu.core_type<sc_vector_subcore>, window_params = [{transform_indices = #map}, {transform_indices = #map1}, {transform_indices = #map1}, {transform_indices = #map}, {transform_indices = #map}, {transform_indices = #map}, {transform_indices = #map}, {transform_indices = #map}, {transform_indices = #map}, {transform_indices = #map}]} {
    %mul3A = arith.constant 2 : i32
    %mul3A_0 = arith.muli %arg1, %mul3A : i32
    %add3A = arith.addi %mul3A_0, %arg0 : i32
    "tpu.region"() ({
      %run_scoped3A = tpu.sem_alloc : memref<!tpu.dma_semaphore, #tpu.memory_space<semaphore_mem>>
      tpu.enqueue_dma source(%arg7 : memref<128x16xf32, #tpu.memory_space<hbm>>) target(%arg15 : memref<128x16xf32, #tpu.memory_space<vmem>>) target_semaphore(%run_scoped3A : memref<!tpu.dma_semaphore, #tpu.memory_space<semaphore_mem>>)
      tpu.wait_dma2 semaphore(%run_scoped3A : memref<!tpu.dma_semaphore, #tpu.memory_space<semaphore_mem>>) src(%arg7 : memref<128x16xf32, #tpu.memory_space<hbm>>) dst(%arg15 : memref<128x16xf32, #tpu.memory_space<vmem>>)
      tpu.yield
    }) : () -> ()
    %mul3A_1 = arith.constant 632 : i32
    %mul3A_2 = arith.muli %arg1, %mul3A_1 : i32
    %mul3A_3 = arith.constant 632 : i32
    %mul3A_4 = arith.muli %arg1, %mul3A_3 : i32
    "tpu.region"() ({
      %run_scoped3A = tpu.sem_alloc : memref<!tpu.dma_semaphore, #tpu.memory_space<semaphore_mem>>
      %dma_start3A = arith.constant 0 : i32
      %dma_start3A_42 = tpu.memref_slice %arg16[%mul3A_4, %dma_start3A] : memref<10112x128xf32, #tpu.memory_space<vmem_shared>> -> memref<632x128xf32, #tpu.memory_space<vmem_shared>>
      %dma_start3A_43 = arith.constant 0 : i32
      %dma_start3A_44 = tpu.memref_slice %arg5[%mul3A_2, %dma_start3A_43] : memref<10112x128xf32, #tpu.memory_space<hbm>> -> memref<632x128xf32, #tpu.memory_space<hbm>>
      tpu.enqueue_dma source(%dma_start3A_44 : memref<632x128xf32, #tpu.memory_space<hbm>>) target(%dma_start3A_42 : memref<632x128xf32, #tpu.memory_space<vmem_shared>>) target_semaphore(%run_scoped3A : memref<!tpu.dma_semaphore, #tpu.memory_space<semaphore_mem>>)
      %dma_wait3A = arith.constant 0 : i32
      %dma_wait3A_45 = tpu.memref_slice %arg16[%mul3A_4, %dma_wait3A] : memref<10112x128xf32, #tpu.memory_space<vmem_shared>> -> memref<632x128xf32, #tpu.memory_space<vmem_shared>>
      %dma_wait3A_46 = arith.constant 0 : i32
      %dma_wait3A_47 = tpu.memref_slice %arg5[%mul3A_2, %dma_wait3A_46] : memref<10112x128xf32, #tpu.memory_space<hbm>> -> memref<632x128xf32, #tpu.memory_space<hbm>>
      tpu.wait_dma2 semaphore(%run_scoped3A : memref<!tpu.dma_semaphore, #tpu.memory_space<semaphore_mem>>) src(%dma_wait3A_47 : memref<632x128xf32, #tpu.memory_space<hbm>>) dst(%dma_wait3A_45 : memref<632x128xf32, #tpu.memory_space<vmem_shared>>)
      tpu.yield
    }) : () -> ()
    %mul3A_5 = arith.constant 632 : i32
    %mul3A_6 = arith.muli %arg1, %mul3A_5 : i32
    %mul3A_7 = arith.constant 632 : i32
    %mul3A_8 = arith.muli %arg1, %mul3A_7 : i32
    "tpu.region"() ({
      %run_scoped3A = tpu.sem_alloc : memref<!tpu.dma_semaphore, #tpu.memory_space<semaphore_mem>>
      %dma_start3A = arith.constant 0 : i32
      %dma_start3A_42 = tpu.memref_slice %arg17[%mul3A_8, %dma_start3A] : memref<10112x16xf32, #tpu.memory_space<vmem_shared>> -> memref<632x16xf32, #tpu.memory_space<vmem_shared>>
      %dma_start3A_43 = arith.constant 0 : i32
      %dma_start3A_44 = tpu.memref_slice %arg6[%mul3A_6, %dma_start3A_43] : memref<10112x16xf32, #tpu.memory_space<hbm>> -> memref<632x16xf32, #tpu.memory_space<hbm>>
      tpu.enqueue_dma source(%dma_start3A_44 : memref<632x16xf32, #tpu.memory_space<hbm>>) target(%dma_start3A_42 : memref<632x16xf32, #tpu.memory_space<vmem_shared>>) target_semaphore(%run_scoped3A : memref<!tpu.dma_semaphore, #tpu.memory_space<semaphore_mem>>)
      %dma_wait3A = arith.constant 0 : i32
      %dma_wait3A_45 = tpu.memref_slice %arg17[%mul3A_8, %dma_wait3A] : memref<10112x16xf32, #tpu.memory_space<vmem_shared>> -> memref<632x16xf32, #tpu.memory_space<vmem_shared>>
      %dma_wait3A_46 = arith.constant 0 : i32
      %dma_wait3A_47 = tpu.memref_slice %arg6[%mul3A_6, %dma_wait3A_46] : memref<10112x16xf32, #tpu.memory_space<hbm>> -> memref<632x16xf32, #tpu.memory_space<hbm>>
      tpu.wait_dma2 semaphore(%run_scoped3A : memref<!tpu.dma_semaphore, #tpu.memory_space<semaphore_mem>>) src(%dma_wait3A_47 : memref<632x16xf32, #tpu.memory_space<hbm>>) dst(%dma_wait3A_45 : memref<632x16xf32, #tpu.memory_space<vmem_shared>>)
      tpu.yield
    }) : () -> ()
    %barrier3A = arith.constant 0 : index
    tpu.barrier barrier_id(%barrier3A)
    %iota3A = tpu.iota {dimensions = array<i32: 0>} : vector<16xi32>
    %and3A = arith.constant 15 : i32
    %and3A_9 = vector.broadcast %and3A : i32 to vector<16xi32>
    %and3A_10 = arith.andi %iota3A, %and3A_9 : vector<16xi32>
    %add3A_11 = arith.constant 10000 : i32
    %add3A_12 = vector.broadcast %add3A_11 : i32 to vector<16xi32>
    %add3A_13 = arith.addi %add3A_12, %and3A_10 : vector<16xi32>
    %lt3A = arith.constant 2500 : i32
    %lt3A_14 = arith.cmpi slt, %add3A, %lt3A : i32
    %convert_element_type3A = arith.extui %lt3A_14 : i1 to i32
    %cond3A = arith.constant 0 : i32
    %cond3A_15 = arith.cmpi ne, %convert_element_type3A, %cond3A : i32
    scf.if %cond3A_15 {
      %mul3A_42 = arith.constant 128 : i32
      %mul3A_43 = arith.muli %add3A, %mul3A_42 : i32
      %dma_start3A = arith.constant 0 : i32
      %dma_start3A_44 = arith.constant 0 : i32
      %dma_start3A_45 = arith.constant 0 : i32
      %dma_start3A_46 = tpu.memref_slice %arg12[%dma_start3A, %dma_start3A_44, %dma_start3A_45] : memref<2x2x128xi32, #tpu.memory_space<vmem>> -> memref<1x1x128xi32, #tpu.memory_space<vmem>>
      %dma_start3A_47 = tpu.memref_squeeze %dma_start3A_46 : memref<1x1x128xi32, #tpu.memory_space<vmem>> -> memref<128xi32, #tpu.memory_space<vmem>>
      %dma_start3A_48 = tpu.memref_slice %arg3[%mul3A_43] : memref<320000xi32, #tpu.memory_space<hbm>> -> memref<128xi32, #tpu.memory_space<hbm>>
      %dma_start3A_49 = arith.constant 0 : i32
      %dma_start3A_50 = tpu.memref_slice %arg12[%dma_start3A, %dma_start3A_44, %dma_start3A_49] : memref<2x2x128xi32, #tpu.memory_space<vmem>> -> memref<1x1x128xi32, #tpu.memory_space<vmem>>
      %dma_start3A_51 = tpu.memref_squeeze %dma_start3A_50 : memref<1x1x128xi32, #tpu.memory_space<vmem>> -> memref<128xi32, #tpu.memory_space<vmem>>
      %dma_start3A_52 = tpu.memref_slice %arg3[%mul3A_43] : memref<320000xi32, #tpu.memory_space<hbm>> -> memref<128xi32, #tpu.memory_space<hbm>>
      tpu.enqueue_dma source(%dma_start3A_52 : memref<128xi32, #tpu.memory_space<hbm>>) target(%dma_start3A_51 : memref<128xi32, #tpu.memory_space<vmem>>) target_semaphore(%arg18 : memref<!tpu.dma_semaphore, #tpu.memory_space<semaphore_mem>>)
      %dma_start3A_53 = arith.constant 0 : i32
      %dma_start3A_54 = arith.constant 1 : i32
      %dma_start3A_55 = arith.constant 0 : i32
      %dma_start3A_56 = tpu.memref_slice %arg12[%dma_start3A_53, %dma_start3A_54, %dma_start3A_55] : memref<2x2x128xi32, #tpu.memory_space<vmem>> -> memref<1x1x128xi32, #tpu.memory_space<vmem>>
      %dma_start3A_57 = tpu.memref_squeeze %dma_start3A_56 : memref<1x1x128xi32, #tpu.memory_space<vmem>> -> memref<128xi32, #tpu.memory_space<vmem>>
      %dma_start3A_58 = tpu.memref_slice %arg4[%mul3A_43] : memref<320000xi32, #tpu.memory_space<hbm>> -> memref<128xi32, #tpu.memory_space<hbm>>
      %dma_start3A_59 = arith.constant 0 : i32
      %dma_start3A_60 = tpu.memref_slice %arg12[%dma_start3A_53, %dma_start3A_54, %dma_start3A_59] : memref<2x2x128xi32, #tpu.memory_space<vmem>> -> memref<1x1x128xi32, #tpu.memory_space<vmem>>
      %dma_start3A_61 = tpu.memref_squeeze %dma_start3A_60 : memref<1x1x128xi32, #tpu.memory_space<vmem>> -> memref<128xi32, #tpu.memory_space<vmem>>
      %dma_start3A_62 = tpu.memref_slice %arg4[%mul3A_43] : memref<320000xi32, #tpu.memory_space<hbm>> -> memref<128xi32, #tpu.memory_space<hbm>>
      tpu.enqueue_dma source(%dma_start3A_62 : memref<128xi32, #tpu.memory_space<hbm>>) target(%dma_start3A_61 : memref<128xi32, #tpu.memory_space<vmem>>) target_semaphore(%arg18 : memref<!tpu.dma_semaphore, #tpu.memory_space<semaphore_mem>>)
    } else {
    }
    %scan3A = arith.constant 0 : i32
    %scan3A_16 = arith.constant 0 : i32
    %scan3A_17 = arith.constant 0 : i32
    %scan3A_18 = arith.constant 40 : i32
    %scan3A_19 = arith.addi %scan3A_17, %scan3A_18 : i32
    %scan3A_20 = arith.constant 1 : i32
    %scan3A_21:2 = scf.for %scan3A_42 = %scan3A_17 to %scan3A_19 step %scan3A_20 iter_args(%scan3A_43 = %scan3A, %scan3A_44 = %scan3A_16) -> (i32, i32)  : i32 {
      %mul3A_45 = arith.constant 2 : i32
      %mul3A_46 = arith.muli %mul3A_45, %scan3A_42 : i32
      %mul3A_47 = arith.constant 32 : i32
      %mul3A_48 = arith.muli %mul3A_46, %mul3A_47 : i32
      %add3A_49 = arith.addi %add3A, %mul3A_48 : i32
      %lt3A_50 = arith.constant 2500 : i32
      %lt3A_51 = arith.cmpi slt, %add3A_49, %lt3A_50 : i32
      %convert_element_type3A_52 = arith.extui %lt3A_51 : i1 to i32
      %cond3A_53 = arith.constant 0 : i32
      %cond3A_54 = arith.cmpi ne, %convert_element_type3A_52, %cond3A_53 : i32
      %cond3A_55 = scf.if %cond3A_54 -> (i32) {
        %mul3A_69 = arith.constant 128 : i32
        %mul3A_70 = arith.muli %add3A_49, %mul3A_69 : i32
        %dma_wait3A = arith.constant 0 : i32
        %dma_wait3A_71 = arith.constant 0 : i32
        %dma_wait3A_72 = arith.constant 0 : i32
        %dma_wait3A_73 = tpu.memref_slice %arg12[%dma_wait3A, %dma_wait3A_71, %dma_wait3A_72] : memref<2x2x128xi32, #tpu.memory_space<vmem>> -> memref<1x1x128xi32, #tpu.memory_space<vmem>>
        %dma_wait3A_74 = tpu.memref_squeeze %dma_wait3A_73 : memref<1x1x128xi32, #tpu.memory_space<vmem>> -> memref<128xi32, #tpu.memory_space<vmem>>
        %dma_wait3A_75 = tpu.memref_slice %arg3[%mul3A_70] : memref<320000xi32, #tpu.memory_space<hbm>> -> memref<128xi32, #tpu.memory_space<hbm>>
        %dma_wait3A_76 = arith.constant 0 : i32
        %dma_wait3A_77 = tpu.memref_slice %arg12[%dma_wait3A, %dma_wait3A_71, %dma_wait3A_76] : memref<2x2x128xi32, #tpu.memory_space<vmem>> -> memref<1x1x128xi32, #tpu.memory_space<vmem>>
        %dma_wait3A_78 = tpu.memref_squeeze %dma_wait3A_77 : memref<1x1x128xi32, #tpu.memory_space<vmem>> -> memref<128xi32, #tpu.memory_space<vmem>>
        %dma_wait3A_79 = tpu.memref_slice %arg3[%mul3A_70] : memref<320000xi32, #tpu.memory_space<hbm>> -> memref<128xi32, #tpu.memory_space<hbm>>
        tpu.wait_dma2 semaphore(%arg18 : memref<!tpu.dma_semaphore, #tpu.memory_space<semaphore_mem>>) src(%dma_wait3A_79 : memref<128xi32, #tpu.memory_space<hbm>>) dst(%dma_wait3A_78 : memref<128xi32, #tpu.memory_space<vmem>>)
        %dma_wait3A_80 = arith.constant 0 : i32
        %dma_wait3A_81 = arith.constant 1 : i32
        %dma_wait3A_82 = arith.constant 0 : i32
        %dma_wait3A_83 = tpu.memref_slice %arg12[%dma_wait3A_80, %dma_wait3A_81, %dma_wait3A_82] : memref<2x2x128xi32, #tpu.memory_space<vmem>> -> memref<1x1x128xi32, #tpu.memory_space<vmem>>
        %dma_wait3A_84 = tpu.memref_squeeze %dma_wait3A_83 : memref<1x1x128xi32, #tpu.memory_space<vmem>> -> memref<128xi32, #tpu.memory_space<vmem>>
        %dma_wait3A_85 = tpu.memref_slice %arg4[%mul3A_70] : memref<320000xi32, #tpu.memory_space<hbm>> -> memref<128xi32, #tpu.memory_space<hbm>>
        %dma_wait3A_86 = arith.constant 0 : i32
        %dma_wait3A_87 = tpu.memref_slice %arg12[%dma_wait3A_80, %dma_wait3A_81, %dma_wait3A_86] : memref<2x2x128xi32, #tpu.memory_space<vmem>> -> memref<1x1x128xi32, #tpu.memory_space<vmem>>
        %dma_wait3A_88 = tpu.memref_squeeze %dma_wait3A_87 : memref<1x1x128xi32, #tpu.memory_space<vmem>> -> memref<128xi32, #tpu.memory_space<vmem>>
        %dma_wait3A_89 = tpu.memref_slice %arg4[%mul3A_70] : memref<320000xi32, #tpu.memory_space<hbm>> -> memref<128xi32, #tpu.memory_space<hbm>>
        tpu.wait_dma2 semaphore(%arg18 : memref<!tpu.dma_semaphore, #tpu.memory_space<semaphore_mem>>) src(%dma_wait3A_89 : memref<128xi32, #tpu.memory_space<hbm>>) dst(%dma_wait3A_88 : memref<128xi32, #tpu.memory_space<vmem>>)
        %add3A_90 = arith.constant 32 : i32
        %add3A_91 = arith.addi %add3A_49, %add3A_90 : i32
        %lt3A_92 = arith.constant 2500 : i32
        %lt3A_93 = arith.cmpi slt, %add3A_91, %lt3A_92 : i32
        %convert_element_type3A_94 = arith.extui %lt3A_93 : i1 to i32
        %cond3A_95 = arith.constant 0 : i32
        %cond3A_96 = arith.cmpi ne, %convert_element_type3A_94, %cond3A_95 : i32
        scf.if %cond3A_96 {
          %mul3A_267 = arith.constant 128 : i32
          %mul3A_268 = arith.muli %add3A_91, %mul3A_267 : i32
          %dma_start3A_269 = arith.constant 1 : i32
          %dma_start3A_270 = arith.constant 0 : i32
          %dma_start3A_271 = arith.constant 0 : i32
          %dma_start3A_272 = tpu.memref_slice %arg12[%dma_start3A_269, %dma_start3A_270, %dma_start3A_271] : memref<2x2x128xi32, #tpu.memory_space<vmem>> -> memref<1x1x128xi32, #tpu.memory_space<vmem>>
          %dma_start3A_273 = tpu.memref_squeeze %dma_start3A_272 : memref<1x1x128xi32, #tpu.memory_space<vmem>> -> memref<128xi32, #tpu.memory_space<vmem>>
          %dma_start3A_274 = tpu.memref_slice %arg3[%mul3A_268] : memref<320000xi32, #tpu.memory_space<hbm>> -> memref<128xi32, #tpu.memory_space<hbm>>
          %dma_start3A_275 = arith.constant 0 : i32
          %dma_start3A_276 = tpu.memref_slice %arg12[%dma_start3A_269, %dma_start3A_270, %dma_start3A_275] : memref<2x2x128xi32, #tpu.memory_space<vmem>> -> memref<1x1x128xi32, #tpu.memory_space<vmem>>
          %dma_start3A_277 = tpu.memref_squeeze %dma_start3A_276 : memref<1x1x128xi32, #tpu.memory_space<vmem>> -> memref<128xi32, #tpu.memory_space<vmem>>
          %dma_start3A_278 = tpu.memref_slice %arg3[%mul3A_268] : memref<320000xi32, #tpu.memory_space<hbm>> -> memref<128xi32, #tpu.memory_space<hbm>>
          tpu.enqueue_dma source(%dma_start3A_278 : memref<128xi32, #tpu.memory_space<hbm>>) target(%dma_start3A_277 : memref<128xi32, #tpu.memory_space<vmem>>) target_semaphore(%arg19 : memref<!tpu.dma_semaphore, #tpu.memory_space<semaphore_mem>>)
          %dma_start3A_279 = arith.constant 1 : i32
          %dma_start3A_280 = arith.constant 1 : i32
          %dma_start3A_281 = arith.constant 0 : i32
          %dma_start3A_282 = tpu.memref_slice %arg12[%dma_start3A_279, %dma_start3A_280, %dma_start3A_281] : memref<2x2x128xi32, #tpu.memory_space<vmem>> -> memref<1x1x128xi32, #tpu.memory_space<vmem>>
          %dma_start3A_283 = tpu.memref_squeeze %dma_start3A_282 : memref<1x1x128xi32, #tpu.memory_space<vmem>> -> memref<128xi32, #tpu.memory_space<vmem>>
          %dma_start3A_284 = tpu.memref_slice %arg4[%mul3A_268] : memref<320000xi32, #tpu.memory_space<hbm>> -> memref<128xi32, #tpu.memory_space<hbm>>
          %dma_start3A_285 = arith.constant 0 : i32
          %dma_start3A_286 = tpu.memref_slice %arg12[%dma_start3A_279, %dma_start3A_280, %dma_start3A_285] : memref<2x2x128xi32, #tpu.memory_space<vmem>> -> memref<1x1x128xi32, #tpu.memory_space<vmem>>
          %dma_start3A_287 = tpu.memref_squeeze %dma_start3A_286 : memref<1x1x128xi32, #tpu.memory_space<vmem>> -> memref<128xi32, #tpu.memory_space<vmem>>
          %dma_start3A_288 = tpu.memref_slice %arg4[%mul3A_268] : memref<320000xi32, #tpu.memory_space<hbm>> -> memref<128xi32, #tpu.memory_space<hbm>>
          tpu.enqueue_dma source(%dma_start3A_288 : memref<128xi32, #tpu.memory_space<hbm>>) target(%dma_start3A_287 : memref<128xi32, #tpu.memory_space<vmem>>) target_semaphore(%arg19 : memref<!tpu.dma_semaphore, #tpu.memory_space<semaphore_mem>>)
        } else {
        }
        %gt3A_97 = arith.constant 0 : i32
        %gt3A_98 = arith.cmpi sgt, %scan3A_43, %gt3A_97 : i32
        %convert_element_type3A_99 = arith.extui %gt3A_98 : i1 to i32
        %cond3A_100 = arith.constant 0 : i32
        %cond3A_101 = arith.cmpi ne, %convert_element_type3A_99, %cond3A_100 : i32
        scf.if %cond3A_101 {
          %dma_wait3A_267 = arith.constant 0 : i32
          %dma_wait3A_268 = arith.constant 0 : i32
          %dma_wait3A_269 = arith.constant 0 : i32
          %dma_wait3A_270 = arith.constant 0 : i32
          %dma_wait3A_271 = arith.constant 0 : i32
          %dma_wait3A_272 = tpu.memref_slice %arg14[%dma_wait3A_267, %dma_wait3A_270, %dma_wait3A_271] : memref<2x128x128xf32, #tpu.memory_space<vmem>> -> memref<1x128x128xf32, #tpu.memory_space<vmem>>
          %dma_wait3A_273 = tpu.memref_squeeze %dma_wait3A_272 : memref<1x128x128xf32, #tpu.memory_space<vmem>> -> memref<128x128xf32, #tpu.memory_space<vmem>>
          %dma_wait3A_274 = arith.constant 0 : i32
          %dma_wait3A_275 = tpu.memref_slice %arg13[%dma_wait3A_268, %dma_wait3A_269, %dma_wait3A_274] : memref<2x1x128xi32, #tpu.memory_space<vmem>> -> memref<1x1x128xi32, #tpu.memory_space<vmem>>
          %dma_wait3A_276 = tpu.memref_squeeze %dma_wait3A_275 : memref<1x1x128xi32, #tpu.memory_space<vmem>> -> memref<128xi32, #tpu.memory_space<vmem>>
          %dma_wait3A_277 = arith.constant 0 : i32
          %dma_wait3A_278 = arith.constant 0 : i32
          %dma_wait3A_279 = tpu.memref_slice %arg16[%dma_wait3A_277, %dma_wait3A_278] : memref<10112x128xf32, #tpu.memory_space<vmem_shared>> -> memref<10112x128xf32, #tpu.memory_space<vmem_shared>>
          tpu.wait_indirect_dma semaphore(%arg21 : memref<!tpu.dma_semaphore, #tpu.memory_space<semaphore_mem>>) src(%dma_wait3A_273 : memref<128x128xf32, #tpu.memory_space<vmem>>) dst(%dma_wait3A_279 : memref<10112x128xf32, #tpu.memory_space<vmem_shared>>)
          %dma_wait3A_280 = arith.constant 0 : i32
          %dma_wait3A_281 = arith.constant 0 : i32
          %dma_wait3A_282 = arith.constant 0 : i32
          %dma_wait3A_283 = tpu.memref_slice %arg13[%dma_wait3A_280, %dma_wait3A_281, %dma_wait3A_282] : memref<2x1x128xi32, #tpu.memory_space<vmem>> -> memref<1x1x128xi32, #tpu.memory_space<vmem>>
          %dma_wait3A_284 = tpu.memref_squeeze %dma_wait3A_283 : memref<1x1x128xi32, #tpu.memory_space<vmem>> -> memref<128xi32, #tpu.memory_space<vmem>>
          %dma_wait3A_285 = arith.constant 0 : i32
          %dma_wait3A_286 = arith.constant 0 : i32
          %dma_wait3A_287 = tpu.memref_slice %arg17[%dma_wait3A_285, %dma_wait3A_286] : memref<10112x16xf32, #tpu.memory_space<vmem_shared>> -> memref<10112x16xf32, #tpu.memory_space<vmem_shared>>
          tpu.wait_indirect_dma semaphore(%arg21 : memref<!tpu.dma_semaphore, #tpu.memory_space<semaphore_mem>>) src(%arg15 : memref<128x16xf32, #tpu.memory_space<vmem>>) dst(%dma_wait3A_287 : memref<10112x16xf32, #tpu.memory_space<vmem_shared>>)
        } else {
        }
        %get3A = arith.constant 0 : i32
        %get3A_102 = arith.constant 0 : i32
        %get3A_103 = arith.index_cast %get3A : i32 to index
        %get3A_104 = arith.index_cast %get3A_102 : i32 to index
        %get3A_105 = arith.constant 0 : index
        %get3A_106 = tpu.vector_load %arg12[%get3A_103, %get3A_104, %get3A_105] {strides = array<i32>} : memref<2x2x128xi32, #tpu.memory_space<vmem>>, vector<1x1x16xi32>,
        %get3A_107 = vector.shape_cast %get3A_106 : vector<1x1x16xi32> to vector<16xi32>
        %swap3A = arith.constant 0 : i32
        %swap3A_108 = arith.constant 0 : i32
        %swap3A_109 = arith.index_cast %swap3A : i32 to index
        %swap3A_110 = arith.index_cast %swap3A_108 : i32 to index
        %swap3A_111 = arith.constant 0 : index
        %swap3A_112 = tpu.vector_load %arg13[%swap3A_109, %swap3A_110, %swap3A_111] {strides = array<i32>} : memref<2x1x128xi32, #tpu.memory_space<vmem>>, vector<1x1x16xi32>,
        %swap3A_113 = vector.shape_cast %swap3A_112 : vector<1x1x16xi32> to vector<16xi32>
        %swap3A_114 = vector.shape_cast %get3A_107 : vector<16xi32> to vector<1x1x16xi32>
        tpu.vector_store %arg13[%swap3A_109, %swap3A_110, %swap3A_111], %swap3A_114 {strides = array<i32>} : memref<2x1x128xi32, #tpu.memory_space<vmem>>, vector<1x1x16xi32>,
        %get3A_115 = arith.constant 0 : i32
        %get3A_116 = arith.constant 0 : i32
        %get3A_117 = arith.index_cast %get3A_115 : i32 to index
        %get3A_118 = arith.index_cast %get3A_116 : i32 to index
        %get3A_119 = arith.constant 16 : index
        %get3A_120 = tpu.vector_load %arg12[%get3A_117, %get3A_118, %get3A_119] {strides = array<i32>} : memref<2x2x128xi32, #tpu.memory_space<vmem>>, vector<1x1x16xi32>,
        %get3A_121 = vector.shape_cast %get3A_120 : vector<1x1x16xi32> to vector<16xi32>
        %swap3A_122 = arith.constant 0 : i32
        %swap3A_123 = arith.constant 0 : i32
        %swap3A_124 = arith.index_cast %swap3A_122 : i32 to index
        %swap3A_125 = arith.index_cast %swap3A_123 : i32 to index
        %swap3A_126 = arith.constant 16 : index
        %swap3A_127 = tpu.vector_load %arg13[%swap3A_124, %swap3A_125, %swap3A_126] {strides = array<i32>} : memref<2x1x128xi32, #tpu.memory_space<vmem>>, vector<1x1x16xi32>,
        %swap3A_128 = vector.shape_cast %swap3A_127 : vector<1x1x16xi32> to vector<16xi32>
        %swap3A_129 = vector.shape_cast %get3A_121 : vector<16xi32> to vector<1x1x16xi32>
        tpu.vector_store %arg13[%swap3A_124, %swap3A_125, %swap3A_126], %swap3A_129 {strides = array<i32>} : memref<2x1x128xi32, #tpu.memory_space<vmem>>, vector<1x1x16xi32>,
        %get3A_130 = arith.constant 0 : i32
        %get3A_131 = arith.constant 0 : i32
        %get3A_132 = arith.index_cast %get3A_130 : i32 to index
        %get3A_133 = arith.index_cast %get3A_131 : i32 to index
        %get3A_134 = arith.constant 32 : index
        %get3A_135 = tpu.vector_load %arg12[%get3A_132, %get3A_133, %get3A_134] {strides = array<i32>} : memref<2x2x128xi32, #tpu.memory_space<vmem>>, vector<1x1x16xi32>,
        %get3A_136 = vector.shape_cast %get3A_135 : vector<1x1x16xi32> to vector<16xi32>
        %swap3A_137 = arith.constant 0 : i32
        %swap3A_138 = arith.constant 0 : i32
        %swap3A_139 = arith.index_cast %swap3A_137 : i32 to index
        %swap3A_140 = arith.index_cast %swap3A_138 : i32 to index
        %swap3A_141 = arith.constant 32 : index
        %swap3A_142 = tpu.vector_load %arg13[%swap3A_139, %swap3A_140, %swap3A_141] {strides = array<i32>} : memref<2x1x128xi32, #tpu.memory_space<vmem>>, vector<1x1x16xi32>,
        %swap3A_143 = vector.shape_cast %swap3A_142 : vector<1x1x16xi32> to vector<16xi32>
        %swap3A_144 = vector.shape_cast %get3A_136 : vector<16xi32> to vector<1x1x16xi32>
        tpu.vector_store %arg13[%swap3A_139, %swap3A_140, %swap3A_141], %swap3A_144 {strides = array<i32>} : memref<2x1x128xi32, #tpu.memory_space<vmem>>, vector<1x1x16xi32>,
        %get3A_145 = arith.constant 0 : i32
        %get3A_146 = arith.constant 0 : i32
        %get3A_147 = arith.index_cast %get3A_145 : i32 to index
        %get3A_148 = arith.index_cast %get3A_146 : i32 to index
        %get3A_149 = arith.constant 48 : index
        %get3A_150 = tpu.vector_load %arg12[%get3A_147, %get3A_148, %get3A_149] {strides = array<i32>} : memref<2x2x128xi32, #tpu.memory_space<vmem>>, vector<1x1x16xi32>,
        %get3A_151 = vector.shape_cast %get3A_150 : vector<1x1x16xi32> to vector<16xi32>
        %swap3A_152 = arith.constant 0 : i32
        %swap3A_153 = arith.constant 0 : i32
        %swap3A_154 = arith.index_cast %swap3A_152 : i32 to index
        %swap3A_155 = arith.index_cast %swap3A_153 : i32 to index
        %swap3A_156 = arith.constant 48 : index
        %swap3A_157 = tpu.vector_load %arg13[%swap3A_154, %swap3A_155, %swap3A_156] {strides = array<i32>} : memref<2x1x128xi32, #tpu.memory_space<vmem>>, vector<1x1x16xi32>,
        %swap3A_158 = vector.shape_cast %swap3A_157 : vector<1x1x16xi32> to vector<16xi32>
        %swap3A_159 = vector.shape_cast %get3A_151 : vector<16xi32> to vector<1x1x16xi32>
        tpu.vector_store %arg13[%swap3A_154, %swap3A_155, %swap3A_156], %swap3A_159 {strides = array<i32>} : memref<2x1x128xi32, #tpu.memory_space<vmem>>, vector<1x1x16xi32>,
        %get3A_160 = arith.constant 0 : i32
        %get3A_161 = arith.constant 0 : i32
        %get3A_162 = arith.index_cast %get3A_160 : i32 to index
        %get3A_163 = arith.index_cast %get3A_161 : i32 to index
        %get3A_164 = arith.constant 64 : index
        %get3A_165 = tpu.vector_load %arg12[%get3A_162, %get3A_163, %get3A_164] {strides = array<i32>} : memref<2x2x128xi32, #tpu.memory_space<vmem>>, vector<1x1x16xi32>,
        %get3A_166 = vector.shape_cast %get3A_165 : vector<1x1x16xi32> to vector<16xi32>
        %swap3A_167 = arith.constant 0 : i32
        %swap3A_168 = arith.constant 0 : i32
        %swap3A_169 = arith.index_cast %swap3A_167 : i32 to index
        %swap3A_170 = arith.index_cast %swap3A_168 : i32 to index
        %swap3A_171 = arith.constant 64 : index
        %swap3A_172 = tpu.vector_load %arg13[%swap3A_169, %swap3A_170, %swap3A_171] {strides = array<i32>} : memref<2x1x128xi32, #tpu.memory_space<vmem>>, vector<1x1x16xi32>,
        %swap3A_173 = vector.shape_cast %swap3A_172 : vector<1x1x16xi32> to vector<16xi32>
        %swap3A_174 = vector.shape_cast %get3A_166 : vector<16xi32> to vector<1x1x16xi32>
        tpu.vector_store %arg13[%swap3A_169, %swap3A_170, %swap3A_171], %swap3A_174 {strides = array<i32>} : memref<2x1x128xi32, #tpu.memory_space<vmem>>, vector<1x1x16xi32>,
        %get3A_175 = arith.constant 0 : i32
        %get3A_176 = arith.constant 0 : i32
        %get3A_177 = arith.index_cast %get3A_175 : i32 to index
        %get3A_178 = arith.index_cast %get3A_176 : i32 to index
        %get3A_179 = arith.constant 80 : index
        %get3A_180 = tpu.vector_load %arg12[%get3A_177, %get3A_178, %get3A_179] {strides = array<i32>} : memref<2x2x128xi32, #tpu.memory_space<vmem>>, vector<1x1x16xi32>,
        %get3A_181 = vector.shape_cast %get3A_180 : vector<1x1x16xi32> to vector<16xi32>
        %swap3A_182 = arith.constant 0 : i32
        %swap3A_183 = arith.constant 0 : i32
        %swap3A_184 = arith.index_cast %swap3A_182 : i32 to index
        %swap3A_185 = arith.index_cast %swap3A_183 : i32 to index
        %swap3A_186 = arith.constant 80 : index
        %swap3A_187 = tpu.vector_load %arg13[%swap3A_184, %swap3A_185, %swap3A_186] {strides = array<i32>} : memref<2x1x128xi32, #tpu.memory_space<vmem>>, vector<1x1x16xi32>,
        %swap3A_188 = vector.shape_cast %swap3A_187 : vector<1x1x16xi32> to vector<16xi32>
        %swap3A_189 = vector.shape_cast %get3A_181 : vector<16xi32> to vector<1x1x16xi32>
        tpu.vector_store %arg13[%swap3A_184, %swap3A_185, %swap3A_186], %swap3A_189 {strides = array<i32>} : memref<2x1x128xi32, #tpu.memory_space<vmem>>, vector<1x1x16xi32>,
        %get3A_190 = arith.constant 0 : i32
        %get3A_191 = arith.constant 0 : i32
        %get3A_192 = arith.index_cast %get3A_190 : i32 to index
        %get3A_193 = arith.index_cast %get3A_191 : i32 to index
        %get3A_194 = arith.constant 96 : index
        %get3A_195 = tpu.vector_load %arg12[%get3A_192, %get3A_193, %get3A_194] {strides = array<i32>} : memref<2x2x128xi32, #tpu.memory_space<vmem>>, vector<1x1x16xi32>,
        %get3A_196 = vector.shape_cast %get3A_195 : vector<1x1x16xi32> to vector<16xi32>
        %swap3A_197 = arith.constant 0 : i32
        %swap3A_198 = arith.constant 0 : i32
        %swap3A_199 = arith.index_cast %swap3A_197 : i32 to index
        %swap3A_200 = arith.index_cast %swap3A_198 : i32 to index
        %swap3A_201 = arith.constant 96 : index
        %swap3A_202 = tpu.vector_load %arg13[%swap3A_199, %swap3A_200, %swap3A_201] {strides = array<i32>} : memref<2x1x128xi32, #tpu.memory_space<vmem>>, vector<1x1x16xi32>,
        %swap3A_203 = vector.shape_cast %swap3A_202 : vector<1x1x16xi32> to vector<16xi32>
        %swap3A_204 = vector.shape_cast %get3A_196 : vector<16xi32> to vector<1x1x16xi32>
        tpu.vector_store %arg13[%swap3A_199, %swap3A_200, %swap3A_201], %swap3A_204 {strides = array<i32>} : memref<2x1x128xi32, #tpu.memory_space<vmem>>, vector<1x1x16xi32>,
        %get3A_205 = arith.constant 0 : i32
        %get3A_206 = arith.constant 0 : i32
        %get3A_207 = arith.index_cast %get3A_205 : i32 to index
        %get3A_208 = arith.index_cast %get3A_206 : i32 to index
        %get3A_209 = arith.constant 112 : index
        %get3A_210 = tpu.vector_load %arg12[%get3A_207, %get3A_208, %get3A_209] {strides = array<i32>} : memref<2x2x128xi32, #tpu.memory_space<vmem>>, vector<1x1x16xi32>,
        %get3A_211 = vector.shape_cast %get3A_210 : vector<1x1x16xi32> to vector<16xi32>
        %swap3A_212 = arith.constant 0 : i32
        %swap3A_213 = arith.constant 0 : i32
        %swap3A_214 = arith.index_cast %swap3A_212 : i32 to index
        %swap3A_215 = arith.index_cast %swap3A_213 : i32 to index
        %swap3A_216 = arith.constant 112 : index
        %swap3A_217 = tpu.vector_load %arg13[%swap3A_214, %swap3A_215, %swap3A_216] {strides = array<i32>} : memref<2x1x128xi32, #tpu.memory_space<vmem>>, vector<1x1x16xi32>,
        %swap3A_218 = vector.shape_cast %swap3A_217 : vector<1x1x16xi32> to vector<16xi32>
        %swap3A_219 = vector.shape_cast %get3A_211 : vector<16xi32> to vector<1x1x16xi32>
        tpu.vector_store %arg13[%swap3A_214, %swap3A_215, %swap3A_216], %swap3A_219 {strides = array<i32>} : memref<2x1x128xi32, #tpu.memory_space<vmem>>, vector<1x1x16xi32>,
        %dma_start3A = arith.constant 0 : i32
        %dma_start3A_220 = arith.constant 1 : i32
        %dma_start3A_221 = arith.constant 0 : i32
        %dma_start3A_222 = arith.constant 0 : i32
        %dma_start3A_223 = arith.constant 0 : i32
        %dma_start3A_224 = tpu.memref_slice %arg14[%dma_start3A_221, %dma_start3A_222, %dma_start3A_223] : memref<2x128x128xf32, #tpu.memory_space<vmem>> -> memref<1x128x128xf32, #tpu.memory_space<vmem>>
        %dma_start3A_225 = tpu.memref_squeeze %dma_start3A_224 : memref<1x128x128xf32, #tpu.memory_space<vmem>> -> memref<128x128xf32, #tpu.memory_space<vmem>>
        %dma_start3A_226 = arith.constant 0 : i32
        %dma_start3A_227 = tpu.memref_slice %arg12[%dma_start3A, %dma_start3A_220, %dma_start3A_226] : memref<2x2x128xi32, #tpu.memory_space<vmem>> -> memref<1x1x128xi32, #tpu.memory_space<vmem>>
        %dma_start3A_228 = tpu.memref_squeeze %dma_start3A_227 : memref<1x1x128xi32, #tpu.memory_space<vmem>> -> memref<128xi32, #tpu.memory_space<vmem>>
        %dma_start3A_229 = arith.constant 0 : i32
        %dma_start3A_230 = arith.constant 0 : i32
        %dma_start3A_231 = tpu.memref_slice %arg2[%dma_start3A_229, %dma_start3A_230] : memref<20000x128xf32, #tpu.memory_space<hbm>> -> memref<20000x128xf32, #tpu.memory_space<hbm>>
        tpu.enqueue_indirect_dma source(%dma_start3A_231 : memref<20000x128xf32, #tpu.memory_space<hbm>>) target(%dma_start3A_225 : memref<128x128xf32, #tpu.memory_space<vmem>>) offsets(%dma_start3A_228 : memref<128xi32, #tpu.memory_space<vmem>>) semaphore(%arg20 : memref<!tpu.dma_semaphore, #tpu.memory_space<semaphore_mem>>)
        %dma_wait3A_232 = arith.constant 0 : i32
        %dma_wait3A_233 = arith.constant 1 : i32
        %dma_wait3A_234 = arith.constant 0 : i32
        %dma_wait3A_235 = arith.constant 0 : i32
        %dma_wait3A_236 = arith.constant 0 : i32
        %dma_wait3A_237 = tpu.memref_slice %arg14[%dma_wait3A_234, %dma_wait3A_235, %dma_wait3A_236] : memref<2x128x128xf32, #tpu.memory_space<vmem>> -> memref<1x128x128xf32, #tpu.memory_space<vmem>>
        %dma_wait3A_238 = tpu.memref_squeeze %dma_wait3A_237 : memref<1x128x128xf32, #tpu.memory_space<vmem>> -> memref<128x128xf32, #tpu.memory_space<vmem>>
        %dma_wait3A_239 = arith.constant 0 : i32
        %dma_wait3A_240 = tpu.memref_slice %arg12[%dma_wait3A_232, %dma_wait3A_233, %dma_wait3A_239] : memref<2x2x128xi32, #tpu.memory_space<vmem>> -> memref<1x1x128xi32, #tpu.memory_space<vmem>>
        %dma_wait3A_241 = tpu.memref_squeeze %dma_wait3A_240 : memref<1x1x128xi32, #tpu.memory_space<vmem>> -> memref<128xi32, #tpu.memory_space<vmem>>
        %dma_wait3A_242 = arith.constant 0 : i32
        %dma_wait3A_243 = arith.constant 0 : i32
        %dma_wait3A_244 = tpu.memref_slice %arg2[%dma_wait3A_242, %dma_wait3A_243] : memref<20000x128xf32, #tpu.memory_space<hbm>> -> memref<20000x128xf32, #tpu.memory_space<hbm>>
        tpu.wait_indirect_dma semaphore(%arg20 : memref<!tpu.dma_semaphore, #tpu.memory_space<semaphore_mem>>) src(%dma_wait3A_244 : memref<20000x128xf32, #tpu.memory_space<hbm>>) dst(%dma_wait3A_238 : memref<128x128xf32, #tpu.memory_space<vmem>>)
        %dma_start3A_245 = arith.constant 0 : i32
        %dma_start3A_246 = arith.constant 0 : i32
        %dma_start3A_247 = arith.constant 0 : i32
        %dma_start3A_248 = arith.constant 0 : i32
        %dma_start3A_249 = arith.constant 0 : i32
        %dma_start3A_250 = tpu.memref_slice %arg14[%dma_start3A_245, %dma_start3A_248, %dma_start3A_249] : memref<2x128x128xf32, #tpu.memory_space<vmem>> -> memref<1x128x128xf32, #tpu.memory_space<vmem>>
        %dma_start3A_251 = tpu.memref_squeeze %dma_start3A_250 : memref<1x128x128xf32, #tpu.memory_space<vmem>> -> memref<128x128xf32, #tpu.memory_space<vmem>>
        %dma_start3A_252 = arith.constant 0 : i32
        %dma_start3A_253 = tpu.memref_slice %arg13[%dma_start3A_246, %dma_start3A_247, %dma_start3A_252] : memref<2x1x128xi32, #tpu.memory_space<vmem>> -> memref<1x1x128xi32, #tpu.memory_space<vmem>>
        %dma_start3A_254 = tpu.memref_squeeze %dma_start3A_253 : memref<1x1x128xi32, #tpu.memory_space<vmem>> -> memref<128xi32, #tpu.memory_space<vmem>>
        %dma_start3A_255 = arith.constant 0 : i32
        %dma_start3A_256 = arith.constant 0 : i32
        %dma_start3A_257 = tpu.memref_slice %arg16[%dma_start3A_255, %dma_start3A_256] : memref<10112x128xf32, #tpu.memory_space<vmem_shared>> -> memref<10112x128xf32, #tpu.memory_space<vmem_shared>>
        tpu.enqueue_indirect_dma source(%dma_start3A_251 : memref<128x128xf32, #tpu.memory_space<vmem>>) target(%dma_start3A_257 : memref<10112x128xf32, #tpu.memory_space<vmem_shared>>) offsets(%dma_start3A_254 : memref<128xi32, #tpu.memory_space<vmem>>) semaphore(%arg21 : memref<!tpu.dma_semaphore, #tpu.memory_space<semaphore_mem>>) {add = true}
        %dma_start3A_258 = arith.constant 0 : i32
        %dma_start3A_259 = arith.constant 0 : i32
        %dma_start3A_260 = arith.constant 0 : i32
        %dma_start3A_261 = tpu.memref_slice %arg13[%dma_start3A_258, %dma_start3A_259, %dma_start3A_260] : memref<2x1x128xi32, #tpu.memory_space<vmem>> -> memref<1x1x128xi32, #tpu.memory_space<vmem>>
        %dma_start3A_262 = tpu.memref_squeeze %dma_start3A_261 : memref<1x1x128xi32, #tpu.memory_space<vmem>> -> memref<128xi32, #tpu.memory_space<vmem>>
        %dma_start3A_263 = arith.constant 0 : i32
        %dma_start3A_264 = arith.constant 0 : i32
        %dma_start3A_265 = tpu.memref_slice %arg17[%dma_start3A_263, %dma_start3A_264] : memref<10112x16xf32, #tpu.memory_space<vmem_shared>> -> memref<10112x16xf32, #tpu.memory_space<vmem_shared>>
        tpu.enqueue_indirect_dma source(%arg15 : memref<128x16xf32, #tpu.memory_space<vmem>>) target(%dma_start3A_265 : memref<10112x16xf32, #tpu.memory_space<vmem_shared>>) offsets(%dma_start3A_262 : memref<128xi32, #tpu.memory_space<vmem>>) semaphore(%arg21 : memref<!tpu.dma_semaphore, #tpu.memory_space<semaphore_mem>>) {add = true}
        %cond3A_266 = arith.constant 1 : i32
        scf.yield %cond3A_266 : i32
      } else {
        scf.yield %scan3A_43 : i32
      }
      %mul3A_56 = arith.constant 2 : i32
      %mul3A_57 = arith.muli %mul3A_56, %scan3A_42 : i32
      %add3A_58 = arith.constant 1 : i32
      %add3A_59 = arith.addi %mul3A_57, %add3A_58 : i32
      %mul3A_60 = arith.constant 32 : i32
      %mul3A_61 = arith.muli %add3A_59, %mul3A_60 : i32
      %add3A_62 = arith.addi %add3A, %mul3A_61 : i32
      %lt3A_63 = arith.constant 2500 : i32
      %lt3A_64 = arith.cmpi slt, %add3A_62, %lt3A_63 : i32
      %convert_element_type3A_65 = arith.extui %lt3A_64 : i1 to i32
      %cond3A_66 = arith.constant 0 : i32
      %cond3A_67 = arith.cmpi ne, %convert_element_type3A_65, %cond3A_66 : i32
      %cond3A_68 = scf.if %cond3A_67 -> (i32) {
        %mul3A_69 = arith.constant 128 : i32
        %mul3A_70 = arith.muli %add3A_62, %mul3A_69 : i32
        %dma_wait3A = arith.constant 1 : i32
        %dma_wait3A_71 = arith.constant 0 : i32
        %dma_wait3A_72 = arith.constant 0 : i32
        %dma_wait3A_73 = tpu.memref_slice %arg12[%dma_wait3A, %dma_wait3A_71, %dma_wait3A_72] : memref<2x2x128xi32, #tpu.memory_space<vmem>> -> memref<1x1x128xi32, #tpu.memory_space<vmem>>
        %dma_wait3A_74 = tpu.memref_squeeze %dma_wait3A_73 : memref<1x1x128xi32, #tpu.memory_space<vmem>> -> memref<128xi32, #tpu.memory_space<vmem>>
        %dma_wait3A_75 = tpu.memref_slice %arg3[%mul3A_70] : memref<320000xi32, #tpu.memory_space<hbm>> -> memref<128xi32, #tpu.memory_space<hbm>>
        %dma_wait3A_76 = arith.constant 0 : i32
        %dma_wait3A_77 = tpu.memref_slice %arg12[%dma_wait3A, %dma_wait3A_71, %dma_wait3A_76] : memref<2x2x128xi32, #tpu.memory_space<vmem>> -> memref<1x1x128xi32, #tpu.memory_space<vmem>>
        %dma_wait3A_78 = tpu.memref_squeeze %dma_wait3A_77 : memref<1x1x128xi32, #tpu.memory_space<vmem>> -> memref<128xi32, #tpu.memory_space<vmem>>
        %dma_wait3A_79 = tpu.memref_slice %arg3[%mul3A_70] : memref<320000xi32, #tpu.memory_space<hbm>> -> memref<128xi32, #tpu.memory_space<hbm>>
        tpu.wait_dma2 semaphore(%arg19 : memref<!tpu.dma_semaphore, #tpu.memory_space<semaphore_mem>>) src(%dma_wait3A_79 : memref<128xi32, #tpu.memory_space<hbm>>) dst(%dma_wait3A_78 : memref<128xi32, #tpu.memory_space<vmem>>)
        %dma_wait3A_80 = arith.constant 1 : i32
        %dma_wait3A_81 = arith.constant 1 : i32
        %dma_wait3A_82 = arith.constant 0 : i32
        %dma_wait3A_83 = tpu.memref_slice %arg12[%dma_wait3A_80, %dma_wait3A_81, %dma_wait3A_82] : memref<2x2x128xi32, #tpu.memory_space<vmem>> -> memref<1x1x128xi32, #tpu.memory_space<vmem>>
        %dma_wait3A_84 = tpu.memref_squeeze %dma_wait3A_83 : memref<1x1x128xi32, #tpu.memory_space<vmem>> -> memref<128xi32, #tpu.memory_space<vmem>>
        %dma_wait3A_85 = tpu.memref_slice %arg4[%mul3A_70] : memref<320000xi32, #tpu.memory_space<hbm>> -> memref<128xi32, #tpu.memory_space<hbm>>
        %dma_wait3A_86 = arith.constant 0 : i32
        %dma_wait3A_87 = tpu.memref_slice %arg12[%dma_wait3A_80, %dma_wait3A_81, %dma_wait3A_86] : memref<2x2x128xi32, #tpu.memory_space<vmem>> -> memref<1x1x128xi32, #tpu.memory_space<vmem>>
        %dma_wait3A_88 = tpu.memref_squeeze %dma_wait3A_87 : memref<1x1x128xi32, #tpu.memory_space<vmem>> -> memref<128xi32, #tpu.memory_space<vmem>>
        %dma_wait3A_89 = tpu.memref_slice %arg4[%mul3A_70] : memref<320000xi32, #tpu.memory_space<hbm>> -> memref<128xi32, #tpu.memory_space<hbm>>
        tpu.wait_dma2 semaphore(%arg19 : memref<!tpu.dma_semaphore, #tpu.memory_space<semaphore_mem>>) src(%dma_wait3A_89 : memref<128xi32, #tpu.memory_space<hbm>>) dst(%dma_wait3A_88 : memref<128xi32, #tpu.memory_space<vmem>>)
        %add3A_90 = arith.constant 32 : i32
        %add3A_91 = arith.addi %add3A_62, %add3A_90 : i32
        %lt3A_92 = arith.constant 2500 : i32
        %lt3A_93 = arith.cmpi slt, %add3A_91, %lt3A_92 : i32
        %convert_element_type3A_94 = arith.extui %lt3A_93 : i1 to i32
        %cond3A_95 = arith.constant 0 : i32
        %cond3A_96 = arith.cmpi ne, %convert_element_type3A_94, %cond3A_95 : i32
        scf.if %cond3A_96 {
          %mul3A_267 = arith.constant 128 : i32
          %mul3A_268 = arith.muli %add3A_91, %mul3A_267 : i32
          %dma_start3A_269 = arith.constant 0 : i32
          %dma_start3A_270 = arith.constant 0 : i32
          %dma_start3A_271 = arith.constant 0 : i32
          %dma_start3A_272 = tpu.memref_slice %arg12[%dma_start3A_269, %dma_start3A_270, %dma_start3A_271] : memref<2x2x128xi32, #tpu.memory_space<vmem>> -> memref<1x1x128xi32, #tpu.memory_space<vmem>>
          %dma_start3A_273 = tpu.memref_squeeze %dma_start3A_272 : memref<1x1x128xi32, #tpu.memory_space<vmem>> -> memref<128xi32, #tpu.memory_space<vmem>>
          %dma_start3A_274 = tpu.memref_slice %arg3[%mul3A_268] : memref<320000xi32, #tpu.memory_space<hbm>> -> memref<128xi32, #tpu.memory_space<hbm>>
          %dma_start3A_275 = arith.constant 0 : i32
          %dma_start3A_276 = tpu.memref_slice %arg12[%dma_start3A_269, %dma_start3A_270, %dma_start3A_275] : memref<2x2x128xi32, #tpu.memory_space<vmem>> -> memref<1x1x128xi32, #tpu.memory_space<vmem>>
          %dma_start3A_277 = tpu.memref_squeeze %dma_start3A_276 : memref<1x1x128xi32, #tpu.memory_space<vmem>> -> memref<128xi32, #tpu.memory_space<vmem>>
          %dma_start3A_278 = tpu.memref_slice %arg3[%mul3A_268] : memref<320000xi32, #tpu.memory_space<hbm>> -> memref<128xi32, #tpu.memory_space<hbm>>
          tpu.enqueue_dma source(%dma_start3A_278 : memref<128xi32, #tpu.memory_space<hbm>>) target(%dma_start3A_277 : memref<128xi32, #tpu.memory_space<vmem>>) target_semaphore(%arg18 : memref<!tpu.dma_semaphore, #tpu.memory_space<semaphore_mem>>)
          %dma_start3A_279 = arith.constant 0 : i32
          %dma_start3A_280 = arith.constant 1 : i32
          %dma_start3A_281 = arith.constant 0 : i32
          %dma_start3A_282 = tpu.memref_slice %arg12[%dma_start3A_279, %dma_start3A_280, %dma_start3A_281] : memref<2x2x128xi32, #tpu.memory_space<vmem>> -> memref<1x1x128xi32, #tpu.memory_space<vmem>>
          %dma_start3A_283 = tpu.memref_squeeze %dma_start3A_282 : memref<1x1x128xi32, #tpu.memory_space<vmem>> -> memref<128xi32, #tpu.memory_space<vmem>>
          %dma_start3A_284 = tpu.memref_slice %arg4[%mul3A_268] : memref<320000xi32, #tpu.memory_space<hbm>> -> memref<128xi32, #tpu.memory_space<hbm>>
          %dma_start3A_285 = arith.constant 0 : i32
          %dma_start3A_286 = tpu.memref_slice %arg12[%dma_start3A_279, %dma_start3A_280, %dma_start3A_285] : memref<2x2x128xi32, #tpu.memory_space<vmem>> -> memref<1x1x128xi32, #tpu.memory_space<vmem>>
          %dma_start3A_287 = tpu.memref_squeeze %dma_start3A_286 : memref<1x1x128xi32, #tpu.memory_space<vmem>> -> memref<128xi32, #tpu.memory_space<vmem>>
          %dma_start3A_288 = tpu.memref_slice %arg4[%mul3A_268] : memref<320000xi32, #tpu.memory_space<hbm>> -> memref<128xi32, #tpu.memory_space<hbm>>
          tpu.enqueue_dma source(%dma_start3A_288 : memref<128xi32, #tpu.memory_space<hbm>>) target(%dma_start3A_287 : memref<128xi32, #tpu.memory_space<vmem>>) target_semaphore(%arg18 : memref<!tpu.dma_semaphore, #tpu.memory_space<semaphore_mem>>)
        } else {
        }
        %gt3A_97 = arith.constant 0 : i32
        %gt3A_98 = arith.cmpi sgt, %scan3A_44, %gt3A_97 : i32
        %convert_element_type3A_99 = arith.extui %gt3A_98 : i1 to i32
        %cond3A_100 = arith.constant 0 : i32
        %cond3A_101 = arith.cmpi ne, %convert_element_type3A_99, %cond3A_100 : i32
        scf.if %cond3A_101 {
          %dma_wait3A_267 = arith.constant 1 : i32
          %dma_wait3A_268 = arith.constant 1 : i32
          %dma_wait3A_269 = arith.constant 0 : i32
          %dma_wait3A_270 = arith.constant 0 : i32
          %dma_wait3A_271 = arith.constant 0 : i32
          %dma_wait3A_272 = tpu.memref_slice %arg14[%dma_wait3A_267, %dma_wait3A_270, %dma_wait3A_271] : memref<2x128x128xf32, #tpu.memory_space<vmem>> -> memref<1x128x128xf32, #tpu.memory_space<vmem>>
          %dma_wait3A_273 = tpu.memref_squeeze %dma_wait3A_272 : memref<1x128x128xf32, #tpu.memory_space<vmem>> -> memref<128x128xf32, #tpu.memory_space<vmem>>
          %dma_wait3A_274 = arith.constant 0 : i32
          %dma_wait3A_275 = tpu.memref_slice %arg13[%dma_wait3A_268, %dma_wait3A_269, %dma_wait3A_274] : memref<2x1x128xi32, #tpu.memory_space<vmem>> -> memref<1x1x128xi32, #tpu.memory_space<vmem>>
          %dma_wait3A_276 = tpu.memref_squeeze %dma_wait3A_275 : memref<1x1x128xi32, #tpu.memory_space<vmem>> -> memref<128xi32, #tpu.memory_space<vmem>>
          %dma_wait3A_277 = arith.constant 0 : i32
          %dma_wait3A_278 = arith.constant 0 : i32
          %dma_wait3A_279 = tpu.memref_slice %arg16[%dma_wait3A_277, %dma_wait3A_278] : memref<10112x128xf32, #tpu.memory_space<vmem_shared>> -> memref<10112x128xf32, #tpu.memory_space<vmem_shared>>
          tpu.wait_indirect_dma semaphore(%arg22 : memref<!tpu.dma_semaphore, #tpu.memory_space<semaphore_mem>>) src(%dma_wait3A_273 : memref<128x128xf32, #tpu.memory_space<vmem>>) dst(%dma_wait3A_279 : memref<10112x128xf32, #tpu.memory_space<vmem_shared>>)
          %dma_wait3A_280 = arith.constant 1 : i32
          %dma_wait3A_281 = arith.constant 0 : i32
          %dma_wait3A_282 = arith.constant 0 : i32
          %dma_wait3A_283 = tpu.memref_slice %arg13[%dma_wait3A_280, %dma_wait3A_281, %dma_wait3A_282] : memref<2x1x128xi32, #tpu.memory_space<vmem>> -> memref<1x1x128xi32, #tpu.memory_space<vmem>>
          %dma_wait3A_284 = tpu.memref_squeeze %dma_wait3A_283 : memref<1x1x128xi32, #tpu.memory_space<vmem>> -> memref<128xi32, #tpu.memory_space<vmem>>
          %dma_wait3A_285 = arith.constant 0 : i32
          %dma_wait3A_286 = arith.constant 0 : i32
          %dma_wait3A_287 = tpu.memref_slice %arg17[%dma_wait3A_285, %dma_wait3A_286] : memref<10112x16xf32, #tpu.memory_space<vmem_shared>> -> memref<10112x16xf32, #tpu.memory_space<vmem_shared>>
          tpu.wait_indirect_dma semaphore(%arg22 : memref<!tpu.dma_semaphore, #tpu.memory_space<semaphore_mem>>) src(%arg15 : memref<128x16xf32, #tpu.memory_space<vmem>>) dst(%dma_wait3A_287 : memref<10112x16xf32, #tpu.memory_space<vmem_shared>>)
        } else {
        }
        %get3A = arith.constant 1 : i32
        %get3A_102 = arith.constant 0 : i32
        %get3A_103 = arith.index_cast %get3A : i32 to index
        %get3A_104 = arith.index_cast %get3A_102 : i32 to index
        %get3A_105 = arith.constant 0 : index
        %get3A_106 = tpu.vector_load %arg12[%get3A_103, %get3A_104, %get3A_105] {strides = array<i32>} : memref<2x2x128xi32, #tpu.memory_space<vmem>>, vector<1x1x16xi32>,
        %get3A_107 = vector.shape_cast %get3A_106 : vector<1x1x16xi32> to vector<16xi32>
        %swap3A = arith.constant 1 : i32
        %swap3A_108 = arith.constant 0 : i32
        %swap3A_109 = arith.index_cast %swap3A : i32 to index
        %swap3A_110 = arith.index_cast %swap3A_108 : i32 to index
        %swap3A_111 = arith.constant 0 : index
        %swap3A_112 = tpu.vector_load %arg13[%swap3A_109, %swap3A_110, %swap3A_111] {strides = array<i32>} : memref<2x1x128xi32, #tpu.memory_space<vmem>>, vector<1x1x16xi32>,
        %swap3A_113 = vector.shape_cast %swap3A_112 : vector<1x1x16xi32> to vector<16xi32>
        %swap3A_114 = vector.shape_cast %get3A_107 : vector<16xi32> to vector<1x1x16xi32>
        tpu.vector_store %arg13[%swap3A_109, %swap3A_110, %swap3A_111], %swap3A_114 {strides = array<i32>} : memref<2x1x128xi32, #tpu.memory_space<vmem>>, vector<1x1x16xi32>,
        %get3A_115 = arith.constant 1 : i32
        %get3A_116 = arith.constant 0 : i32
        %get3A_117 = arith.index_cast %get3A_115 : i32 to index
        %get3A_118 = arith.index_cast %get3A_116 : i32 to index
        %get3A_119 = arith.constant 16 : index
        %get3A_120 = tpu.vector_load %arg12[%get3A_117, %get3A_118, %get3A_119] {strides = array<i32>} : memref<2x2x128xi32, #tpu.memory_space<vmem>>, vector<1x1x16xi32>,
        %get3A_121 = vector.shape_cast %get3A_120 : vector<1x1x16xi32> to vector<16xi32>
        %swap3A_122 = arith.constant 1 : i32
        %swap3A_123 = arith.constant 0 : i32
        %swap3A_124 = arith.index_cast %swap3A_122 : i32 to index
        %swap3A_125 = arith.index_cast %swap3A_123 : i32 to index
        %swap3A_126 = arith.constant 16 : index
        %swap3A_127 = tpu.vector_load %arg13[%swap3A_124, %swap3A_125, %swap3A_126] {strides = array<i32>} : memref<2x1x128xi32, #tpu.memory_space<vmem>>, vector<1x1x16xi32>,
        %swap3A_128 = vector.shape_cast %swap3A_127 : vector<1x1x16xi32> to vector<16xi32>
        %swap3A_129 = vector.shape_cast %get3A_121 : vector<16xi32> to vector<1x1x16xi32>
        tpu.vector_store %arg13[%swap3A_124, %swap3A_125, %swap3A_126], %swap3A_129 {strides = array<i32>} : memref<2x1x128xi32, #tpu.memory_space<vmem>>, vector<1x1x16xi32>,
        %get3A_130 = arith.constant 1 : i32
        %get3A_131 = arith.constant 0 : i32
        %get3A_132 = arith.index_cast %get3A_130 : i32 to index
        %get3A_133 = arith.index_cast %get3A_131 : i32 to index
        %get3A_134 = arith.constant 32 : index
        %get3A_135 = tpu.vector_load %arg12[%get3A_132, %get3A_133, %get3A_134] {strides = array<i32>} : memref<2x2x128xi32, #tpu.memory_space<vmem>>, vector<1x1x16xi32>,
        %get3A_136 = vector.shape_cast %get3A_135 : vector<1x1x16xi32> to vector<16xi32>
        %swap3A_137 = arith.constant 1 : i32
        %swap3A_138 = arith.constant 0 : i32
        %swap3A_139 = arith.index_cast %swap3A_137 : i32 to index
        %swap3A_140 = arith.index_cast %swap3A_138 : i32 to index
        %swap3A_141 = arith.constant 32 : index
        %swap3A_142 = tpu.vector_load %arg13[%swap3A_139, %swap3A_140, %swap3A_141] {strides = array<i32>} : memref<2x1x128xi32, #tpu.memory_space<vmem>>, vector<1x1x16xi32>,
        %swap3A_143 = vector.shape_cast %swap3A_142 : vector<1x1x16xi32> to vector<16xi32>
        %swap3A_144 = vector.shape_cast %get3A_136 : vector<16xi32> to vector<1x1x16xi32>
        tpu.vector_store %arg13[%swap3A_139, %swap3A_140, %swap3A_141], %swap3A_144 {strides = array<i32>} : memref<2x1x128xi32, #tpu.memory_space<vmem>>, vector<1x1x16xi32>,
        %get3A_145 = arith.constant 1 : i32
        %get3A_146 = arith.constant 0 : i32
        %get3A_147 = arith.index_cast %get3A_145 : i32 to index
        %get3A_148 = arith.index_cast %get3A_146 : i32 to index
        %get3A_149 = arith.constant 48 : index
        %get3A_150 = tpu.vector_load %arg12[%get3A_147, %get3A_148, %get3A_149] {strides = array<i32>} : memref<2x2x128xi32, #tpu.memory_space<vmem>>, vector<1x1x16xi32>,
        %get3A_151 = vector.shape_cast %get3A_150 : vector<1x1x16xi32> to vector<16xi32>
        %swap3A_152 = arith.constant 1 : i32
        %swap3A_153 = arith.constant 0 : i32
        %swap3A_154 = arith.index_cast %swap3A_152 : i32 to index
        %swap3A_155 = arith.index_cast %swap3A_153 : i32 to index
        %swap3A_156 = arith.constant 48 : index
        %swap3A_157 = tpu.vector_load %arg13[%swap3A_154, %swap3A_155, %swap3A_156] {strides = array<i32>} : memref<2x1x128xi32, #tpu.memory_space<vmem>>, vector<1x1x16xi32>,
        %swap3A_158 = vector.shape_cast %swap3A_157 : vector<1x1x16xi32> to vector<16xi32>
        %swap3A_159 = vector.shape_cast %get3A_151 : vector<16xi32> to vector<1x1x16xi32>
        tpu.vector_store %arg13[%swap3A_154, %swap3A_155, %swap3A_156], %swap3A_159 {strides = array<i32>} : memref<2x1x128xi32, #tpu.memory_space<vmem>>, vector<1x1x16xi32>,
        %get3A_160 = arith.constant 1 : i32
        %get3A_161 = arith.constant 0 : i32
        %get3A_162 = arith.index_cast %get3A_160 : i32 to index
        %get3A_163 = arith.index_cast %get3A_161 : i32 to index
        %get3A_164 = arith.constant 64 : index
        %get3A_165 = tpu.vector_load %arg12[%get3A_162, %get3A_163, %get3A_164] {strides = array<i32>} : memref<2x2x128xi32, #tpu.memory_space<vmem>>, vector<1x1x16xi32>,
        %get3A_166 = vector.shape_cast %get3A_165 : vector<1x1x16xi32> to vector<16xi32>
        %swap3A_167 = arith.constant 1 : i32
        %swap3A_168 = arith.constant 0 : i32
        %swap3A_169 = arith.index_cast %swap3A_167 : i32 to index
        %swap3A_170 = arith.index_cast %swap3A_168 : i32 to index
        %swap3A_171 = arith.constant 64 : index
        %swap3A_172 = tpu.vector_load %arg13[%swap3A_169, %swap3A_170, %swap3A_171] {strides = array<i32>} : memref<2x1x128xi32, #tpu.memory_space<vmem>>, vector<1x1x16xi32>,
        %swap3A_173 = vector.shape_cast %swap3A_172 : vector<1x1x16xi32> to vector<16xi32>
        %swap3A_174 = vector.shape_cast %get3A_166 : vector<16xi32> to vector<1x1x16xi32>
        tpu.vector_store %arg13[%swap3A_169, %swap3A_170, %swap3A_171], %swap3A_174 {strides = array<i32>} : memref<2x1x128xi32, #tpu.memory_space<vmem>>, vector<1x1x16xi32>,
        %get3A_175 = arith.constant 1 : i32
        %get3A_176 = arith.constant 0 : i32
        %get3A_177 = arith.index_cast %get3A_175 : i32 to index
        %get3A_178 = arith.index_cast %get3A_176 : i32 to index
        %get3A_179 = arith.constant 80 : index
        %get3A_180 = tpu.vector_load %arg12[%get3A_177, %get3A_178, %get3A_179] {strides = array<i32>} : memref<2x2x128xi32, #tpu.memory_space<vmem>>, vector<1x1x16xi32>,
        %get3A_181 = vector.shape_cast %get3A_180 : vector<1x1x16xi32> to vector<16xi32>
        %swap3A_182 = arith.constant 1 : i32
        %swap3A_183 = arith.constant 0 : i32
        %swap3A_184 = arith.index_cast %swap3A_182 : i32 to index
        %swap3A_185 = arith.index_cast %swap3A_183 : i32 to index
        %swap3A_186 = arith.constant 80 : index
        %swap3A_187 = tpu.vector_load %arg13[%swap3A_184, %swap3A_185, %swap3A_186] {strides = array<i32>} : memref<2x1x128xi32, #tpu.memory_space<vmem>>, vector<1x1x16xi32>,
        %swap3A_188 = vector.shape_cast %swap3A_187 : vector<1x1x16xi32> to vector<16xi32>
        %swap3A_189 = vector.shape_cast %get3A_181 : vector<16xi32> to vector<1x1x16xi32>
        tpu.vector_store %arg13[%swap3A_184, %swap3A_185, %swap3A_186], %swap3A_189 {strides = array<i32>} : memref<2x1x128xi32, #tpu.memory_space<vmem>>, vector<1x1x16xi32>,
        %get3A_190 = arith.constant 1 : i32
        %get3A_191 = arith.constant 0 : i32
        %get3A_192 = arith.index_cast %get3A_190 : i32 to index
        %get3A_193 = arith.index_cast %get3A_191 : i32 to index
        %get3A_194 = arith.constant 96 : index
        %get3A_195 = tpu.vector_load %arg12[%get3A_192, %get3A_193, %get3A_194] {strides = array<i32>} : memref<2x2x128xi32, #tpu.memory_space<vmem>>, vector<1x1x16xi32>,
        %get3A_196 = vector.shape_cast %get3A_195 : vector<1x1x16xi32> to vector<16xi32>
        %swap3A_197 = arith.constant 1 : i32
        %swap3A_198 = arith.constant 0 : i32
        %swap3A_199 = arith.index_cast %swap3A_197 : i32 to index
        %swap3A_200 = arith.index_cast %swap3A_198 : i32 to index
        %swap3A_201 = arith.constant 96 : index
        %swap3A_202 = tpu.vector_load %arg13[%swap3A_199, %swap3A_200, %swap3A_201] {strides = array<i32>} : memref<2x1x128xi32, #tpu.memory_space<vmem>>, vector<1x1x16xi32>,
        %swap3A_203 = vector.shape_cast %swap3A_202 : vector<1x1x16xi32> to vector<16xi32>
        %swap3A_204 = vector.shape_cast %get3A_196 : vector<16xi32> to vector<1x1x16xi32>
        tpu.vector_store %arg13[%swap3A_199, %swap3A_200, %swap3A_201], %swap3A_204 {strides = array<i32>} : memref<2x1x128xi32, #tpu.memory_space<vmem>>, vector<1x1x16xi32>,
        %get3A_205 = arith.constant 1 : i32
        %get3A_206 = arith.constant 0 : i32
        %get3A_207 = arith.index_cast %get3A_205 : i32 to index
        %get3A_208 = arith.index_cast %get3A_206 : i32 to index
        %get3A_209 = arith.constant 112 : index
        %get3A_210 = tpu.vector_load %arg12[%get3A_207, %get3A_208, %get3A_209] {strides = array<i32>} : memref<2x2x128xi32, #tpu.memory_space<vmem>>, vector<1x1x16xi32>,
        %get3A_211 = vector.shape_cast %get3A_210 : vector<1x1x16xi32> to vector<16xi32>
        %swap3A_212 = arith.constant 1 : i32
        %swap3A_213 = arith.constant 0 : i32
        %swap3A_214 = arith.index_cast %swap3A_212 : i32 to index
        %swap3A_215 = arith.index_cast %swap3A_213 : i32 to index
        %swap3A_216 = arith.constant 112 : index
        %swap3A_217 = tpu.vector_load %arg13[%swap3A_214, %swap3A_215, %swap3A_216] {strides = array<i32>} : memref<2x1x128xi32, #tpu.memory_space<vmem>>, vector<1x1x16xi32>,
        %swap3A_218 = vector.shape_cast %swap3A_217 : vector<1x1x16xi32> to vector<16xi32>
        %swap3A_219 = vector.shape_cast %get3A_211 : vector<16xi32> to vector<1x1x16xi32>
        tpu.vector_store %arg13[%swap3A_214, %swap3A_215, %swap3A_216], %swap3A_219 {strides = array<i32>} : memref<2x1x128xi32, #tpu.memory_space<vmem>>, vector<1x1x16xi32>,
        %dma_start3A = arith.constant 1 : i32
        %dma_start3A_220 = arith.constant 1 : i32
        %dma_start3A_221 = arith.constant 1 : i32
        %dma_start3A_222 = arith.constant 0 : i32
        %dma_start3A_223 = arith.constant 0 : i32
        %dma_start3A_224 = tpu.memref_slice %arg14[%dma_start3A_221, %dma_start3A_222, %dma_start3A_223] : memref<2x128x128xf32, #tpu.memory_space<vmem>> -> memref<1x128x128xf32, #tpu.memory_space<vmem>>
        %dma_start3A_225 = tpu.memref_squeeze %dma_start3A_224 : memref<1x128x128xf32, #tpu.memory_space<vmem>> -> memref<128x128xf32, #tpu.memory_space<vmem>>
        %dma_start3A_226 = arith.constant 0 : i32
        %dma_start3A_227 = tpu.memref_slice %arg12[%dma_start3A, %dma_start3A_220, %dma_start3A_226] : memref<2x2x128xi32, #tpu.memory_space<vmem>> -> memref<1x1x128xi32, #tpu.memory_space<vmem>>
        %dma_start3A_228 = tpu.memref_squeeze %dma_start3A_227 : memref<1x1x128xi32, #tpu.memory_space<vmem>> -> memref<128xi32, #tpu.memory_space<vmem>>
        %dma_start3A_229 = arith.constant 0 : i32
        %dma_start3A_230 = arith.constant 0 : i32
        %dma_start3A_231 = tpu.memref_slice %arg2[%dma_start3A_229, %dma_start3A_230] : memref<20000x128xf32, #tpu.memory_space<hbm>> -> memref<20000x128xf32, #tpu.memory_space<hbm>>
        tpu.enqueue_indirect_dma source(%dma_start3A_231 : memref<20000x128xf32, #tpu.memory_space<hbm>>) target(%dma_start3A_225 : memref<128x128xf32, #tpu.memory_space<vmem>>) offsets(%dma_start3A_228 : memref<128xi32, #tpu.memory_space<vmem>>) semaphore(%arg20 : memref<!tpu.dma_semaphore, #tpu.memory_space<semaphore_mem>>)
        %dma_wait3A_232 = arith.constant 1 : i32
        %dma_wait3A_233 = arith.constant 1 : i32
        %dma_wait3A_234 = arith.constant 1 : i32
        %dma_wait3A_235 = arith.constant 0 : i32
        %dma_wait3A_236 = arith.constant 0 : i32
        %dma_wait3A_237 = tpu.memref_slice %arg14[%dma_wait3A_234, %dma_wait3A_235, %dma_wait3A_236] : memref<2x128x128xf32, #tpu.memory_space<vmem>> -> memref<1x128x128xf32, #tpu.memory_space<vmem>>
        %dma_wait3A_238 = tpu.memref_squeeze %dma_wait3A_237 : memref<1x128x128xf32, #tpu.memory_space<vmem>> -> memref<128x128xf32, #tpu.memory_space<vmem>>
        %dma_wait3A_239 = arith.constant 0 : i32
        %dma_wait3A_240 = tpu.memref_slice %arg12[%dma_wait3A_232, %dma_wait3A_233, %dma_wait3A_239] : memref<2x2x128xi32, #tpu.memory_space<vmem>> -> memref<1x1x128xi32, #tpu.memory_space<vmem>>
        %dma_wait3A_241 = tpu.memref_squeeze %dma_wait3A_240 : memref<1x1x128xi32, #tpu.memory_space<vmem>> -> memref<128xi32, #tpu.memory_space<vmem>>
        %dma_wait3A_242 = arith.constant 0 : i32
        %dma_wait3A_243 = arith.constant 0 : i32
        %dma_wait3A_244 = tpu.memref_slice %arg2[%dma_wait3A_242, %dma_wait3A_243] : memref<20000x128xf32, #tpu.memory_space<hbm>> -> memref<20000x128xf32, #tpu.memory_space<hbm>>
        tpu.wait_indirect_dma semaphore(%arg20 : memref<!tpu.dma_semaphore, #tpu.memory_space<semaphore_mem>>) src(%dma_wait3A_244 : memref<20000x128xf32, #tpu.memory_space<hbm>>) dst(%dma_wait3A_238 : memref<128x128xf32, #tpu.memory_space<vmem>>)
        %dma_start3A_245 = arith.constant 1 : i32
        %dma_start3A_246 = arith.constant 1 : i32
        %dma_start3A_247 = arith.constant 0 : i32
        %dma_start3A_248 = arith.constant 0 : i32
        %dma_start3A_249 = arith.constant 0 : i32
        %dma_start3A_250 = tpu.memref_slice %arg14[%dma_start3A_245, %dma_start3A_248, %dma_start3A_249] : memref<2x128x128xf32, #tpu.memory_space<vmem>> -> memref<1x128x128xf32, #tpu.memory_space<vmem>>
        %dma_start3A_251 = tpu.memref_squeeze %dma_start3A_250 : memref<1x128x128xf32, #tpu.memory_space<vmem>> -> memref<128x128xf32, #tpu.memory_space<vmem>>
        %dma_start3A_252 = arith.constant 0 : i32
        %dma_start3A_253 = tpu.memref_slice %arg13[%dma_start3A_246, %dma_start3A_247, %dma_start3A_252] : memref<2x1x128xi32, #tpu.memory_space<vmem>> -> memref<1x1x128xi32, #tpu.memory_space<vmem>>
        %dma_start3A_254 = tpu.memref_squeeze %dma_start3A_253 : memref<1x1x128xi32, #tpu.memory_space<vmem>> -> memref<128xi32, #tpu.memory_space<vmem>>
        %dma_start3A_255 = arith.constant 0 : i32
        %dma_start3A_256 = arith.constant 0 : i32
        %dma_start3A_257 = tpu.memref_slice %arg16[%dma_start3A_255, %dma_start3A_256] : memref<10112x128xf32, #tpu.memory_space<vmem_shared>> -> memref<10112x128xf32, #tpu.memory_space<vmem_shared>>
        tpu.enqueue_indirect_dma source(%dma_start3A_251 : memref<128x128xf32, #tpu.memory_space<vmem>>) target(%dma_start3A_257 : memref<10112x128xf32, #tpu.memory_space<vmem_shared>>) offsets(%dma_start3A_254 : memref<128xi32, #tpu.memory_space<vmem>>) semaphore(%arg22 : memref<!tpu.dma_semaphore, #tpu.memory_space<semaphore_mem>>) {add = true}
        %dma_start3A_258 = arith.constant 1 : i32
        %dma_start3A_259 = arith.constant 0 : i32
        %dma_start3A_260 = arith.constant 0 : i32
        %dma_start3A_261 = tpu.memref_slice %arg13[%dma_start3A_258, %dma_start3A_259, %dma_start3A_260] : memref<2x1x128xi32, #tpu.memory_space<vmem>> -> memref<1x1x128xi32, #tpu.memory_space<vmem>>
        %dma_start3A_262 = tpu.memref_squeeze %dma_start3A_261 : memref<1x1x128xi32, #tpu.memory_space<vmem>> -> memref<128xi32, #tpu.memory_space<vmem>>
        %dma_start3A_263 = arith.constant 0 : i32
        %dma_start3A_264 = arith.constant 0 : i32
        %dma_start3A_265 = tpu.memref_slice %arg17[%dma_start3A_263, %dma_start3A_264] : memref<10112x16xf32, #tpu.memory_space<vmem_shared>> -> memref<10112x16xf32, #tpu.memory_space<vmem_shared>>
        tpu.enqueue_indirect_dma source(%arg15 : memref<128x16xf32, #tpu.memory_space<vmem>>) target(%dma_start3A_265 : memref<10112x16xf32, #tpu.memory_space<vmem_shared>>) offsets(%dma_start3A_262 : memref<128xi32, #tpu.memory_space<vmem>>) semaphore(%arg22 : memref<!tpu.dma_semaphore, #tpu.memory_space<semaphore_mem>>) {add = true}
        %cond3A_266 = arith.constant 1 : i32
        scf.yield %cond3A_266 : i32
      } else {
        scf.yield %scan3A_44 : i32
      }
      scf.yield %cond3A_55, %cond3A_68 : i32, i32
    }
    %scan3A_22 = arith.constant 40 : i32
    %gt3A = arith.constant 0 : i32
    %gt3A_23 = arith.cmpi sgt, %scan3A_21#0, %gt3A : i32
    %convert_element_type3A_24 = arith.extui %gt3A_23 : i1 to i32
    %cond3A_25 = arith.constant 0 : i32
    %cond3A_26 = arith.cmpi ne, %convert_element_type3A_24, %cond3A_25 : i32
    scf.if %cond3A_26 {
      %dma_wait3A = arith.constant 0 : i32
      %dma_wait3A_42 = arith.constant 0 : i32
      %dma_wait3A_43 = arith.constant 0 : i32
      %dma_wait3A_44 = arith.constant 0 : i32
      %dma_wait3A_45 = arith.constant 0 : i32
      %dma_wait3A_46 = tpu.memref_slice %arg14[%dma_wait3A, %dma_wait3A_44, %dma_wait3A_45] : memref<2x128x128xf32, #tpu.memory_space<vmem>> -> memref<1x128x128xf32, #tpu.memory_space<vmem>>
      %dma_wait3A_47 = tpu.memref_squeeze %dma_wait3A_46 : memref<1x128x128xf32, #tpu.memory_space<vmem>> -> memref<128x128xf32, #tpu.memory_space<vmem>>
      %dma_wait3A_48 = arith.constant 0 : i32
      %dma_wait3A_49 = tpu.memref_slice %arg13[%dma_wait3A_42, %dma_wait3A_43, %dma_wait3A_48] : memref<2x1x128xi32, #tpu.memory_space<vmem>> -> memref<1x1x128xi32, #tpu.memory_space<vmem>>
      %dma_wait3A_50 = tpu.memref_squeeze %dma_wait3A_49 : memref<1x1x128xi32, #tpu.memory_space<vmem>> -> memref<128xi32, #tpu.memory_space<vmem>>
      %dma_wait3A_51 = arith.constant 0 : i32
      %dma_wait3A_52 = arith.constant 0 : i32
      %dma_wait3A_53 = tpu.memref_slice %arg16[%dma_wait3A_51, %dma_wait3A_52] : memref<10112x128xf32, #tpu.memory_space<vmem_shared>> -> memref<10112x128xf32, #tpu.memory_space<vmem_shared>>
      tpu.wait_indirect_dma semaphore(%arg21 : memref<!tpu.dma_semaphore, #tpu.memory_space<semaphore_mem>>) src(%dma_wait3A_47 : memref<128x128xf32, #tpu.memory_space<vmem>>) dst(%dma_wait3A_53 : memref<10112x128xf32, #tpu.memory_space<vmem_shared>>)
      %dma_wait3A_54 = arith.constant 0 : i32
      %dma_wait3A_55 = arith.constant 0 : i32
      %dma_wait3A_56 = arith.constant 0 : i32
      %dma_wait3A_57 = tpu.memref_slice %arg13[%dma_wait3A_54, %dma_wait3A_55, %dma_wait3A_56] : memref<2x1x128xi32, #tpu.memory_space<vmem>> -> memref<1x1x128xi32, #tpu.memory_space<vmem>>
      %dma_wait3A_58 = tpu.memref_squeeze %dma_wait3A_57 : memref<1x1x128xi32, #tpu.memory_space<vmem>> -> memref<128xi32, #tpu.memory_space<vmem>>
      %dma_wait3A_59 = arith.constant 0 : i32
      %dma_wait3A_60 = arith.constant 0 : i32
      %dma_wait3A_61 = tpu.memref_slice %arg17[%dma_wait3A_59, %dma_wait3A_60] : memref<10112x16xf32, #tpu.memory_space<vmem_shared>> -> memref<10112x16xf32, #tpu.memory_space<vmem_shared>>
      tpu.wait_indirect_dma semaphore(%arg21 : memref<!tpu.dma_semaphore, #tpu.memory_space<semaphore_mem>>) src(%arg15 : memref<128x16xf32, #tpu.memory_space<vmem>>) dst(%dma_wait3A_61 : memref<10112x16xf32, #tpu.memory_space<vmem_shared>>)
    } else {
    }
    %gt3A_27 = arith.constant 0 : i32
    %gt3A_28 = arith.cmpi sgt, %scan3A_21#1, %gt3A_27 : i32
    %convert_element_type3A_29 = arith.extui %gt3A_28 : i1 to i32
    %cond3A_30 = arith.constant 0 : i32
    %cond3A_31 = arith.cmpi ne, %convert_element_type3A_29, %cond3A_30 : i32
    scf.if %cond3A_31 {
      %dma_wait3A = arith.constant 1 : i32
      %dma_wait3A_42 = arith.constant 1 : i32
      %dma_wait3A_43 = arith.constant 0 : i32
      %dma_wait3A_44 = arith.constant 0 : i32
      %dma_wait3A_45 = arith.constant 0 : i32
      %dma_wait3A_46 = tpu.memref_slice %arg14[%dma_wait3A, %dma_wait3A_44, %dma_wait3A_45] : memref<2x128x128xf32, #tpu.memory_space<vmem>> -> memref<1x128x128xf32, #tpu.memory_space<vmem>>
      %dma_wait3A_47 = tpu.memref_squeeze %dma_wait3A_46 : memref<1x128x128xf32, #tpu.memory_space<vmem>> -> memref<128x128xf32, #tpu.memory_space<vmem>>
      %dma_wait3A_48 = arith.constant 0 : i32
      %dma_wait3A_49 = tpu.memref_slice %arg13[%dma_wait3A_42, %dma_wait3A_43, %dma_wait3A_48] : memref<2x1x128xi32, #tpu.memory_space<vmem>> -> memref<1x1x128xi32, #tpu.memory_space<vmem>>
      %dma_wait3A_50 = tpu.memref_squeeze %dma_wait3A_49 : memref<1x1x128xi32, #tpu.memory_space<vmem>> -> memref<128xi32, #tpu.memory_space<vmem>>
      %dma_wait3A_51 = arith.constant 0 : i32
      %dma_wait3A_52 = arith.constant 0 : i32
      %dma_wait3A_53 = tpu.memref_slice %arg16[%dma_wait3A_51, %dma_wait3A_52] : memref<10112x128xf32, #tpu.memory_space<vmem_shared>> -> memref<10112x128xf32, #tpu.memory_space<vmem_shared>>
      tpu.wait_indirect_dma semaphore(%arg22 : memref<!tpu.dma_semaphore, #tpu.memory_space<semaphore_mem>>) src(%dma_wait3A_47 : memref<128x128xf32, #tpu.memory_space<vmem>>) dst(%dma_wait3A_53 : memref<10112x128xf32, #tpu.memory_space<vmem_shared>>)
      %dma_wait3A_54 = arith.constant 1 : i32
      %dma_wait3A_55 = arith.constant 0 : i32
      %dma_wait3A_56 = arith.constant 0 : i32
      %dma_wait3A_57 = tpu.memref_slice %arg13[%dma_wait3A_54, %dma_wait3A_55, %dma_wait3A_56] : memref<2x1x128xi32, #tpu.memory_space<vmem>> -> memref<1x1x128xi32, #tpu.memory_space<vmem>>
      %dma_wait3A_58 = tpu.memref_squeeze %dma_wait3A_57 : memref<1x1x128xi32, #tpu.memory_space<vmem>> -> memref<128xi32, #tpu.memory_space<vmem>>
      %dma_wait3A_59 = arith.constant 0 : i32
      %dma_wait3A_60 = arith.constant 0 : i32
      %dma_wait3A_61 = tpu.memref_slice %arg17[%dma_wait3A_59, %dma_wait3A_60] : memref<10112x16xf32, #tpu.memory_space<vmem_shared>> -> memref<10112x16xf32, #tpu.memory_space<vmem_shared>>
      tpu.wait_indirect_dma semaphore(%arg22 : memref<!tpu.dma_semaphore, #tpu.memory_space<semaphore_mem>>) src(%arg15 : memref<128x16xf32, #tpu.memory_space<vmem>>) dst(%dma_wait3A_61 : memref<10112x16xf32, #tpu.memory_space<vmem_shared>>)
    } else {
    }
    %barrier3A_32 = arith.constant 0 : index
    tpu.barrier barrier_id(%barrier3A_32)
    %lt3A_33 = arith.constant 15 : i32
    %lt3A_34 = arith.cmpi slt, %arg1, %lt3A_33 : i32
    %convert_element_type3A_35 = arith.extui %lt3A_34 : i1 to i32
    %cond3A_36 = arith.constant 0 : i32
    %cond3A_37 = arith.cmpi ne, %convert_element_type3A_35, %cond3A_36 : i32
    scf.if %cond3A_37 {
      %mul3A_42 = arith.constant 632 : i32
      %mul3A_43 = arith.muli %arg1, %mul3A_42 : i32
      %eq3A_44 = arith.constant 0 : i32
      %eq3A_45 = arith.cmpi eq, %arg0, %eq3A_44 : i32
      %convert_element_type3A_46 = arith.extui %eq3A_45 : i1 to i32
      %cond3A_47 = arith.constant 0 : i32
      %cond3A_48 = arith.cmpi ne, %convert_element_type3A_46, %cond3A_47 : i32
      scf.if %cond3A_48 {
        "tpu.region"() ({
          %run_scoped3A = tpu.sem_alloc : memref<!tpu.dma_semaphore, #tpu.memory_space<semaphore_mem>>
          %dma_start3A = arith.constant 0 : i32
          %dma_start3A_54 = tpu.memref_slice %arg8[%mul3A_43, %dma_start3A] : memref<10000x128xf32, #tpu.memory_space<hbm>> -> memref<632x128xf32, #tpu.memory_space<hbm>>
          %dma_start3A_55 = arith.constant 0 : i32
          %dma_start3A_56 = tpu.memref_slice %arg16[%mul3A_43, %dma_start3A_55] : memref<10112x128xf32, #tpu.memory_space<vmem_shared>> -> memref<632x128xf32, #tpu.memory_space<vmem_shared>>
          tpu.enqueue_dma source(%dma_start3A_56 : memref<632x128xf32, #tpu.memory_space<vmem_shared>>) target(%dma_start3A_54 : memref<632x128xf32, #tpu.memory_space<hbm>>) target_semaphore(%run_scoped3A : memref<!tpu.dma_semaphore, #tpu.memory_space<semaphore_mem>>)
          %dma_wait3A = arith.constant 0 : i32
          %dma_wait3A_57 = tpu.memref_slice %arg8[%mul3A_43, %dma_wait3A] : memref<10000x128xf32, #tpu.memory_space<hbm>> -> memref<632x128xf32, #tpu.memory_space<hbm>>
          %dma_wait3A_58 = arith.constant 0 : i32
          %dma_wait3A_59 = tpu.memref_slice %arg16[%mul3A_43, %dma_wait3A_58] : memref<10112x128xf32, #tpu.memory_space<vmem_shared>> -> memref<632x128xf32, #tpu.memory_space<vmem_shared>>
          tpu.wait_dma2 semaphore(%run_scoped3A : memref<!tpu.dma_semaphore, #tpu.memory_space<semaphore_mem>>) src(%dma_wait3A_59 : memref<632x128xf32, #tpu.memory_space<vmem_shared>>) dst(%dma_wait3A_57 : memref<632x128xf32, #tpu.memory_space<hbm>>)
          tpu.yield
        }) : () -> ()
        "tpu.region"() ({
          %run_scoped3A = tpu.sem_alloc : memref<!tpu.dma_semaphore, #tpu.memory_space<semaphore_mem>>
          %dma_start3A = arith.constant 0 : i32
          %dma_start3A_54 = tpu.memref_slice %arg10[%mul3A_43, %dma_start3A] : memref<10000x16xf32, #tpu.memory_space<hbm>> -> memref<632x16xf32, #tpu.memory_space<hbm>>
          %dma_start3A_55 = arith.constant 0 : i32
          %dma_start3A_56 = tpu.memref_slice %arg17[%mul3A_43, %dma_start3A_55] : memref<10112x16xf32, #tpu.memory_space<vmem_shared>> -> memref<632x16xf32, #tpu.memory_space<vmem_shared>>
          tpu.enqueue_dma source(%dma_start3A_56 : memref<632x16xf32, #tpu.memory_space<vmem_shared>>) target(%dma_start3A_54 : memref<632x16xf32, #tpu.memory_space<hbm>>) target_semaphore(%run_scoped3A : memref<!tpu.dma_semaphore, #tpu.memory_space<semaphore_mem>>)
          %dma_wait3A = arith.constant 0 : i32
          %dma_wait3A_57 = tpu.memref_slice %arg10[%mul3A_43, %dma_wait3A] : memref<10000x16xf32, #tpu.memory_space<hbm>> -> memref<632x16xf32, #tpu.memory_space<hbm>>
          %dma_wait3A_58 = arith.constant 0 : i32
          %dma_wait3A_59 = tpu.memref_slice %arg17[%mul3A_43, %dma_wait3A_58] : memref<10112x16xf32, #tpu.memory_space<vmem_shared>> -> memref<632x16xf32, #tpu.memory_space<vmem_shared>>
          tpu.wait_dma2 semaphore(%run_scoped3A : memref<!tpu.dma_semaphore, #tpu.memory_space<semaphore_mem>>) src(%dma_wait3A_59 : memref<632x16xf32, #tpu.memory_space<vmem_shared>>) dst(%dma_wait3A_57 : memref<632x16xf32, #tpu.memory_space<hbm>>)
          tpu.yield
        }) : () -> ()
      } else {
      }
      %eq3A_49 = arith.constant 1 : i32
      %eq3A_50 = arith.cmpi eq, %arg0, %eq3A_49 : i32
      %convert_element_type3A_51 = arith.extui %eq3A_50 : i1 to i32
      %cond3A_52 = arith.constant 0 : i32
      %cond3A_53 = arith.cmpi ne, %convert_element_type3A_51, %cond3A_52 : i32
      scf.if %cond3A_53 {
        "tpu.region"() ({
          %run_scoped3A = tpu.sem_alloc : memref<!tpu.dma_semaphore, #tpu.memory_space<semaphore_mem>>
          %dma_start3A = arith.constant 0 : i32
          %dma_start3A_54 = tpu.memref_slice %arg9[%mul3A_43, %dma_start3A] : memref<10000x128xf32, #tpu.memory_space<hbm>> -> memref<632x128xf32, #tpu.memory_space<hbm>>
          %dma_start3A_55 = arith.constant 0 : i32
          %dma_start3A_56 = tpu.memref_slice %arg16[%mul3A_43, %dma_start3A_55] : memref<10112x128xf32, #tpu.memory_space<vmem_shared>> -> memref<632x128xf32, #tpu.memory_space<vmem_shared>>
          tpu.enqueue_dma source(%dma_start3A_56 : memref<632x128xf32, #tpu.memory_space<vmem_shared>>) target(%dma_start3A_54 : memref<632x128xf32, #tpu.memory_space<hbm>>) target_semaphore(%run_scoped3A : memref<!tpu.dma_semaphore, #tpu.memory_space<semaphore_mem>>)
          %dma_wait3A = arith.constant 0 : i32
          %dma_wait3A_57 = tpu.memref_slice %arg9[%mul3A_43, %dma_wait3A] : memref<10000x128xf32, #tpu.memory_space<hbm>> -> memref<632x128xf32, #tpu.memory_space<hbm>>
          %dma_wait3A_58 = arith.constant 0 : i32
          %dma_wait3A_59 = tpu.memref_slice %arg16[%mul3A_43, %dma_wait3A_58] : memref<10112x128xf32, #tpu.memory_space<vmem_shared>> -> memref<632x128xf32, #tpu.memory_space<vmem_shared>>
          tpu.wait_dma2 semaphore(%run_scoped3A : memref<!tpu.dma_semaphore, #tpu.memory_space<semaphore_mem>>) src(%dma_wait3A_59 : memref<632x128xf32, #tpu.memory_space<vmem_shared>>) dst(%dma_wait3A_57 : memref<632x128xf32, #tpu.memory_space<hbm>>)
          tpu.yield
        }) : () -> ()
        "tpu.region"() ({
          %run_scoped3A = tpu.sem_alloc : memref<!tpu.dma_semaphore, #tpu.memory_space<semaphore_mem>>
          %dma_start3A = arith.constant 0 : i32
          %dma_start3A_54 = tpu.memref_slice %arg11[%mul3A_43, %dma_start3A] : memref<10000x16xf32, #tpu.memory_space<hbm>> -> memref<632x16xf32, #tpu.memory_space<hbm>>
          %dma_start3A_55 = arith.constant 0 : i32
          %dma_start3A_56 = tpu.memref_slice %arg17[%mul3A_43, %dma_start3A_55] : memref<10112x16xf32, #tpu.memory_space<vmem_shared>> -> memref<632x16xf32, #tpu.memory_space<vmem_shared>>
          tpu.enqueue_dma source(%dma_start3A_56 : memref<632x16xf32, #tpu.memory_space<vmem_shared>>) target(%dma_start3A_54 : memref<632x16xf32, #tpu.memory_space<hbm>>) target_semaphore(%run_scoped3A : memref<!tpu.dma_semaphore, #tpu.memory_space<semaphore_mem>>)
          %dma_wait3A = arith.constant 0 : i32
          %dma_wait3A_57 = tpu.memref_slice %arg11[%mul3A_43, %dma_wait3A] : memref<10000x16xf32, #tpu.memory_space<hbm>> -> memref<632x16xf32, #tpu.memory_space<hbm>>
          %dma_wait3A_58 = arith.constant 0 : i32
          %dma_wait3A_59 = tpu.memref_slice %arg17[%mul3A_43, %dma_wait3A_58] : memref<10112x16xf32, #tpu.memory_space<vmem_shared>> -> memref<632x16xf32, #tpu.memory_space<vmem_shared>>
          tpu.wait_dma2 semaphore(%run_scoped3A : memref<!tpu.dma_semaphore, #tpu.memory_space<semaphore_mem>>) src(%dma_wait3A_59 : memref<632x16xf32, #tpu.memory_space<vmem_shared>>) dst(%dma_wait3A_57 : memref<632x16xf32, #tpu.memory_space<hbm>>)
          tpu.yield
        }) : () -> ()
      } else {
      }
    } else {
    }
    %eq3A = arith.constant 15 : i32
    %eq3A_38 = arith.cmpi eq, %arg1, %eq3A : i32
    %convert_element_type3A_39 = arith.extui %eq3A_38 : i1 to i32
    %cond3A_40 = arith.constant 0 : i32
    %cond3A_41 = arith.cmpi ne, %convert_element_type3A_39, %cond3A_40 : i32
    scf.if %cond3A_41 {
      %eq3A_42 = arith.constant 0 : i32
      %eq3A_43 = arith.cmpi eq, %arg0, %eq3A_42 : i32
      %convert_element_type3A_44 = arith.extui %eq3A_43 : i1 to i32
      %cond3A_45 = arith.constant 0 : i32
      %cond3A_46 = arith.cmpi ne, %convert_element_type3A_44, %cond3A_45 : i32
      scf.if %cond3A_46 {
        "tpu.region"() ({
          %run_scoped3A = tpu.sem_alloc : memref<!tpu.dma_semaphore, #tpu.memory_space<semaphore_mem>>
          %dma_start3A = arith.constant 9480 : i32
          %dma_start3A_52 = arith.constant 0 : i32
          %dma_start3A_53 = tpu.memref_slice %arg8[%dma_start3A, %dma_start3A_52] : memref<10000x128xf32, #tpu.memory_space<hbm>> -> memref<520x128xf32, #tpu.memory_space<hbm>>
          %dma_start3A_54 = arith.constant 9480 : i32
          %dma_start3A_55 = arith.constant 0 : i32
          %dma_start3A_56 = tpu.memref_slice %arg16[%dma_start3A_54, %dma_start3A_55] : memref<10112x128xf32, #tpu.memory_space<vmem_shared>> -> memref<520x128xf32, #tpu.memory_space<vmem_shared>>
          tpu.enqueue_dma source(%dma_start3A_56 : memref<520x128xf32, #tpu.memory_space<vmem_shared>>) target(%dma_start3A_53 : memref<520x128xf32, #tpu.memory_space<hbm>>) target_semaphore(%run_scoped3A : memref<!tpu.dma_semaphore, #tpu.memory_space<semaphore_mem>>)
          %dma_wait3A = arith.constant 9480 : i32
          %dma_wait3A_57 = arith.constant 0 : i32
          %dma_wait3A_58 = tpu.memref_slice %arg8[%dma_wait3A, %dma_wait3A_57] : memref<10000x128xf32, #tpu.memory_space<hbm>> -> memref<520x128xf32, #tpu.memory_space<hbm>>
          %dma_wait3A_59 = arith.constant 9480 : i32
          %dma_wait3A_60 = arith.constant 0 : i32
          %dma_wait3A_61 = tpu.memref_slice %arg16[%dma_wait3A_59, %dma_wait3A_60] : memref<10112x128xf32, #tpu.memory_space<vmem_shared>> -> memref<520x128xf32, #tpu.memory_space<vmem_shared>>
          tpu.wait_dma2 semaphore(%run_scoped3A : memref<!tpu.dma_semaphore, #tpu.memory_space<semaphore_mem>>) src(%dma_wait3A_61 : memref<520x128xf32, #tpu.memory_space<vmem_shared>>) dst(%dma_wait3A_58 : memref<520x128xf32, #tpu.memory_space<hbm>>)
          tpu.yield
        }) : () -> ()
        "tpu.region"() ({
          %run_scoped3A = tpu.sem_alloc : memref<!tpu.dma_semaphore, #tpu.memory_space<semaphore_mem>>
          %dma_start3A = arith.constant 9480 : i32
          %dma_start3A_52 = arith.constant 0 : i32
          %dma_start3A_53 = tpu.memref_slice %arg10[%dma_start3A, %dma_start3A_52] : memref<10000x16xf32, #tpu.memory_space<hbm>> -> memref<520x16xf32, #tpu.memory_space<hbm>>
          %dma_start3A_54 = arith.constant 9480 : i32
          %dma_start3A_55 = arith.constant 0 : i32
          %dma_start3A_56 = tpu.memref_slice %arg17[%dma_start3A_54, %dma_start3A_55] : memref<10112x16xf32, #tpu.memory_space<vmem_shared>> -> memref<520x16xf32, #tpu.memory_space<vmem_shared>>
          tpu.enqueue_dma source(%dma_start3A_56 : memref<520x16xf32, #tpu.memory_space<vmem_shared>>) target(%dma_start3A_53 : memref<520x16xf32, #tpu.memory_space<hbm>>) target_semaphore(%run_scoped3A : memref<!tpu.dma_semaphore, #tpu.memory_space<semaphore_mem>>)
          %dma_wait3A = arith.constant 9480 : i32
          %dma_wait3A_57 = arith.constant 0 : i32
          %dma_wait3A_58 = tpu.memref_slice %arg10[%dma_wait3A, %dma_wait3A_57] : memref<10000x16xf32, #tpu.memory_space<hbm>> -> memref<520x16xf32, #tpu.memory_space<hbm>>
          %dma_wait3A_59 = arith.constant 9480 : i32
          %dma_wait3A_60 = arith.constant 0 : i32
          %dma_wait3A_61 = tpu.memref_slice %arg17[%dma_wait3A_59, %dma_wait3A_60] : memref<10112x16xf32, #tpu.memory_space<vmem_shared>> -> memref<520x16xf32, #tpu.memory_space<vmem_shared>>
          tpu.wait_dma2 semaphore(%run_scoped3A : memref<!tpu.dma_semaphore, #tpu.memory_space<semaphore_mem>>) src(%dma_wait3A_61 : memref<520x16xf32, #tpu.memory_space<vmem_shared>>) dst(%dma_wait3A_58 : memref<520x16xf32, #tpu.memory_space<hbm>>)
          tpu.yield
        }) : () -> ()
      } else {
      }
      %eq3A_47 = arith.constant 1 : i32
      %eq3A_48 = arith.cmpi eq, %arg0, %eq3A_47 : i32
      %convert_element_type3A_49 = arith.extui %eq3A_48 : i1 to i32
      %cond3A_50 = arith.constant 0 : i32
      %cond3A_51 = arith.cmpi ne, %convert_element_type3A_49, %cond3A_50 : i32
      scf.if %cond3A_51 {
        "tpu.region"() ({
          %run_scoped3A = tpu.sem_alloc : memref<!tpu.dma_semaphore, #tpu.memory_space<semaphore_mem>>
          %dma_start3A = arith.constant 9480 : i32
          %dma_start3A_52 = arith.constant 0 : i32
          %dma_start3A_53 = tpu.memref_slice %arg9[%dma_start3A, %dma_start3A_52] : memref<10000x128xf32, #tpu.memory_space<hbm>> -> memref<520x128xf32, #tpu.memory_space<hbm>>
          %dma_start3A_54 = arith.constant 9480 : i32
          %dma_start3A_55 = arith.constant 0 : i32
          %dma_start3A_56 = tpu.memref_slice %arg16[%dma_start3A_54, %dma_start3A_55] : memref<10112x128xf32, #tpu.memory_space<vmem_shared>> -> memref<520x128xf32, #tpu.memory_space<vmem_shared>>
          tpu.enqueue_dma source(%dma_start3A_56 : memref<520x128xf32, #tpu.memory_space<vmem_shared>>) target(%dma_start3A_53 : memref<520x128xf32, #tpu.memory_space<hbm>>) target_semaphore(%run_scoped3A : memref<!tpu.dma_semaphore, #tpu.memory_space<semaphore_mem>>)
          %dma_wait3A = arith.constant 9480 : i32
          %dma_wait3A_57 = arith.constant 0 : i32
          %dma_wait3A_58 = tpu.memref_slice %arg9[%dma_wait3A, %dma_wait3A_57] : memref<10000x128xf32, #tpu.memory_space<hbm>> -> memref<520x128xf32, #tpu.memory_space<hbm>>
          %dma_wait3A_59 = arith.constant 9480 : i32
          %dma_wait3A_60 = arith.constant 0 : i32
          %dma_wait3A_61 = tpu.memref_slice %arg16[%dma_wait3A_59, %dma_wait3A_60] : memref<10112x128xf32, #tpu.memory_space<vmem_shared>> -> memref<520x128xf32, #tpu.memory_space<vmem_shared>>
          tpu.wait_dma2 semaphore(%run_scoped3A : memref<!tpu.dma_semaphore, #tpu.memory_space<semaphore_mem>>) src(%dma_wait3A_61 : memref<520x128xf32, #tpu.memory_space<vmem_shared>>) dst(%dma_wait3A_58 : memref<520x128xf32, #tpu.memory_space<hbm>>)
          tpu.yield
        }) : () -> ()
        "tpu.region"() ({
          %run_scoped3A = tpu.sem_alloc : memref<!tpu.dma_semaphore, #tpu.memory_space<semaphore_mem>>
          %dma_start3A = arith.constant 9480 : i32
          %dma_start3A_52 = arith.constant 0 : i32
          %dma_start3A_53 = tpu.memref_slice %arg11[%dma_start3A, %dma_start3A_52] : memref<10000x16xf32, #tpu.memory_space<hbm>> -> memref<520x16xf32, #tpu.memory_space<hbm>>
          %dma_start3A_54 = arith.constant 9480 : i32
          %dma_start3A_55 = arith.constant 0 : i32
          %dma_start3A_56 = tpu.memref_slice %arg17[%dma_start3A_54, %dma_start3A_55] : memref<10112x16xf32, #tpu.memory_space<vmem_shared>> -> memref<520x16xf32, #tpu.memory_space<vmem_shared>>
          tpu.enqueue_dma source(%dma_start3A_56 : memref<520x16xf32, #tpu.memory_space<vmem_shared>>) target(%dma_start3A_53 : memref<520x16xf32, #tpu.memory_space<hbm>>) target_semaphore(%run_scoped3A : memref<!tpu.dma_semaphore, #tpu.memory_space<semaphore_mem>>)
          %dma_wait3A = arith.constant 9480 : i32
          %dma_wait3A_57 = arith.constant 0 : i32
          %dma_wait3A_58 = tpu.memref_slice %arg11[%dma_wait3A, %dma_wait3A_57] : memref<10000x16xf32, #tpu.memory_space<hbm>> -> memref<520x16xf32, #tpu.memory_space<hbm>>
          %dma_wait3A_59 = arith.constant 9480 : i32
          %dma_wait3A_60 = arith.constant 0 : i32
          %dma_wait3A_61 = tpu.memref_slice %arg17[%dma_wait3A_59, %dma_wait3A_60] : memref<10112x16xf32, #tpu.memory_space<vmem_shared>> -> memref<520x16xf32, #tpu.memory_space<vmem_shared>>
          tpu.wait_dma2 semaphore(%run_scoped3A : memref<!tpu.dma_semaphore, #tpu.memory_space<semaphore_mem>>) src(%dma_wait3A_61 : memref<520x16xf32, #tpu.memory_space<vmem_shared>>) dst(%dma_wait3A_58 : memref<520x16xf32, #tpu.memory_space<hbm>>)
          tpu.yield
        }) : () -> ()
      } else {
      }
    } else {
    }
    return
  }
}

module attributes {stable_mosaic.version = 14 : i64} {
  func.func @body(%arg0: i32, %arg1: memref<1000x128xf32, #tpu.memory_space<vmem>>, %arg2: memref<1x128xf32, #tpu.memory_space<vmem>>, %arg3: memref<1x128xf32, #tpu.memory_space<vmem>>, %arg4: memref<128x128xf32, #tpu.memory_space<vmem>>, %arg5: memref<1x128xf32, #tpu.memory_space<vmem>>, %arg6: memref<1x128xf32, #tpu.memory_space<vmem>>, %arg7: memref<1x128xf32, #tpu.memory_space<vmem>>, %arg8: memref<128x128xf32, #tpu.memory_space<vmem>>, %arg9: memref<1x128xf32, #tpu.memory_space<vmem>>, %arg10: memref<1000x128xf32, #tpu.memory_space<vmem>>) attributes {dimension_semantics = [#tpu.dimension_semantics<arbitrary>], iteration_bounds = array<i64: 10>, scalar_prefetch = 0 : i64, scratch_operands = 0 : i64, tpu.core_type = #tpu.core_type<tc>, window_params = [{transform_indices = @transform_0, window_bounds = array<i64: 1000, 128>}, {pipeline_mode = #tpu.pipeline_mode<synchronous>, transform_indices = @transform_1, window_bounds = array<i64: 1, 128>}, {pipeline_mode = #tpu.pipeline_mode<synchronous>, transform_indices = @transform_2, window_bounds = array<i64: 1, 128>}, {pipeline_mode = #tpu.pipeline_mode<synchronous>, transform_indices = @transform_3, window_bounds = array<i64: 128, 128>}, {pipeline_mode = #tpu.pipeline_mode<synchronous>, transform_indices = @transform_4, window_bounds = array<i64: 1, 128>}, {pipeline_mode = #tpu.pipeline_mode<synchronous>, transform_indices = @transform_5, window_bounds = array<i64: 1, 128>}, {pipeline_mode = #tpu.pipeline_mode<synchronous>, transform_indices = @transform_6, window_bounds = array<i64: 1, 128>}, {pipeline_mode = #tpu.pipeline_mode<synchronous>, transform_indices = @transform_7, window_bounds = array<i64: 128, 128>}, {pipeline_mode = #tpu.pipeline_mode<synchronous>, transform_indices = @transform_8, window_bounds = array<i64: 1, 128>}, {transform_indices = @transform_9, window_bounds = array<i64: 1000, 128>}]} {
    %get3A = arith.constant 0 : index
    %get3A_0 = arith.constant 0 : index
    %get3A_1 = vector.load %arg1[%get3A, %get3A_0] : memref<1000x128xf32, #tpu.memory_space<vmem>>, vector<1000x128xf32>
    %get3A_2 = arith.constant 0 : index
    %get3A_3 = arith.constant 0 : index
    %get3A_4 = vector.load %arg2[%get3A_2, %get3A_3] : memref<1x128xf32, #tpu.memory_space<vmem>>, vector<1x128xf32>
    %get3A_5 = arith.constant 0 : index
    %get3A_6 = arith.constant 0 : index
    %get3A_7 = vector.load %arg3[%get3A_5, %get3A_6] : memref<1x128xf32, #tpu.memory_space<vmem>>, vector<1x128xf32>
    %get3A_8 = arith.constant 0 : index
    %get3A_9 = arith.constant 0 : index
    %get3A_10 = vector.load %arg4[%get3A_8, %get3A_9] : memref<128x128xf32, #tpu.memory_space<vmem>>, vector<128x128xf32>
    %get3A_11 = arith.constant 0 : index
    %get3A_12 = arith.constant 0 : index
    %get3A_13 = vector.load %arg5[%get3A_11, %get3A_12] : memref<1x128xf32, #tpu.memory_space<vmem>>, vector<1x128xf32>
    %get3A_14 = arith.constant 0 : index
    %get3A_15 = arith.constant 0 : index
    %get3A_16 = vector.load %arg6[%get3A_14, %get3A_15] : memref<1x128xf32, #tpu.memory_space<vmem>>, vector<1x128xf32>
    %get3A_17 = arith.constant 0 : index
    %get3A_18 = arith.constant 0 : index
    %get3A_19 = vector.load %arg7[%get3A_17, %get3A_18] : memref<1x128xf32, #tpu.memory_space<vmem>>, vector<1x128xf32>
    %get3A_20 = arith.constant 0 : index
    %get3A_21 = arith.constant 0 : index
    %get3A_22 = vector.load %arg8[%get3A_20, %get3A_21] : memref<128x128xf32, #tpu.memory_space<vmem>>, vector<128x128xf32>
    %get3A_23 = arith.constant 0 : index
    %get3A_24 = arith.constant 0 : index
    %get3A_25 = vector.load %arg9[%get3A_23, %get3A_24] : memref<1x128xf32, #tpu.memory_space<vmem>>, vector<1x128xf32>
    %reduce_sum3A = arith.constant dense<0.000000e+00> : vector<1000xf32>
    %reduce_sum3A_26 = vector.multi_reduction <add>, %get3A_1, %reduce_sum3A [1] : vector<1000x128xf32> to vector<1000xf32>
    %broadcast_in_dim3A = vector.shape_cast %reduce_sum3A_26 : vector<1000xf32> to vector<1000x1xf32>
    %div3A = arith.constant 1.280000e+02 : f32
    %div3A_27 = vector.broadcast %div3A : f32 to vector<1000x1xf32>
    %div3A_28 = arith.divf %broadcast_in_dim3A, %div3A_27 : vector<1000x1xf32>
    %sub3A = vector.broadcast %div3A_28 : vector<1000x1xf32> to vector<1000x128xf32>
    %sub3A_29 = arith.subf %get3A_1, %sub3A : vector<1000x128xf32>
    %integer_pow3A = arith.mulf %sub3A_29, %sub3A_29 : vector<1000x128xf32>
    %reduce_sum3A_30 = arith.constant dense<0.000000e+00> : vector<1000xf32>
    %reduce_sum3A_31 = vector.multi_reduction <add>, %integer_pow3A, %reduce_sum3A_30 [1] : vector<1000x128xf32> to vector<1000xf32>
    %broadcast_in_dim3A_32 = vector.shape_cast %reduce_sum3A_31 : vector<1000xf32> to vector<1000x1xf32>
    %div3A_33 = arith.constant 1.280000e+02 : f32
    %div3A_34 = vector.broadcast %div3A_33 : f32 to vector<1000x1xf32>
    %div3A_35 = arith.divf %broadcast_in_dim3A_32, %div3A_34 : vector<1000x1xf32>
    %sub3A_36 = vector.broadcast %div3A_28 : vector<1000x1xf32> to vector<1000x128xf32>
    %sub3A_37 = arith.subf %get3A_1, %sub3A_36 : vector<1000x128xf32>
    %add3A = arith.constant 9.99999974E-6 : f32
    %add3A_38 = vector.broadcast %add3A : f32 to vector<1000x1xf32>
    %add3A_39 = arith.addf %div3A_35, %add3A_38 : vector<1000x1xf32>
    %rsqrt3A = math.rsqrt %add3A_39 : vector<1000x1xf32>
    %mul3A = vector.broadcast %rsqrt3A : vector<1000x1xf32> to vector<1000x128xf32>
    %mul3A_40 = arith.mulf %sub3A_37, %mul3A : vector<1000x128xf32>
    %mul3A_41 = vector.broadcast %get3A_4 : vector<1x128xf32> to vector<1000x128xf32>
    %mul3A_42 = arith.mulf %mul3A_40, %mul3A_41 : vector<1000x128xf32>
    %add3A_43 = vector.broadcast %get3A_7 : vector<1x128xf32> to vector<1000x128xf32>
    %add3A_44 = arith.addf %mul3A_42, %add3A_43 : vector<1000x128xf32>
    %dot_general3A = arith.constant dense<0.000000e+00> : vector<1000x128xf32>
    %dot_general3A_45 = tpu.matmul %add3A_44, %get3A_10, %dot_general3A {dimension_numbers = #tpu.dot_dimension_numbers<[1], [0], [0], [1], [0, 0, 1, 1], [], []>, transpose_lhs_hint = false} : vector<1000x128xf32>, vector<128x128xf32>, vector<1000x128xf32> -> vector<1000x128xf32>
    %add3A_46 = vector.broadcast %get3A_13 : vector<1x128xf32> to vector<1000x128xf32>
    %add3A_47 = arith.addf %dot_general3A_45, %add3A_46 : vector<1000x128xf32>
    %max3A = arith.constant 0.000000e+00 : f32
    %max3A_48 = vector.broadcast %max3A : f32 to vector<1000x128xf32>
    %max3A_49 = arith.maximumf %add3A_47, %max3A_48 : vector<1000x128xf32>
    %reduce_sum3A_50 = arith.constant dense<0.000000e+00> : vector<1000xf32>
    %reduce_sum3A_51 = vector.multi_reduction <add>, %max3A_49, %reduce_sum3A_50 [1] : vector<1000x128xf32> to vector<1000xf32>
    %broadcast_in_dim3A_52 = vector.shape_cast %reduce_sum3A_51 : vector<1000xf32> to vector<1000x1xf32>
    %div3A_53 = arith.constant 1.280000e+02 : f32
    %div3A_54 = vector.broadcast %div3A_53 : f32 to vector<1000x1xf32>
    %div3A_55 = arith.divf %broadcast_in_dim3A_52, %div3A_54 : vector<1000x1xf32>
    %sub3A_56 = vector.broadcast %div3A_55 : vector<1000x1xf32> to vector<1000x128xf32>
    %sub3A_57 = arith.subf %max3A_49, %sub3A_56 : vector<1000x128xf32>
    %integer_pow3A_58 = arith.mulf %sub3A_57, %sub3A_57 : vector<1000x128xf32>
    %reduce_sum3A_59 = arith.constant dense<0.000000e+00> : vector<1000xf32>
    %reduce_sum3A_60 = vector.multi_reduction <add>, %integer_pow3A_58, %reduce_sum3A_59 [1] : vector<1000x128xf32> to vector<1000xf32>
    %broadcast_in_dim3A_61 = vector.shape_cast %reduce_sum3A_60 : vector<1000xf32> to vector<1000x1xf32>
    %div3A_62 = arith.constant 1.280000e+02 : f32
    %div3A_63 = vector.broadcast %div3A_62 : f32 to vector<1000x1xf32>
    %div3A_64 = arith.divf %broadcast_in_dim3A_61, %div3A_63 : vector<1000x1xf32>
    %sub3A_65 = vector.broadcast %div3A_55 : vector<1000x1xf32> to vector<1000x128xf32>
    %sub3A_66 = arith.subf %max3A_49, %sub3A_65 : vector<1000x128xf32>
    %add3A_67 = arith.constant 9.99999974E-6 : f32
    %add3A_68 = vector.broadcast %add3A_67 : f32 to vector<1000x1xf32>
    %add3A_69 = arith.addf %div3A_64, %add3A_68 : vector<1000x1xf32>
    %rsqrt3A_70 = math.rsqrt %add3A_69 : vector<1000x1xf32>
    %mul3A_71 = vector.broadcast %rsqrt3A_70 : vector<1000x1xf32> to vector<1000x128xf32>
    %mul3A_72 = arith.mulf %sub3A_66, %mul3A_71 : vector<1000x128xf32>
    %mul3A_73 = vector.broadcast %get3A_16 : vector<1x128xf32> to vector<1000x128xf32>
    %mul3A_74 = arith.mulf %mul3A_72, %mul3A_73 : vector<1000x128xf32>
    %add3A_75 = vector.broadcast %get3A_19 : vector<1x128xf32> to vector<1000x128xf32>
    %add3A_76 = arith.addf %mul3A_74, %add3A_75 : vector<1000x128xf32>
    %dot_general3A_77 = arith.constant dense<0.000000e+00> : vector<1000x128xf32>
    %dot_general3A_78 = tpu.matmul %add3A_76, %get3A_22, %dot_general3A_77 {dimension_numbers = #tpu.dot_dimension_numbers<[1], [0], [0], [1], [0, 0, 1, 1], [], []>, transpose_lhs_hint = false} : vector<1000x128xf32>, vector<128x128xf32>, vector<1000x128xf32> -> vector<1000x128xf32>
    %add3A_79 = vector.broadcast %get3A_25 : vector<1x128xf32> to vector<1000x128xf32>
    %add3A_80 = arith.addf %dot_general3A_78, %add3A_79 : vector<1000x128xf32>
    %max3A_81 = arith.constant 0.000000e+00 : f32
    %max3A_82 = vector.broadcast %max3A_81 : f32 to vector<1000x128xf32>
    %max3A_83 = arith.maximumf %add3A_80, %max3A_82 : vector<1000x128xf32>
    %swap3A = arith.constant 0 : index
    %swap3A_84 = arith.constant 0 : index
    %swap3A_85 = vector.load %arg10[%swap3A, %swap3A_84] : memref<1000x128xf32, #tpu.memory_space<vmem>>, vector<1000x128xf32>
    tpu.vector_store %arg10[%swap3A, %swap3A_84], %max3A_83 {strides = array<i32>} : memref<1000x128xf32, #tpu.memory_space<vmem>>, vector<1000x128xf32>,
    return
  }
  func.func @transform_0(%arg0: i32) -> (i32, i32) {
    %c0_i32 = arith.constant 0 : i32
    %c0_i32_0 = arith.constant 0 : i32
    return %arg0, %c0_i32 : i32, i32
  }
  func.func @transform_1(%arg0: i32) -> (i32, i32) {
    %c0_i32 = arith.constant 0 : i32
    %c0_i32_0 = arith.constant 0 : i32
    %c0_i32_1 = arith.constant 0 : i32
    return %c0_i32, %c0_i32_0 : i32, i32
  }
  func.func @transform_2(%arg0: i32) -> (i32, i32) {
    %c0_i32 = arith.constant 0 : i32
    %c0_i32_0 = arith.constant 0 : i32
    %c0_i32_1 = arith.constant 0 : i32
    return %c0_i32, %c0_i32_0 : i32, i32
  }
  func.func @transform_3(%arg0: i32) -> (i32, i32) {
    %c0_i32 = arith.constant 0 : i32
    %c0_i32_0 = arith.constant 0 : i32
    %c0_i32_1 = arith.constant 0 : i32
    return %c0_i32, %c0_i32_0 : i32, i32
  }
  func.func @transform_4(%arg0: i32) -> (i32, i32) {
    %c0_i32 = arith.constant 0 : i32
    %c0_i32_0 = arith.constant 0 : i32
    %c0_i32_1 = arith.constant 0 : i32
    return %c0_i32, %c0_i32_0 : i32, i32
  }
  func.func @transform_5(%arg0: i32) -> (i32, i32) {
    %c0_i32 = arith.constant 0 : i32
    %c0_i32_0 = arith.constant 0 : i32
    %c0_i32_1 = arith.constant 0 : i32
    return %c0_i32, %c0_i32_0 : i32, i32
  }
  func.func @transform_6(%arg0: i32) -> (i32, i32) {
    %c0_i32 = arith.constant 0 : i32
    %c0_i32_0 = arith.constant 0 : i32
    %c0_i32_1 = arith.constant 0 : i32
    return %c0_i32, %c0_i32_0 : i32, i32
  }
  func.func @transform_7(%arg0: i32) -> (i32, i32) {
    %c0_i32 = arith.constant 0 : i32
    %c0_i32_0 = arith.constant 0 : i32
    %c0_i32_1 = arith.constant 0 : i32
    return %c0_i32, %c0_i32_0 : i32, i32
  }
  func.func @transform_8(%arg0: i32) -> (i32, i32) {
    %c0_i32 = arith.constant 0 : i32
    %c0_i32_0 = arith.constant 0 : i32
    %c0_i32_1 = arith.constant 0 : i32
    return %c0_i32, %c0_i32_0 : i32, i32
  }
  func.func @transform_9(%arg0: i32) -> (i32, i32) {
    %c0_i32 = arith.constant 0 : i32
    %c0_i32_0 = arith.constant 0 : i32
    return %arg0, %c0_i32 : i32, i32
  }
}

module attributes {stable_mosaic.version = 14 : i64} {
  func.func @body(%arg0: i32, %arg1: memref<1000x128xf32, #tpu.memory_space<vmem>>, %arg2: memref<1000x16xf32, #tpu.memory_space<vmem>>, %arg3: memref<1x128xf32, #tpu.memory_space<vmem>>, %arg4: memref<1x128xf32, #tpu.memory_space<vmem>>, %arg5: memref<128x128xf32, #tpu.memory_space<vmem>>, %arg6: memref<1x128xf32, #tpu.memory_space<vmem>>, %arg7: memref<1x128xf32, #tpu.memory_space<vmem>>, %arg8: memref<1x128xf32, #tpu.memory_space<vmem>>, %arg9: memref<128x128xf32, #tpu.memory_space<vmem>>, %arg10: memref<1x128xf32, #tpu.memory_space<vmem>>, %arg11: memref<1x128xf32, #tpu.memory_space<vmem>>, %arg12: memref<1x128xf32, #tpu.memory_space<vmem>>, %arg13: memref<128x128xf32, #tpu.memory_space<vmem>>, %arg14: memref<1x128xf32, #tpu.memory_space<vmem>>, %arg15: memref<1x128xf32, #tpu.memory_space<vmem>>, %arg16: memref<1x128xf32, #tpu.memory_space<vmem>>, %arg17: memref<128x128xf32, #tpu.memory_space<vmem>>, %arg18: memref<1x128xf32, #tpu.memory_space<vmem>>, %arg19: memref<1000x128xf32, #tpu.memory_space<vmem>>) attributes {dimension_semantics = [#tpu.dimension_semantics<arbitrary>], iteration_bounds = array<i64: 20>, scalar_prefetch = 0 : i64, scratch_operands = 0 : i64, tpu.core_type = #tpu.core_type<tc>, window_params = [{transform_indices = @transform_0, window_bounds = array<i64: 1000, 128>}, {transform_indices = @transform_1, window_bounds = array<i64: 1000, 16>}, {pipeline_mode = #tpu.pipeline_mode<synchronous>, transform_indices = @transform_2, window_bounds = array<i64: 1, 128>}, {pipeline_mode = #tpu.pipeline_mode<synchronous>, transform_indices = @transform_3, window_bounds = array<i64: 1, 128>}, {pipeline_mode = #tpu.pipeline_mode<synchronous>, transform_indices = @transform_4, window_bounds = array<i64: 128, 128>}, {pipeline_mode = #tpu.pipeline_mode<synchronous>, transform_indices = @transform_5, window_bounds = array<i64: 1, 128>}, {pipeline_mode = #tpu.pipeline_mode<synchronous>, transform_indices = @transform_6, window_bounds = array<i64: 1, 128>}, {pipeline_mode = #tpu.pipeline_mode<synchronous>, transform_indices = @transform_7, window_bounds = array<i64: 1, 128>}, {pipeline_mode = #tpu.pipeline_mode<synchronous>, transform_indices = @transform_8, window_bounds = array<i64: 128, 128>}, {pipeline_mode = #tpu.pipeline_mode<synchronous>, transform_indices = @transform_9, window_bounds = array<i64: 1, 128>}, {pipeline_mode = #tpu.pipeline_mode<synchronous>, transform_indices = @transform_10, window_bounds = array<i64: 1, 128>}, {pipeline_mode = #tpu.pipeline_mode<synchronous>, transform_indices = @transform_11, window_bounds = array<i64: 1, 128>}, {pipeline_mode = #tpu.pipeline_mode<synchronous>, transform_indices = @transform_12, window_bounds = array<i64: 128, 128>}, {pipeline_mode = #tpu.pipeline_mode<synchronous>, transform_indices = @transform_13, window_bounds = array<i64: 1, 128>}, {pipeline_mode = #tpu.pipeline_mode<synchronous>, transform_indices = @transform_14, window_bounds = array<i64: 1, 128>}, {pipeline_mode = #tpu.pipeline_mode<synchronous>, transform_indices = @transform_15, window_bounds = array<i64: 1, 128>}, {pipeline_mode = #tpu.pipeline_mode<synchronous>, transform_indices = @transform_16, window_bounds = array<i64: 128, 128>}, {pipeline_mode = #tpu.pipeline_mode<synchronous>, transform_indices = @transform_17, window_bounds = array<i64: 1, 128>}, {transform_indices = @transform_18, window_bounds = array<i64: 1000, 128>}]} {
    %get3A = arith.constant 0 : index
    %get3A_0 = arith.constant 0 : index
    %get3A_1 = vector.load %arg3[%get3A, %get3A_0] : memref<1x128xf32, #tpu.memory_space<vmem>>, vector<1x128xf32>
    %get3A_2 = arith.constant 0 : index
    %get3A_3 = arith.constant 0 : index
    %get3A_4 = vector.load %arg4[%get3A_2, %get3A_3] : memref<1x128xf32, #tpu.memory_space<vmem>>, vector<1x128xf32>
    %get3A_5 = arith.constant 0 : index
    %get3A_6 = arith.constant 0 : index
    %get3A_7 = vector.load %arg5[%get3A_5, %get3A_6] : memref<128x128xf32, #tpu.memory_space<vmem>>, vector<128x128xf32>
    %get3A_8 = arith.constant 0 : index
    %get3A_9 = arith.constant 0 : index
    %get3A_10 = vector.load %arg6[%get3A_8, %get3A_9] : memref<1x128xf32, #tpu.memory_space<vmem>>, vector<1x128xf32>
    %get3A_11 = arith.constant 0 : index
    %get3A_12 = arith.constant 0 : index
    %get3A_13 = vector.load %arg7[%get3A_11, %get3A_12] : memref<1x128xf32, #tpu.memory_space<vmem>>, vector<1x128xf32>
    %get3A_14 = arith.constant 0 : index
    %get3A_15 = arith.constant 0 : index
    %get3A_16 = vector.load %arg8[%get3A_14, %get3A_15] : memref<1x128xf32, #tpu.memory_space<vmem>>, vector<1x128xf32>
    %get3A_17 = arith.constant 0 : index
    %get3A_18 = arith.constant 0 : index
    %get3A_19 = vector.load %arg9[%get3A_17, %get3A_18] : memref<128x128xf32, #tpu.memory_space<vmem>>, vector<128x128xf32>
    %get3A_20 = arith.constant 0 : index
    %get3A_21 = arith.constant 0 : index
    %get3A_22 = vector.load %arg10[%get3A_20, %get3A_21] : memref<1x128xf32, #tpu.memory_space<vmem>>, vector<1x128xf32>
    %get3A_23 = arith.constant 0 : index
    %get3A_24 = arith.constant 0 : index
    %get3A_25 = vector.load %arg11[%get3A_23, %get3A_24] : memref<1x128xf32, #tpu.memory_space<vmem>>, vector<1x128xf32>
    %get3A_26 = arith.constant 0 : index
    %get3A_27 = arith.constant 0 : index
    %get3A_28 = vector.load %arg12[%get3A_26, %get3A_27] : memref<1x128xf32, #tpu.memory_space<vmem>>, vector<1x128xf32>
    %get3A_29 = arith.constant 0 : index
    %get3A_30 = arith.constant 0 : index
    %get3A_31 = vector.load %arg13[%get3A_29, %get3A_30] : memref<128x128xf32, #tpu.memory_space<vmem>>, vector<128x128xf32>
    %get3A_32 = arith.constant 0 : index
    %get3A_33 = arith.constant 0 : index
    %get3A_34 = vector.load %arg14[%get3A_32, %get3A_33] : memref<1x128xf32, #tpu.memory_space<vmem>>, vector<1x128xf32>
    %get3A_35 = arith.constant 0 : index
    %get3A_36 = arith.constant 0 : index
    %get3A_37 = vector.load %arg15[%get3A_35, %get3A_36] : memref<1x128xf32, #tpu.memory_space<vmem>>, vector<1x128xf32>
    %get3A_38 = arith.constant 0 : index
    %get3A_39 = arith.constant 0 : index
    %get3A_40 = vector.load %arg16[%get3A_38, %get3A_39] : memref<1x128xf32, #tpu.memory_space<vmem>>, vector<1x128xf32>
    %get3A_41 = arith.constant 0 : index
    %get3A_42 = arith.constant 0 : index
    %get3A_43 = vector.load %arg17[%get3A_41, %get3A_42] : memref<128x128xf32, #tpu.memory_space<vmem>>, vector<128x128xf32>
    %get3A_44 = arith.constant 0 : index
    %get3A_45 = arith.constant 0 : index
    %get3A_46 = vector.load %arg18[%get3A_44, %get3A_45] : memref<1x128xf32, #tpu.memory_space<vmem>>, vector<1x128xf32>
    %get3A_47 = arith.constant 0 : index
    %get3A_48 = arith.constant 0 : index
    %get3A_49 = vector.load %arg2[%get3A_47, %get3A_48] : memref<1000x16xf32, #tpu.memory_space<vmem>>, vector<1000x16xf32>
    %slice3A = vector.extract_strided_slice %get3A_49 {offsets = [0, 0], sizes = [1000, 1], strides = [1, 1]} : vector<1000x16xf32> to vector<1000x1xf32>
    %max3A = arith.constant 1.000000e+00 : f32
    %max3A_50 = vector.broadcast %max3A : f32 to vector<1000x1xf32>
    %max3A_51 = arith.maximumf %slice3A, %max3A_50 : vector<1000x1xf32>
    %get3A_52 = arith.constant 0 : index
    %get3A_53 = arith.constant 0 : index
    %get3A_54 = vector.load %arg1[%get3A_52, %get3A_53] : memref<1000x128xf32, #tpu.memory_space<vmem>>, vector<1000x128xf32>
    %div3A = vector.broadcast %max3A_51 : vector<1000x1xf32> to vector<1000x128xf32>
    %div3A_55 = arith.divf %get3A_54, %div3A : vector<1000x128xf32>
    %reduce_sum3A = arith.constant dense<0.000000e+00> : vector<1000xf32>
    %reduce_sum3A_56 = vector.multi_reduction <add>, %div3A_55, %reduce_sum3A [1] : vector<1000x128xf32> to vector<1000xf32>
    %broadcast_in_dim3A = vector.shape_cast %reduce_sum3A_56 : vector<1000xf32> to vector<1000x1xf32>
    %div3A_57 = arith.constant 1.280000e+02 : f32
    %div3A_58 = vector.broadcast %div3A_57 : f32 to vector<1000x1xf32>
    %div3A_59 = arith.divf %broadcast_in_dim3A, %div3A_58 : vector<1000x1xf32>
    %sub3A = vector.broadcast %div3A_59 : vector<1000x1xf32> to vector<1000x128xf32>
    %sub3A_60 = arith.subf %div3A_55, %sub3A : vector<1000x128xf32>
    %integer_pow3A = arith.mulf %sub3A_60, %sub3A_60 : vector<1000x128xf32>
    %reduce_sum3A_61 = arith.constant dense<0.000000e+00> : vector<1000xf32>
    %reduce_sum3A_62 = vector.multi_reduction <add>, %integer_pow3A, %reduce_sum3A_61 [1] : vector<1000x128xf32> to vector<1000xf32>
    %broadcast_in_dim3A_63 = vector.shape_cast %reduce_sum3A_62 : vector<1000xf32> to vector<1000x1xf32>
    %div3A_64 = arith.constant 1.280000e+02 : f32
    %div3A_65 = vector.broadcast %div3A_64 : f32 to vector<1000x1xf32>
    %div3A_66 = arith.divf %broadcast_in_dim3A_63, %div3A_65 : vector<1000x1xf32>
    %sub3A_67 = vector.broadcast %div3A_59 : vector<1000x1xf32> to vector<1000x128xf32>
    %sub3A_68 = arith.subf %div3A_55, %sub3A_67 : vector<1000x128xf32>
    %add3A = arith.constant 9.99999974E-6 : f32
    %add3A_69 = vector.broadcast %add3A : f32 to vector<1000x1xf32>
    %add3A_70 = arith.addf %div3A_66, %add3A_69 : vector<1000x1xf32>
    %rsqrt3A = math.rsqrt %add3A_70 : vector<1000x1xf32>
    %mul3A = vector.broadcast %rsqrt3A : vector<1000x1xf32> to vector<1000x128xf32>
    %mul3A_71 = arith.mulf %sub3A_68, %mul3A : vector<1000x128xf32>
    %mul3A_72 = vector.broadcast %get3A_1 : vector<1x128xf32> to vector<1000x128xf32>
    %mul3A_73 = arith.mulf %mul3A_71, %mul3A_72 : vector<1000x128xf32>
    %add3A_74 = vector.broadcast %get3A_4 : vector<1x128xf32> to vector<1000x128xf32>
    %add3A_75 = arith.addf %mul3A_73, %add3A_74 : vector<1000x128xf32>
    %dot_general3A = arith.constant dense<0.000000e+00> : vector<1000x128xf32>
    %dot_general3A_76 = tpu.matmul %add3A_75, %get3A_7, %dot_general3A {dimension_numbers = #tpu.dot_dimension_numbers<[1], [0], [0], [1], [0, 0, 1, 1], [], []>, transpose_lhs_hint = false} : vector<1000x128xf32>, vector<128x128xf32>, vector<1000x128xf32> -> vector<1000x128xf32>
    %add3A_77 = vector.broadcast %get3A_10 : vector<1x128xf32> to vector<1000x128xf32>
    %add3A_78 = arith.addf %dot_general3A_76, %add3A_77 : vector<1000x128xf32>
    %max3A_79 = arith.constant 0.000000e+00 : f32
    %max3A_80 = vector.broadcast %max3A_79 : f32 to vector<1000x128xf32>
    %max3A_81 = arith.maximumf %add3A_78, %max3A_80 : vector<1000x128xf32>
    %reduce_sum3A_82 = arith.constant dense<0.000000e+00> : vector<1000xf32>
    %reduce_sum3A_83 = vector.multi_reduction <add>, %max3A_81, %reduce_sum3A_82 [1] : vector<1000x128xf32> to vector<1000xf32>
    %broadcast_in_dim3A_84 = vector.shape_cast %reduce_sum3A_83 : vector<1000xf32> to vector<1000x1xf32>
    %div3A_85 = arith.constant 1.280000e+02 : f32
    %div3A_86 = vector.broadcast %div3A_85 : f32 to vector<1000x1xf32>
    %div3A_87 = arith.divf %broadcast_in_dim3A_84, %div3A_86 : vector<1000x1xf32>
    %sub3A_88 = vector.broadcast %div3A_87 : vector<1000x1xf32> to vector<1000x128xf32>
    %sub3A_89 = arith.subf %max3A_81, %sub3A_88 : vector<1000x128xf32>
    %integer_pow3A_90 = arith.mulf %sub3A_89, %sub3A_89 : vector<1000x128xf32>
    %reduce_sum3A_91 = arith.constant dense<0.000000e+00> : vector<1000xf32>
    %reduce_sum3A_92 = vector.multi_reduction <add>, %integer_pow3A_90, %reduce_sum3A_91 [1] : vector<1000x128xf32> to vector<1000xf32>
    %broadcast_in_dim3A_93 = vector.shape_cast %reduce_sum3A_92 : vector<1000xf32> to vector<1000x1xf32>
    %div3A_94 = arith.constant 1.280000e+02 : f32
    %div3A_95 = vector.broadcast %div3A_94 : f32 to vector<1000x1xf32>
    %div3A_96 = arith.divf %broadcast_in_dim3A_93, %div3A_95 : vector<1000x1xf32>
    %sub3A_97 = vector.broadcast %div3A_87 : vector<1000x1xf32> to vector<1000x128xf32>
    %sub3A_98 = arith.subf %max3A_81, %sub3A_97 : vector<1000x128xf32>
    %add3A_99 = arith.constant 9.99999974E-6 : f32
    %add3A_100 = vector.broadcast %add3A_99 : f32 to vector<1000x1xf32>
    %add3A_101 = arith.addf %div3A_96, %add3A_100 : vector<1000x1xf32>
    %rsqrt3A_102 = math.rsqrt %add3A_101 : vector<1000x1xf32>
    %mul3A_103 = vector.broadcast %rsqrt3A_102 : vector<1000x1xf32> to vector<1000x128xf32>
    %mul3A_104 = arith.mulf %sub3A_98, %mul3A_103 : vector<1000x128xf32>
    %mul3A_105 = vector.broadcast %get3A_13 : vector<1x128xf32> to vector<1000x128xf32>
    %mul3A_106 = arith.mulf %mul3A_104, %mul3A_105 : vector<1000x128xf32>
    %add3A_107 = vector.broadcast %get3A_16 : vector<1x128xf32> to vector<1000x128xf32>
    %add3A_108 = arith.addf %mul3A_106, %add3A_107 : vector<1000x128xf32>
    %dot_general3A_109 = arith.constant dense<0.000000e+00> : vector<1000x128xf32>
    %dot_general3A_110 = tpu.matmul %add3A_108, %get3A_19, %dot_general3A_109 {dimension_numbers = #tpu.dot_dimension_numbers<[1], [0], [0], [1], [0, 0, 1, 1], [], []>, transpose_lhs_hint = false} : vector<1000x128xf32>, vector<128x128xf32>, vector<1000x128xf32> -> vector<1000x128xf32>
    %add3A_111 = vector.broadcast %get3A_22 : vector<1x128xf32> to vector<1000x128xf32>
    %add3A_112 = arith.addf %dot_general3A_110, %add3A_111 : vector<1000x128xf32>
    %max3A_113 = arith.constant 0.000000e+00 : f32
    %max3A_114 = vector.broadcast %max3A_113 : f32 to vector<1000x128xf32>
    %max3A_115 = arith.maximumf %add3A_112, %max3A_114 : vector<1000x128xf32>
    %reduce_sum3A_116 = arith.constant dense<0.000000e+00> : vector<1000xf32>
    %reduce_sum3A_117 = vector.multi_reduction <add>, %max3A_115, %reduce_sum3A_116 [1] : vector<1000x128xf32> to vector<1000xf32>
    %broadcast_in_dim3A_118 = vector.shape_cast %reduce_sum3A_117 : vector<1000xf32> to vector<1000x1xf32>
    %div3A_119 = arith.constant 1.280000e+02 : f32
    %div3A_120 = vector.broadcast %div3A_119 : f32 to vector<1000x1xf32>
    %div3A_121 = arith.divf %broadcast_in_dim3A_118, %div3A_120 : vector<1000x1xf32>
    %sub3A_122 = vector.broadcast %div3A_121 : vector<1000x1xf32> to vector<1000x128xf32>
    %sub3A_123 = arith.subf %max3A_115, %sub3A_122 : vector<1000x128xf32>
    %integer_pow3A_124 = arith.mulf %sub3A_123, %sub3A_123 : vector<1000x128xf32>
    %reduce_sum3A_125 = arith.constant dense<0.000000e+00> : vector<1000xf32>
    %reduce_sum3A_126 = vector.multi_reduction <add>, %integer_pow3A_124, %reduce_sum3A_125 [1] : vector<1000x128xf32> to vector<1000xf32>
    %broadcast_in_dim3A_127 = vector.shape_cast %reduce_sum3A_126 : vector<1000xf32> to vector<1000x1xf32>
    %div3A_128 = arith.constant 1.280000e+02 : f32
    %div3A_129 = vector.broadcast %div3A_128 : f32 to vector<1000x1xf32>
    %div3A_130 = arith.divf %broadcast_in_dim3A_127, %div3A_129 : vector<1000x1xf32>
    %sub3A_131 = vector.broadcast %div3A_121 : vector<1000x1xf32> to vector<1000x128xf32>
    %sub3A_132 = arith.subf %max3A_115, %sub3A_131 : vector<1000x128xf32>
    %add3A_133 = arith.constant 9.99999974E-6 : f32
    %add3A_134 = vector.broadcast %add3A_133 : f32 to vector<1000x1xf32>
    %add3A_135 = arith.addf %div3A_130, %add3A_134 : vector<1000x1xf32>
    %rsqrt3A_136 = math.rsqrt %add3A_135 : vector<1000x1xf32>
    %mul3A_137 = vector.broadcast %rsqrt3A_136 : vector<1000x1xf32> to vector<1000x128xf32>
    %mul3A_138 = arith.mulf %sub3A_132, %mul3A_137 : vector<1000x128xf32>
    %mul3A_139 = vector.broadcast %get3A_25 : vector<1x128xf32> to vector<1000x128xf32>
    %mul3A_140 = arith.mulf %mul3A_138, %mul3A_139 : vector<1000x128xf32>
    %add3A_141 = vector.broadcast %get3A_28 : vector<1x128xf32> to vector<1000x128xf32>
    %add3A_142 = arith.addf %mul3A_140, %add3A_141 : vector<1000x128xf32>
    %dot_general3A_143 = arith.constant dense<0.000000e+00> : vector<1000x128xf32>
    %dot_general3A_144 = tpu.matmul %add3A_142, %get3A_31, %dot_general3A_143 {dimension_numbers = #tpu.dot_dimension_numbers<[1], [0], [0], [1], [0, 0, 1, 1], [], []>, transpose_lhs_hint = false} : vector<1000x128xf32>, vector<128x128xf32>, vector<1000x128xf32> -> vector<1000x128xf32>
    %add3A_145 = vector.broadcast %get3A_34 : vector<1x128xf32> to vector<1000x128xf32>
    %add3A_146 = arith.addf %dot_general3A_144, %add3A_145 : vector<1000x128xf32>
    %max3A_147 = arith.constant 0.000000e+00 : f32
    %max3A_148 = vector.broadcast %max3A_147 : f32 to vector<1000x128xf32>
    %max3A_149 = arith.maximumf %add3A_146, %max3A_148 : vector<1000x128xf32>
    %reduce_sum3A_150 = arith.constant dense<0.000000e+00> : vector<1000xf32>
    %reduce_sum3A_151 = vector.multi_reduction <add>, %max3A_149, %reduce_sum3A_150 [1] : vector<1000x128xf32> to vector<1000xf32>
    %broadcast_in_dim3A_152 = vector.shape_cast %reduce_sum3A_151 : vector<1000xf32> to vector<1000x1xf32>
    %div3A_153 = arith.constant 1.280000e+02 : f32
    %div3A_154 = vector.broadcast %div3A_153 : f32 to vector<1000x1xf32>
    %div3A_155 = arith.divf %broadcast_in_dim3A_152, %div3A_154 : vector<1000x1xf32>
    %sub3A_156 = vector.broadcast %div3A_155 : vector<1000x1xf32> to vector<1000x128xf32>
    %sub3A_157 = arith.subf %max3A_149, %sub3A_156 : vector<1000x128xf32>
    %integer_pow3A_158 = arith.mulf %sub3A_157, %sub3A_157 : vector<1000x128xf32>
    %reduce_sum3A_159 = arith.constant dense<0.000000e+00> : vector<1000xf32>
    %reduce_sum3A_160 = vector.multi_reduction <add>, %integer_pow3A_158, %reduce_sum3A_159 [1] : vector<1000x128xf32> to vector<1000xf32>
    %broadcast_in_dim3A_161 = vector.shape_cast %reduce_sum3A_160 : vector<1000xf32> to vector<1000x1xf32>
    %div3A_162 = arith.constant 1.280000e+02 : f32
    %div3A_163 = vector.broadcast %div3A_162 : f32 to vector<1000x1xf32>
    %div3A_164 = arith.divf %broadcast_in_dim3A_161, %div3A_163 : vector<1000x1xf32>
    %sub3A_165 = vector.broadcast %div3A_155 : vector<1000x1xf32> to vector<1000x128xf32>
    %sub3A_166 = arith.subf %max3A_149, %sub3A_165 : vector<1000x128xf32>
    %add3A_167 = arith.constant 9.99999974E-6 : f32
    %add3A_168 = vector.broadcast %add3A_167 : f32 to vector<1000x1xf32>
    %add3A_169 = arith.addf %div3A_164, %add3A_168 : vector<1000x1xf32>
    %rsqrt3A_170 = math.rsqrt %add3A_169 : vector<1000x1xf32>
    %mul3A_171 = vector.broadcast %rsqrt3A_170 : vector<1000x1xf32> to vector<1000x128xf32>
    %mul3A_172 = arith.mulf %sub3A_166, %mul3A_171 : vector<1000x128xf32>
    %mul3A_173 = vector.broadcast %get3A_37 : vector<1x128xf32> to vector<1000x128xf32>
    %mul3A_174 = arith.mulf %mul3A_172, %mul3A_173 : vector<1000x128xf32>
    %add3A_175 = vector.broadcast %get3A_40 : vector<1x128xf32> to vector<1000x128xf32>
    %add3A_176 = arith.addf %mul3A_174, %add3A_175 : vector<1000x128xf32>
    %dot_general3A_177 = arith.constant dense<0.000000e+00> : vector<1000x128xf32>
    %dot_general3A_178 = tpu.matmul %add3A_176, %get3A_43, %dot_general3A_177 {dimension_numbers = #tpu.dot_dimension_numbers<[1], [0], [0], [1], [0, 0, 1, 1], [], []>, transpose_lhs_hint = false} : vector<1000x128xf32>, vector<128x128xf32>, vector<1000x128xf32> -> vector<1000x128xf32>
    %add3A_179 = vector.broadcast %get3A_46 : vector<1x128xf32> to vector<1000x128xf32>
    %add3A_180 = arith.addf %dot_general3A_178, %add3A_179 : vector<1000x128xf32>
    %max3A_181 = arith.constant 0.000000e+00 : f32
    %max3A_182 = vector.broadcast %max3A_181 : f32 to vector<1000x128xf32>
    %max3A_183 = arith.maximumf %add3A_180, %max3A_182 : vector<1000x128xf32>
    %swap3A = arith.constant 0 : index
    %swap3A_184 = arith.constant 0 : index
    %swap3A_185 = vector.load %arg19[%swap3A, %swap3A_184] : memref<1000x128xf32, #tpu.memory_space<vmem>>, vector<1000x128xf32>
    tpu.vector_store %arg19[%swap3A, %swap3A_184], %max3A_183 {strides = array<i32>} : memref<1000x128xf32, #tpu.memory_space<vmem>>, vector<1000x128xf32>,
    return
  }
  func.func @transform_0(%arg0: i32) -> (i32, i32) {
    %c0_i32 = arith.constant 0 : i32
    %c0_i32_0 = arith.constant 0 : i32
    return %arg0, %c0_i32 : i32, i32
  }
  func.func @transform_1(%arg0: i32) -> (i32, i32) {
    %c0_i32 = arith.constant 0 : i32
    %c0_i32_0 = arith.constant 0 : i32
    return %arg0, %c0_i32 : i32, i32
  }
  func.func @transform_2(%arg0: i32) -> (i32, i32) {
    %c0_i32 = arith.constant 0 : i32
    %c0_i32_0 = arith.constant 0 : i32
    %c0_i32_1 = arith.constant 0 : i32
    return %c0_i32, %c0_i32_0 : i32, i32
  }
  func.func @transform_3(%arg0: i32) -> (i32, i32) {
    %c0_i32 = arith.constant 0 : i32
    %c0_i32_0 = arith.constant 0 : i32
    %c0_i32_1 = arith.constant 0 : i32
    return %c0_i32, %c0_i32_0 : i32, i32
  }
  func.func @transform_4(%arg0: i32) -> (i32, i32) {
    %c0_i32 = arith.constant 0 : i32
    %c0_i32_0 = arith.constant 0 : i32
    %c0_i32_1 = arith.constant 0 : i32
    return %c0_i32, %c0_i32_0 : i32, i32
  }
  func.func @transform_5(%arg0: i32) -> (i32, i32) {
    %c0_i32 = arith.constant 0 : i32
    %c0_i32_0 = arith.constant 0 : i32
    %c0_i32_1 = arith.constant 0 : i32
    return %c0_i32, %c0_i32_0 : i32, i32
  }
  func.func @transform_6(%arg0: i32) -> (i32, i32) {
    %c0_i32 = arith.constant 0 : i32
    %c0_i32_0 = arith.constant 0 : i32
    %c0_i32_1 = arith.constant 0 : i32
    return %c0_i32, %c0_i32_0 : i32, i32
  }
  func.func @transform_7(%arg0: i32) -> (i32, i32) {
    %c0_i32 = arith.constant 0 : i32
    %c0_i32_0 = arith.constant 0 : i32
    %c0_i32_1 = arith.constant 0 : i32
    return %c0_i32, %c0_i32_0 : i32, i32
  }
  func.func @transform_8(%arg0: i32) -> (i32, i32) {
    %c0_i32 = arith.constant 0 : i32
    %c0_i32_0 = arith.constant 0 : i32
    %c0_i32_1 = arith.constant 0 : i32
    return %c0_i32, %c0_i32_0 : i32, i32
  }
  func.func @transform_9(%arg0: i32) -> (i32, i32) {
    %c0_i32 = arith.constant 0 : i32
    %c0_i32_0 = arith.constant 0 : i32
    %c0_i32_1 = arith.constant 0 : i32
    return %c0_i32, %c0_i32_0 : i32, i32
  }
  func.func @transform_10(%arg0: i32) -> (i32, i32) {
    %c0_i32 = arith.constant 0 : i32
    %c0_i32_0 = arith.constant 0 : i32
    %c0_i32_1 = arith.constant 0 : i32
    return %c0_i32, %c0_i32_0 : i32, i32
  }
  func.func @transform_11(%arg0: i32) -> (i32, i32) {
    %c0_i32 = arith.constant 0 : i32
    %c0_i32_0 = arith.constant 0 : i32
    %c0_i32_1 = arith.constant 0 : i32
    return %c0_i32, %c0_i32_0 : i32, i32
  }
  func.func @transform_12(%arg0: i32) -> (i32, i32) {
    %c0_i32 = arith.constant 0 : i32
    %c0_i32_0 = arith.constant 0 : i32
    %c0_i32_1 = arith.constant 0 : i32
    return %c0_i32, %c0_i32_0 : i32, i32
  }
  func.func @transform_13(%arg0: i32) -> (i32, i32) {
    %c0_i32 = arith.constant 0 : i32
    %c0_i32_0 = arith.constant 0 : i32
    %c0_i32_1 = arith.constant 0 : i32
    return %c0_i32, %c0_i32_0 : i32, i32
  }
  func.func @transform_14(%arg0: i32) -> (i32, i32) {
    %c0_i32 = arith.constant 0 : i32
    %c0_i32_0 = arith.constant 0 : i32
    %c0_i32_1 = arith.constant 0 : i32
    return %c0_i32, %c0_i32_0 : i32, i32
  }
  func.func @transform_15(%arg0: i32) -> (i32, i32) {
    %c0_i32 = arith.constant 0 : i32
    %c0_i32_0 = arith.constant 0 : i32
    %c0_i32_1 = arith.constant 0 : i32
    return %c0_i32, %c0_i32_0 : i32, i32
  }
  func.func @transform_16(%arg0: i32) -> (i32, i32) {
    %c0_i32 = arith.constant 0 : i32
    %c0_i32_0 = arith.constant 0 : i32
    %c0_i32_1 = arith.constant 0 : i32
    return %c0_i32, %c0_i32_0 : i32, i32
  }
  func.func @transform_17(%arg0: i32) -> (i32, i32) {
    %c0_i32 = arith.constant 0 : i32
    %c0_i32_0 = arith.constant 0 : i32
    %c0_i32_1 = arith.constant 0 : i32
    return %c0_i32, %c0_i32_0 : i32, i32
  }
  func.func @transform_18(%arg0: i32) -> (i32, i32) {
    %c0_i32 = arith.constant 0 : i32
    %c0_i32_0 = arith.constant 0 : i32
    return %arg0, %c0_i32 : i32, i32
  }
}

module attributes {stable_mosaic.version = 14 : i64} {
  func.func @body(%arg0: i32, %arg1: memref<1000x128xf32, #tpu.memory_space<vmem>>, %arg2: memref<1000x128xf32, #tpu.memory_space<vmem>>, %arg3: memref<1000x16xf32, #tpu.memory_space<vmem>>, %arg4: memref<1000x16xf32, #tpu.memory_space<vmem>>, %arg5: memref<1x128xf32, #tpu.memory_space<vmem>>, %arg6: memref<1x128xf32, #tpu.memory_space<vmem>>, %arg7: memref<128x128xf32, #tpu.memory_space<vmem>>, %arg8: memref<1x128xf32, #tpu.memory_space<vmem>>, %arg9: memref<1x128xf32, #tpu.memory_space<vmem>>, %arg10: memref<1x128xf32, #tpu.memory_space<vmem>>, %arg11: memref<128x128xf32, #tpu.memory_space<vmem>>, %arg12: memref<1x128xf32, #tpu.memory_space<vmem>>, %arg13: memref<128x128xf32, #tpu.memory_space<vmem>>, %arg14: memref<1x128xf32, #tpu.memory_space<vmem>>, %arg15: memref<1x128xf32, #tpu.memory_space<vmem>>, %arg16: memref<1x128xf32, #tpu.memory_space<vmem>>, %arg17: memref<128x128xf32, #tpu.memory_space<vmem>>, %arg18: memref<1x128xf32, #tpu.memory_space<vmem>>, %arg19: memref<1000x128xf32, #tpu.memory_space<vmem>>) attributes {dimension_semantics = [#tpu.dimension_semantics<arbitrary>], iteration_bounds = array<i64: 10>, scalar_prefetch = 0 : i64, scratch_operands = 0 : i64, tpu.core_type = #tpu.core_type<tc>, window_params = [{transform_indices = @transform_0, window_bounds = array<i64: 1000, 128>}, {transform_indices = @transform_1, window_bounds = array<i64: 1000, 128>}, {transform_indices = @transform_2, window_bounds = array<i64: 1000, 16>}, {transform_indices = @transform_3, window_bounds = array<i64: 1000, 16>}, {pipeline_mode = #tpu.pipeline_mode<synchronous>, transform_indices = @transform_4, window_bounds = array<i64: 1, 128>}, {pipeline_mode = #tpu.pipeline_mode<synchronous>, transform_indices = @transform_5, window_bounds = array<i64: 1, 128>}, {pipeline_mode = #tpu.pipeline_mode<synchronous>, transform_indices = @transform_6, window_bounds = array<i64: 128, 128>}, {pipeline_mode = #tpu.pipeline_mode<synchronous>, transform_indices = @transform_7, window_bounds = array<i64: 1, 128>}, {pipeline_mode = #tpu.pipeline_mode<synchronous>, transform_indices = @transform_8, window_bounds = array<i64: 1, 128>}, {pipeline_mode = #tpu.pipeline_mode<synchronous>, transform_indices = @transform_9, window_bounds = array<i64: 1, 128>}, {pipeline_mode = #tpu.pipeline_mode<synchronous>, transform_indices = @transform_10, window_bounds = array<i64: 128, 128>}, {pipeline_mode = #tpu.pipeline_mode<synchronous>, transform_indices = @transform_11, window_bounds = array<i64: 1, 128>}, {pipeline_mode = #tpu.pipeline_mode<synchronous>, transform_indices = @transform_12, window_bounds = array<i64: 128, 128>}, {pipeline_mode = #tpu.pipeline_mode<synchronous>, transform_indices = @transform_13, window_bounds = array<i64: 1, 128>}, {pipeline_mode = #tpu.pipeline_mode<synchronous>, transform_indices = @transform_14, window_bounds = array<i64: 1, 128>}, {pipeline_mode = #tpu.pipeline_mode<synchronous>, transform_indices = @transform_15, window_bounds = array<i64: 1, 128>}, {pipeline_mode = #tpu.pipeline_mode<synchronous>, transform_indices = @transform_16, window_bounds = array<i64: 128, 128>}, {pipeline_mode = #tpu.pipeline_mode<synchronous>, transform_indices = @transform_17, window_bounds = array<i64: 1, 128>}, {transform_indices = @transform_18, window_bounds = array<i64: 1000, 128>}]} {
    %get3A = arith.constant 0 : index
    %get3A_0 = arith.constant 0 : index
    %get3A_1 = vector.load %arg5[%get3A, %get3A_0] : memref<1x128xf32, #tpu.memory_space<vmem>>, vector<1x128xf32>
    %get3A_2 = arith.constant 0 : index
    %get3A_3 = arith.constant 0 : index
    %get3A_4 = vector.load %arg6[%get3A_2, %get3A_3] : memref<1x128xf32, #tpu.memory_space<vmem>>, vector<1x128xf32>
    %get3A_5 = arith.constant 0 : index
    %get3A_6 = arith.constant 0 : index
    %get3A_7 = vector.load %arg7[%get3A_5, %get3A_6] : memref<128x128xf32, #tpu.memory_space<vmem>>, vector<128x128xf32>
    %get3A_8 = arith.constant 0 : index
    %get3A_9 = arith.constant 0 : index
    %get3A_10 = vector.load %arg8[%get3A_8, %get3A_9] : memref<1x128xf32, #tpu.memory_space<vmem>>, vector<1x128xf32>
    %get3A_11 = arith.constant 0 : index
    %get3A_12 = arith.constant 0 : index
    %get3A_13 = vector.load %arg9[%get3A_11, %get3A_12] : memref<1x128xf32, #tpu.memory_space<vmem>>, vector<1x128xf32>
    %get3A_14 = arith.constant 0 : index
    %get3A_15 = arith.constant 0 : index
    %get3A_16 = vector.load %arg10[%get3A_14, %get3A_15] : memref<1x128xf32, #tpu.memory_space<vmem>>, vector<1x128xf32>
    %get3A_17 = arith.constant 0 : index
    %get3A_18 = arith.constant 0 : index
    %get3A_19 = vector.load %arg11[%get3A_17, %get3A_18] : memref<128x128xf32, #tpu.memory_space<vmem>>, vector<128x128xf32>
    %get3A_20 = arith.constant 0 : index
    %get3A_21 = arith.constant 0 : index
    %get3A_22 = vector.load %arg12[%get3A_20, %get3A_21] : memref<1x128xf32, #tpu.memory_space<vmem>>, vector<1x128xf32>
    %get3A_23 = arith.constant 0 : index
    %get3A_24 = arith.constant 0 : index
    %get3A_25 = vector.load %arg13[%get3A_23, %get3A_24] : memref<128x128xf32, #tpu.memory_space<vmem>>, vector<128x128xf32>
    %get3A_26 = arith.constant 0 : index
    %get3A_27 = arith.constant 0 : index
    %get3A_28 = vector.load %arg14[%get3A_26, %get3A_27] : memref<1x128xf32, #tpu.memory_space<vmem>>, vector<1x128xf32>
    %get3A_29 = arith.constant 0 : index
    %get3A_30 = arith.constant 0 : index
    %get3A_31 = vector.load %arg15[%get3A_29, %get3A_30] : memref<1x128xf32, #tpu.memory_space<vmem>>, vector<1x128xf32>
    %get3A_32 = arith.constant 0 : index
    %get3A_33 = arith.constant 0 : index
    %get3A_34 = vector.load %arg16[%get3A_32, %get3A_33] : memref<1x128xf32, #tpu.memory_space<vmem>>, vector<1x128xf32>
    %get3A_35 = arith.constant 0 : index
    %get3A_36 = arith.constant 0 : index
    %get3A_37 = vector.load %arg17[%get3A_35, %get3A_36] : memref<128x128xf32, #tpu.memory_space<vmem>>, vector<128x128xf32>
    %get3A_38 = arith.constant 0 : index
    %get3A_39 = arith.constant 0 : index
    %get3A_40 = vector.load %arg18[%get3A_38, %get3A_39] : memref<1x128xf32, #tpu.memory_space<vmem>>, vector<1x128xf32>
    %get3A_41 = arith.constant 0 : index
    %get3A_42 = arith.constant 0 : index
    %get3A_43 = vector.load %arg3[%get3A_41, %get3A_42] : memref<1000x16xf32, #tpu.memory_space<vmem>>, vector<1000x16xf32>
    %slice3A = vector.extract_strided_slice %get3A_43 {offsets = [0, 0], sizes = [1000, 1], strides = [1, 1]} : vector<1000x16xf32> to vector<1000x1xf32>
    %get3A_44 = arith.constant 0 : index
    %get3A_45 = arith.constant 0 : index
    %get3A_46 = vector.load %arg4[%get3A_44, %get3A_45] : memref<1000x16xf32, #tpu.memory_space<vmem>>, vector<1000x16xf32>
    %slice3A_47 = vector.extract_strided_slice %get3A_46 {offsets = [0, 0], sizes = [1000, 1], strides = [1, 1]} : vector<1000x16xf32> to vector<1000x1xf32>
    %add3A = arith.addf %slice3A, %slice3A_47 : vector<1000x1xf32>
    %max3A = arith.constant 1.000000e+00 : f32
    %max3A_48 = vector.broadcast %max3A : f32 to vector<1000x1xf32>
    %max3A_49 = arith.maximumf %add3A, %max3A_48 : vector<1000x1xf32>
    %get3A_50 = arith.constant 0 : index
    %get3A_51 = arith.constant 0 : index
    %get3A_52 = vector.load %arg1[%get3A_50, %get3A_51] : memref<1000x128xf32, #tpu.memory_space<vmem>>, vector<1000x128xf32>
    %get3A_53 = arith.constant 0 : index
    %get3A_54 = arith.constant 0 : index
    %get3A_55 = vector.load %arg2[%get3A_53, %get3A_54] : memref<1000x128xf32, #tpu.memory_space<vmem>>, vector<1000x128xf32>
    %add3A_56 = arith.addf %get3A_52, %get3A_55 : vector<1000x128xf32>
    %div3A = vector.broadcast %max3A_49 : vector<1000x1xf32> to vector<1000x128xf32>
    %div3A_57 = arith.divf %add3A_56, %div3A : vector<1000x128xf32>
    %reduce_sum3A = arith.constant dense<0.000000e+00> : vector<1000xf32>
    %reduce_sum3A_58 = vector.multi_reduction <add>, %div3A_57, %reduce_sum3A [1] : vector<1000x128xf32> to vector<1000xf32>
    %broadcast_in_dim3A = vector.shape_cast %reduce_sum3A_58 : vector<1000xf32> to vector<1000x1xf32>
    %div3A_59 = arith.constant 1.280000e+02 : f32
    %div3A_60 = vector.broadcast %div3A_59 : f32 to vector<1000x1xf32>
    %div3A_61 = arith.divf %broadcast_in_dim3A, %div3A_60 : vector<1000x1xf32>
    %sub3A = vector.broadcast %div3A_61 : vector<1000x1xf32> to vector<1000x128xf32>
    %sub3A_62 = arith.subf %div3A_57, %sub3A : vector<1000x128xf32>
    %integer_pow3A = arith.mulf %sub3A_62, %sub3A_62 : vector<1000x128xf32>
    %reduce_sum3A_63 = arith.constant dense<0.000000e+00> : vector<1000xf32>
    %reduce_sum3A_64 = vector.multi_reduction <add>, %integer_pow3A, %reduce_sum3A_63 [1] : vector<1000x128xf32> to vector<1000xf32>
    %broadcast_in_dim3A_65 = vector.shape_cast %reduce_sum3A_64 : vector<1000xf32> to vector<1000x1xf32>
    %div3A_66 = arith.constant 1.280000e+02 : f32
    %div3A_67 = vector.broadcast %div3A_66 : f32 to vector<1000x1xf32>
    %div3A_68 = arith.divf %broadcast_in_dim3A_65, %div3A_67 : vector<1000x1xf32>
    %sub3A_69 = vector.broadcast %div3A_61 : vector<1000x1xf32> to vector<1000x128xf32>
    %sub3A_70 = arith.subf %div3A_57, %sub3A_69 : vector<1000x128xf32>
    %add3A_71 = arith.constant 9.99999974E-6 : f32
    %add3A_72 = vector.broadcast %add3A_71 : f32 to vector<1000x1xf32>
    %add3A_73 = arith.addf %div3A_68, %add3A_72 : vector<1000x1xf32>
    %rsqrt3A = math.rsqrt %add3A_73 : vector<1000x1xf32>
    %mul3A = vector.broadcast %rsqrt3A : vector<1000x1xf32> to vector<1000x128xf32>
    %mul3A_74 = arith.mulf %sub3A_70, %mul3A : vector<1000x128xf32>
    %mul3A_75 = vector.broadcast %get3A_1 : vector<1x128xf32> to vector<1000x128xf32>
    %mul3A_76 = arith.mulf %mul3A_74, %mul3A_75 : vector<1000x128xf32>
    %add3A_77 = vector.broadcast %get3A_4 : vector<1x128xf32> to vector<1000x128xf32>
    %add3A_78 = arith.addf %mul3A_76, %add3A_77 : vector<1000x128xf32>
    %dot_general3A = arith.constant dense<0.000000e+00> : vector<1000x128xf32>
    %dot_general3A_79 = tpu.matmul %add3A_78, %get3A_7, %dot_general3A {dimension_numbers = #tpu.dot_dimension_numbers<[1], [0], [0], [1], [0, 0, 1, 1], [], []>, transpose_lhs_hint = false} : vector<1000x128xf32>, vector<128x128xf32>, vector<1000x128xf32> -> vector<1000x128xf32>
    %add3A_80 = vector.broadcast %get3A_10 : vector<1x128xf32> to vector<1000x128xf32>
    %add3A_81 = arith.addf %dot_general3A_79, %add3A_80 : vector<1000x128xf32>
    %max3A_82 = arith.constant 0.000000e+00 : f32
    %max3A_83 = vector.broadcast %max3A_82 : f32 to vector<1000x128xf32>
    %max3A_84 = arith.maximumf %add3A_81, %max3A_83 : vector<1000x128xf32>
    %reduce_sum3A_85 = arith.constant dense<0.000000e+00> : vector<1000xf32>
    %reduce_sum3A_86 = vector.multi_reduction <add>, %max3A_84, %reduce_sum3A_85 [1] : vector<1000x128xf32> to vector<1000xf32>
    %broadcast_in_dim3A_87 = vector.shape_cast %reduce_sum3A_86 : vector<1000xf32> to vector<1000x1xf32>
    %div3A_88 = arith.constant 1.280000e+02 : f32
    %div3A_89 = vector.broadcast %div3A_88 : f32 to vector<1000x1xf32>
    %div3A_90 = arith.divf %broadcast_in_dim3A_87, %div3A_89 : vector<1000x1xf32>
    %sub3A_91 = vector.broadcast %div3A_90 : vector<1000x1xf32> to vector<1000x128xf32>
    %sub3A_92 = arith.subf %max3A_84, %sub3A_91 : vector<1000x128xf32>
    %integer_pow3A_93 = arith.mulf %sub3A_92, %sub3A_92 : vector<1000x128xf32>
    %reduce_sum3A_94 = arith.constant dense<0.000000e+00> : vector<1000xf32>
    %reduce_sum3A_95 = vector.multi_reduction <add>, %integer_pow3A_93, %reduce_sum3A_94 [1] : vector<1000x128xf32> to vector<1000xf32>
    %broadcast_in_dim3A_96 = vector.shape_cast %reduce_sum3A_95 : vector<1000xf32> to vector<1000x1xf32>
    %div3A_97 = arith.constant 1.280000e+02 : f32
    %div3A_98 = vector.broadcast %div3A_97 : f32 to vector<1000x1xf32>
    %div3A_99 = arith.divf %broadcast_in_dim3A_96, %div3A_98 : vector<1000x1xf32>
    %sub3A_100 = vector.broadcast %div3A_90 : vector<1000x1xf32> to vector<1000x128xf32>
    %sub3A_101 = arith.subf %max3A_84, %sub3A_100 : vector<1000x128xf32>
    %add3A_102 = arith.constant 9.99999974E-6 : f32
    %add3A_103 = vector.broadcast %add3A_102 : f32 to vector<1000x1xf32>
    %add3A_104 = arith.addf %div3A_99, %add3A_103 : vector<1000x1xf32>
    %rsqrt3A_105 = math.rsqrt %add3A_104 : vector<1000x1xf32>
    %mul3A_106 = vector.broadcast %rsqrt3A_105 : vector<1000x1xf32> to vector<1000x128xf32>
    %mul3A_107 = arith.mulf %sub3A_101, %mul3A_106 : vector<1000x128xf32>
    %mul3A_108 = vector.broadcast %get3A_13 : vector<1x128xf32> to vector<1000x128xf32>
    %mul3A_109 = arith.mulf %mul3A_107, %mul3A_108 : vector<1000x128xf32>
    %add3A_110 = vector.broadcast %get3A_16 : vector<1x128xf32> to vector<1000x128xf32>
    %add3A_111 = arith.addf %mul3A_109, %add3A_110 : vector<1000x128xf32>
    %dot_general3A_112 = arith.constant dense<0.000000e+00> : vector<1000x128xf32>
    %dot_general3A_113 = tpu.matmul %add3A_111, %get3A_19, %dot_general3A_112 {dimension_numbers = #tpu.dot_dimension_numbers<[1], [0], [0], [1], [0, 0, 1, 1], [], []>, transpose_lhs_hint = false} : vector<1000x128xf32>, vector<128x128xf32>, vector<1000x128xf32> -> vector<1000x128xf32>
    %add3A_114 = vector.broadcast %get3A_22 : vector<1x128xf32> to vector<1000x128xf32>
    %add3A_115 = arith.addf %dot_general3A_113, %add3A_114 : vector<1000x128xf32>
    %max3A_116 = arith.constant 0.000000e+00 : f32
    %max3A_117 = vector.broadcast %max3A_116 : f32 to vector<1000x128xf32>
    %max3A_118 = arith.maximumf %add3A_115, %max3A_117 : vector<1000x128xf32>
    %dot_general3A_119 = arith.constant dense<0.000000e+00> : vector<1000x128xf32>
    %dot_general3A_120 = tpu.matmul %max3A_118, %get3A_25, %dot_general3A_119 {dimension_numbers = #tpu.dot_dimension_numbers<[1], [0], [0], [1], [0, 0, 1, 1], [], []>, transpose_lhs_hint = false} : vector<1000x128xf32>, vector<128x128xf32>, vector<1000x128xf32> -> vector<1000x128xf32>
    %add3A_121 = vector.broadcast %get3A_28 : vector<1x128xf32> to vector<1000x128xf32>
    %add3A_122 = arith.addf %dot_general3A_120, %add3A_121 : vector<1000x128xf32>
    %max3A_123 = arith.constant 0.000000e+00 : f32
    %max3A_124 = vector.broadcast %max3A_123 : f32 to vector<1000x128xf32>
    %max3A_125 = arith.maximumf %add3A_122, %max3A_124 : vector<1000x128xf32>
    %reduce_sum3A_126 = arith.constant dense<0.000000e+00> : vector<1000xf32>
    %reduce_sum3A_127 = vector.multi_reduction <add>, %max3A_125, %reduce_sum3A_126 [1] : vector<1000x128xf32> to vector<1000xf32>
    %broadcast_in_dim3A_128 = vector.shape_cast %reduce_sum3A_127 : vector<1000xf32> to vector<1000x1xf32>
    %div3A_129 = arith.constant 1.280000e+02 : f32
    %div3A_130 = vector.broadcast %div3A_129 : f32 to vector<1000x1xf32>
    %div3A_131 = arith.divf %broadcast_in_dim3A_128, %div3A_130 : vector<1000x1xf32>
    %sub3A_132 = vector.broadcast %div3A_131 : vector<1000x1xf32> to vector<1000x128xf32>
    %sub3A_133 = arith.subf %max3A_125, %sub3A_132 : vector<1000x128xf32>
    %integer_pow3A_134 = arith.mulf %sub3A_133, %sub3A_133 : vector<1000x128xf32>
    %reduce_sum3A_135 = arith.constant dense<0.000000e+00> : vector<1000xf32>
    %reduce_sum3A_136 = vector.multi_reduction <add>, %integer_pow3A_134, %reduce_sum3A_135 [1] : vector<1000x128xf32> to vector<1000xf32>
    %broadcast_in_dim3A_137 = vector.shape_cast %reduce_sum3A_136 : vector<1000xf32> to vector<1000x1xf32>
    %div3A_138 = arith.constant 1.280000e+02 : f32
    %div3A_139 = vector.broadcast %div3A_138 : f32 to vector<1000x1xf32>
    %div3A_140 = arith.divf %broadcast_in_dim3A_137, %div3A_139 : vector<1000x1xf32>
    %sub3A_141 = vector.broadcast %div3A_131 : vector<1000x1xf32> to vector<1000x128xf32>
    %sub3A_142 = arith.subf %max3A_125, %sub3A_141 : vector<1000x128xf32>
    %add3A_143 = arith.constant 9.99999974E-6 : f32
    %add3A_144 = vector.broadcast %add3A_143 : f32 to vector<1000x1xf32>
    %add3A_145 = arith.addf %div3A_140, %add3A_144 : vector<1000x1xf32>
    %rsqrt3A_146 = math.rsqrt %add3A_145 : vector<1000x1xf32>
    %mul3A_147 = vector.broadcast %rsqrt3A_146 : vector<1000x1xf32> to vector<1000x128xf32>
    %mul3A_148 = arith.mulf %sub3A_142, %mul3A_147 : vector<1000x128xf32>
    %mul3A_149 = vector.broadcast %get3A_31 : vector<1x128xf32> to vector<1000x128xf32>
    %mul3A_150 = arith.mulf %mul3A_148, %mul3A_149 : vector<1000x128xf32>
    %add3A_151 = vector.broadcast %get3A_34 : vector<1x128xf32> to vector<1000x128xf32>
    %add3A_152 = arith.addf %mul3A_150, %add3A_151 : vector<1000x128xf32>
    %dot_general3A_153 = arith.constant dense<0.000000e+00> : vector<1000x128xf32>
    %dot_general3A_154 = tpu.matmul %add3A_152, %get3A_37, %dot_general3A_153 {dimension_numbers = #tpu.dot_dimension_numbers<[1], [0], [0], [1], [0, 0, 1, 1], [], []>, transpose_lhs_hint = false} : vector<1000x128xf32>, vector<128x128xf32>, vector<1000x128xf32> -> vector<1000x128xf32>
    %add3A_155 = vector.broadcast %get3A_40 : vector<1x128xf32> to vector<1000x128xf32>
    %add3A_156 = arith.addf %dot_general3A_154, %add3A_155 : vector<1000x128xf32>
    %swap3A = arith.constant 0 : index
    %swap3A_157 = arith.constant 0 : index
    %swap3A_158 = vector.load %arg19[%swap3A, %swap3A_157] : memref<1000x128xf32, #tpu.memory_space<vmem>>, vector<1000x128xf32>
    tpu.vector_store %arg19[%swap3A, %swap3A_157], %add3A_156 {strides = array<i32>} : memref<1000x128xf32, #tpu.memory_space<vmem>>, vector<1000x128xf32>,
    return
  }
  func.func @transform_0(%arg0: i32) -> (i32, i32) {
    %c0_i32 = arith.constant 0 : i32
    %c0_i32_0 = arith.constant 0 : i32
    return %arg0, %c0_i32 : i32, i32
  }
  func.func @transform_1(%arg0: i32) -> (i32, i32) {
    %c0_i32 = arith.constant 0 : i32
    %c0_i32_0 = arith.constant 0 : i32
    return %arg0, %c0_i32 : i32, i32
  }
  func.func @transform_2(%arg0: i32) -> (i32, i32) {
    %c0_i32 = arith.constant 0 : i32
    %c0_i32_0 = arith.constant 0 : i32
    return %arg0, %c0_i32 : i32, i32
  }
  func.func @transform_3(%arg0: i32) -> (i32, i32) {
    %c0_i32 = arith.constant 0 : i32
    %c0_i32_0 = arith.constant 0 : i32
    return %arg0, %c0_i32 : i32, i32
  }
  func.func @transform_4(%arg0: i32) -> (i32, i32) {
    %c0_i32 = arith.constant 0 : i32
    %c0_i32_0 = arith.constant 0 : i32
    %c0_i32_1 = arith.constant 0 : i32
    return %c0_i32, %c0_i32_0 : i32, i32
  }
  func.func @transform_5(%arg0: i32) -> (i32, i32) {
    %c0_i32 = arith.constant 0 : i32
    %c0_i32_0 = arith.constant 0 : i32
    %c0_i32_1 = arith.constant 0 : i32
    return %c0_i32, %c0_i32_0 : i32, i32
  }
  func.func @transform_6(%arg0: i32) -> (i32, i32) {
    %c0_i32 = arith.constant 0 : i32
    %c0_i32_0 = arith.constant 0 : i32
    %c0_i32_1 = arith.constant 0 : i32
    return %c0_i32, %c0_i32_0 : i32, i32
  }
  func.func @transform_7(%arg0: i32) -> (i32, i32) {
    %c0_i32 = arith.constant 0 : i32
    %c0_i32_0 = arith.constant 0 : i32
    %c0_i32_1 = arith.constant 0 : i32
    return %c0_i32, %c0_i32_0 : i32, i32
  }
  func.func @transform_8(%arg0: i32) -> (i32, i32) {
    %c0_i32 = arith.constant 0 : i32
    %c0_i32_0 = arith.constant 0 : i32
    %c0_i32_1 = arith.constant 0 : i32
    return %c0_i32, %c0_i32_0 : i32, i32
  }
  func.func @transform_9(%arg0: i32) -> (i32, i32) {
    %c0_i32 = arith.constant 0 : i32
    %c0_i32_0 = arith.constant 0 : i32
    %c0_i32_1 = arith.constant 0 : i32
    return %c0_i32, %c0_i32_0 : i32, i32
  }
  func.func @transform_10(%arg0: i32) -> (i32, i32) {
    %c0_i32 = arith.constant 0 : i32
    %c0_i32_0 = arith.constant 0 : i32
    %c0_i32_1 = arith.constant 0 : i32
    return %c0_i32, %c0_i32_0 : i32, i32
  }
  func.func @transform_11(%arg0: i32) -> (i32, i32) {
    %c0_i32 = arith.constant 0 : i32
    %c0_i32_0 = arith.constant 0 : i32
    %c0_i32_1 = arith.constant 0 : i32
    return %c0_i32, %c0_i32_0 : i32, i32
  }
  func.func @transform_12(%arg0: i32) -> (i32, i32) {
    %c0_i32 = arith.constant 0 : i32
    %c0_i32_0 = arith.constant 0 : i32
    %c0_i32_1 = arith.constant 0 : i32
    return %c0_i32, %c0_i32_0 : i32, i32
  }
  func.func @transform_13(%arg0: i32) -> (i32, i32) {
    %c0_i32 = arith.constant 0 : i32
    %c0_i32_0 = arith.constant 0 : i32
    %c0_i32_1 = arith.constant 0 : i32
    return %c0_i32, %c0_i32_0 : i32, i32
  }
  func.func @transform_14(%arg0: i32) -> (i32, i32) {
    %c0_i32 = arith.constant 0 : i32
    %c0_i32_0 = arith.constant 0 : i32
    %c0_i32_1 = arith.constant 0 : i32
    return %c0_i32, %c0_i32_0 : i32, i32
  }
  func.func @transform_15(%arg0: i32) -> (i32, i32) {
    %c0_i32 = arith.constant 0 : i32
    %c0_i32_0 = arith.constant 0 : i32
    %c0_i32_1 = arith.constant 0 : i32
    return %c0_i32, %c0_i32_0 : i32, i32
  }
  func.func @transform_16(%arg0: i32) -> (i32, i32) {
    %c0_i32 = arith.constant 0 : i32
    %c0_i32_0 = arith.constant 0 : i32
    %c0_i32_1 = arith.constant 0 : i32
    return %c0_i32, %c0_i32_0 : i32, i32
  }
  func.func @transform_17(%arg0: i32) -> (i32, i32) {
    %c0_i32 = arith.constant 0 : i32
    %c0_i32_0 = arith.constant 0 : i32
    %c0_i32_1 = arith.constant 0 : i32
    return %c0_i32, %c0_i32_0 : i32, i32
  }
  func.func @transform_18(%arg0: i32) -> (i32, i32) {
    %c0_i32 = arith.constant 0 : i32
    %c0_i32_0 = arith.constant 0 : i32
    return %arg0, %c0_i32 : i32, i32
  }
}

</mosaic_0001>

<sc_bundles>
// kernel: kernel.11.cloned.1.call-start
scs
__scs_entry_jumppad:
0x0: {  	(pc) =	sbr.rel $0x88, $3  }
0x1: {  	(tag) =	ssettag $0x0;
	lr =	simm.s32 $0x1  }
0x2: {  	[smem:$0x3F77] =	sst lr;
	_ =	strace $0xD0000000  }
0x3: {  	_ = 	snop  }
0x4: {  	_ = 	snop  }
0x5: {  	_ = 	snop  }
0x6: {  	_ = 	snop  }
0x7: {  	_ = 	snop  }
__scs_overlays_trampoline_lowered:
0x8: {  	[smem:$0x3F86] =	sst s0  }
0x9: {  	[smem:$0x3F87] =	sst s1  }
0xa: {  	[smem:$0x3F88] =	sst s2  }
0xb: {  	[smem:$0x3F89] =	sst s3  }
0xc: {  	[smem:$0x3F8A] =	sst s4  }
0xd: {  	[smem:$0x3F8B] =	sst s5  }
0xe: {  	[smem:$0x3F8C] =	sst s6  }
0xf: {  	[smem:$0x3F8D] =	sst s7  }
0x10: {  	[smem:$0x3F8E] =	sst s8  }
0x11: {  	[smem:$0x3F8F] =	sst s9;
	s0 =	simm.s32 @!p0 $0x0  }
0x12: {  	s1 =	sld [smem:$0x3F75];
	s0 =	simm.s32 @p0 $0x1  }
0x13: {  	[smem:$0x3F90] =	sst s0;
	s0 =	simm.s32 @!p1 $0x0  }
0x14: {  	s2 =	sld [smem:$0x3F74];
	s0 =	simm.s32 @p1 $0x1  }
0x15: {  	[smem:$0x3F91] =	sst s0;
	s0 =	simm.s32 @!p2 $0x0  }
0x16: {  	s3 =	sld [smem:$0x3FDB];
	s0 =	simm.s32 @p2 $0x1  }
0x17: {  	s4 =	simm.s32 $0x1BF5;
	[smem:$0x3F93] =	sst s0  }
0x18: {  	s0 =	sld [smem:$0x3F76];
	_ =	swait.ge [sflag:s4], $0x0  }
0x19: {  	s7 =	sld [smem:$0x3F77]  }
0x1a: {  	s8 =	sadd.s32 $0xFFFFE003, lr  }
0x1b: {  	s9 =	sadd.s32 $0xFFFFFEF7, lr;
	s5 =	simm.s32 $0xFFFFFFFF;
	p2 =	slt.u32 s8, $0xFFFFF086  }
0x1c: {  	p1 =	slt.u32 s9, $0xF7A;
	s5 =	simm.s32 @!p2 $0x0  }
0x1d: {  	s5 =	simm.s32 @p1 $0x1;
	p0 =	seq.s32 s7, s2  }
0x1e: {  	s7 =	smul.u32 @!p0 $0xF7A, s2;
	p2 =	seq.s32 @!p0 s5, $0x0  }
0x1f: {  	s9 =	smul.u32 $0xF7A, s1;
	s8 =	simm.s32 @!p0 $0x1BF5;
	p2 =	por !p2, p0  }
0x20: {  	[sflag:s8] =	ssyncset.s32 @!p0 $0xFFFFF086;
	s6 =	sadd.s32 @!p0 s3, s7;
	s7 =	simm.s32 @!p0 $0x108  }
0x21: {  	s3 =	sadd.s32 s3, s9;
	s6 =	sadd.s32 @!p0 $0x88, s6;
	s7 =	simm.s32 @p2 $0x1082  }
0x22: {  	[simem:s7], [sflag:s8] =	dma.local @!p0 [hbm:s6], $0xF7A  }
0x23: {  	s9 =	sor.u32 $0xD0000000, s2;
	s6 =	simm.s32 $0x108;
	_ =	swait.ge @!p0 [sflag:s8], $0x0  }
0x24: {  	s3 =	sadd.s32 $0x88, s3;
	s6 =	simm.s32 @!p1 $0x1082;
	[sflag:s4] =	ssyncset.s32 $0xFFFFF086  }
0x25: {  	[simem:s6], [sflag:s4] =	dma.local [hbm:s3], $0xF7A  }
0x26: {  	[smem:$0x3F77] =	sst s1;
	(tag) =	ssettag s2;
	_ =	strace s9  }
0x27: {  	s1 =	sld [smem:$0x3F87]  }
0x28: {  	s2 =	sld [smem:$0x3F88]  }
0x29: {  	s4 =	sld [smem:$0x3F8A]  }
0x2a: {  	p0 =	seq.s32 s5, $0x0;
	s5 =	sld [smem:$0x3F8B]  }
0x2b: {  	s6 =	sld [smem:$0x3F8C]  }
0x2c: {  	s7 =	sld [smem:$0x3F8D]  }
0x2d: {  	s3 =	simm.s32 $0x108;
	s8 =	sld [smem:$0x3F8E]  }
0x2e: {  	s3 =	simm.s32 @!p0 $0x1082;
	s9 =	sld [smem:$0x3F8F]  }
0x2f: {  	lr =	sadd.s32 s0, s3;
	s0 =	sld [smem:$0x3F86]  }
0x30: {  	s3 =	sld [smem:$0x3F89]  }
0x31: {  	[smem:$0x3F92] =	sst s10  }
0x32: {  	s10 =	sld [smem:$0x3F90];
	_ =	sdelay $0x3  }
0x33: {  	p0 =	seq.s32 s10, $0x1;
	s10 =	sld [smem:$0x3F92];
	_ =	sdelay $0x3  }
0x34: {  	[smem:$0x3F92] =	sst s10  }
0x35: {  	s10 =	sld [smem:$0x3F91];
	_ =	sdelay $0x3  }
0x36: {  	p1 =	seq.s32 s10, $0x1;
	s10 =	sld [smem:$0x3F92];
	_ =	sdelay $0x3  }
0x37: {  	[smem:$0x3F92] =	sst s10  }
0x38: {  	s10 =	sld [smem:$0x3F93]  }
0x39: {  	_ = 	snop;
	(pc) =	sbr.ind lr, $3  }
0x3a: {  	_ = 	snop  }
0x3b: {  	_ = 	snop  }
0x3c: {  	p2 =	seq.s32 s10, $0x1;
	s10 =	sld [smem:$0x3F92]  }
0x3d: {  	_ =	shalt  }
0x3e: {  	_ =	shalt  }
0x3f: {  	_ =	shalt  }
0x40: {  	_ =	shalt  }
0x41: {  	_ =	shalt  }
0x42: {  	_ =	shalt  }
0x43: {  	_ =	shalt  }
0x44: {  	_ =	shalt  }
0x45: {  	_ =	shalt  }
0x46: {  	_ =	shalt  }
0x47: {  	_ =	shalt  }
0x48: {  	_ =	shalt  }
0x49: {  	_ =	shalt  }
0x4a: {  	_ =	shalt  }
0x4b: {  	_ =	shalt  }
0x4c: {  	_ =	shalt  }
0x4d: {  	_ =	shalt  }
0x4e: {  	_ =	shalt  }
0x4f: {  	_ =	shalt  }
0x50: {  	_ =	shalt  }
0x51: {  	_ =	shalt  }
0x52: {  	_ =	shalt  }
0x53: {  	_ =	shalt  }
0x54: {  	_ =	shalt  }
0x55: {  	_ =	shalt  }
0x56: {  	_ =	shalt  }
0x57: {  	_ =	shalt  }
0x58: {  	_ =	shalt  }
0x59: {  	_ =	shalt  }
0x5a: {  	_ =	shalt  }
0x5b: {  	_ =	shalt  }
0x5c: {  	_ =	shalt  }
0x5d: {  	_ =	shalt  }
0x5e: {  	_ =	shalt  }
0x5f: {  	_ =	shalt  }
0x60: {  	_ =	shalt  }
0x61: {  	_ =	shalt  }
0x62: {  	_ =	shalt  }
0x63: {  	_ =	shalt  }
0x64: {  	_ =	shalt  }
0x65: {  	_ =	shalt  }
0x66: {  	_ =	shalt  }
0x67: {  	_ =	shalt  }
0x68: {  	_ =	shalt  }
0x69: {  	_ =	shalt  }
0x6a: {  	_ =	shalt  }
0x6b: {  	_ =	shalt  }
0x6c: {  	_ =	shalt  }
0x6d: {  	_ =	shalt  }
0x6e: {  	_ =	shalt  }
0x6f: {  	_ =	shalt  }
0x70: {  	_ =	shalt  }
0x71: {  	_ =	shalt  }
0x72: {  	_ =	shalt  }
0x73: {  	_ =	shalt  }
0x74: {  	_ =	shalt  }
0x75: {  	_ =	shalt  }
0x76: {  	_ =	shalt  }
0x77: {  	_ =	shalt  }
0x78: {  	_ =	shalt  }
0x79: {  	_ =	shalt  }
0x7a: {  	_ =	shalt  }
0x7b: {  	_ =	shalt  }
0x7c: {  	_ =	shalt  }
0x7d: {  	_ =	shalt  }
0x7e: {  	_ =	shalt  }
0x7f: {  	_ =	shalt  }
0x80: {  	_ =	shalt  }
0x81: {  	_ =	shalt  }
0x82: {  	_ =	shalt  }
0x83: {  	_ =	shalt  }
0x84: {  	_ =	shalt  }
0x85: {  	_ =	shalt  }
0x86: {  	_ =	shalt  }
0x87: {  	_ =	shalt  }
.Lfunc_end0:
.L_simem_size_0:
called_computation.1_lowered:
.L_overlay_start_0:
0x88: {  	s2 =	sld [smem:$0x3FD9]  }
0x89: {  	s3 =	sld [smem:$0x3FFE];
	_ =	sdelay $0x1  }
0x8a: {  	s1 =	srdreg.scid  }
0x8b: {  	s0 =	sand.u32 $0x1, s1  }
0x8c: {  	s17 =	sshll.u32 s0, $0xA;
	s2 =	sadd.s32 s3, s2  }
0x8d: {  	s2 =	sadd.s32 s2, s17  }
0x8e: {  	[smem:$0x3F9E] =	sst s2  }
0x8f: {  	_ = 	snop  }
0x90: {  	s2 =	sld [smem:$0x3FC8]  }
0x91: {  	s18 =	sld [smem:$0x3FC7]  }
0x92: {  	s4 =	sld [smem:$0x3FD0];
	(tm) =	ssettm $0x1  }
0x93: {  	s5 =	sld [smem:$0x3FFB];
	_ =	sdelay $0x3  }
0x94: {  	_ =	strace s5  }
0x95: {  	s5 =	sld [smem:$0x3FFC];
	_ =	sdelay $0x3  }
0x96: {  	_ =	strace s5  }
0x97: {  	s5 =	sld [smem:$0x3FFD];
	_ =	sdelay $0x3  }
0x98: {  	_ =	strace s5  }
0x99: {  	_ =	strace $0x8FFFFFFF  }
0x9a: {  	s19 =	sld [smem:$0x3FDB];
	_ =	sdelay $0x1  }
0x9b: {  	s6 =	simm.s32 $_scs_section_size  }
0x9c: {  	s7 =	simm.s32 $_size__tile_overlayer_lowered;
	s8 =	simm.s32 $_tile_overlayer_lowered  }
0x9d: {  	s22 =	simm.s32 $0x1BFF;
	s21 =	sshll.u32 s8, $0x1;
	s5 =	sadd.s32 s6, s19  }
0x9e: {  	s9 =	simm.s32 $0x0;
	s20 =	sshll.u32 s7, $0x1;
	s7 =	sadd.s32 s21, s5  }
0x9f: {  	[timem:s9], [sflag:s22] =	dma.local [hbm:s7], s20  }
0xa0: {  	_ =	swait.ge [sflag:s22], s20  }
0xa1: {  	s6 =	ssub.s32 $0x0, s20;
	[sflag:s22] =	ssyncset.done $0x0  }
0xa2: {  	[sflag:s22] =	ssyncadd.s32 s6;
	_ =	sdelay $0x1  }
0xa3: {  	s23 =	simm.s32 $0x1B8B  }
0xa4: {  	_ =	swait.ge [sflag:s23], $0x1  }
0xa5: {  	[sflag:s23] =	ssyncset.done $0x0  }
0xa6: {  	s25 =	simm.s32 $0x1B8E;
	s24 =	sld [smem:$0x3FFE];
	[sflag:s23] =	ssyncadd.s32 $0xFFFFFFFF  }
0xa7: {  	s26 =	simm.s32 $execute0_lowered;
	[smem:$0x3FD2] =	sst s25  }
0xa8: {  	s7 =	sshll.u32 s26, $0x1;
	_ =	strace $0x80000049;
	[dreg:$0x1] =	wrdreg $0xFFFFFFFF  }
0xa9: {  	s28 =	simm.s32 $_size_execute0_lowered;
	s5 =	sadd.s32 s5, s7;
	[dreg:$0x0] =	wrdreg $0x0  }
0xaa: {  	s7 =	sshll.u32 s28, $0x1;
	[dreg:$0x2] =	wrdreg s5  }
0xab: {  	[dreg:$0x3] =	wrdreg s7  }
0xac: {  	[dreg:$0x4] =	wrdreg $0xC0  }
0xad: {  	_ =	task [dreg:s9], $0x5FFFF  }
0xae: {  	[dreg:$0x1] =	wrdreg $0xFFFFFFFF  }
0xaf: {  	[dreg:$0x0] =	wrdreg $0x60  }
0xb0: {  	[dreg:$0x2] =	wrdreg s24  }
0xb1: {  	[dreg:$0x3] =	wrdreg s2  }
0xb2: {  	[dreg:$0x4] =	wrdreg s18  }
0xb3: {  	[dreg:$0x5] =	wrdreg s4  }
0xb4: {  	[dreg:$0x6] =	wrdreg $0x8B000  }
0xb5: {  	[dreg:$0x7] =	wrdreg $0x1C7000  }
0xb6: {  	[dreg:$0x8] =	wrdreg $0x9  }
0xb7: {  	_ =	task.clear_ibuf [dreg:s9], $0x9FFFF;
	_ =	strace $0x90000049  }
0xb8: {  	s29 =	simm.s32 $0x9;
	_ =	strace $0x8000004B  }
0xb9: {  	_ =	swait.ge [sflag:s29], $0x1  }
0xba: {  	[sflag:s29] =	ssyncadd.s32 $0xFFFFFFFF  }
0xbb: {  	_ =	strace $0x9000004B  }
0xbc: {  	_ =	sfence  }
0xbd: {  	s30 =	sld [smem:$0x0];
	_ =	sdelay $0x2  }
0xbe: {  	s31 =	sshll.u32 s1, $0xD;
	s1 =	sshrl.u32 s1, $0x2  }
0xbf: {  	s3 =	sand.u32 $0x4000, s31;
	s1 =	sadd.s32 s1, s30  }
0xc0: {  	s0 =	sor.u32 s3, s0;
	s1 =	sshll.u32 s1, $0x11  }
0xc1: {  	s0 =	sor.u32 s1, s0  }
0xc2: {  	s0 =	sadd.s32 $0x8F2B, s0  }
0xc3: {  	[sflag:s0] =	ssyncadd.remote.s32 $0x1  }
0xc4: {  	_ =	sfence.sel $0xFFFF  }
0xc5: {  	[dreg:$0x0] =	wrdreg $0xFFFFFFFF;
	(pc) =	sbr.abs _section_cstart, $3  }
0xc6: {  	[dreg:$0x1] =	wrdreg $0xFFFFFFFF  }
0xc7: {  	_ =	task.clear_ibuf [dreg:s9], $0x2FFFF;
	_ =	strace $0x9FFFFFFF  }
0xc8: {  	(tm) =	ssettm $0x7FFFFFFF  }
0xc9: {  	_ =	shalt  }
tec
execute0_lowered:
.L_overlay_start_1:
0x0: {  	(tag) =	ssettag $0x1  }
0x1: {  	s0 =	rddreg [dreg:$0x0]  }
0x2: {  	s12 =	rddreg [dreg:$0x1]  }
0x3: {  	s13 =	rddreg [dreg:$0x2]  }
0x4: {  	s18 =	rddreg [dreg:$0x3]  }
0x5: {  	s2 =	rddreg [dreg:$0x4]  }
0x6: {  	s3 =	rddreg [dreg:$0x5];
	s1 =	stileid.u32;
	s4 =	simm.s32 $0x0  }
0x7: {  	s6 =	srdreg.scid;
	s22 =	simm.s32 $0x6;
	s8 =	smul.u32 $0x13C00, s1  }
0x8: {  	s28 =	simm.s32 $0x0;
	[smem:$0x7FF] =	sst s4;
	s10 =	smul.u32 $0x2780, s1  }
0x9: {  	s5 =	sadd.s32 $0x2DC00, s0;
	s11 =	sand.u32 $0x1, s6;
	s25 =	sadd.s32 $0xBA00, s0  }
0xa: {  	s26 =	smul.u32 $0x278, s1;
	s29 =	sshll.u32 s1, $0x4;
	s21 =	sadd.s32 $0x25080, s3  }
0xb: {  	p0 =	seq.s32 s1, $0xF;
	_ =	strace $0x8000004A;
	s24 =	ssub.s32 $0x2, s11  }
0xc: {  	[dreg:$0x7] =	wrdreg s25;
	s12 =	sadd.s32 s12, s29;
	s13 =	sadd.s32 s13, s29  }
0xd: {  	s25 =	sshrl.u32 @p0 s21, $0x3;
	s7 =	sshrl.u32 s8, $0x3;
	s9 =	sshrl.u32 s10, $0x3  }
0xe: {  	s16 =	sshrl.u32 s24, $0x1;
	s8 =	sadd.s32 s8, s2;
	s10 =	sadd.s32 s10, s3  }
0xf: {  	s14 =	sadd.s32 s7, s0;
	s15 =	sadd.s32 s9, s0;
	s7 =	smul.u32 $0x2710, s11  }
0x10: {  	s0 =	sadd.s32 $0x7CC00, s0;
	s19 =	ssub.s32 s24, s16;
	s9 =	sadd.s32 $0x55400, s14  }
0x11: {  	s11 =	sadd.s32 $0x6A00, s15;
	s19 =	smax.u32 s19, $0x1;
	s14 =	sadd.s32 $0x2710, s7  }
.Ltmp0:
0x12: {  	s30 =	sadd.s32 s26, s7;
	s20 =	sadd.s32 $0x2508, s7;
	(pc) =	sbr.rel .LBB2_1-.Ltmp0, $4  }
0x13: {  	s26 =	simm.s32 $0x1;
	s16 =	sshll.u32 s30, $0x4;
	s17 =	sshll.u32 s30, $0x1  }
0x14: {  	s31 =	sshll.u32 s20, $0x4;
	s20 =	sshll.u32 s20, $0x1;
	s15 =	sadd.s32 s0, s16  }
0x15: {  	s16 =	sadd.s32 s18, s17;
	s17 =	sadd.s32 s0, s31;
	s0 =	sadd.s32 $0x128400, s2  }
0x16: {  	v0 =	vmov s7;
	s18 =	sadd.s32 s18, s20;
	s20 =	sor.u32 $0x10, s1;
	s24 =	sshrl.u32 @p0 s0, $0x3  }
.LBB2_9:
0x17: {  	p1 =	seq.s32 s21, $0x0  }
0x18: {  	s0 =	simm.s32 @!p1 $0x4  }
0x19: {  	_ =	swait.ge @!p1 [sflag:s0], $0x4000  }
0x1a: {  	[sflag:s0] =	ssyncset.done @!p1 $0x0  }
0x1b: {  	[sflag:s0] =	ssyncadd.s32 @!p1 $0xFFFFC000  }
0x1c: {  	_ =	swait.ge @!p1 [sflag:s0], $0x800  }
0x1d: {  	p2 =	seq.s32 s30, $0x0;
	[sflag:s0] =	ssyncset.done @!p1 $0x0  }
0x1e: {  	[sflag:s0] =	ssyncadd.s32 @!p1 $0xFFFFF800;
	s0 =	simm.s32 @!p2 $0x5  }
0x1f: {  	_ =	swait.ge @!p2 [sflag:s0], $0x4000  }
0x20: {  	[sflag:s0] =	ssyncset.done @!p2 $0x0  }
0x21: {  	[sflag:s0] =	ssyncadd.s32 @!p2 $0xFFFFC000  }
0x22: {  	_ =	swait.ge @!p2 [sflag:s0], $0x800  }
0x23: {  	[sflag:s0] =	ssyncset.done @!p2 $0x0  }
0x24: {  	[sflag:s0] =	ssyncadd.s32 @!p2 $0xFFFFF800  }
0x25: {  	s0 =	simm.s32 @p0 $0x6;
	[bflag:$0x0] =	sbarrier.arrive $0xFFFF  }
0x26: {  	[hbm:s17], [sflag:s29] =	dma.local @p0 [spmem:s24], $0x2080  }
0x27: {  	_ =	swait.ge @p0 [sflag:s0], $0x2080  }
0x28: {  	[sflag:s0] =	ssyncset.done @p0 $0x0  }
0x29: {  	[sflag:s0] =	ssyncadd.s32 @p0 $0xFFFFDF80  }
0x2a: {  	[hbm:s18], [sflag:s29] =	dma.local @p0 [spmem:s25], $0x410  }
0x2b: {  	_ =	swait.ge @p0 [sflag:s0], $0x410  }
0x2c: {  	[sflag:s0] =	ssyncset.done @p0 $0x0  }
0x2d: {  	[sflag:s0] =	ssyncadd.s32 @p0 $0xFFFFFBF0;
	s0 =	sshrl.u32 @!p0 s8, $0x3  }
0x2e: {  	[hbm:s15], [sflag:s29] =	dma.local @!p0 [spmem:s0], $0x2780  }
0x2f: {  	s0 =	simm.s32 @!p0 $0x6  }
0x30: {  	s28 =	sadd.s32 $0x1, s28;
	_ =	swait.ge @!p0 [sflag:s0], $0x2780  }
0x31: {  	p1 =	sne.s32 s28, s19;
	[sflag:s0] =	ssyncset.done @!p0 $0x0  }
.Ltmp1:
0x32: {  	s1 =	sshrl.u32 @!p0 s10, $0x3;
	[sflag:s0] =	ssyncadd.s32 @!p0 $0xFFFFD880;
	(pc) =	sbr.rel @!p1 .LBB2_10-.Ltmp1, $4  }
0x33: {  	[hbm:s16], [sflag:s29] =	dma.local @!p0 [spmem:s1], $0x4F0  }
0x34: {  	_ =	swait.ge @!p0 [sflag:s0], $0x4F0  }
0x35: {  	[sflag:s0] =	ssyncset.done @!p0 $0x0  }
0x36: {  	[sflag:s0] =	ssyncadd.s32 @!p0 $0xFFFFFB10  }
.LBB2_1:
0x37: {  	s0 =	rddreg [dreg:$0x7];
	s1 =	simm.s32 $0x8300  }
0x38: {  	[tilespmem:s1], [sflag:$0x6] =	stream.linear.gather [hbm4b:s0+s4], $0x800, $0x38;
	[tilespmem:$0x1EE80] =	vst v63  }
0x39: {  	s1 =	stileid.u32;
	_ =	swait.ge [sflag:s22], $0x800  }
0x3a: {  	s0 =	sshll.u32 s1, $0x6;
	[sflag:s22] =	ssyncset.done $0x0  }
0x3b: {  	s6 =	sshrl.u32 s8, $0x3;
	s29 =	sor.u32 $0x1C06, s0;
	[sflag:s22] =	ssyncadd.s32 $0xFFFFF800  }
0x3c: {  	[spmem:s6], [sflag:s29] =	dma.local [hbm:s9], $0x2780  }
0x3d: {  	_ =	swait.ge [sflag:s22], $0x2780  }
0x3e: {  	[sflag:s22] =	ssyncset.done $0x0  }
0x3f: {  	s21 =	sshrl.u32 s10, $0x3;
	[sflag:s22] =	ssyncadd.s32 $0xFFFFD880  }
0x40: {  	[spmem:s21], [sflag:s29] =	dma.local [hbm:s11], $0x4F0  }
0x41: {  	_ =	swait.ge [sflag:s22], $0x4F0  }
0x42: {  	[sflag:s22] =	ssyncset.done $0x0  }
.Ltmp2:
0x43: {  	[sflag:s22] =	ssyncadd.s32 $0xFFFFFB10;
	(pc) =	sbr.rel .LBB2_2-.Ltmp2, $4  }
0x44: {  	s23 =	simm.s32 $0x80;
	s31 =	smov.u32 s20;
	[bflag:$0x0] =	sbarrier.arrive $0xFFFF  }
0x45: {  	[tilespmem:s4], [sflag:$0x1] =	stream.linear.gather [hbm4b:s12+s4], $0x80, $0x38;
	[tilespmem:$0x1EE80] =	vst v63  }
0x46: {  	s30 =	simm.s32 $0x0;
	s0 =	simm.s32 $0x0;
	s21 =	simm.s32 $0x0  }
0x47: {  	[tilespmem:s23], [sflag:$0x1] =	stream.linear.gather [hbm4b:s13+s4], $0x80, $0x38;
	[tilespmem:$0x1EE80] =	vst v63  }
.LBB2_7:
0x48: {  	p1 =	slt.s32 s23, s7  }
0x49: {  	p2 =	slt.s32 @!p1 s30, $0x1  }
0x4a: {  	p2 =	por p2, p1  }
0x4b: {  	s1 =	simm.s32 @!p2 $0x5  }
0x4c: {  	_ =	swait.ge @!p2 [sflag:s1], $0x4000  }
0x4d: {  	[sflag:s1] =	ssyncset.done @!p2 $0x0  }
0x4e: {  	[sflag:s1] =	ssyncadd.s32 @!p2 $0xFFFFC000  }
0x4f: {  	_ =	swait.ge @!p2 [sflag:s1], $0x800  }
0x50: {  	[sflag:s1] =	ssyncset.done @!p2 $0x0  }
0x51: {  	[sflag:s1] =	ssyncadd.s32 @!p2 $0xFFFFF800  }
0x52: {  	v2 =	vld @!p1 [tilespmem:$0x190]  }
0x53: {  	v3 =	vld @!p1 [tilespmem:$0x1A0]  }
0x54: {  	v4 =	vld @!p1 [tilespmem:$0x1B0]  }
0x55: {  	v5 =	vld @!p1 [tilespmem:$0x1C0]  }
0x56: {  	v1 =	vsub.s32 @!p1 v1, v0;
	v6 =	vlaneseq.u32 @!p1;
	v7 =	vld @!p1 [tilespmem:$0x1D0]  }
0x57: {  	vm0 =	vlt.u32 @!p1 v1, $0x2710;
	v6 =	vor.u32 @!p1 $0x2710, v6;
	v8 =	vld @!p1 [tilespmem:$0x1E0];
	v2 =	vsub.s32 @!p1 v2, v0  }
0x58: {  	v1 =	vsel @!p1 vm0, v1, v6;
	v9 =	vld @!p1 [tilespmem:$0x1F0];
	v3 =	vsub.s32 @!p1 v3, v0;
	vm0 =	vlt.u32 @!p1 v2, $0x2710  }
0x59: {  	[tilespmem:$0x280] =	vst @!p1 v1;
	v1 =	vsel @!p1 vm0, v2, v6;
	vm0 =	vlt.u32 @!p1 v3, $0x2710;
	v2 =	vsub.s32 @!p1 v4, v0  }
0x5a: {  	[tilespmem:$0x290] =	vst @!p1 v1;
	v1 =	vsel @!p1 vm0, v3, v6;
	vm0 =	vlt.u32 @!p1 v2, $0x2710;
	v3 =	vsub.s32 @!p1 v5, v0  }
0x5b: {  	[tilespmem:$0x2A0] =	vst @!p1 v1;
	v1 =	vsel @!p1 vm0, v2, v6;
	vm0 =	vlt.u32 @!p1 v3, $0x2710;
	v2 =	vsub.s32 @!p1 v7, v0  }
0x5c: {  	[tilespmem:$0x2B0] =	vst @!p1 v1;
	v1 =	vsel @!p1 vm0, v3, v6;
	vm0 =	vlt.u32 @!p1 v2, $0x2710;
	v3 =	vsub.s32 @!p1 v8, v0  }
0x5d: {  	[tilespmem:$0x2C0] =	vst @!p1 v1;
	v1 =	vsel @!p1 vm0, v2, v6;
	vm0 =	vlt.u32 @!p1 v3, $0x2710;
	v2 =	vsub.s32 @!p1 v9, v0  }
0x5e: {  	[tilespmem:$0x2D0] =	vst @!p1 v1;
	v1 =	vsel @!p1 vm0, v3, v6;
	vm0 =	vlt.u32 @!p1 v2, $0x2710  }
0x5f: {  	[tilespmem:$0x2E0] =	vst @!p1 v1;
	v1 =	vsel @!p1 vm0, v2, v6  }
0x60: {  	s6 =	simm.s32 @!p1 $0x100;
	s23 =	simm.s32 @!p1 $0x4300;
	s1 =	simm.s32 @!p1 $0x80;
	[tilespmem:$0x2F0] =	vst @!p1 v1  }
0x61: {  	[tilespmem:s23], [sflag:$0x3] =	stream.indirect.gather @!p1 [hbm4b:s5+s1], $0x80, s6, s1, $0xb8;
	[tilespmem:$0x1EE80] =	vst v63  }
0x62: {  	s6 =	simm.s32 @!p1 $0x3  }
0x63: {  	_ =	swait.ge @!p1 [sflag:s6], $0x4000  }
0x64: {  	[sflag:s6] =	ssyncset.done @!p1 $0x0  }
0x65: {  	[sflag:s6] =	ssyncadd.s32 @!p1 $0xFFFFC000;
	s6 =	simm.s32 @!p1 $0x280  }
0x66: {  	[spmem:s2] =	stream.indirect.scatter.add.f32 @!p1 [tilespmem:s23], [sflag:$0x5], $0x80, s6, s1, $0xb8;
	[tilespmem:$0x1EE80] =	vst v63  }
0x67: {  	s30 =	simm.s32 @!p1 $0x1;
	s23 =	simm.s32 @!p1 $0x8300  }
0x68: {  	[spmem:s3] =	stream.indirect.scatter.add.f32 @!p1 [tilespmem:s23], [sflag:$0x5], $0x10, s6, s1, $0xb8;
	[tilespmem:$0x1EE80] =	vst v63  }
.LBB2_8:
0x69: {  	s0 =	sadd.s32 $0x200, s0  }
0x6a: {  	p1 =	sne.s32 s0, $0x9E00  }
.Ltmp3:
0x6b: {  	_ = 	snop;
	(pc) =	sbr.rel @!p1 .LBB2_9-.Ltmp3, $2  }
0x6c: {  	_ =	sdelay $0x2  }
0x6d: {  	s31 =	sadd.s32 $0x20, s31  }
.LBB2_2:
0x6e: {  	s23 =	sadd.s32 $0xFFFFFFF0, s31  }
0x6f: {  	p1 =	sgt.u32 s23, $0x9C3  }
.Ltmp4:
0x70: {  	_ = 	snop;
	(pc) =	sbr.rel @p1 .LBB2_8-.Ltmp4, $1  }
0x71: {  	_ =	sdelay $0x3  }
0x72: {  	_ =	swait.ge [sflag:s26], $0x80  }
0x73: {  	[sflag:s26] =	ssyncset.done $0x0  }
0x74: {  	[sflag:s26] =	ssyncadd.s32 $0xFFFFFF80  }
0x75: {  	p1 =	sgt.u32 s31, $0x9C3;
	_ =	swait.ge [sflag:s26], $0x80  }
0x76: {  	s23 =	sadd.s32 @!p1 s0, s12;
	s1 =	simm.s32 @!p1 $0x0;
	[sflag:s26] =	ssyncset.done $0x0  }
0x77: {  	s6 =	simm.s32 @!p1 $0x100;
	s23 =	sadd.s32 @!p1 $0x100, s23;
	[sflag:s26] =	ssyncadd.s32 $0xFFFFFF80  }
0x78: {  	[tilespmem:s6], [sflag:$0x2] =	stream.linear.gather @!p1 [hbm4b:s23+s1], $0x80, $0x38;
	[tilespmem:$0x1EE80] =	vst v63  }
0x79: {  	s6 =	sadd.s32 @!p1 s0, s13  }
0x7a: {  	s23 =	simm.s32 @!p1 $0x180;
	s6 =	sadd.s32 @!p1 $0x100, s6  }
0x7b: {  	[tilespmem:s23], [sflag:$0x2] =	stream.linear.gather @!p1 [hbm4b:s6+s1], $0x80, $0x38;
	[tilespmem:$0x1EE80] =	vst v63  }
0x7c: {  	v1 =	vld [tilespmem:$0x80];
	_ =	sdelay $0x4  }
0x7d: {  	(v2sf) =	vpush v1, $0x0  }
0x7e: {  	v2 =	vld [tilespmem:$0xF0];
	_ =	sdelay $0x4  }
0x7f: {  	(v2sf) =	vpush v2, $0xF;
	_ =	sdelay $0x8  }
0x80: {  	s23 =	spop (v2sf)  }
0x81: {  	p2 =	sge.s32 s23, s14  }
.Ltmp5:
0x82: {  	_ = 	snop;
	(pc) =	sbr.rel @p2 .LBB2_5-.Ltmp5, $2  }
0x83: {  	_ =	sdelay $0x2  }
0x84: {  	s23 =	spop (v2sf)  }
0x85: {  	p2 =	slt.s32 s23, s7  }
0x86: {  	p3 =	slt.s32 @!p2 s21, $0x1  }
0x87: {  	p3 =	por p3, p2  }
0x88: {  	s1 =	simm.s32 @!p3 $0x4  }
0x89: {  	_ =	swait.ge @!p3 [sflag:s1], $0x4000  }
0x8a: {  	[sflag:s1] =	ssyncset.done @!p3 $0x0  }
0x8b: {  	[sflag:s1] =	ssyncadd.s32 @!p3 $0xFFFFC000  }
0x8c: {  	_ =	swait.ge @!p3 [sflag:s1], $0x800  }
0x8d: {  	[sflag:s1] =	ssyncset.done @!p3 $0x0  }
0x8e: {  	[sflag:s1] =	ssyncadd.s32 @!p3 $0xFFFFF800  }
0x8f: {  	v2 =	vld @!p2 [tilespmem:$0x90]  }
0x90: {  	v3 =	vld @!p2 [tilespmem:$0xA0]  }
0x91: {  	v4 =	vld @!p2 [tilespmem:$0xB0]  }
0x92: {  	v5 =	vld @!p2 [tilespmem:$0xC0]  }
0x93: {  	v1 =	vsub.s32 @!p2 v1, v0;
	v6 =	vlaneseq.u32 @!p2;
	v7 =	vld @!p2 [tilespmem:$0xD0]  }
0x94: {  	vm0 =	vlt.u32 @!p2 v1, $0x2710;
	v6 =	vor.u32 @!p2 $0x2710, v6;
	v8 =	vld @!p2 [tilespmem:$0xE0];
	v2 =	vsub.s32 @!p2 v2, v0  }
0x95: {  	v1 =	vsel @!p2 vm0, v1, v6;
	v9 =	vld @!p2 [tilespmem:$0xF0];
	v3 =	vsub.s32 @!p2 v3, v0;
	vm0 =	vlt.u32 @!p2 v2, $0x2710  }
0x96: {  	[tilespmem:$0x200] =	vst @!p2 v1;
	v1 =	vsel @!p2 vm0, v2, v6;
	vm0 =	vlt.u32 @!p2 v3, $0x2710;
	v2 =	vsub.s32 @!p2 v4, v0  }
0x97: {  	[tilespmem:$0x210] =	vst @!p2 v1;
	v1 =	vsel @!p2 vm0, v3, v6;
	vm0 =	vlt.u32 @!p2 v2, $0x2710;
	v3 =	vsub.s32 @!p2 v5, v0  }
0x98: {  	[tilespmem:$0x220] =	vst @!p2 v1;
	v1 =	vsel @!p2 vm0, v2, v6;
	vm0 =	vlt.u32 @!p2 v3, $0x2710;
	v2 =	vsub.s32 @!p2 v7, v0  }
0x99: {  	[tilespmem:$0x230] =	vst @!p2 v1;
	v1 =	vsel @!p2 vm0, v3, v6;
	vm0 =	vlt.u32 @!p2 v2, $0x2710;
	v3 =	vsub.s32 @!p2 v8, v0  }
0x9a: {  	[tilespmem:$0x240] =	vst @!p2 v1;
	v1 =	vsel @!p2 vm0, v2, v6;
	vm0 =	vlt.u32 @!p2 v3, $0x2710;
	v2 =	vsub.s32 @!p2 v9, v0  }
0x9b: {  	[tilespmem:$0x250] =	vst @!p2 v1;
	v1 =	vsel @!p2 vm0, v3, v6;
	vm0 =	vlt.u32 @!p2 v2, $0x2710  }
0x9c: {  	[tilespmem:$0x260] =	vst @!p2 v1;
	v1 =	vsel @!p2 vm0, v2, v6  }
0x9d: {  	s6 =	simm.s32 @!p2 $0x0;
	s23 =	simm.s32 @!p2 $0x300;
	s1 =	simm.s32 @!p2 $0x80;
	[tilespmem:$0x270] =	vst @!p2 v1  }
0x9e: {  	[tilespmem:s23], [sflag:$0x3] =	stream.indirect.gather @!p2 [hbm4b:s5+s1], $0x80, s6, s1, $0xb8;
	[tilespmem:$0x1EE80] =	vst v63  }
0x9f: {  	s6 =	simm.s32 @!p2 $0x3  }
0xa0: {  	_ =	swait.ge @!p2 [sflag:s6], $0x4000  }
0xa1: {  	[sflag:s6] =	ssyncset.done @!p2 $0x0  }
0xa2: {  	[sflag:s6] =	ssyncadd.s32 @!p2 $0xFFFFC000;
	s6 =	simm.s32 @!p2 $0x200  }
0xa3: {  	[spmem:s2] =	stream.indirect.scatter.add.f32 @!p2 [tilespmem:s23], [sflag:$0x4], $0x80, s6, s1, $0xb8;
	[tilespmem:$0x1EE80] =	vst v63  }
0xa4: {  	s21 =	simm.s32 @!p2 $0x1;
	s23 =	simm.s32 @!p2 $0x8300  }
0xa5: {  	[spmem:s3] =	stream.indirect.scatter.add.f32 @!p2 [tilespmem:s23], [sflag:$0x4], $0x10, s6, s1, $0xb8;
	[tilespmem:$0x1EE80] =	vst v63  }
.LBB2_5:
0xa6: {  	s1 =	simm.s32 @!p1 $0x2  }
0xa7: {  	_ =	swait.ge @!p1 [sflag:s1], $0x80  }
0xa8: {  	[sflag:s1] =	ssyncset.done @!p1 $0x0  }
0xa9: {  	p2 =	sgt.u32 @!p1 s31, $0x9B3;
	[sflag:s1] =	ssyncadd.s32 @!p1 $0xFFFFFF80  }
0xaa: {  	p2 =	por p2, p1;
	_ =	swait.ge @!p1 [sflag:s1], $0x80  }
0xab: {  	s6 =	sadd.s32 @!p2 s0, s12;
	[sflag:s1] =	ssyncset.done @!p1 $0x0  }
0xac: {  	[sflag:s1] =	ssyncadd.s32 @!p1 $0xFFFFFF80;
	s1 =	sadd.s32 @!p2 $0x200, s6;
	s6 =	simm.s32 @!p2 $0x0  }
0xad: {  	[tilespmem:s6], [sflag:$0x1] =	stream.linear.gather @!p2 [hbm4b:s1+s6], $0x80, $0x38;
	[tilespmem:$0x1EE80] =	vst v63  }
0xae: {  	s1 =	sadd.s32 @!p2 s0, s13  }
0xaf: {  	s23 =	simm.s32 @!p2 $0x80;
	s1 =	sadd.s32 @!p2 $0x200, s1  }
0xb0: {  	[tilespmem:s23], [sflag:$0x1] =	stream.linear.gather @!p2 [hbm4b:s1+s6], $0x80, $0x38;
	[tilespmem:$0x1EE80] =	vst v63  }
0xb1: {  	v1 =	vld @!p1 [tilespmem:$0x180];
	_ =	sdelay $0x4  }
0xb2: {  	(v2sf) =	vpush @!p1 v1, $0x0;
	_ =	sdelay $0x1  }
0xb3: {  	v2 =	vld @!p1 [tilespmem:$0x1F0];
	_ =	sdelay $0x4  }
0xb4: {  	(v2sf) =	vpush @!p1 v2, $0xF;
	_ =	sdelay $0x7  }
0xb5: {  	s1 =	spop @!p1 (v2sf)  }
0xb6: {  	p2 =	sge.s32 @!p1 s1, s14  }
0xb7: {  	p2 =	por p1, p2  }
.Ltmp6:
0xb8: {  	_ = 	snop;
	(pc) =	sbr.rel @!p2 .LBB2_7-.Ltmp6, $2  }
0xb9: {  	_ =	sdelay $0x2  }
0xba: {  	s23 =	spop @!p1 (v2sf)  }
.Ltmp7:
0xbb: {  	(pc) =	sbr.rel .LBB2_8-.Ltmp7, $2  }
0xbc: {  	_ =	sdelay $0x2  }
0xbd: {  	s21 =	smov.u32 @p1 s21;
	s30 =	smov.u32 @p1 s30  }
.LBB2_10:
0xbe: {  	_ =	sfence.sel $0x180000  }
0xbf: {  	[bflag:$0x0] =	sbarrier.arrive $0xFFFF  }
0xc0: {  	_ =	strace $0x9000004A  }
0xc1: {  	s0 =	stileid.u32;
	[bflag:$0x2] =	sbarrier.arrive $0xFFFF  }
0xc2: {  	p0 =	sne.s32 s0, $0x0;
	s0 =	rddreg [dreg:$0x6]  }
0xc3: {  	s0 =	sadd.s32 @!p0 $0x100000, s0  }
0xc4: {  	[sflag:s0] =	ssyncadd.tile.s32 @!p0 $0x1;
	_ =	shalt  }
.Lfunc_end2:
_tile_overlayer_lowered:
.L_overlay_start_2:
0xc5: {  	(tag) =	ssettag $0x2  }
0xc6: {  	s0 =	rddreg [dreg:$0x0];
	s2 =	stileid.u32  }
0xc7: {  	s1 =	rddreg [dreg:$0x1];
	p0 =	sne.s32 s2, $0x0  }
0xc8: {  	s3 =	rddreg [dreg:$0x2];
	[bflag:$0x3] =	sbarrier.arrive $0xFFFF;
	s2 =	simm.s32 @!p0 $0x1C06  }
0xc9: {  	[timem:s3], [sflag:s2] =	dma.local @!p0 [hbm:s0], s1  }
0xca: {  	s0 =	simm.s32 @!p0 $0x6  }
0xcb: {  	_ =	swait.ge @!p0 [sflag:s0], s1  }
0xcc: {  	s1 =	ssub.s32 @!p0 $0x0, s1;
	[sflag:s0] =	ssyncset.done @!p0 $0x0  }
0xcd: {  	[sflag:s0] =	ssyncadd.s32 @!p0 s1  }
0xce: {  	[bflag:$0x3] =	sbarrier.arrive $0xFFFF  }
0xcf: {  	_ =	shalt  }

// kernel: kernel.14.cloned.1.call-start
scs
__scs_entry_jumppad:
0x0: {  	(pc) =	sbr.rel $0x88, $3  }
0x1: {  	(tag) =	ssettag $0x0;
	lr =	simm.s32 $0x1  }
0x2: {  	[smem:$0x3F77] =	sst lr;
	_ =	strace $0xD0000000  }
0x3: {  	_ = 	snop  }
0x4: {  	_ = 	snop  }
0x5: {  	_ = 	snop  }
0x6: {  	_ = 	snop  }
0x7: {  	_ = 	snop  }
__scs_overlays_trampoline_lowered:
0x8: {  	[smem:$0x3F86] =	sst s0  }
0x9: {  	[smem:$0x3F87] =	sst s1  }
0xa: {  	[smem:$0x3F88] =	sst s2  }
0xb: {  	[smem:$0x3F89] =	sst s3  }
0xc: {  	[smem:$0x3F8A] =	sst s4  }
0xd: {  	[smem:$0x3F8B] =	sst s5  }
0xe: {  	[smem:$0x3F8C] =	sst s6  }
0xf: {  	[smem:$0x3F8D] =	sst s7  }
0x10: {  	[smem:$0x3F8E] =	sst s8  }
0x11: {  	[smem:$0x3F8F] =	sst s9;
	s0 =	simm.s32 @!p0 $0x0  }
0x12: {  	s1 =	sld [smem:$0x3F75];
	s0 =	simm.s32 @p0 $0x1  }
0x13: {  	[smem:$0x3F90] =	sst s0;
	s0 =	simm.s32 @!p1 $0x0  }
0x14: {  	s2 =	sld [smem:$0x3F74];
	s0 =	simm.s32 @p1 $0x1  }
0x15: {  	[smem:$0x3F91] =	sst s0;
	s0 =	simm.s32 @!p2 $0x0  }
0x16: {  	s3 =	sld [smem:$0x3FDB];
	s0 =	simm.s32 @p2 $0x1  }
0x17: {  	s4 =	simm.s32 $0x1BF5;
	[smem:$0x3F93] =	sst s0  }
0x18: {  	s0 =	sld [smem:$0x3F76];
	_ =	swait.ge [sflag:s4], $0x0  }
0x19: {  	s7 =	sld [smem:$0x3F77]  }
0x1a: {  	s8 =	sadd.s32 $0xFFFFE003, lr  }
0x1b: {  	s9 =	sadd.s32 $0xFFFFFEF7, lr;
	s5 =	simm.s32 $0xFFFFFFFF;
	p2 =	slt.u32 s8, $0xFFFFF086  }
0x1c: {  	p1 =	slt.u32 s9, $0xF7A;
	s5 =	simm.s32 @!p2 $0x0  }
0x1d: {  	s5 =	simm.s32 @p1 $0x1;
	p0 =	seq.s32 s7, s2  }
0x1e: {  	s7 =	smul.u32 @!p0 $0xF7A, s2;
	p2 =	seq.s32 @!p0 s5, $0x0  }
0x1f: {  	s9 =	smul.u32 $0xF7A, s1;
	s8 =	simm.s32 @!p0 $0x1BF5;
	p2 =	por !p2, p0  }
0x20: {  	[sflag:s8] =	ssyncset.s32 @!p0 $0xFFFFF086;
	s6 =	sadd.s32 @!p0 s3, s7;
	s7 =	simm.s32 @!p0 $0x108  }
0x21: {  	s3 =	sadd.s32 s3, s9;
	s6 =	sadd.s32 @!p0 $0x88, s6;
	s7 =	simm.s32 @p2 $0x1082  }
0x22: {  	[simem:s7], [sflag:s8] =	dma.local @!p0 [hbm:s6], $0xF7A  }
0x23: {  	s9 =	sor.u32 $0xD0000000, s2;
	s6 =	simm.s32 $0x108;
	_ =	swait.ge @!p0 [sflag:s8], $0x0  }
0x24: {  	s3 =	sadd.s32 $0x88, s3;
	s6 =	simm.s32 @!p1 $0x1082;
	[sflag:s4] =	ssyncset.s32 $0xFFFFF086  }
0x25: {  	[simem:s6], [sflag:s4] =	dma.local [hbm:s3], $0xF7A  }
0x26: {  	[smem:$0x3F77] =	sst s1;
	(tag) =	ssettag s2;
	_ =	strace s9  }
0x27: {  	s1 =	sld [smem:$0x3F87]  }
0x28: {  	s2 =	sld [smem:$0x3F88]  }
0x29: {  	s4 =	sld [smem:$0x3F8A]  }
0x2a: {  	p0 =	seq.s32 s5, $0x0;
	s5 =	sld [smem:$0x3F8B]  }
0x2b: {  	s6 =	sld [smem:$0x3F8C]  }
0x2c: {  	s7 =	sld [smem:$0x3F8D]  }
0x2d: {  	s3 =	simm.s32 $0x108;
	s8 =	sld [smem:$0x3F8E]  }
0x2e: {  	s3 =	simm.s32 @!p0 $0x1082;
	s9 =	sld [smem:$0x3F8F]  }
0x2f: {  	lr =	sadd.s32 s0, s3;
	s0 =	sld [smem:$0x3F86]  }
0x30: {  	s3 =	sld [smem:$0x3F89]  }
0x31: {  	[smem:$0x3F92] =	sst s10  }
0x32: {  	s10 =	sld [smem:$0x3F90];
	_ =	sdelay $0x3  }
0x33: {  	p0 =	seq.s32 s10, $0x1;
	s10 =	sld [smem:$0x3F92];
	_ =	sdelay $0x3  }
0x34: {  	[smem:$0x3F92] =	sst s10  }
0x35: {  	s10 =	sld [smem:$0x3F91];
	_ =	sdelay $0x3  }
0x36: {  	p1 =	seq.s32 s10, $0x1;
	s10 =	sld [smem:$0x3F92];
	_ =	sdelay $0x3  }
0x37: {  	[smem:$0x3F92] =	sst s10  }
0x38: {  	s10 =	sld [smem:$0x3F93]  }
0x39: {  	_ = 	snop;
	(pc) =	sbr.ind lr, $3  }
0x3a: {  	_ = 	snop  }
0x3b: {  	_ = 	snop  }
0x3c: {  	p2 =	seq.s32 s10, $0x1;
	s10 =	sld [smem:$0x3F92]  }
0x3d: {  	_ =	shalt  }
0x3e: {  	_ =	shalt  }
0x3f: {  	_ =	shalt  }
0x40: {  	_ =	shalt  }
0x41: {  	_ =	shalt  }
0x42: {  	_ =	shalt  }
0x43: {  	_ =	shalt  }
0x44: {  	_ =	shalt  }
0x45: {  	_ =	shalt  }
0x46: {  	_ =	shalt  }
0x47: {  	_ =	shalt  }
0x48: {  	_ =	shalt  }
0x49: {  	_ =	shalt  }
0x4a: {  	_ =	shalt  }
0x4b: {  	_ =	shalt  }
0x4c: {  	_ =	shalt  }
0x4d: {  	_ =	shalt  }
0x4e: {  	_ =	shalt  }
0x4f: {  	_ =	shalt  }
0x50: {  	_ =	shalt  }
0x51: {  	_ =	shalt  }
0x52: {  	_ =	shalt  }
0x53: {  	_ =	shalt  }
0x54: {  	_ =	shalt  }
0x55: {  	_ =	shalt  }
0x56: {  	_ =	shalt  }
0x57: {  	_ =	shalt  }
0x58: {  	_ =	shalt  }
0x59: {  	_ =	shalt  }
0x5a: {  	_ =	shalt  }
0x5b: {  	_ =	shalt  }
0x5c: {  	_ =	shalt  }
0x5d: {  	_ =	shalt  }
0x5e: {  	_ =	shalt  }
0x5f: {  	_ =	shalt  }
0x60: {  	_ =	shalt  }
0x61: {  	_ =	shalt  }
0x62: {  	_ =	shalt  }
0x63: {  	_ =	shalt  }
0x64: {  	_ =	shalt  }
0x65: {  	_ =	shalt  }
0x66: {  	_ =	shalt  }
0x67: {  	_ =	shalt  }
0x68: {  	_ =	shalt  }
0x69: {  	_ =	shalt  }
0x6a: {  	_ =	shalt  }
0x6b: {  	_ =	shalt  }
0x6c: {  	_ =	shalt  }
0x6d: {  	_ =	shalt  }
0x6e: {  	_ =	shalt  }
0x6f: {  	_ =	shalt  }
0x70: {  	_ =	shalt  }
0x71: {  	_ =	shalt  }
0x72: {  	_ =	shalt  }
0x73: {  	_ =	shalt  }
0x74: {  	_ =	shalt  }
0x75: {  	_ =	shalt  }
0x76: {  	_ =	shalt  }
0x77: {  	_ =	shalt  }
0x78: {  	_ =	shalt  }
0x79: {  	_ =	shalt  }
0x7a: {  	_ =	shalt  }
0x7b: {  	_ =	shalt  }
0x7c: {  	_ =	shalt  }
0x7d: {  	_ =	shalt  }
0x7e: {  	_ =	shalt  }
0x7f: {  	_ =	shalt  }
0x80: {  	_ =	shalt  }
0x81: {  	_ =	shalt  }
0x82: {  	_ =	shalt  }
0x83: {  	_ =	shalt  }
0x84: {  	_ =	shalt  }
0x85: {  	_ =	shalt  }
0x86: {  	_ =	shalt  }
0x87: {  	_ =	shalt  }
.Lfunc_end0:
.L_simem_size_0:
called_computation.2_lowered:
.L_overlay_start_0:
0x88: {  	s2 =	sld [smem:$0x3FD9]  }
0x89: {  	s3 =	sld [smem:$0x3FFE];
	_ =	sdelay $0x1  }
0x8a: {  	s1 =	srdreg.scid  }
0x8b: {  	s0 =	sand.u32 $0x1, s1  }
0x8c: {  	s17 =	sshll.u32 s0, $0xA;
	s2 =	sadd.s32 s3, s2  }
0x8d: {  	s2 =	sadd.s32 s2, s17  }
0x8e: {  	[smem:$0x3F9E] =	sst s2  }
0x8f: {  	_ = 	snop  }
0x90: {  	s2 =	sld [smem:$0x3FC8]  }
0x91: {  	s18 =	sld [smem:$0x3FC7]  }
0x92: {  	s4 =	sld [smem:$0x3FD0];
	(tm) =	ssettm $0x1  }
0x93: {  	s5 =	sld [smem:$0x3FFB];
	_ =	sdelay $0x3  }
0x94: {  	_ =	strace s5  }
0x95: {  	s5 =	sld [smem:$0x3FFC];
	_ =	sdelay $0x3  }
0x96: {  	_ =	strace s5  }
0x97: {  	s5 =	sld [smem:$0x3FFD];
	_ =	sdelay $0x3  }
0x98: {  	_ =	strace s5  }
0x99: {  	_ =	strace $0x8FFFFFFF  }
0x9a: {  	s19 =	sld [smem:$0x3FDB];
	_ =	sdelay $0x1  }
0x9b: {  	s6 =	simm.s32 $_scs_section_size  }
0x9c: {  	s7 =	simm.s32 $_size__tile_overlayer_lowered;
	s8 =	simm.s32 $_tile_overlayer_lowered  }
0x9d: {  	s22 =	simm.s32 $0x1BFF;
	s21 =	sshll.u32 s8, $0x1;
	s5 =	sadd.s32 s6, s19  }
0x9e: {  	s9 =	simm.s32 $0x0;
	s20 =	sshll.u32 s7, $0x1;
	s7 =	sadd.s32 s21, s5  }
0x9f: {  	[timem:s9], [sflag:s22] =	dma.local [hbm:s7], s20  }
0xa0: {  	_ =	swait.ge [sflag:s22], s20  }
0xa1: {  	s6 =	ssub.s32 $0x0, s20;
	[sflag:s22] =	ssyncset.done $0x0  }
0xa2: {  	[sflag:s22] =	ssyncadd.s32 s6;
	_ =	sdelay $0x1  }
0xa3: {  	s23 =	simm.s32 $0x1B8B  }
0xa4: {  	_ =	swait.ge [sflag:s23], $0x1  }
0xa5: {  	[sflag:s23] =	ssyncset.done $0x0  }
0xa6: {  	s25 =	simm.s32 $0x1B8E;
	s24 =	sld [smem:$0x3FFE];
	[sflag:s23] =	ssyncadd.s32 $0xFFFFFFFF  }
0xa7: {  	s26 =	simm.s32 $execute0_lowered;
	[smem:$0x3FD2] =	sst s25  }
0xa8: {  	s7 =	sshll.u32 s26, $0x1;
	_ =	strace $0x8000004C;
	[dreg:$0x1] =	wrdreg $0xFFFFFFFF  }
0xa9: {  	s28 =	simm.s32 $_size_execute0_lowered;
	s5 =	sadd.s32 s5, s7;
	[dreg:$0x0] =	wrdreg $0x0  }
0xaa: {  	s7 =	sshll.u32 s28, $0x1;
	[dreg:$0x2] =	wrdreg s5  }
0xab: {  	[dreg:$0x3] =	wrdreg s7  }
0xac: {  	[dreg:$0x4] =	wrdreg $0xC0  }
0xad: {  	_ =	task [dreg:s9], $0x5FFFF  }
0xae: {  	[dreg:$0x1] =	wrdreg $0xFFFFFFFF  }
0xaf: {  	[dreg:$0x0] =	wrdreg $0x60  }
0xb0: {  	[dreg:$0x2] =	wrdreg s24  }
0xb1: {  	[dreg:$0x3] =	wrdreg s2  }
0xb2: {  	[dreg:$0x4] =	wrdreg s18  }
0xb3: {  	[dreg:$0x5] =	wrdreg s4  }
0xb4: {  	[dreg:$0x6] =	wrdreg $0x8B000  }
0xb5: {  	[dreg:$0x7] =	wrdreg $0x1C7000  }
0xb6: {  	[dreg:$0x8] =	wrdreg $0x9  }
0xb7: {  	_ =	task.clear_ibuf [dreg:s9], $0x9FFFF;
	_ =	strace $0x9000004C  }
0xb8: {  	s29 =	simm.s32 $0x9;
	_ =	strace $0x8000004E  }
0xb9: {  	_ =	swait.ge [sflag:s29], $0x1  }
0xba: {  	[sflag:s29] =	ssyncadd.s32 $0xFFFFFFFF  }
0xbb: {  	_ =	strace $0x9000004E  }
0xbc: {  	_ =	sfence  }
0xbd: {  	s30 =	sld [smem:$0x0];
	_ =	sdelay $0x2  }
0xbe: {  	s31 =	sshll.u32 s1, $0xD;
	s1 =	sshrl.u32 s1, $0x2  }
0xbf: {  	s3 =	sand.u32 $0x4000, s31;
	s1 =	sadd.s32 s1, s30  }
0xc0: {  	s0 =	sor.u32 s3, s0;
	s1 =	sshll.u32 s1, $0x11  }
0xc1: {  	s0 =	sor.u32 s1, s0  }
0xc2: {  	s0 =	sadd.s32 $0x8F2B, s0  }
0xc3: {  	[sflag:s0] =	ssyncadd.remote.s32 $0x1  }
0xc4: {  	_ =	sfence.sel $0xFFFF  }
0xc5: {  	[dreg:$0x0] =	wrdreg $0xFFFFFFFF;
	(pc) =	sbr.abs _section_cstart, $3  }
0xc6: {  	[dreg:$0x1] =	wrdreg $0xFFFFFFFF  }
0xc7: {  	_ =	task.clear_ibuf [dreg:s9], $0x2FFFF;
	_ =	strace $0x9FFFFFFF  }
0xc8: {  	(tm) =	ssettm $0x7FFFFFFF  }
0xc9: {  	_ =	shalt  }
tec
execute0_lowered:
.L_overlay_start_1:
0x0: {  	(tag) =	ssettag $0x1  }
0x1: {  	s0 =	rddreg [dreg:$0x0]  }
0x2: {  	s1 =	rddreg [dreg:$0x1]  }
0x3: {  	s6 =	rddreg [dreg:$0x2]  }
0x4: {  	s8 =	rddreg [dreg:$0x3]  }
0x5: {  	s2 =	rddreg [dreg:$0x4]  }
0x6: {  	s3 =	rddreg [dreg:$0x5];
	s4 =	simm.s32 $0x0;
	s19 =	stileid.u32  }
0x7: {  	s9 =	srdreg.scid;
	s28 =	simm.s32 $0x8300;
	s29 =	simm.s32 $0x6  }
0x8: {  	s30 =	simm.s32 $0x80;
	s31 =	simm.s32 $0x1;
	s7 =	smul.u32 $0x13C00, s19  }
0x9: {  	[smem:$0x7FF] =	sst s4;
	s5 =	sadd.s32 $0x7CC00, s0;
	s11 =	smul.u32 $0x2780, s19  }
0xa: {  	s12 =	sand.u32 $0x1, s9;
	s22 =	sadd.s32 $0xBA00, s0;
	s15 =	sshll.u32 s19, $0x1  }
0xb: {  	p4 =	seq.s32 s19, $0xF;
	_ =	strace $0x8000004D;
	[dreg:$0x7] =	wrdreg s22  }
0xc: {  	s23 =	ssub.s32 $0x2, s12;
	s15 =	sor.u32 s12, s15;
	p3 =	seq.s32 s12, $0x1  }
0xd: {  	s22 =	sshll.u32 s19, $0x5;
	s10 =	sshrl.u32 s7, $0x3;
	s13 =	sshrl.u32 s11, $0x3  }
0xe: {  	s14 =	sshrl.u32 s23, $0x1;
	s7 =	sadd.s32 s7, s2;
	s17 =	sshll.u32 s15, $0x4  }
0xf: {  	s9 =	sadd.s32 s11, s3;
	p0 =	por !p3, !p4;
	p1 =	por p3, !p4  }
0x10: {  	p2 =	por !p3, p4;
	p3 =	por p3, p4;
	s26 =	sadd.s32 s1, s17  }
0x11: {  	s10 =	sadd.s32 s10, s0;
	s18 =	sadd.s32 s6, s17;
	[dreg:$0xa] =	wrdreg s26  }
0x12: {  	s16 =	sadd.s32 s13, s0;
	s21 =	sadd.s32 s8, s13;
	[dreg:$0xb] =	wrdreg s18  }
0x13: {  	s14 =	ssub.s32 s23, s14;
	s8 =	sadd.s32 $0x4A10, s8;
	[dreg:$0xd] =	wrdreg s21  }
0x14: {  	s6 =	sadd.s32 s22, s6;
	s24 =	sadd.s32 $0x55400, s10;
	[dreg:$0x11] =	wrdreg s8  }
0x15: {  	s1 =	sadd.s32 s22, s1;
	s25 =	sadd.s32 $0x6A00, s16;
	[dreg:$0x8] =	wrdreg s24  }
0x16: {  	s20 =	sadd.s32 $0x10C00, s10;
	s10 =	sadd.s32 $0xCAE00, s10;
	[dreg:$0x9] =	wrdreg s25  }
0x17: {  	s23 =	sadd.s32 $0xBC00, s16;
	s18 =	sadd.s32 $0x128400, s2;
	[dreg:$0xc] =	wrdreg s20  }
0x18: {  	s26 =	sadd.s32 $0xEFE80, s0;
	s8 =	simm.s32 $0x0;
	[dreg:$0xe] =	wrdreg s10  }
.Ltmp0:
0x19: {  	[dreg:$0xf] =	wrdreg s23;
	s24 =	sadd.s32 $0x35C80, s0;
	(pc) =	sbr.rel .LBB2_1-.Ltmp0, $4  }
0x1a: {  	s25 =	sshll.u32 s12, $0x4;
	[dreg:$0x12] =	wrdreg s26;
	s23 =	sadd.s32 $0x10610, s0  }
0x1b: {  	s12 =	sor.u32 $0x20, s15;
	s26 =	sadd.s32 $0x25080, s3;
	s0 =	simm.s32 $0x300  }
0x1c: {  	[dreg:$0x10] =	wrdreg s24;
	s20 =	sadd.s32 s25, s6;
	s21 =	sadd.s32 s25, s1  }
0x1d: {  	s24 =	smax.u32 s14, $0x1;
	s1 =	simm.s32 $0x3;
	s6 =	simm.s32 $0x200  }
.LBB2_5:
0x1e: {  	p4 =	seq.s32 s14, $0x0  }
0x1f: {  	s13 =	simm.s32 @!p4 $0x4  }
0x20: {  	_ =	swait.ge @!p4 [sflag:s13], $0x4000  }
0x21: {  	[sflag:s13] =	ssyncset.done @!p4 $0x0  }
0x22: {  	[sflag:s13] =	ssyncadd.s32 @!p4 $0xFFFFC000  }
0x23: {  	_ =	swait.ge @!p4 [sflag:s13], $0x800  }
0x24: {  	p5 =	seq.s32 s11, $0x0;
	[sflag:s13] =	ssyncset.done @!p4 $0x0  }
0x25: {  	s11 =	simm.s32 @!p5 $0x5;
	[sflag:s13] =	ssyncadd.s32 @!p4 $0xFFFFF800  }
0x26: {  	_ =	swait.ge @!p5 [sflag:s11], $0x4000  }
0x27: {  	[sflag:s11] =	ssyncset.done @!p5 $0x0  }
0x28: {  	[sflag:s11] =	ssyncadd.s32 @!p5 $0xFFFFC000  }
0x29: {  	_ =	swait.ge @!p5 [sflag:s11], $0x800  }
0x2a: {  	[sflag:s11] =	ssyncset.done @!p5 $0x0  }
0x2b: {  	[sflag:s11] =	ssyncadd.s32 @!p5 $0xFFFFF800  }
0x2c: {  	[bflag:$0x0] =	sbarrier.arrive $0xFFFF  }
0x2d: {  	s11 =	sshrl.u32 @!p0 s18, $0x3;
	s13 =	rddreg [dreg:$0x12]  }
0x2e: {  	[hbm:s13], [sflag:s10] =	dma.local @!p0 [spmem:s11], $0x2080  }
0x2f: {  	s11 =	simm.s32 @!p0 $0x6  }
0x30: {  	_ =	swait.ge @!p0 [sflag:s11], $0x2080  }
0x31: {  	[sflag:s11] =	ssyncset.done @!p0 $0x0  }
0x32: {  	s13 =	sshrl.u32 @!p0 s26, $0x3;
	[sflag:s11] =	ssyncadd.s32 @!p0 $0xFFFFDF80  }
0x33: {  	[hbm:s23], [sflag:s10] =	dma.local @!p0 [spmem:s13], $0x410  }
0x34: {  	_ =	swait.ge @!p0 [sflag:s11], $0x410  }
0x35: {  	[sflag:s11] =	ssyncset.done @!p0 $0x0  }
0x36: {  	s13 =	rddreg [dreg:$0x10];
	[sflag:s11] =	ssyncadd.s32 @!p0 $0xFFFFFBF0;
	s11 =	sshrl.u32 @!p1 s18, $0x3  }
0x37: {  	[hbm:s13], [sflag:s10] =	dma.local @!p1 [spmem:s11], $0x2080  }
0x38: {  	s11 =	simm.s32 @!p1 $0x6  }
0x39: {  	_ =	swait.ge @!p1 [sflag:s11], $0x2080  }
0x3a: {  	[sflag:s11] =	ssyncset.done @!p1 $0x0  }
0x3b: {  	s13 =	sshrl.u32 @!p1 s26, $0x3;
	s14 =	rddreg [dreg:$0x11];
	[sflag:s11] =	ssyncadd.s32 @!p1 $0xFFFFDF80  }
0x3c: {  	[hbm:s14], [sflag:s10] =	dma.local @!p1 [spmem:s13], $0x410  }
0x3d: {  	_ =	swait.ge @!p1 [sflag:s11], $0x410  }
0x3e: {  	[sflag:s11] =	ssyncset.done @!p1 $0x0  }
0x3f: {  	s13 =	rddreg [dreg:$0xe];
	[sflag:s11] =	ssyncadd.s32 @!p1 $0xFFFFFBF0;
	s11 =	sshrl.u32 @!p2 s7, $0x3  }
0x40: {  	[hbm:s13], [sflag:s10] =	dma.local @!p2 [spmem:s11], $0x2780  }
0x41: {  	s11 =	simm.s32 @!p2 $0x6  }
0x42: {  	_ =	swait.ge @!p2 [sflag:s11], $0x2780  }
0x43: {  	[sflag:s11] =	ssyncset.done @!p2 $0x0  }
0x44: {  	s13 =	sshrl.u32 @!p2 s9, $0x3;
	s14 =	rddreg [dreg:$0xf];
	[sflag:s11] =	ssyncadd.s32 @!p2 $0xFFFFD880  }
0x45: {  	[hbm:s14], [sflag:s10] =	dma.local @!p2 [spmem:s13], $0x4F0  }
0x46: {  	_ =	swait.ge @!p2 [sflag:s11], $0x4F0  }
0x47: {  	[sflag:s11] =	ssyncset.done @!p2 $0x0  }
0x48: {  	s13 =	rddreg [dreg:$0xc];
	[sflag:s11] =	ssyncadd.s32 @!p2 $0xFFFFFB10;
	s11 =	sshrl.u32 @!p3 s7, $0x3  }
0x49: {  	[hbm:s13], [sflag:s10] =	dma.local @!p3 [spmem:s11], $0x2780  }
0x4a: {  	s11 =	simm.s32 @!p3 $0x6  }
0x4b: {  	s8 =	sadd.s32 $0x1, s8;
	_ =	swait.ge @!p3 [sflag:s11], $0x2780  }
0x4c: {  	p4 =	sne.s32 s8, s24;
	s13 =	sshrl.u32 @!p3 s9, $0x3;
	[sflag:s11] =	ssyncset.done @!p3 $0x0  }
.Ltmp1:
0x4d: {  	s14 =	rddreg [dreg:$0xd];
	[sflag:s11] =	ssyncadd.s32 @!p3 $0xFFFFD880;
	(pc) =	sbr.rel @!p4 .LBB2_6-.Ltmp1, $4  }
0x4e: {  	[hbm:s14], [sflag:s10] =	dma.local @!p3 [spmem:s13], $0x4F0  }
0x4f: {  	_ =	swait.ge @!p3 [sflag:s11], $0x4F0  }
0x50: {  	[sflag:s11] =	ssyncset.done @!p3 $0x0  }
0x51: {  	[sflag:s11] =	ssyncadd.s32 @!p3 $0xFFFFFB10  }
.LBB2_1:
0x52: {  	s10 =	rddreg [dreg:$0x7]  }
0x53: {  	[tilespmem:s28], [sflag:$0x6] =	stream.linear.gather [hbm4b:s10+s4], $0x800, $0x38;
	[tilespmem:$0x1EE80] =	vst v63  }
0x54: {  	s16 =	stileid.u32;
	_ =	swait.ge [sflag:s29], $0x800  }
0x55: {  	s11 =	sshrl.u32 s7, $0x3;
	s10 =	sshll.u32 s16, $0x6;
	[sflag:s29] =	ssyncset.done $0x0  }
0x56: {  	s10 =	sor.u32 $0x1C06, s10;
	s13 =	rddreg [dreg:$0x8];
	[sflag:s29] =	ssyncadd.s32 $0xFFFFF800  }
0x57: {  	[spmem:s11], [sflag:s10] =	dma.local [hbm:s13], $0x2780  }
0x58: {  	_ =	swait.ge [sflag:s29], $0x2780  }
0x59: {  	[sflag:s29] =	ssyncset.done $0x0  }
0x5a: {  	s17 =	sshrl.u32 s9, $0x3;
	s19 =	rddreg [dreg:$0x9];
	[sflag:s29] =	ssyncadd.s32 $0xFFFFD880  }
0x5b: {  	[spmem:s17], [sflag:s10] =	dma.local [hbm:s19], $0x4F0  }
0x5c: {  	_ =	swait.ge [sflag:s29], $0x4F0  }
0x5d: {  	[sflag:s29] =	ssyncset.done $0x0  }
0x5e: {  	[sflag:s29] =	ssyncadd.s32 $0xFFFFFB10  }
0x5f: {  	[bflag:$0x0] =	sbarrier.arrive $0xFFFF  }
.Ltmp2:
0x60: {  	s22 =	rddreg [dreg:$0xa];
	(pc) =	sbr.rel .LBB2_2-.Ltmp2, $4  }
0x61: {  	[tilespmem:s4], [sflag:$0x1] =	stream.linear.gather [hbm4b:s22+s4], $0x80, $0x38;
	[tilespmem:$0x1EE80] =	vst v63  }
0x62: {  	s14 =	simm.s32 $0x0;
	s25 =	rddreg [dreg:$0xb]  }
0x63: {  	[tilespmem:s30], [sflag:$0x1] =	stream.linear.gather [hbm4b:s25+s4], $0x80, $0x38;
	[tilespmem:$0x1EE80] =	vst v63  }
0x64: {  	s13 =	simm.s32 $0x0;
	s11 =	simm.s32 $0x0;
	s25 =	smov.u32 s12  }
.LBB2_4:
0x65: {  	s13 =	sadd.s32 $0x400, s13  }
0x66: {  	p5 =	sne.s32 s13, $0xA000  }
.Ltmp3:
0x67: {  	_ = 	snop;
	(pc) =	sbr.rel @!p5 .LBB2_5-.Ltmp3, $3  }
0x68: {  	_ =	sdelay $0x1  }
0x69: {  	p4 =	slt.u32 s15, $0x9C4  }
0x6a: {  	s25 =	sadd.s32 $0x40, s25;
	s14 =	simm.s32 @p4 $0x1  }
.LBB2_2:
0x6b: {  	s15 =	sadd.s32 $0xFFFFFFE0, s25  }
0x6c: {  	p4 =	sgt.u32 s15, $0x9C3  }
.Ltmp4:
0x6d: {  	_ = 	snop;
	(pc) =	sbr.rel @p4 .LBB2_4-.Ltmp4, $1  }
0x6e: {  	_ =	sdelay $0x3  }
0x6f: {  	_ =	swait.ge [sflag:s31], $0x80  }
0x70: {  	[sflag:s31] =	ssyncset.done $0x0  }
0x71: {  	[sflag:s31] =	ssyncadd.s32 $0xFFFFFF80  }
0x72: {  	p4 =	sgt.u32 s25, $0x9C3;
	_ =	swait.ge [sflag:s31], $0x80  }
0x73: {  	s16 =	sadd.s32 @!p4 s13, s21;
	s17 =	simm.s32 @!p4 $0x0;
	[sflag:s31] =	ssyncset.done $0x0  }
0x74: {  	s19 =	simm.s32 @!p4 $0x100;
	s16 =	sadd.s32 @!p4 $0x200, s16;
	[sflag:s31] =	ssyncadd.s32 $0xFFFFFF80  }
0x75: {  	[tilespmem:s19], [sflag:$0x2] =	stream.linear.gather @!p4 [hbm4b:s16+s17], $0x80, $0x38;
	[tilespmem:$0x1EE80] =	vst v63  }
0x76: {  	s16 =	sadd.s32 @!p4 s13, s20  }
0x77: {  	p5 =	seq.s32 s14, $0x0;
	s19 =	sadd.s32 @!p4 $0x200, s16;
	s16 =	simm.s32 @!p4 $0x180  }
0x78: {  	[tilespmem:s16], [sflag:$0x2] =	stream.linear.gather @!p4 [hbm4b:s19+s17], $0x80, $0x38;
	[tilespmem:$0x1EE80] =	vst v63  }
0x79: {  	s17 =	simm.s32 @!p5 $0x4  }
0x7a: {  	_ =	swait.ge @!p5 [sflag:s17], $0x4000  }
0x7b: {  	[sflag:s17] =	ssyncset.done @!p5 $0x0  }
0x7c: {  	[sflag:s17] =	ssyncadd.s32 @!p5 $0xFFFFC000  }
0x7d: {  	_ =	swait.ge @!p5 [sflag:s17], $0x800  }
0x7e: {  	[sflag:s17] =	ssyncset.done @!p5 $0x0  }
0x7f: {  	[sflag:s17] =	ssyncadd.s32 @!p5 $0xFFFFF800  }
0x80: {  	v0 =	vld [tilespmem:$0x0]  }
0x81: {  	v1 =	vld [tilespmem:$0x10]  }
0x82: {  	v2 =	vld [tilespmem:$0x20]  }
0x83: {  	v3 =	vld [tilespmem:$0x30]  }
0x84: {  	v4 =	vld [tilespmem:$0x40]  }
0x85: {  	v61 =	vld [tilespmem:$0x50];
	[tilespmem:$0x200] =	vst v0  }
0x86: {  	v62 =	vld [tilespmem:$0x60];
	[tilespmem:$0x210] =	vst v1  }
0x87: {  	v63 =	vld [tilespmem:$0x70];
	[tilespmem:$0x220] =	vst v2  }
0x88: {  	[tilespmem:$0x230] =	vst v3  }
0x89: {  	[tilespmem:$0x240] =	vst v4  }
0x8a: {  	[tilespmem:$0x250] =	vst v61  }
0x8b: {  	[tilespmem:$0x260] =	vst v62  }
0x8c: {  	[tilespmem:$0x270] =	vst v63  }
0x8d: {  	[tilespmem:s0], [sflag:$0x3] =	stream.indirect.gather [hbm4b:s5+s30], $0x80, s30, s30, $0xb8;
	[tilespmem:$0x1EE80] =	vst v63  }
0x8e: {  	_ =	swait.ge [sflag:s1], $0x4000  }
0x8f: {  	[sflag:s1] =	ssyncset.done $0x0  }
0x90: {  	[sflag:s1] =	ssyncadd.s32 $0xFFFFC000  }
0x91: {  	[spmem:s2] =	stream.indirect.scatter.add.f32 [tilespmem:s0], [sflag:$0x4], $0x80, s6, s30, $0xb8;
	[tilespmem:$0x1EE80] =	vst v63  }
0x92: {  	s17 =	simm.s32 @!p4 $0x2  }
0x93: {  	[spmem:s3] =	stream.indirect.scatter.add.f32 [tilespmem:s28], [sflag:$0x4], $0x10, s6, s30, $0xb8;
	[tilespmem:$0x1EE80] =	vst v63  }
0x94: {  	_ =	swait.ge @!p4 [sflag:s17], $0x80  }
0x95: {  	[sflag:s17] =	ssyncset.done @!p4 $0x0  }
0x96: {  	p5 =	sgt.u32 @!p4 s25, $0x9A3;
	[sflag:s17] =	ssyncadd.s32 @!p4 $0xFFFFFF80  }
0x97: {  	p5 =	por p5, p4;
	_ =	swait.ge @!p4 [sflag:s17], $0x80  }
0x98: {  	s19 =	sadd.s32 @!p5 s13, s21;
	[sflag:s17] =	ssyncset.done @!p4 $0x0  }
0x99: {  	[sflag:s17] =	ssyncadd.s32 @!p4 $0xFFFFFF80;
	s17 =	sadd.s32 @!p5 $0x400, s19;
	s19 =	simm.s32 @!p5 $0x0  }
0x9a: {  	[tilespmem:s19], [sflag:$0x1] =	stream.linear.gather @!p5 [hbm4b:s17+s19], $0x80, $0x38;
	[tilespmem:$0x1EE80] =	vst v63  }
0x9b: {  	s17 =	sadd.s32 @!p5 s13, s20  }
0x9c: {  	s22 =	simm.s32 @!p5 $0x80;
	s17 =	sadd.s32 @!p5 $0x400, s17  }
0x9d: {  	[tilespmem:s22], [sflag:$0x1] =	stream.linear.gather @!p5 [hbm4b:s17+s19], $0x80, $0x38;
	[tilespmem:$0x1EE80] =	vst v63  }
0x9e: {  	p5 =	seq.s32 @!p4 s11, $0x0  }
0x9f: {  	p5 =	por p5, p4  }
0xa0: {  	s17 =	simm.s32 @!p5 $0x5  }
0xa1: {  	_ =	swait.ge @!p5 [sflag:s17], $0x4000  }
0xa2: {  	[sflag:s17] =	ssyncset.done @!p5 $0x0  }
0xa3: {  	[sflag:s17] =	ssyncadd.s32 @!p5 $0xFFFFC000  }
0xa4: {  	_ =	swait.ge @!p5 [sflag:s17], $0x800  }
0xa5: {  	[sflag:s17] =	ssyncset.done @!p5 $0x0  }
0xa6: {  	[sflag:s17] =	ssyncadd.s32 @!p5 $0xFFFFF800  }
0xa7: {  	v0 =	vld @!p4 [tilespmem:$0x100]  }
0xa8: {  	v1 =	vld @!p4 [tilespmem:$0x110]  }
0xa9: {  	v2 =	vld @!p4 [tilespmem:$0x120]  }
0xaa: {  	v3 =	vld @!p4 [tilespmem:$0x130]  }
0xab: {  	v4 =	vld @!p4 [tilespmem:$0x140]  }
0xac: {  	[tilespmem:$0x280] =	vst @!p4 v0;
	v0 =	vld @!p4 [tilespmem:$0x150]  }
0xad: {  	[tilespmem:$0x290] =	vst @!p4 v1;
	v1 =	vld @!p4 [tilespmem:$0x160]  }
0xae: {  	[tilespmem:$0x2A0] =	vst @!p4 v2;
	v2 =	vld @!p4 [tilespmem:$0x170]  }
0xaf: {  	[tilespmem:$0x2B0] =	vst @!p4 v3  }
0xb0: {  	[tilespmem:$0x2C0] =	vst @!p4 v4  }
0xb1: {  	[tilespmem:$0x2D0] =	vst @!p4 v0  }
0xb2: {  	[tilespmem:$0x2E0] =	vst @!p4 v1  }
0xb3: {  	s19 =	simm.s32 @!p4 $0x4300;
	s17 =	simm.s32 @!p4 $0x80;
	[tilespmem:$0x2F0] =	vst @!p4 v2  }
0xb4: {  	[tilespmem:s19], [sflag:$0x3] =	stream.indirect.gather @!p4 [hbm4b:s5+s17], $0x80, s16, s17, $0xb8;
	[tilespmem:$0x1EE80] =	vst v63  }
0xb5: {  	s16 =	simm.s32 @!p4 $0x3  }
0xb6: {  	_ =	swait.ge @!p4 [sflag:s16], $0x4000  }
.Ltmp5:
0xb7: {  	[sflag:s16] =	ssyncset.done @!p4 $0x0;
	(pc) =	sbr.rel .LBB2_4-.Ltmp5, $4  }
0xb8: {  	[sflag:s16] =	ssyncadd.s32 @!p4 $0xFFFFC000;
	s16 =	simm.s32 @!p4 $0x280  }
0xb9: {  	[spmem:s2] =	stream.indirect.scatter.add.f32 @!p4 [tilespmem:s19], [sflag:$0x5], $0x80, s16, s17, $0xb8;
	[tilespmem:$0x1EE80] =	vst v63  }
0xba: {  	s11 =	simm.s32 @!p4 $0x1;
	s19 =	simm.s32 @!p4 $0x8300  }
0xbb: {  	[spmem:s3] =	stream.indirect.scatter.add.f32 @!p4 [tilespmem:s19], [sflag:$0x5], $0x10, s16, s17, $0xb8;
	[tilespmem:$0x1EE80] =	vst v63  }
.LBB2_6:
0xbc: {  	_ =	sfence.sel $0x180000  }
0xbd: {  	[bflag:$0x0] =	sbarrier.arrive $0xFFFF  }
0xbe: {  	_ =	strace $0x9000004D  }
0xbf: {  	s0 =	stileid.u32;
	[bflag:$0x2] =	sbarrier.arrive $0xFFFF  }
0xc0: {  	p0 =	sne.s32 s0, $0x0;
	s0 =	rddreg [dreg:$0x6]  }
0xc1: {  	s0 =	sadd.s32 @!p0 $0x100000, s0  }
0xc2: {  	[sflag:s0] =	ssyncadd.tile.s32 @!p0 $0x1;
	_ =	shalt  }
.Lfunc_end2:
_tile_overlayer_lowered:
.L_overlay_start_2:
0xc3: {  	(tag) =	ssettag $0x2  }
0xc4: {  	s0 =	rddreg [dreg:$0x0];
	s2 =	stileid.u32  }
0xc5: {  	s1 =	rddreg [dreg:$0x1];
	p0 =	sne.s32 s2, $0x0  }
0xc6: {  	s3 =	rddreg [dreg:$0x2];
	[bflag:$0x3] =	sbarrier.arrive $0xFFFF;
	s2 =	simm.s32 @!p0 $0x1C06  }
0xc7: {  	[timem:s3], [sflag:s2] =	dma.local @!p0 [hbm:s0], s1  }
0xc8: {  	s0 =	simm.s32 @!p0 $0x6  }
0xc9: {  	_ =	swait.ge @!p0 [sflag:s0], s1  }
0xca: {  	s1 =	ssub.s32 @!p0 $0x0, s1;
	[sflag:s0] =	ssyncset.done @!p0 $0x0  }
0xcb: {  	[sflag:s0] =	ssyncadd.s32 @!p0 s1  }
0xcc: {  	[bflag:$0x3] =	sbarrier.arrive $0xFFFF  }
0xcd: {  	_ =	shalt  }

// kernel: kernel.8.cloned.1.call-start
scs
__scs_entry_jumppad:
0x0: {  	(pc) =	sbr.rel $0x88, $3  }
0x1: {  	(tag) =	ssettag $0x0;
	lr =	simm.s32 $0x1  }
0x2: {  	[smem:$0x3F77] =	sst lr;
	_ =	strace $0xD0000000  }
0x3: {  	_ = 	snop  }
0x4: {  	_ = 	snop  }
0x5: {  	_ = 	snop  }
0x6: {  	_ = 	snop  }
0x7: {  	_ = 	snop  }
__scs_overlays_trampoline_lowered:
0x8: {  	[smem:$0x3F86] =	sst s0  }
0x9: {  	[smem:$0x3F87] =	sst s1  }
0xa: {  	[smem:$0x3F88] =	sst s2  }
0xb: {  	[smem:$0x3F89] =	sst s3  }
0xc: {  	[smem:$0x3F8A] =	sst s4  }
0xd: {  	[smem:$0x3F8B] =	sst s5  }
0xe: {  	[smem:$0x3F8C] =	sst s6  }
0xf: {  	[smem:$0x3F8D] =	sst s7  }
0x10: {  	[smem:$0x3F8E] =	sst s8  }
0x11: {  	[smem:$0x3F8F] =	sst s9;
	s0 =	simm.s32 @!p0 $0x0  }
0x12: {  	s1 =	sld [smem:$0x3F75];
	s0 =	simm.s32 @p0 $0x1  }
0x13: {  	[smem:$0x3F90] =	sst s0;
	s0 =	simm.s32 @!p1 $0x0  }
0x14: {  	s2 =	sld [smem:$0x3F74];
	s0 =	simm.s32 @p1 $0x1  }
0x15: {  	[smem:$0x3F91] =	sst s0;
	s0 =	simm.s32 @!p2 $0x0  }
0x16: {  	s3 =	sld [smem:$0x3FDB];
	s0 =	simm.s32 @p2 $0x1  }
0x17: {  	s4 =	simm.s32 $0x1BF5;
	[smem:$0x3F93] =	sst s0  }
0x18: {  	s0 =	sld [smem:$0x3F76];
	_ =	swait.ge [sflag:s4], $0x0  }
0x19: {  	s7 =	sld [smem:$0x3F77]  }
0x1a: {  	s8 =	sadd.s32 $0xFFFFE003, lr  }
0x1b: {  	s9 =	sadd.s32 $0xFFFFFEF7, lr;
	s5 =	simm.s32 $0xFFFFFFFF;
	p2 =	slt.u32 s8, $0xFFFFF086  }
0x1c: {  	p1 =	slt.u32 s9, $0xF7A;
	s5 =	simm.s32 @!p2 $0x0  }
0x1d: {  	s5 =	simm.s32 @p1 $0x1;
	p0 =	seq.s32 s7, s2  }
0x1e: {  	s7 =	smul.u32 @!p0 $0xF7A, s2;
	p2 =	seq.s32 @!p0 s5, $0x0  }
0x1f: {  	s9 =	smul.u32 $0xF7A, s1;
	s8 =	simm.s32 @!p0 $0x1BF5;
	p2 =	por !p2, p0  }
0x20: {  	[sflag:s8] =	ssyncset.s32 @!p0 $0xFFFFF086;
	s6 =	sadd.s32 @!p0 s3, s7;
	s7 =	simm.s32 @!p0 $0x108  }
0x21: {  	s3 =	sadd.s32 s3, s9;
	s6 =	sadd.s32 @!p0 $0x88, s6;
	s7 =	simm.s32 @p2 $0x1082  }
0x22: {  	[simem:s7], [sflag:s8] =	dma.local @!p0 [hbm:s6], $0xF7A  }
0x23: {  	s9 =	sor.u32 $0xD0000000, s2;
	s6 =	simm.s32 $0x108;
	_ =	swait.ge @!p0 [sflag:s8], $0x0  }
0x24: {  	s3 =	sadd.s32 $0x88, s3;
	s6 =	simm.s32 @!p1 $0x1082;
	[sflag:s4] =	ssyncset.s32 $0xFFFFF086  }
0x25: {  	[simem:s6], [sflag:s4] =	dma.local [hbm:s3], $0xF7A  }
0x26: {  	[smem:$0x3F77] =	sst s1;
	(tag) =	ssettag s2;
	_ =	strace s9  }
0x27: {  	s1 =	sld [smem:$0x3F87]  }
0x28: {  	s2 =	sld [smem:$0x3F88]  }
0x29: {  	s4 =	sld [smem:$0x3F8A]  }
0x2a: {  	p0 =	seq.s32 s5, $0x0;
	s5 =	sld [smem:$0x3F8B]  }
0x2b: {  	s6 =	sld [smem:$0x3F8C]  }
0x2c: {  	s7 =	sld [smem:$0x3F8D]  }
0x2d: {  	s3 =	simm.s32 $0x108;
	s8 =	sld [smem:$0x3F8E]  }
0x2e: {  	s3 =	simm.s32 @!p0 $0x1082;
	s9 =	sld [smem:$0x3F8F]  }
0x2f: {  	lr =	sadd.s32 s0, s3;
	s0 =	sld [smem:$0x3F86]  }
0x30: {  	s3 =	sld [smem:$0x3F89]  }
0x31: {  	[smem:$0x3F92] =	sst s10  }
0x32: {  	s10 =	sld [smem:$0x3F90];
	_ =	sdelay $0x3  }
0x33: {  	p0 =	seq.s32 s10, $0x1;
	s10 =	sld [smem:$0x3F92];
	_ =	sdelay $0x3  }
0x34: {  	[smem:$0x3F92] =	sst s10  }
0x35: {  	s10 =	sld [smem:$0x3F91];
	_ =	sdelay $0x3  }
0x36: {  	p1 =	seq.s32 s10, $0x1;
	s10 =	sld [smem:$0x3F92];
	_ =	sdelay $0x3  }
0x37: {  	[smem:$0x3F92] =	sst s10  }
0x38: {  	s10 =	sld [smem:$0x3F93]  }
0x39: {  	_ = 	snop;
	(pc) =	sbr.ind lr, $3  }
0x3a: {  	_ = 	snop  }
0x3b: {  	_ = 	snop  }
0x3c: {  	p2 =	seq.s32 s10, $0x1;
	s10 =	sld [smem:$0x3F92]  }
0x3d: {  	_ =	shalt  }
0x3e: {  	_ =	shalt  }
0x3f: {  	_ =	shalt  }
0x40: {  	_ =	shalt  }
0x41: {  	_ =	shalt  }
0x42: {  	_ =	shalt  }
0x43: {  	_ =	shalt  }
0x44: {  	_ =	shalt  }
0x45: {  	_ =	shalt  }
0x46: {  	_ =	shalt  }
0x47: {  	_ =	shalt  }
0x48: {  	_ =	shalt  }
0x49: {  	_ =	shalt  }
0x4a: {  	_ =	shalt  }
0x4b: {  	_ =	shalt  }
0x4c: {  	_ =	shalt  }
0x4d: {  	_ =	shalt  }
0x4e: {  	_ =	shalt  }
0x4f: {  	_ =	shalt  }
0x50: {  	_ =	shalt  }
0x51: {  	_ =	shalt  }
0x52: {  	_ =	shalt  }
0x53: {  	_ =	shalt  }
0x54: {  	_ =	shalt  }
0x55: {  	_ =	shalt  }
0x56: {  	_ =	shalt  }
0x57: {  	_ =	shalt  }
0x58: {  	_ =	shalt  }
0x59: {  	_ =	shalt  }
0x5a: {  	_ =	shalt  }
0x5b: {  	_ =	shalt  }
0x5c: {  	_ =	shalt  }
0x5d: {  	_ =	shalt  }
0x5e: {  	_ =	shalt  }
0x5f: {  	_ =	shalt  }
0x60: {  	_ =	shalt  }
0x61: {  	_ =	shalt  }
0x62: {  	_ =	shalt  }
0x63: {  	_ =	shalt  }
0x64: {  	_ =	shalt  }
0x65: {  	_ =	shalt  }
0x66: {  	_ =	shalt  }
0x67: {  	_ =	shalt  }
0x68: {  	_ =	shalt  }
0x69: {  	_ =	shalt  }
0x6a: {  	_ =	shalt  }
0x6b: {  	_ =	shalt  }
0x6c: {  	_ =	shalt  }
0x6d: {  	_ =	shalt  }
0x6e: {  	_ =	shalt  }
0x6f: {  	_ =	shalt  }
0x70: {  	_ =	shalt  }
0x71: {  	_ =	shalt  }
0x72: {  	_ =	shalt  }
0x73: {  	_ =	shalt  }
0x74: {  	_ =	shalt  }
0x75: {  	_ =	shalt  }
0x76: {  	_ =	shalt  }
0x77: {  	_ =	shalt  }
0x78: {  	_ =	shalt  }
0x79: {  	_ =	shalt  }
0x7a: {  	_ =	shalt  }
0x7b: {  	_ =	shalt  }
0x7c: {  	_ =	shalt  }
0x7d: {  	_ =	shalt  }
0x7e: {  	_ =	shalt  }
0x7f: {  	_ =	shalt  }
0x80: {  	_ =	shalt  }
0x81: {  	_ =	shalt  }
0x82: {  	_ =	shalt  }
0x83: {  	_ =	shalt  }
0x84: {  	_ =	shalt  }
0x85: {  	_ =	shalt  }
0x86: {  	_ =	shalt  }
0x87: {  	_ =	shalt  }
.Lfunc_end0:
.L_simem_size_0:
called_computation_lowered:
.L_overlay_start_0:
0x88: {  	s2 =	sld [smem:$0x3FD9]  }
0x89: {  	s3 =	sld [smem:$0x3FFE];
	_ =	sdelay $0x1  }
0x8a: {  	s1 =	srdreg.scid  }
0x8b: {  	s0 =	sand.u32 $0x1, s1  }
0x8c: {  	s17 =	sshll.u32 s0, $0xA;
	s2 =	sadd.s32 s3, s2  }
0x8d: {  	s2 =	sadd.s32 s2, s17  }
0x8e: {  	[smem:$0x3F9E] =	sst s2  }
0x8f: {  	_ = 	snop  }
0x90: {  	s2 =	sld [smem:$0x3FD0];
	(tm) =	ssettm $0x1  }
0x91: {  	s18 =	sld [smem:$0x3FFB];
	_ =	sdelay $0x3  }
0x92: {  	_ =	strace s18  }
0x93: {  	s3 =	sld [smem:$0x3FFC];
	_ =	sdelay $0x3  }
0x94: {  	_ =	strace s3  }
0x95: {  	s3 =	sld [smem:$0x3FFD];
	_ =	sdelay $0x3  }
0x96: {  	_ =	strace s3  }
0x97: {  	_ =	strace $0x8FFFFFFF  }
0x98: {  	s19 =	sld [smem:$0x3FDB];
	_ =	sdelay $0x1  }
0x99: {  	s4 =	simm.s32 $_scs_section_size  }
0x9a: {  	s5 =	simm.s32 $_size__tile_overlayer_lowered;
	s6 =	simm.s32 $_tile_overlayer_lowered  }
0x9b: {  	s22 =	simm.s32 $0x1BFF;
	s21 =	sshll.u32 s6, $0x1;
	s3 =	sadd.s32 s4, s19  }
0x9c: {  	s7 =	simm.s32 $0x0;
	s20 =	sshll.u32 s5, $0x1;
	s5 =	sadd.s32 s21, s3  }
0x9d: {  	[timem:s7], [sflag:s22] =	dma.local [hbm:s5], s20  }
0x9e: {  	_ =	swait.ge [sflag:s22], s20  }
0x9f: {  	s4 =	ssub.s32 $0x0, s20;
	[sflag:s22] =	ssyncset.done $0x0  }
0xa0: {  	[sflag:s22] =	ssyncadd.s32 s4;
	_ =	sdelay $0x1  }
0xa1: {  	s23 =	simm.s32 $0x1B8B  }
0xa2: {  	_ =	swait.ge [sflag:s23], $0x1  }
0xa3: {  	[sflag:s23] =	ssyncset.done $0x0  }
0xa4: {  	s25 =	simm.s32 $0x1B8E;
	s24 =	sld [smem:$0x3FFE];
	[sflag:s23] =	ssyncadd.s32 $0xFFFFFFFF  }
0xa5: {  	s26 =	simm.s32 $execute0_lowered;
	[smem:$0x3FD2] =	sst s25  }
0xa6: {  	s5 =	sshll.u32 s26, $0x1;
	_ =	strace $0x80000046;
	[dreg:$0x1] =	wrdreg $0xFFFFFFFF  }
0xa7: {  	s28 =	simm.s32 $_size_execute0_lowered;
	s3 =	sadd.s32 s3, s5;
	[dreg:$0x0] =	wrdreg $0x0  }
0xa8: {  	s5 =	sshll.u32 s28, $0x1;
	[dreg:$0x2] =	wrdreg s3  }
0xa9: {  	[dreg:$0x3] =	wrdreg s5  }
0xaa: {  	[dreg:$0x4] =	wrdreg $0xC0  }
0xab: {  	_ =	task [dreg:s7], $0x5FFFF  }
0xac: {  	[dreg:$0x1] =	wrdreg $0xFFFFFFFF  }
0xad: {  	[dreg:$0x0] =	wrdreg $0x60  }
0xae: {  	[dreg:$0x2] =	wrdreg s24  }
0xaf: {  	[dreg:$0x3] =	wrdreg s2  }
0xb0: {  	[dreg:$0x4] =	wrdreg $0x9  }
0xb1: {  	_ =	task.clear_ibuf [dreg:s7], $0x5FFFF;
	_ =	strace $0x90000046  }
0xb2: {  	s29 =	simm.s32 $0x9;
	_ =	strace $0x80000048  }
0xb3: {  	_ =	swait.ge [sflag:s29], $0x1  }
0xb4: {  	[sflag:s29] =	ssyncadd.s32 $0xFFFFFFFF  }
0xb5: {  	_ =	strace $0x90000048  }
0xb6: {  	_ =	sfence  }
0xb7: {  	s30 =	sld [smem:$0x0];
	_ =	sdelay $0x2  }
0xb8: {  	s31 =	sshll.u32 s1, $0xD;
	s1 =	sshrl.u32 s1, $0x2  }
0xb9: {  	s3 =	sand.u32 $0x4000, s31;
	s1 =	sadd.s32 s1, s30  }
0xba: {  	s0 =	sor.u32 s3, s0;
	s1 =	sshll.u32 s1, $0x11  }
0xbb: {  	s0 =	sor.u32 s1, s0  }
0xbc: {  	s0 =	sadd.s32 $0x8F2B, s0  }
0xbd: {  	[sflag:s0] =	ssyncadd.remote.s32 $0x1  }
0xbe: {  	_ =	sfence.sel $0xFFFF  }
0xbf: {  	[dreg:$0x0] =	wrdreg $0xFFFFFFFF;
	(pc) =	sbr.abs _section_cstart, $3  }
0xc0: {  	[dreg:$0x1] =	wrdreg $0xFFFFFFFF  }
0xc1: {  	_ =	task.clear_ibuf [dreg:s7], $0x2FFFF;
	_ =	strace $0x9FFFFFFF  }
0xc2: {  	(tm) =	ssettm $0x7FFFFFFF  }
0xc3: {  	_ =	shalt  }
tec
execute0_lowered:
.L_overlay_start_1:
0x0: {  	(tag) =	ssettag $0x1  }
0x1: {  	s1 =	srdreg.scid;
	s0 =	stileid.u32  }
0x2: {  	s8 =	rddreg [dreg:$0x0];
	s15 =	sand.u32 $0x1, s1;
	s3 =	sshll.u32 s0, $0x1  }
0x3: {  	s12 =	rddreg [dreg:$0x1];
	s2 =	simm.s32 $0x0;
	s13 =	sor.u32 s15, s3  }
0x4: {  	s4 =	simm.s32 $0x3;
	[smem:$0x7FF] =	sst s2;
	s3 =	sshll.u32 s13, $0x4  }
0x5: {  	s1 =	rddreg [dreg:$0x2];
	_ =	strace $0x80000047;
	s3 =	sadd.s32 s12, s3  }
0x6: {  	[tilespmem:s2], [sflag:$0x3] =	stream.linear.gather [hbm4b:s3+s2], $0x80, $0x38;
	[tilespmem:$0x4080] =	vst v63  }
0x7: {  	_ =	swait.ge [sflag:s4], $0x80  }
0x8: {  	s6 =	simm.s32 $0x80;
	[sflag:s4] =	ssyncset.done $0x0  }
0x9: {  	s7 =	simm.s32 $0x1;
	s5 =	sadd.s32 $0x6A00, s8;
	[sflag:s4] =	ssyncadd.s32 $0xFFFFFF80  }
0xa: {  	[tilespmem:s6], [sflag:$0x1] =	stream.indirect.gather [hbm4b:s5+s6], $0x80, s2, s6, $0xb8;
	[tilespmem:$0x4080] =	vst v63  }
0xb: {  	_ =	swait.ge [sflag:s7], $0x4000  }
0xc: {  	s17 =	sadd.s32 $0x2DC00, s8;
	s31 =	sshll.u32 s13, $0xB;
	[sflag:s7] =	ssyncset.done $0x0  }
0xd: {  	s9 =	simm.s32 $0x2;
	s8 =	sadd.s32 s17, s31;
	[sflag:s7] =	ssyncadd.s32 $0xFFFFC000  }
0xe: {  	[hbm4b:s8+s2] =	stream.linear.scatter [tilespmem:s6], [sflag:$0x2], $0x4000, $0x38;
	[tilespmem:$0x4080] =	vst v63  }
0xf: {  	s11 =	sor.u32 $0x20, s13;
	_ =	swait.ge [sflag:s9], $0x4000  }
0x10: {  	s10 =	sshll.u32 s11, $0x4;
	[sflag:s9] =	ssyncset.done $0x0  }
0x11: {  	s10 =	sadd.s32 s12, s10;
	[sflag:s9] =	ssyncadd.s32 $0xFFFFC000  }
0x12: {  	[tilespmem:s2], [sflag:$0x3] =	stream.linear.gather [hbm4b:s10+s2], $0x80, $0x38;
	[tilespmem:$0x4080] =	vst v63  }
0x13: {  	_ =	swait.ge [sflag:s4], $0x80  }
0x14: {  	[sflag:s4] =	ssyncset.done $0x0  }
0x15: {  	[sflag:s4] =	ssyncadd.s32 $0xFFFFFF80  }
0x16: {  	[tilespmem:s6], [sflag:$0x1] =	stream.indirect.gather [hbm4b:s5+s6], $0x80, s2, s6, $0xb8;
	[tilespmem:$0x4080] =	vst v63  }
0x17: {  	_ =	swait.ge [sflag:s7], $0x4000  }
0x18: {  	s19 =	ssub.s32 $0x2, s15;
	s11 =	sshll.u32 s11, $0xB;
	[sflag:s7] =	ssyncset.done $0x0  }
0x19: {  	s18 =	sor.u32 $0x40, s13;
	s11 =	sadd.s32 s17, s11;
	[sflag:s7] =	ssyncadd.s32 $0xFFFFC000  }
0x1a: {  	[hbm4b:s11+s2] =	stream.linear.scatter [tilespmem:s6], [sflag:$0x2], $0x4000, $0x38;
	[tilespmem:$0x4080] =	vst v63  }
0x1b: {  	s20 =	sshrl.u32 s19, $0x1;
	s13 =	sshll.u32 s18, $0x4;
	_ =	swait.ge [sflag:s9], $0x4000  }
0x1c: {  	p0 =	sgt.u32 s18, $0x4E;
	s12 =	sadd.s32 s12, s13;
	[sflag:s9] =	ssyncset.done $0x0  }
0x1d: {  	s13 =	simm.s32 @!p0 $0x0;
	s14 =	simm.s32 @!p0 $0x3;
	[sflag:s9] =	ssyncadd.s32 $0xFFFFC000  }
0x1e: {  	[tilespmem:s13], [sflag:$0x3] =	stream.linear.gather @!p0 [hbm4b:s12+s13], $0x80, $0x38;
	[tilespmem:$0x4080] =	vst v63  }
0x1f: {  	s19 =	ssub.s32 s19, s20;
	_ =	swait.ge @!p0 [sflag:s14], $0x80  }
0x20: {  	s15 =	simm.s32 @!p0 $0x80;
	s19 =	smax.u32 s19, $0x1;
	[sflag:s14] =	ssyncset.done @!p0 $0x0  }
0x21: {  	s16 =	simm.s32 @!p0 $0x1;
	s19 =	sadd.s32 $0xFFFFFFFF, s19;
	[sflag:s14] =	ssyncadd.s32 @!p0 $0xFFFFFF80  }
0x22: {  	[tilespmem:s15], [sflag:$0x1] =	stream.indirect.gather @!p0 [hbm4b:s5+s15], $0x80, s13, s15, $0xb8;
	[tilespmem:$0x4080] =	vst v63  }
0x23: {  	p1 =	sne.s32 s19, $0x0;
	_ =	swait.ge @!p0 [sflag:s16], $0x4000  }
.Ltmp0:
0x24: {  	s18 =	sshll.u32 s18, $0xB;
	[sflag:s16] =	ssyncset.done @!p0 $0x0;
	(pc) =	sbr.rel @!p1 .LBB2_2-.Ltmp0, $4  }
0x25: {  	s18 =	sadd.s32 s17, s18;
	s17 =	simm.s32 @!p0 $0x2;
	[sflag:s16] =	ssyncadd.s32 @!p0 $0xFFFFC000  }
0x26: {  	[hbm4b:s18+s13] =	stream.linear.scatter @!p0 [tilespmem:s15], [sflag:$0x2], $0x4000, $0x38;
	[tilespmem:$0x4080] =	vst v63  }
0x27: {  	_ =	swait.ge @!p0 [sflag:s17], $0x4000  }
0x28: {  	[sflag:s17] =	ssyncset.done @!p0 $0x0  }
.LBB2_1:
0x29: {  	s19 =	sadd.s32 $0xFFFFFFFF, s19;
	[sflag:s17] =	ssyncadd.s32 @!p0 $0xFFFFC000  }
0x2a: {  	[tilespmem:s2], [sflag:$0x3] =	stream.linear.gather [hbm4b:s3+s2], $0x80, $0x38;
	[tilespmem:$0x4080] =	vst v63  }
0x2b: {  	p1 =	sne.s32 s19, $0x0;
	_ =	swait.ge [sflag:s4], $0x80  }
0x2c: {  	[sflag:s4] =	ssyncset.done $0x0  }
0x2d: {  	[sflag:s4] =	ssyncadd.s32 $0xFFFFFF80  }
0x2e: {  	[tilespmem:s6], [sflag:$0x1] =	stream.indirect.gather [hbm4b:s5+s6], $0x80, s2, s6, $0xb8;
	[tilespmem:$0x4080] =	vst v63  }
0x2f: {  	_ =	swait.ge [sflag:s7], $0x4000  }
0x30: {  	[sflag:s7] =	ssyncset.done $0x0  }
0x31: {  	[sflag:s7] =	ssyncadd.s32 $0xFFFFC000  }
0x32: {  	[hbm4b:s8+s2] =	stream.linear.scatter [tilespmem:s6], [sflag:$0x2], $0x4000, $0x38;
	[tilespmem:$0x4080] =	vst v63  }
0x33: {  	_ =	swait.ge [sflag:s9], $0x4000  }
0x34: {  	[sflag:s9] =	ssyncset.done $0x0  }
0x35: {  	[sflag:s9] =	ssyncadd.s32 $0xFFFFC000  }
0x36: {  	[tilespmem:s2], [sflag:$0x3] =	stream.linear.gather [hbm4b:s10+s2], $0x80, $0x38;
	[tilespmem:$0x4080] =	vst v63  }
0x37: {  	_ =	swait.ge [sflag:s4], $0x80  }
0x38: {  	[sflag:s4] =	ssyncset.done $0x0  }
0x39: {  	[sflag:s4] =	ssyncadd.s32 $0xFFFFFF80  }
0x3a: {  	[tilespmem:s6], [sflag:$0x1] =	stream.indirect.gather [hbm4b:s5+s6], $0x80, s2, s6, $0xb8;
	[tilespmem:$0x4080] =	vst v63  }
0x3b: {  	_ =	swait.ge [sflag:s7], $0x4000  }
0x3c: {  	[sflag:s7] =	ssyncset.done $0x0  }
0x3d: {  	[sflag:s7] =	ssyncadd.s32 $0xFFFFC000  }
0x3e: {  	[hbm4b:s11+s2] =	stream.linear.scatter [tilespmem:s6], [sflag:$0x2], $0x4000, $0x38;
	[tilespmem:$0x4080] =	vst v63  }
0x3f: {  	_ =	swait.ge [sflag:s9], $0x4000  }
0x40: {  	[sflag:s9] =	ssyncset.done $0x0  }
0x41: {  	[sflag:s9] =	ssyncadd.s32 $0xFFFFC000  }
0x42: {  	[tilespmem:s13], [sflag:$0x3] =	stream.linear.gather @!p0 [hbm4b:s12+s13], $0x80, $0x38;
	[tilespmem:$0x4080] =	vst v63  }
0x43: {  	_ =	swait.ge @!p0 [sflag:s14], $0x80  }
0x44: {  	[sflag:s14] =	ssyncset.done @!p0 $0x0  }
0x45: {  	[sflag:s14] =	ssyncadd.s32 @!p0 $0xFFFFFF80  }
0x46: {  	[tilespmem:s15], [sflag:$0x1] =	stream.indirect.gather @!p0 [hbm4b:s5+s15], $0x80, s13, s15, $0xb8;
	[tilespmem:$0x4080] =	vst v63  }
0x47: {  	_ =	swait.ge @!p0 [sflag:s16], $0x4000  }
.Ltmp1:
0x48: {  	[sflag:s16] =	ssyncset.done @!p0 $0x0;
	(pc) =	sbr.rel @p1 .LBB2_1-.Ltmp1, $4  }
0x49: {  	[sflag:s16] =	ssyncadd.s32 @!p0 $0xFFFFC000  }
0x4a: {  	[hbm4b:s18+s13] =	stream.linear.scatter @!p0 [tilespmem:s15], [sflag:$0x2], $0x4000, $0x38;
	[tilespmem:$0x4080] =	vst v63  }
0x4b: {  	_ =	swait.ge @!p0 [sflag:s17], $0x4000  }
0x4c: {  	[sflag:s17] =	ssyncset.done @!p0 $0x0  }
.LBB2_2:
0x4d: {  	[sflag:s17] =	ssyncadd.s32 @!p0 $0xFFFFC000  }
0x4e: {  	_ =	sfence.sel $0x180000  }
0x4f: {  	[bflag:$0x0] =	sbarrier.arrive $0xFFFF  }
0x50: {  	p0 =	sne.s32 s0, $0x0;
	_ =	strace $0x90000047  }
0x51: {  	s0 =	sadd.s32 @!p0 $0x100000, s1;
	[bflag:$0x2] =	sbarrier.arrive $0xFFFF  }
0x52: {  	[sflag:s0] =	ssyncadd.tile.s32 @!p0 $0x1;
	_ =	shalt  }
.Lfunc_end2:
_tile_overlayer_lowered:
.L_overlay_start_2:
0x53: {  	(tag) =	ssettag $0x2  }
0x54: {  	s0 =	rddreg [dreg:$0x0];
	s2 =	stileid.u32  }
0x55: {  	s1 =	rddreg [dreg:$0x1];
	p0 =	sne.s32 s2, $0x0  }
0x56: {  	s3 =	rddreg [dreg:$0x2];
	[bflag:$0x3] =	sbarrier.arrive $0xFFFF;
	s2 =	simm.s32 @!p0 $0x1C02  }
0x57: {  	[timem:s3], [sflag:s2] =	dma.local @!p0 [hbm:s0], s1  }
0x58: {  	s0 =	simm.s32 @!p0 $0x2  }
0x59: {  	_ =	swait.ge @!p0 [sflag:s0], s1  }
0x5a: {  	s1 =	ssub.s32 @!p0 $0x0, s1;
	[sflag:s0] =	ssyncset.done @!p0 $0x0  }
0x5b: {  	[sflag:s0] =	ssyncadd.s32 @!p0 s1  }
0x5c: {  	[bflag:$0x3] =	sbarrier.arrive $0xFFFF  }
0x5d: {  	_ =	shalt  }

</sc_bundles>
